<compile_context>
chip_gen: v7x
topology: tpu7x:2x2x1
jax: 0.10.2.dev20260603
libtpu: 0.0.44.dev20260713+nightly
codegen_flags: <defaults>
</compile_context>

<pallas_src>
import functools

import jax
import jax.numpy as jnp
from jax import lax
from jax.experimental import pallas as pl
from jax.experimental.pallas import tpu as pltpu
from jax.experimental.pallas import tpu_sc as plsc

N = 10000
NH = N // 2
E = 320000
HID = 64
NCORE = 2
NSUB = 16
NW = NCORE * NSUB
NPAD = 10240
SLICE = NPAD // NSUB
C = 125
EPW = E // NW
NCH = EPW // C
DW = 16
RB = 1000
GRID = NH // RB

_mesh = plsc.VectorSubcoreMesh(core_axis_name="c", subcore_axis_name="s")
_sc_params = pltpu.CompilerParams(use_tc_tiling_on_sc=False)



def _sc_degree(edge3, ones_u, zrows):

    @functools.partial(
        pl.kernel,
        out_type=jax.ShapeDtypeStruct((NCORE, NPAD, HID // DW, DW), jnp.float32),
        mesh=_mesh,
        compiler_params=_sc_params,
        scratch_types=[
            pltpu.VMEM((NCH, C), jnp.int32),
            pltpu.VMEM((C, DW), jnp.float32),
            pltpu.VMEM((SLICE, DW), jnp.float32),
            pltpu.VMEM((SLICE, HID // DW, DW), jnp.float32),
            pltpu.SemaphoreType.DMA,
            pltpu.VMEM_SHARED((NPAD, DW), jnp.float32),
        ],
    )
    def k(edge_hbm, ones_hbm, z_hbm, out_hbm, didx, ones_v, nar, wide, sem,
          acc):
        c = lax.axis_index("c")
        s = lax.axis_index("s")
        w = c * NSUB + s
        pltpu.sync_copy(z_hbm, acc.at[pl.ds(s * SLICE, SLICE)])
        pltpu.sync_copy(edge_hbm.at[1, w], didx)
        pltpu.sync_copy(ones_hbm, ones_v)
        plsc.subcore_barrier()

        @pl.loop(0, NCH)
        def _(j):
            pltpu.async_copy(ones_v, acc.at[didx.at[j]], sem, add=True)

        @pl.loop(0, NCH)
        def _(j):
            pltpu.make_async_copy(ones_v, acc.at[didx.at[j]], sem).wait()

        plsc.subcore_barrier()
        pltpu.sync_copy(acc.at[pl.ds(s * SLICE, SLICE)], nar)

        @pl.loop(0, SLICE)
        def _(r):
            v = nar[r]
            for q in range(HID // DW):
                wide[r, q] = v

        pltpu.sync_copy(wide, out_hbm.at[c, pl.ds(s * SLICE, SLICE)])

    return k(edge3, ones_u, zrows)


def _sc_scatter(hs_pk, edge3, zrows):

    @functools.partial(
        pl.kernel,
        out_type=jax.ShapeDtypeStruct((NCORE, NPAD, HID), jnp.float32),
        mesh=_mesh,
        compiler_params=_sc_params,
        scratch_types=[
            pltpu.VMEM((NCH, C), jnp.int32),
            pltpu.VMEM((NCH, C), jnp.int32),
            [pltpu.VMEM((C, HID), jnp.float32)] * 8,
            [pltpu.SemaphoreType.DMA] * 8,
            [pltpu.SemaphoreType.DMA] * 8,
            pltpu.VMEM_SHARED((NPAD, HID), jnp.float32),
        ],
    )
    def k(hs_hbm, edge_hbm, z_hbm, out_hbm, sidx, didx,
          rows, gsem, ssem, acc):
        c = lax.axis_index("c")
        s = lax.axis_index("s")
        w = c * NSUB + s
        pltpu.sync_copy(z_hbm, acc.at[pl.ds(s * SLICE, SLICE)])
        pltpu.sync_copy(edge_hbm.at[0, w], sidx)
        pltpu.sync_copy(edge_hbm.at[1, w], didx)
        plsc.subcore_barrier()

        def fire_g(j, q):
            pltpu.async_copy(hs_hbm.at[sidx.at[j]], rows[q], gsem[q])

        def drain_g(j, q):
            pltpu.make_async_copy(hs_hbm.at[sidx.at[j]], rows[q],
                                  gsem[q]).wait()

        def fire_s(j, q):
            pltpu.async_copy(rows[q], acc.at[didx.at[j]], ssem[q], add=True)

        def drain_s(j, q):
            pltpu.make_async_copy(rows[q], acc.at[didx.at[j]],
                                  ssem[q]).wait()

        for q in range(8):
            fire_g(q, q)

        @pl.loop(0, NCH, step=8)
        def _(j):
            for q in range(8):
                drain_g(j + q, q)
                fire_s(j + q, q)

            @pl.when(j + 8 < NCH)
            def _():
                for q in range(8):
                    drain_s(j + q, q)
                    fire_g(j + 8 + q, q)

        for q in range(8):
            drain_s(NCH - 8 + q, q)

        plsc.subcore_barrier()
        pltpu.sync_copy(acc.at[pl.ds(s * SLICE, SLICE)],
                        out_hbm.at[c, pl.ds(s * SLICE, SLICE)])

    return k(hs_pk, edge3, zrows)



def _tc_mm(x, W):
    d = x.shape[1]

    def body(xa_ref, xb_ref, w_ref, o_ref):
        ha = jnp.dot(xa_ref[...], w_ref[...], preferred_element_type=jnp.float32)
        hb = jnp.dot(xb_ref[...], w_ref[...], preferred_element_type=jnp.float32)
        o_ref[...] = jnp.concatenate([ha, hb], axis=1)

    return pl.pallas_call(
        body,
        grid=(GRID,),
        in_specs=[
            pl.BlockSpec((RB, d), lambda i: (i, 0)),
            pl.BlockSpec((RB, d), lambda i: (i + GRID, 0)),
            pl.BlockSpec((d, HID), lambda i: (0, 0)),
        ],
        out_specs=pl.BlockSpec((RB, 2 * HID), lambda i: (i, 0)),
        out_shape=jax.ShapeDtypeStruct((NH, 2 * HID), jnp.float32),
    )(x, x, W)


def _tc_prescale(degp2, h2):

    def body(d_ref, h_ref, dinv_ref, hs_ref):
        dv = lax.rsqrt(d_ref[0] + d_ref[1] + 1.0)
        dinv_ref[...] = dv
        hs_ref[...] = h_ref[...] * dv

    return pl.pallas_call(
        body,
        grid=(GRID,),
        in_specs=[
            pl.BlockSpec((NCORE, RB, 2 * HID), lambda i: (0, i, 0)),
            pl.BlockSpec((RB, 2 * HID), lambda i: (i, 0)),
        ],
        out_specs=[
            pl.BlockSpec((RB, 2 * HID), lambda i: (i, 0)),
            pl.BlockSpec((RB, 2 * HID), lambda i: (i, 0)),
        ],
        out_shape=[
            jax.ShapeDtypeStruct((NH, 2 * HID), jnp.float32),
            jax.ShapeDtypeStruct((NH, 2 * HID), jnp.float32),
        ],
    )(degp2, h2)


def _post_math(S_ref, hs_ref, dinv_ref, b_ref, g_ref, bt_ref, LL_ref,
               lb_ref, P_ref):
    t = S_ref[0] + S_ref[1] + hs_ref[...]
    h = jnp.maximum(t * dinv_ref[...] + b_ref[...], 0.0)
    mu = jnp.dot(h, P_ref[...], preferred_element_type=jnp.float32)
    xc = h - mu
    var = jnp.dot(xc * xc, P_ref[...], preferred_element_type=jnp.float32)
    hn = xc * lax.rsqrt(var + 1e-5) * g_ref[...] + bt_ref[...]
    h2 = jnp.dot(hn, LL_ref[...], preferred_element_type=jnp.float32)
    return jnp.maximum(h2 + lb_ref[...], 0.0)


def _tc_post(S2, hs2, dinv2, b2, g2, bt2, LL, lb2, WW, P):
    dd = LL.shape[1]

    def body(S_ref, hs_ref, dinv_ref, b_ref, g_ref, bt_ref, LL_ref, lb_ref,
             ww_ref, p_ref, o_ref):
        h2 = _post_math(S_ref, hs_ref, dinv_ref, b_ref, g_ref, bt_ref,
                        LL_ref, lb_ref, p_ref)
        o_ref[...] = jnp.dot(h2, ww_ref[...],
                             preferred_element_type=jnp.float32) * dinv_ref[...]

    return pl.pallas_call(
        body,
        grid=(GRID,),
        in_specs=[
            pl.BlockSpec((NCORE, RB, 2 * HID), lambda i: (0, i, 0)),
            pl.BlockSpec((RB, 2 * HID), lambda i: (i, 0)),
            pl.BlockSpec((RB, 2 * HID), lambda i: (i, 0)),
            pl.BlockSpec((1, 2 * HID), lambda i: (0, 0)),
            pl.BlockSpec((1, 2 * HID), lambda i: (0, 0)),
            pl.BlockSpec((1, 2 * HID), lambda i: (0, 0)),
            pl.BlockSpec((2 * HID, dd), lambda i: (0, 0)),
            pl.BlockSpec((1, dd), lambda i: (0, 0)),
            pl.BlockSpec((dd, 2 * HID), lambda i: (0, 0)),
            pl.BlockSpec((2 * HID, 2 * HID), lambda i: (0, 0)),
        ],
        out_specs=pl.BlockSpec((RB, 2 * HID), lambda i: (i, 0)),
        out_shape=jax.ShapeDtypeStruct((NH, 2 * HID), jnp.float32),
    )(S2, hs2, dinv2, b2, g2, bt2, LL, lb2, WW, P)


def _tc_final(S2, hs2, dinv2, b2, g2, bt2, LL, lb2, P):
    dd = LL.shape[1]
    d2 = dd // 2

    def body(S_ref, hs_ref, dinv_ref, b_ref, g_ref, bt_ref, LL_ref, lb_ref,
             p_ref, o_ref):
        h2 = _post_math(S_ref, hs_ref, dinv_ref, b_ref, g_ref, bt_ref,
                        LL_ref, lb_ref, p_ref)
        m2 = jnp.max(h2, axis=0, keepdims=True)
        m = jnp.maximum(m2[:, :d2], m2[:, d2:])
        i = pl.program_id(0)

        @pl.when(i == 0)
        def _():
            o_ref[...] = m

        @pl.when(i > 0)
        def _():
            o_ref[...] = jnp.maximum(o_ref[...], m)

    return pl.pallas_call(
        body,
        grid=(GRID,),
        in_specs=[
            pl.BlockSpec((NCORE, RB, 2 * HID), lambda i: (0, i, 0)),
            pl.BlockSpec((RB, 2 * HID), lambda i: (i, 0)),
            pl.BlockSpec((RB, 2 * HID), lambda i: (i, 0)),
            pl.BlockSpec((1, 2 * HID), lambda i: (0, 0)),
            pl.BlockSpec((1, 2 * HID), lambda i: (0, 0)),
            pl.BlockSpec((1, 2 * HID), lambda i: (0, 0)),
            pl.BlockSpec((2 * HID, dd), lambda i: (0, 0)),
            pl.BlockSpec((1, dd), lambda i: (0, 0)),
            pl.BlockSpec((2 * HID, 2 * HID), lambda i: (0, 0)),
        ],
        out_specs=pl.BlockSpec((1, d2), lambda i: (0, 0)),
        out_shape=jax.ShapeDtypeStruct((1, d2), jnp.float32),
    )(S2, hs2, dinv2, b2, g2, bt2, LL, lb2, P)



def kernel(x, edge_index,
           W1, b1, g1, bt1, L1, lb1,
           W2, b2, g2, bt2, L2, lb2,
           W3, b3, g3, bt3, L3, lb3):
    epi = (edge_index % NH) * 2 + edge_index // NH
    edge3 = epi.reshape(2, NW, NCH, C)

    z_deg = jnp.zeros((SLICE, DW), jnp.float32)
    z_acc = jnp.zeros((SLICE, HID), jnp.float32)
    ones_u = jnp.ones((C, DW), jnp.float32)

    def dup(v):
        return jnp.concatenate([v, v]).reshape(1, -1)

    def bdiag(M):
        a, b = M.shape
        Z = jnp.zeros((a, b), M.dtype)
        return jnp.concatenate(
            [jnp.concatenate([M, Z], axis=1),
             jnp.concatenate([Z, M], axis=1)], axis=0)

    P = bdiag(jnp.full((HID, HID), 1.0 / HID, jnp.float32))
    pack2 = lambda a: a.reshape(NCORE, NPAD // 2, 2 * HID)
    unpack = lambda a: a.reshape(N, HID)

    degp = _sc_degree(edge3, ones_u, z_deg)
    h2 = _tc_mm(x, W1)
    degp2 = degp.reshape(NCORE, NPAD // 2, 2 * HID)
    dinv2, hs2 = _tc_prescale(degp2, h2)

    S = pack2(_sc_scatter(unpack(hs2), edge3, z_acc))
    hs2 = _tc_post(S, hs2, dinv2, dup(b1), dup(g1), dup(bt1), bdiag(L1),
                   dup(lb1), bdiag(W2), P)

    S = pack2(_sc_scatter(unpack(hs2), edge3, z_acc))
    hs2 = _tc_post(S, hs2, dinv2, dup(b2), dup(g2), dup(bt2), bdiag(L2),
                   dup(lb2), bdiag(W3), P)

    S = pack2(_sc_scatter(unpack(hs2), edge3, z_acc))
    out = _tc_final(S, hs2, dinv2, dup(b3), dup(g3), dup(bt3), bdiag(L3),
                    dup(lb3), P)
    return out.reshape(L3.shape[1])

# --- scband reference (transcript-rebuilt; emitter-appended) ---
"""Pipeline reference for scband-sub-graph-89172111000347 (READ-ONLY COPY).

The authoritative reference and input builder live on the scoring server;
editing this copy changes nothing except your own understanding.
"""

import jax, jax.numpy as jnp
import numpy as np

N = 10000
E = 320000
IN_F = 128
HID = 64


def setup_inputs(seed: int = 0) -> dict:
    key = jax.random.key(seed)
    ks = jax.random.split(key, 24)
    x = jax.random.normal(ks[0], (N, IN_F), dtype=jnp.float32)
    edge_index = jax.random.randint(ks[1], (2, E), 0, N, dtype=jnp.int32)

    def lin(k, fan_in, fan_out):
        return jax.random.normal(k, (fan_in, fan_out), dtype=jnp.float32) / np.sqrt(fan_in)

    inp = {"x": x, "edge_index": edge_index}
    dims_in = [IN_F, IN_F * 2, IN_F * 4]
    i = 2
    for li, d_in in enumerate(dims_in, start=1):
        inp[f"W{li}"] = lin(ks[i], d_in, HID); i += 1
        inp[f"b{li}"] = jnp.zeros((HID,), dtype=jnp.float32)
        inp[f"g{li}"] = jnp.ones((HID,), dtype=jnp.float32)
        inp[f"bt{li}"] = jnp.zeros((HID,), dtype=jnp.float32)
        inp[f"L{li}"] = lin(ks[i], HID, d_in * 2); i += 1
        inp[f"lb{li}"] = jnp.zeros((d_in * 2,), dtype=jnp.float32)
    return inp


def _gcn_block(x, edge_index, W, b, g, bt, L, lb):
    n = x.shape[0]
    loop = jnp.arange(n, dtype=edge_index.dtype)
    src = jnp.concatenate([edge_index[0], loop])
    dst = jnp.concatenate([edge_index[1], loop])
    # GCNConv: symmetric normalization with self-loops
    deg = jnp.zeros((n,), dtype=jnp.float32).at[dst].add(1.0)
    dinv = jnp.where(deg > 0, jax.lax.rsqrt(deg), 0.0)
    norm = dinv[src] * dinv[dst]
    h = x @ W
    msg = h[src] * norm[:, None]
    agg = jnp.zeros((n, W.shape[1]), dtype=jnp.float32).at[dst].add(msg) + b
    h = jax.nn.relu(agg)
    # LayerNorm over last dim
    mu = jnp.mean(h, axis=-1, keepdims=True)
    var = jnp.var(h, axis=-1, keepdims=True)
    h = (h - mu) / jnp.sqrt(var + 1e-5) * g + bt
    h = h @ L + lb
    return jax.nn.relu(h)


def reference(x, edge_index,
              W1, b1, g1, bt1, L1, lb1,
              W2, b2, g2, bt2, L2, lb2,
              W3, b3, g3, bt3, L3, lb3):
    h = _gcn_block(x, edge_index, W1, b1, g1, bt1, L1, lb1)
    h = _gcn_block(h, edge_index, W2, b2, g2, bt2, L2, lb2)
    h = _gcn_block(h, edge_index, W3, b3, g3, bt3, L3, lb3)
    # max_pooling over nodes (num_node > 0)
    out = jnp.max(h, axis=0)
    return out

if __name__ == "__main__":
    import jax
    _d = setup_inputs()
    print(jax.jit(kernel)(*tuple(_d.values())))

</pallas_src>

<mosaic_0001>
#map = affine_map<(d0, d1) -> (0, 0, 0, 0)>
#map1 = affine_map<(d0, d1) -> (0, 0)>
module attributes {stable_mosaic.version = 14 : i64} {
  func.func @k(%arg0: i32, %arg1: i32, %arg2: memref<2x32x80x125xi32, #tpu.memory_space<hbm>>, %arg3: memref<125x16xf32, #tpu.memory_space<hbm>>, %arg4: memref<640x16xf32, #tpu.memory_space<hbm>>, %arg5: memref<2x10240x4x16xf32, #tpu.memory_space<hbm>>, %arg6: memref<80x125xi32, #tpu.memory_space<vmem>>, %arg7: memref<125x16xf32, #tpu.memory_space<vmem>>, %arg8: memref<640x16xf32, #tpu.memory_space<vmem>>, %arg9: memref<640x4x16xf32, #tpu.memory_space<vmem>>, %arg10: memref<!tpu.dma_semaphore, #tpu.memory_space<semaphore_mem>>, %arg11: memref<10240x16xf32, #tpu.memory_space<vmem_shared>>) attributes {dimension_semantics = [#tpu.dimension_semantics<core_parallel>, #tpu.dimension_semantics<subcore_parallel>], iteration_bounds = array<i64: 2, 16>, scalar_prefetch = 0 : i64, scratch_operands = 6 : i64, tpu.core_type = #tpu.core_type<sc_vector_subcore>, window_params = [{transform_indices = #map}, {transform_indices = #map1}, {transform_indices = #map1}, {transform_indices = #map}]} {
    %mul3A = arith.constant 16 : i32
    %mul3A_0 = arith.muli %arg0, %mul3A : i32
    %add3A = arith.addi %mul3A_0, %arg1 : i32
    %mul3A_1 = arith.constant 640 : i32
    %mul3A_2 = arith.muli %arg1, %mul3A_1 : i32
    "tpu.region"() ({
      %run_scoped3A_22 = tpu.sem_alloc : memref<!tpu.dma_semaphore, #tpu.memory_space<semaphore_mem>>
      %dma_start3A = arith.constant 0 : i32
      %dma_start3A_23 = tpu.memref_slice %arg11[%mul3A_2, %dma_start3A] : memref<10240x16xf32, #tpu.memory_space<vmem_shared>> -> memref<640x16xf32, #tpu.memory_space<vmem_shared>>
      tpu.enqueue_dma source(%arg4 : memref<640x16xf32, #tpu.memory_space<hbm>>) target(%dma_start3A_23 : memref<640x16xf32, #tpu.memory_space<vmem_shared>>) target_semaphore(%run_scoped3A_22 : memref<!tpu.dma_semaphore, #tpu.memory_space<semaphore_mem>>)
      %dma_wait3A = arith.constant 0 : i32
      %dma_wait3A_24 = tpu.memref_slice %arg11[%mul3A_2, %dma_wait3A] : memref<10240x16xf32, #tpu.memory_space<vmem_shared>> -> memref<640x16xf32, #tpu.memory_space<vmem_shared>>
      tpu.wait_dma2 semaphore(%run_scoped3A_22 : memref<!tpu.dma_semaphore, #tpu.memory_space<semaphore_mem>>) src(%arg4 : memref<640x16xf32, #tpu.memory_space<hbm>>) dst(%dma_wait3A_24 : memref<640x16xf32, #tpu.memory_space<vmem_shared>>)
      tpu.yield
    }) : () -> ()
    %run_scoped3A = arith.constant 1 : i32
    "tpu.region"() ({
      %run_scoped3A_22 = tpu.sem_alloc : memref<!tpu.dma_semaphore, #tpu.memory_space<semaphore_mem>>
      %dma_start3A = arith.constant 0 : i32
      %dma_start3A_23 = arith.constant 0 : i32
      %dma_start3A_24 = tpu.memref_slice %arg2[%run_scoped3A, %add3A, %dma_start3A, %dma_start3A_23] : memref<2x32x80x125xi32, #tpu.memory_space<hbm>> -> memref<1x1x80x125xi32, #tpu.memory_space<hbm>>
      %dma_start3A_25 = tpu.memref_squeeze %dma_start3A_24 : memref<1x1x80x125xi32, #tpu.memory_space<hbm>> -> memref<80x125xi32, #tpu.memory_space<hbm>>
      %dma_start3A_26 = arith.constant 0 : i32
      %dma_start3A_27 = arith.constant 0 : i32
      %dma_start3A_28 = tpu.memref_slice %arg2[%run_scoped3A, %add3A, %dma_start3A_26, %dma_start3A_27] : memref<2x32x80x125xi32, #tpu.memory_space<hbm>> -> memref<1x1x80x125xi32, #tpu.memory_space<hbm>>
      %dma_start3A_29 = tpu.memref_squeeze %dma_start3A_28 : memref<1x1x80x125xi32, #tpu.memory_space<hbm>> -> memref<80x125xi32, #tpu.memory_space<hbm>>
      tpu.enqueue_dma source(%dma_start3A_29 : memref<80x125xi32, #tpu.memory_space<hbm>>) target(%arg6 : memref<80x125xi32, #tpu.memory_space<vmem>>) target_semaphore(%run_scoped3A_22 : memref<!tpu.dma_semaphore, #tpu.memory_space<semaphore_mem>>)
      %dma_wait3A = arith.constant 0 : i32
      %dma_wait3A_30 = arith.constant 0 : i32
      %dma_wait3A_31 = tpu.memref_slice %arg2[%run_scoped3A, %add3A, %dma_wait3A, %dma_wait3A_30] : memref<2x32x80x125xi32, #tpu.memory_space<hbm>> -> memref<1x1x80x125xi32, #tpu.memory_space<hbm>>
      %dma_wait3A_32 = tpu.memref_squeeze %dma_wait3A_31 : memref<1x1x80x125xi32, #tpu.memory_space<hbm>> -> memref<80x125xi32, #tpu.memory_space<hbm>>
      %dma_wait3A_33 = arith.constant 0 : i32
      %dma_wait3A_34 = arith.constant 0 : i32
      %dma_wait3A_35 = tpu.memref_slice %arg2[%run_scoped3A, %add3A, %dma_wait3A_33, %dma_wait3A_34] : memref<2x32x80x125xi32, #tpu.memory_space<hbm>> -> memref<1x1x80x125xi32, #tpu.memory_space<hbm>>
      %dma_wait3A_36 = tpu.memref_squeeze %dma_wait3A_35 : memref<1x1x80x125xi32, #tpu.memory_space<hbm>> -> memref<80x125xi32, #tpu.memory_space<hbm>>
      tpu.wait_dma2 semaphore(%run_scoped3A_22 : memref<!tpu.dma_semaphore, #tpu.memory_space<semaphore_mem>>) src(%dma_wait3A_36 : memref<80x125xi32, #tpu.memory_space<hbm>>) dst(%arg6 : memref<80x125xi32, #tpu.memory_space<vmem>>)
      tpu.yield
    }) : () -> ()
    "tpu.region"() ({
      %run_scoped3A_22 = tpu.sem_alloc : memref<!tpu.dma_semaphore, #tpu.memory_space<semaphore_mem>>
      tpu.enqueue_dma source(%arg3 : memref<125x16xf32, #tpu.memory_space<hbm>>) target(%arg7 : memref<125x16xf32, #tpu.memory_space<vmem>>) target_semaphore(%run_scoped3A_22 : memref<!tpu.dma_semaphore, #tpu.memory_space<semaphore_mem>>)
      tpu.wait_dma2 semaphore(%run_scoped3A_22 : memref<!tpu.dma_semaphore, #tpu.memory_space<semaphore_mem>>) src(%arg3 : memref<125x16xf32, #tpu.memory_space<hbm>>) dst(%arg7 : memref<125x16xf32, #tpu.memory_space<vmem>>)
      tpu.yield
    }) : () -> ()
    %barrier3A = arith.constant 0 : index
    tpu.barrier barrier_id(%barrier3A)
    %scan3A = arith.constant 0 : i32
    %scan3A_3 = arith.constant 80 : i32
    %scan3A_4 = arith.addi %scan3A, %scan3A_3 : i32
    %scan3A_5 = arith.constant 1 : i32
    scf.for %scan3A_22 = %scan3A to %scan3A_4 step %scan3A_5  : i32 {
      %mul3A_23 = arith.constant 1 : i32
      %mul3A_24 = arith.muli %scan3A_22, %mul3A_23 : i32
      %add3A_25 = arith.constant 0 : i32
      %add3A_26 = arith.addi %add3A_25, %mul3A_24 : i32
      %dma_start3A = arith.constant 0 : i32
      %dma_start3A_27 = tpu.memref_slice %arg6[%add3A_26, %dma_start3A] : memref<80x125xi32, #tpu.memory_space<vmem>> -> memref<1x125xi32, #tpu.memory_space<vmem>>
      %dma_start3A_28 = tpu.memref_squeeze %dma_start3A_27 : memref<1x125xi32, #tpu.memory_space<vmem>> -> memref<125xi32, #tpu.memory_space<vmem>>
      %dma_start3A_29 = arith.constant 0 : i32
      %dma_start3A_30 = arith.constant 0 : i32
      %dma_start3A_31 = tpu.memref_slice %arg11[%dma_start3A_29, %dma_start3A_30] : memref<10240x16xf32, #tpu.memory_space<vmem_shared>> -> memref<10240x16xf32, #tpu.memory_space<vmem_shared>>
      tpu.enqueue_indirect_dma source(%arg7 : memref<125x16xf32, #tpu.memory_space<vmem>>) target(%dma_start3A_31 : memref<10240x16xf32, #tpu.memory_space<vmem_shared>>) offsets(%dma_start3A_28 : memref<125xi32, #tpu.memory_space<vmem>>) semaphore(%arg10 : memref<!tpu.dma_semaphore, #tpu.memory_space<semaphore_mem>>) {add = true}
    }
    %scan3A_6 = arith.constant 80 : i32
    %scan3A_7 = arith.constant 0 : i32
    %scan3A_8 = arith.constant 80 : i32
    %scan3A_9 = arith.addi %scan3A_7, %scan3A_8 : i32
    %scan3A_10 = arith.constant 1 : i32
    scf.for %scan3A_22 = %scan3A_7 to %scan3A_9 step %scan3A_10  : i32 {
      %mul3A_23 = arith.constant 1 : i32
      %mul3A_24 = arith.muli %scan3A_22, %mul3A_23 : i32
      %add3A_25 = arith.constant 0 : i32
      %add3A_26 = arith.addi %add3A_25, %mul3A_24 : i32
      %dma_wait3A = arith.constant 0 : i32
      %dma_wait3A_27 = tpu.memref_slice %arg6[%add3A_26, %dma_wait3A] : memref<80x125xi32, #tpu.memory_space<vmem>> -> memref<1x125xi32, #tpu.memory_space<vmem>>
      %dma_wait3A_28 = tpu.memref_squeeze %dma_wait3A_27 : memref<1x125xi32, #tpu.memory_space<vmem>> -> memref<125xi32, #tpu.memory_space<vmem>>
      %dma_wait3A_29 = arith.constant 0 : i32
      %dma_wait3A_30 = arith.constant 0 : i32
      %dma_wait3A_31 = tpu.memref_slice %arg11[%dma_wait3A_29, %dma_wait3A_30] : memref<10240x16xf32, #tpu.memory_space<vmem_shared>> -> memref<10240x16xf32, #tpu.memory_space<vmem_shared>>
      tpu.wait_indirect_dma semaphore(%arg10 : memref<!tpu.dma_semaphore, #tpu.memory_space<semaphore_mem>>) src(%arg7 : memref<125x16xf32, #tpu.memory_space<vmem>>) dst(%dma_wait3A_31 : memref<10240x16xf32, #tpu.memory_space<vmem_shared>>)
    }
    %scan3A_11 = arith.constant 80 : i32
    %barrier3A_12 = arith.constant 0 : index
    tpu.barrier barrier_id(%barrier3A_12)
    %mul3A_13 = arith.constant 640 : i32
    %mul3A_14 = arith.muli %arg1, %mul3A_13 : i32
    "tpu.region"() ({
      %run_scoped3A_22 = tpu.sem_alloc : memref<!tpu.dma_semaphore, #tpu.memory_space<semaphore_mem>>
      %dma_start3A = arith.constant 0 : i32
      %dma_start3A_23 = tpu.memref_slice %arg11[%mul3A_14, %dma_start3A] : memref<10240x16xf32, #tpu.memory_space<vmem_shared>> -> memref<640x16xf32, #tpu.memory_space<vmem_shared>>
      %dma_start3A_24 = arith.constant 0 : i32
      %dma_start3A_25 = tpu.memref_slice %arg11[%mul3A_14, %dma_start3A_24] : memref<10240x16xf32, #tpu.memory_space<vmem_shared>> -> memref<640x16xf32, #tpu.memory_space<vmem_shared>>
      tpu.enqueue_dma source(%dma_start3A_25 : memref<640x16xf32, #tpu.memory_space<vmem_shared>>) target(%arg8 : memref<640x16xf32, #tpu.memory_space<vmem>>) target_semaphore(%run_scoped3A_22 : memref<!tpu.dma_semaphore, #tpu.memory_space<semaphore_mem>>)
      %dma_wait3A = arith.constant 0 : i32
      %dma_wait3A_26 = tpu.memref_slice %arg11[%mul3A_14, %dma_wait3A] : memref<10240x16xf32, #tpu.memory_space<vmem_shared>> -> memref<640x16xf32, #tpu.memory_space<vmem_shared>>
      %dma_wait3A_27 = arith.constant 0 : i32
      %dma_wait3A_28 = tpu.memref_slice %arg11[%mul3A_14, %dma_wait3A_27] : memref<10240x16xf32, #tpu.memory_space<vmem_shared>> -> memref<640x16xf32, #tpu.memory_space<vmem_shared>>
      tpu.wait_dma2 semaphore(%run_scoped3A_22 : memref<!tpu.dma_semaphore, #tpu.memory_space<semaphore_mem>>) src(%dma_wait3A_28 : memref<640x16xf32, #tpu.memory_space<vmem_shared>>) dst(%arg8 : memref<640x16xf32, #tpu.memory_space<vmem>>)
      tpu.yield
    }) : () -> ()
    %scan3A_15 = arith.constant 0 : i32
    %scan3A_16 = arith.constant 640 : i32
    %scan3A_17 = arith.addi %scan3A_15, %scan3A_16 : i32
    %scan3A_18 = arith.constant 1 : i32
    scf.for %scan3A_22 = %scan3A_15 to %scan3A_17 step %scan3A_18  : i32 {
      %mul3A_23 = arith.constant 1 : i32
      %mul3A_24 = arith.muli %scan3A_22, %mul3A_23 : i32
      %add3A_25 = arith.constant 0 : i32
      %add3A_26 = arith.addi %add3A_25, %mul3A_24 : i32
      %get3A = arith.index_cast %add3A_26 : i32 to index
      %get3A_27 = arith.constant 0 : index
      %get3A_28 = tpu.vector_load %arg8[%get3A, %get3A_27] {strides = array<i32>} : memref<640x16xf32, #tpu.memory_space<vmem>>, vector<1x16xf32>,
      %get3A_29 = vector.shape_cast %get3A_28 : vector<1x16xf32> to vector<16xf32>
      %swap3A = arith.constant 0 : i32
      %swap3A_30 = arith.index_cast %add3A_26 : i32 to index
      %swap3A_31 = arith.index_cast %swap3A : i32 to index
      %swap3A_32 = arith.constant 0 : index
      %swap3A_33 = tpu.vector_load %arg9[%swap3A_30, %swap3A_31, %swap3A_32] {strides = array<i32>} : memref<640x4x16xf32, #tpu.memory_space<vmem>>, vector<1x1x16xf32>,
      %swap3A_34 = vector.shape_cast %swap3A_33 : vector<1x1x16xf32> to vector<16xf32>
      %swap3A_35 = vector.shape_cast %get3A_29 : vector<16xf32> to vector<1x1x16xf32>
      tpu.vector_store %arg9[%swap3A_30, %swap3A_31, %swap3A_32], %swap3A_35 {strides = array<i32>} : memref<640x4x16xf32, #tpu.memory_space<vmem>>, vector<1x1x16xf32>,
      %swap3A_36 = arith.constant 1 : i32
      %swap3A_37 = arith.index_cast %add3A_26 : i32 to index
      %swap3A_38 = arith.index_cast %swap3A_36 : i32 to index
      %swap3A_39 = arith.constant 0 : index
      %swap3A_40 = tpu.vector_load %arg9[%swap3A_37, %swap3A_38, %swap3A_39] {strides = array<i32>} : memref<640x4x16xf32, #tpu.memory_space<vmem>>, vector<1x1x16xf32>,
      %swap3A_41 = vector.shape_cast %swap3A_40 : vector<1x1x16xf32> to vector<16xf32>
      %swap3A_42 = vector.shape_cast %get3A_29 : vector<16xf32> to vector<1x1x16xf32>
      tpu.vector_store %arg9[%swap3A_37, %swap3A_38, %swap3A_39], %swap3A_42 {strides = array<i32>} : memref<640x4x16xf32, #tpu.memory_space<vmem>>, vector<1x1x16xf32>,
      %swap3A_43 = arith.constant 2 : i32
      %swap3A_44 = arith.index_cast %add3A_26 : i32 to index
      %swap3A_45 = arith.index_cast %swap3A_43 : i32 to index
      %swap3A_46 = arith.constant 0 : index
      %swap3A_47 = tpu.vector_load %arg9[%swap3A_44, %swap3A_45, %swap3A_46] {strides = array<i32>} : memref<640x4x16xf32, #tpu.memory_space<vmem>>, vector<1x1x16xf32>,
      %swap3A_48 = vector.shape_cast %swap3A_47 : vector<1x1x16xf32> to vector<16xf32>
      %swap3A_49 = vector.shape_cast %get3A_29 : vector<16xf32> to vector<1x1x16xf32>
      tpu.vector_store %arg9[%swap3A_44, %swap3A_45, %swap3A_46], %swap3A_49 {strides = array<i32>} : memref<640x4x16xf32, #tpu.memory_space<vmem>>, vector<1x1x16xf32>,
      %swap3A_50 = arith.constant 3 : i32
      %swap3A_51 = arith.index_cast %add3A_26 : i32 to index
      %swap3A_52 = arith.index_cast %swap3A_50 : i32 to index
      %swap3A_53 = arith.constant 0 : index
      %swap3A_54 = tpu.vector_load %arg9[%swap3A_51, %swap3A_52, %swap3A_53] {strides = array<i32>} : memref<640x4x16xf32, #tpu.memory_space<vmem>>, vector<1x1x16xf32>,
      %swap3A_55 = vector.shape_cast %swap3A_54 : vector<1x1x16xf32> to vector<16xf32>
      %swap3A_56 = vector.shape_cast %get3A_29 : vector<16xf32> to vector<1x1x16xf32>
      tpu.vector_store %arg9[%swap3A_51, %swap3A_52, %swap3A_53], %swap3A_56 {strides = array<i32>} : memref<640x4x16xf32, #tpu.memory_space<vmem>>, vector<1x1x16xf32>,
    }
    %scan3A_19 = arith.constant 640 : i32
    %mul3A_20 = arith.constant 640 : i32
    %mul3A_21 = arith.muli %arg1, %mul3A_20 : i32
    "tpu.region"() ({
      %run_scoped3A_22 = tpu.sem_alloc : memref<!tpu.dma_semaphore, #tpu.memory_space<semaphore_mem>>
      %dma_start3A = arith.constant 0 : i32
      %dma_start3A_23 = arith.constant 0 : i32
      %dma_start3A_24 = tpu.memref_slice %arg5[%arg0, %mul3A_21, %dma_start3A, %dma_start3A_23] : memref<2x10240x4x16xf32, #tpu.memory_space<hbm>> -> memref<1x640x4x16xf32, #tpu.memory_space<hbm>>
      %dma_start3A_25 = tpu.memref_squeeze %dma_start3A_24 : memref<1x640x4x16xf32, #tpu.memory_space<hbm>> -> memref<640x4x16xf32, #tpu.memory_space<hbm>>
      %dma_start3A_26 = arith.constant 0 : i32
      %dma_start3A_27 = arith.constant 0 : i32
      %dma_start3A_28 = tpu.memref_slice %arg5[%arg0, %mul3A_21, %dma_start3A_26, %dma_start3A_27] : memref<2x10240x4x16xf32, #tpu.memory_space<hbm>> -> memref<1x640x4x16xf32, #tpu.memory_space<hbm>>
      %dma_start3A_29 = tpu.memref_squeeze %dma_start3A_28 : memref<1x640x4x16xf32, #tpu.memory_space<hbm>> -> memref<640x4x16xf32, #tpu.memory_space<hbm>>
      tpu.enqueue_dma source(%arg9 : memref<640x4x16xf32, #tpu.memory_space<vmem>>) target(%dma_start3A_29 : memref<640x4x16xf32, #tpu.memory_space<hbm>>) target_semaphore(%run_scoped3A_22 : memref<!tpu.dma_semaphore, #tpu.memory_space<semaphore_mem>>)
      %dma_wait3A = arith.constant 0 : i32
      %dma_wait3A_30 = arith.constant 0 : i32
      %dma_wait3A_31 = tpu.memref_slice %arg5[%arg0, %mul3A_21, %dma_wait3A, %dma_wait3A_30] : memref<2x10240x4x16xf32, #tpu.memory_space<hbm>> -> memref<1x640x4x16xf32, #tpu.memory_space<hbm>>
      %dma_wait3A_32 = tpu.memref_squeeze %dma_wait3A_31 : memref<1x640x4x16xf32, #tpu.memory_space<hbm>> -> memref<640x4x16xf32, #tpu.memory_space<hbm>>
      %dma_wait3A_33 = arith.constant 0 : i32
      %dma_wait3A_34 = arith.constant 0 : i32
      %dma_wait3A_35 = tpu.memref_slice %arg5[%arg0, %mul3A_21, %dma_wait3A_33, %dma_wait3A_34] : memref<2x10240x4x16xf32, #tpu.memory_space<hbm>> -> memref<1x640x4x16xf32, #tpu.memory_space<hbm>>
      %dma_wait3A_36 = tpu.memref_squeeze %dma_wait3A_35 : memref<1x640x4x16xf32, #tpu.memory_space<hbm>> -> memref<640x4x16xf32, #tpu.memory_space<hbm>>
      tpu.wait_dma2 semaphore(%run_scoped3A_22 : memref<!tpu.dma_semaphore, #tpu.memory_space<semaphore_mem>>) src(%arg9 : memref<640x4x16xf32, #tpu.memory_space<vmem>>) dst(%dma_wait3A_36 : memref<640x4x16xf32, #tpu.memory_space<hbm>>)
      tpu.yield
    }) : () -> ()
    return
  }
}

#map = affine_map<(d0, d1) -> (0, 0)>
#map1 = affine_map<(d0, d1) -> (0, 0, 0, 0)>
#map2 = affine_map<(d0, d1) -> (0, 0, 0)>
module attributes {stable_mosaic.version = 14 : i64} {
  func.func @k(%arg0: i32, %arg1: i32, %arg2: memref<10000x64xf32, #tpu.memory_space<hbm>>, %arg3: memref<2x32x80x125xi32, #tpu.memory_space<hbm>>, %arg4: memref<640x64xf32, #tpu.memory_space<hbm>>, %arg5: memref<2x10240x64xf32, #tpu.memory_space<hbm>>, %arg6: memref<80x125xi32, #tpu.memory_space<vmem>>, %arg7: memref<80x125xi32, #tpu.memory_space<vmem>>, %arg8: memref<125x64xf32, #tpu.memory_space<vmem>>, %arg9: memref<125x64xf32, #tpu.memory_space<vmem>>, %arg10: memref<125x64xf32, #tpu.memory_space<vmem>>, %arg11: memref<125x64xf32, #tpu.memory_space<vmem>>, %arg12: memref<125x64xf32, #tpu.memory_space<vmem>>, %arg13: memref<125x64xf32, #tpu.memory_space<vmem>>, %arg14: memref<125x64xf32, #tpu.memory_space<vmem>>, %arg15: memref<125x64xf32, #tpu.memory_space<vmem>>, %arg16: memref<!tpu.dma_semaphore, #tpu.memory_space<semaphore_mem>>, %arg17: memref<!tpu.dma_semaphore, #tpu.memory_space<semaphore_mem>>, %arg18: memref<!tpu.dma_semaphore, #tpu.memory_space<semaphore_mem>>, %arg19: memref<!tpu.dma_semaphore, #tpu.memory_space<semaphore_mem>>, %arg20: memref<!tpu.dma_semaphore, #tpu.memory_space<semaphore_mem>>, %arg21: memref<!tpu.dma_semaphore, #tpu.memory_space<semaphore_mem>>, %arg22: memref<!tpu.dma_semaphore, #tpu.memory_space<semaphore_mem>>, %arg23: memref<!tpu.dma_semaphore, #tpu.memory_space<semaphore_mem>>, %arg24: memref<!tpu.dma_semaphore, #tpu.memory_space<semaphore_mem>>, %arg25: memref<!tpu.dma_semaphore, #tpu.memory_space<semaphore_mem>>, %arg26: memref<!tpu.dma_semaphore, #tpu.memory_space<semaphore_mem>>, %arg27: memref<!tpu.dma_semaphore, #tpu.memory_space<semaphore_mem>>, %arg28: memref<!tpu.dma_semaphore, #tpu.memory_space<semaphore_mem>>, %arg29: memref<!tpu.dma_semaphore, #tpu.memory_space<semaphore_mem>>, %arg30: memref<!tpu.dma_semaphore, #tpu.memory_space<semaphore_mem>>, %arg31: memref<!tpu.dma_semaphore, #tpu.memory_space<semaphore_mem>>, %arg32: memref<10240x64xf32, #tpu.memory_space<vmem_shared>>) attributes {dimension_semantics = [#tpu.dimension_semantics<core_parallel>, #tpu.dimension_semantics<subcore_parallel>], iteration_bounds = array<i64: 2, 16>, scalar_prefetch = 0 : i64, scratch_operands = 27 : i64, tpu.core_type = #tpu.core_type<sc_vector_subcore>, window_params = [{transform_indices = #map}, {transform_indices = #map1}, {transform_indices = #map}, {transform_indices = #map2}]} {
    %mul3A = arith.constant 16 : i32
    %mul3A_0 = arith.muli %arg0, %mul3A : i32
    %add3A = arith.addi %mul3A_0, %arg1 : i32
    %mul3A_1 = arith.constant 640 : i32
    %mul3A_2 = arith.muli %arg1, %mul3A_1 : i32
    "tpu.region"() ({
      %run_scoped3A_123 = tpu.sem_alloc : memref<!tpu.dma_semaphore, #tpu.memory_space<semaphore_mem>>
      %dma_start3A_124 = arith.constant 0 : i32
      %dma_start3A_125 = tpu.memref_slice %arg32[%mul3A_2, %dma_start3A_124] : memref<10240x64xf32, #tpu.memory_space<vmem_shared>> -> memref<640x64xf32, #tpu.memory_space<vmem_shared>>
      tpu.enqueue_dma source(%arg4 : memref<640x64xf32, #tpu.memory_space<hbm>>) target(%dma_start3A_125 : memref<640x64xf32, #tpu.memory_space<vmem_shared>>) target_semaphore(%run_scoped3A_123 : memref<!tpu.dma_semaphore, #tpu.memory_space<semaphore_mem>>)
      %dma_wait3A_126 = arith.constant 0 : i32
      %dma_wait3A_127 = tpu.memref_slice %arg32[%mul3A_2, %dma_wait3A_126] : memref<10240x64xf32, #tpu.memory_space<vmem_shared>> -> memref<640x64xf32, #tpu.memory_space<vmem_shared>>
      tpu.wait_dma2 semaphore(%run_scoped3A_123 : memref<!tpu.dma_semaphore, #tpu.memory_space<semaphore_mem>>) src(%arg4 : memref<640x64xf32, #tpu.memory_space<hbm>>) dst(%dma_wait3A_127 : memref<640x64xf32, #tpu.memory_space<vmem_shared>>)
      tpu.yield
    }) : () -> ()
    %run_scoped3A = arith.constant 0 : i32
    "tpu.region"() ({
      %run_scoped3A_123 = tpu.sem_alloc : memref<!tpu.dma_semaphore, #tpu.memory_space<semaphore_mem>>
      %dma_start3A_124 = arith.constant 0 : i32
      %dma_start3A_125 = arith.constant 0 : i32
      %dma_start3A_126 = tpu.memref_slice %arg3[%run_scoped3A, %add3A, %dma_start3A_124, %dma_start3A_125] : memref<2x32x80x125xi32, #tpu.memory_space<hbm>> -> memref<1x1x80x125xi32, #tpu.memory_space<hbm>>
      %dma_start3A_127 = tpu.memref_squeeze %dma_start3A_126 : memref<1x1x80x125xi32, #tpu.memory_space<hbm>> -> memref<80x125xi32, #tpu.memory_space<hbm>>
      %dma_start3A_128 = arith.constant 0 : i32
      %dma_start3A_129 = arith.constant 0 : i32
      %dma_start3A_130 = tpu.memref_slice %arg3[%run_scoped3A, %add3A, %dma_start3A_128, %dma_start3A_129] : memref<2x32x80x125xi32, #tpu.memory_space<hbm>> -> memref<1x1x80x125xi32, #tpu.memory_space<hbm>>
      %dma_start3A_131 = tpu.memref_squeeze %dma_start3A_130 : memref<1x1x80x125xi32, #tpu.memory_space<hbm>> -> memref<80x125xi32, #tpu.memory_space<hbm>>
      tpu.enqueue_dma source(%dma_start3A_131 : memref<80x125xi32, #tpu.memory_space<hbm>>) target(%arg6 : memref<80x125xi32, #tpu.memory_space<vmem>>) target_semaphore(%run_scoped3A_123 : memref<!tpu.dma_semaphore, #tpu.memory_space<semaphore_mem>>)
      %dma_wait3A_132 = arith.constant 0 : i32
      %dma_wait3A_133 = arith.constant 0 : i32
      %dma_wait3A_134 = tpu.memref_slice %arg3[%run_scoped3A, %add3A, %dma_wait3A_132, %dma_wait3A_133] : memref<2x32x80x125xi32, #tpu.memory_space<hbm>> -> memref<1x1x80x125xi32, #tpu.memory_space<hbm>>
      %dma_wait3A_135 = tpu.memref_squeeze %dma_wait3A_134 : memref<1x1x80x125xi32, #tpu.memory_space<hbm>> -> memref<80x125xi32, #tpu.memory_space<hbm>>
      %dma_wait3A_136 = arith.constant 0 : i32
      %dma_wait3A_137 = arith.constant 0 : i32
      %dma_wait3A_138 = tpu.memref_slice %arg3[%run_scoped3A, %add3A, %dma_wait3A_136, %dma_wait3A_137] : memref<2x32x80x125xi32, #tpu.memory_space<hbm>> -> memref<1x1x80x125xi32, #tpu.memory_space<hbm>>
      %dma_wait3A_139 = tpu.memref_squeeze %dma_wait3A_138 : memref<1x1x80x125xi32, #tpu.memory_space<hbm>> -> memref<80x125xi32, #tpu.memory_space<hbm>>
      tpu.wait_dma2 semaphore(%run_scoped3A_123 : memref<!tpu.dma_semaphore, #tpu.memory_space<semaphore_mem>>) src(%dma_wait3A_139 : memref<80x125xi32, #tpu.memory_space<hbm>>) dst(%arg6 : memref<80x125xi32, #tpu.memory_space<vmem>>)
      tpu.yield
    }) : () -> ()
    %run_scoped3A_3 = arith.constant 1 : i32
    "tpu.region"() ({
      %run_scoped3A_123 = tpu.sem_alloc : memref<!tpu.dma_semaphore, #tpu.memory_space<semaphore_mem>>
      %dma_start3A_124 = arith.constant 0 : i32
      %dma_start3A_125 = arith.constant 0 : i32
      %dma_start3A_126 = tpu.memref_slice %arg3[%run_scoped3A_3, %add3A, %dma_start3A_124, %dma_start3A_125] : memref<2x32x80x125xi32, #tpu.memory_space<hbm>> -> memref<1x1x80x125xi32, #tpu.memory_space<hbm>>
      %dma_start3A_127 = tpu.memref_squeeze %dma_start3A_126 : memref<1x1x80x125xi32, #tpu.memory_space<hbm>> -> memref<80x125xi32, #tpu.memory_space<hbm>>
      %dma_start3A_128 = arith.constant 0 : i32
      %dma_start3A_129 = arith.constant 0 : i32
      %dma_start3A_130 = tpu.memref_slice %arg3[%run_scoped3A_3, %add3A, %dma_start3A_128, %dma_start3A_129] : memref<2x32x80x125xi32, #tpu.memory_space<hbm>> -> memref<1x1x80x125xi32, #tpu.memory_space<hbm>>
      %dma_start3A_131 = tpu.memref_squeeze %dma_start3A_130 : memref<1x1x80x125xi32, #tpu.memory_space<hbm>> -> memref<80x125xi32, #tpu.memory_space<hbm>>
      tpu.enqueue_dma source(%dma_start3A_131 : memref<80x125xi32, #tpu.memory_space<hbm>>) target(%arg7 : memref<80x125xi32, #tpu.memory_space<vmem>>) target_semaphore(%run_scoped3A_123 : memref<!tpu.dma_semaphore, #tpu.memory_space<semaphore_mem>>)
      %dma_wait3A_132 = arith.constant 0 : i32
      %dma_wait3A_133 = arith.constant 0 : i32
      %dma_wait3A_134 = tpu.memref_slice %arg3[%run_scoped3A_3, %add3A, %dma_wait3A_132, %dma_wait3A_133] : memref<2x32x80x125xi32, #tpu.memory_space<hbm>> -> memref<1x1x80x125xi32, #tpu.memory_space<hbm>>
      %dma_wait3A_135 = tpu.memref_squeeze %dma_wait3A_134 : memref<1x1x80x125xi32, #tpu.memory_space<hbm>> -> memref<80x125xi32, #tpu.memory_space<hbm>>
      %dma_wait3A_136 = arith.constant 0 : i32
      %dma_wait3A_137 = arith.constant 0 : i32
      %dma_wait3A_138 = tpu.memref_slice %arg3[%run_scoped3A_3, %add3A, %dma_wait3A_136, %dma_wait3A_137] : memref<2x32x80x125xi32, #tpu.memory_space<hbm>> -> memref<1x1x80x125xi32, #tpu.memory_space<hbm>>
      %dma_wait3A_139 = tpu.memref_squeeze %dma_wait3A_138 : memref<1x1x80x125xi32, #tpu.memory_space<hbm>> -> memref<80x125xi32, #tpu.memory_space<hbm>>
      tpu.wait_dma2 semaphore(%run_scoped3A_123 : memref<!tpu.dma_semaphore, #tpu.memory_space<semaphore_mem>>) src(%dma_wait3A_139 : memref<80x125xi32, #tpu.memory_space<hbm>>) dst(%arg7 : memref<80x125xi32, #tpu.memory_space<vmem>>)
      tpu.yield
    }) : () -> ()
    %barrier3A = arith.constant 0 : index
    tpu.barrier barrier_id(%barrier3A)
    %dma_start3A = arith.constant 0 : i32
    %dma_start3A_4 = arith.constant 0 : i32
    %dma_start3A_5 = tpu.memref_slice %arg6[%dma_start3A, %dma_start3A_4] : memref<80x125xi32, #tpu.memory_space<vmem>> -> memref<1x125xi32, #tpu.memory_space<vmem>>
    %dma_start3A_6 = tpu.memref_squeeze %dma_start3A_5 : memref<1x125xi32, #tpu.memory_space<vmem>> -> memref<125xi32, #tpu.memory_space<vmem>>
    %dma_start3A_7 = arith.constant 0 : i32
    %dma_start3A_8 = arith.constant 0 : i32
    %dma_start3A_9 = tpu.memref_slice %arg2[%dma_start3A_7, %dma_start3A_8] : memref<10000x64xf32, #tpu.memory_space<hbm>> -> memref<10000x64xf32, #tpu.memory_space<hbm>>
    tpu.enqueue_indirect_dma source(%dma_start3A_9 : memref<10000x64xf32, #tpu.memory_space<hbm>>) target(%arg8 : memref<125x64xf32, #tpu.memory_space<vmem>>) offsets(%dma_start3A_6 : memref<125xi32, #tpu.memory_space<vmem>>) semaphore(%arg16 : memref<!tpu.dma_semaphore, #tpu.memory_space<semaphore_mem>>)
    %dma_start3A_10 = arith.constant 1 : i32
    %dma_start3A_11 = arith.constant 0 : i32
    %dma_start3A_12 = tpu.memref_slice %arg6[%dma_start3A_10, %dma_start3A_11] : memref<80x125xi32, #tpu.memory_space<vmem>> -> memref<1x125xi32, #tpu.memory_space<vmem>>
    %dma_start3A_13 = tpu.memref_squeeze %dma_start3A_12 : memref<1x125xi32, #tpu.memory_space<vmem>> -> memref<125xi32, #tpu.memory_space<vmem>>
    %dma_start3A_14 = arith.constant 0 : i32
    %dma_start3A_15 = arith.constant 0 : i32
    %dma_start3A_16 = tpu.memref_slice %arg2[%dma_start3A_14, %dma_start3A_15] : memref<10000x64xf32, #tpu.memory_space<hbm>> -> memref<10000x64xf32, #tpu.memory_space<hbm>>
    tpu.enqueue_indirect_dma source(%dma_start3A_16 : memref<10000x64xf32, #tpu.memory_space<hbm>>) target(%arg9 : memref<125x64xf32, #tpu.memory_space<vmem>>) offsets(%dma_start3A_13 : memref<125xi32, #tpu.memory_space<vmem>>) semaphore(%arg17 : memref<!tpu.dma_semaphore, #tpu.memory_space<semaphore_mem>>)
    %dma_start3A_17 = arith.constant 2 : i32
    %dma_start3A_18 = arith.constant 0 : i32
    %dma_start3A_19 = tpu.memref_slice %arg6[%dma_start3A_17, %dma_start3A_18] : memref<80x125xi32, #tpu.memory_space<vmem>> -> memref<1x125xi32, #tpu.memory_space<vmem>>
    %dma_start3A_20 = tpu.memref_squeeze %dma_start3A_19 : memref<1x125xi32, #tpu.memory_space<vmem>> -> memref<125xi32, #tpu.memory_space<vmem>>
    %dma_start3A_21 = arith.constant 0 : i32
    %dma_start3A_22 = arith.constant 0 : i32
    %dma_start3A_23 = tpu.memref_slice %arg2[%dma_start3A_21, %dma_start3A_22] : memref<10000x64xf32, #tpu.memory_space<hbm>> -> memref<10000x64xf32, #tpu.memory_space<hbm>>
    tpu.enqueue_indirect_dma source(%dma_start3A_23 : memref<10000x64xf32, #tpu.memory_space<hbm>>) target(%arg10 : memref<125x64xf32, #tpu.memory_space<vmem>>) offsets(%dma_start3A_20 : memref<125xi32, #tpu.memory_space<vmem>>) semaphore(%arg18 : memref<!tpu.dma_semaphore, #tpu.memory_space<semaphore_mem>>)
    %dma_start3A_24 = arith.constant 3 : i32
    %dma_start3A_25 = arith.constant 0 : i32
    %dma_start3A_26 = tpu.memref_slice %arg6[%dma_start3A_24, %dma_start3A_25] : memref<80x125xi32, #tpu.memory_space<vmem>> -> memref<1x125xi32, #tpu.memory_space<vmem>>
    %dma_start3A_27 = tpu.memref_squeeze %dma_start3A_26 : memref<1x125xi32, #tpu.memory_space<vmem>> -> memref<125xi32, #tpu.memory_space<vmem>>
    %dma_start3A_28 = arith.constant 0 : i32
    %dma_start3A_29 = arith.constant 0 : i32
    %dma_start3A_30 = tpu.memref_slice %arg2[%dma_start3A_28, %dma_start3A_29] : memref<10000x64xf32, #tpu.memory_space<hbm>> -> memref<10000x64xf32, #tpu.memory_space<hbm>>
    tpu.enqueue_indirect_dma source(%dma_start3A_30 : memref<10000x64xf32, #tpu.memory_space<hbm>>) target(%arg11 : memref<125x64xf32, #tpu.memory_space<vmem>>) offsets(%dma_start3A_27 : memref<125xi32, #tpu.memory_space<vmem>>) semaphore(%arg19 : memref<!tpu.dma_semaphore, #tpu.memory_space<semaphore_mem>>)
    %dma_start3A_31 = arith.constant 4 : i32
    %dma_start3A_32 = arith.constant 0 : i32
    %dma_start3A_33 = tpu.memref_slice %arg6[%dma_start3A_31, %dma_start3A_32] : memref<80x125xi32, #tpu.memory_space<vmem>> -> memref<1x125xi32, #tpu.memory_space<vmem>>
    %dma_start3A_34 = tpu.memref_squeeze %dma_start3A_33 : memref<1x125xi32, #tpu.memory_space<vmem>> -> memref<125xi32, #tpu.memory_space<vmem>>
    %dma_start3A_35 = arith.constant 0 : i32
    %dma_start3A_36 = arith.constant 0 : i32
    %dma_start3A_37 = tpu.memref_slice %arg2[%dma_start3A_35, %dma_start3A_36] : memref<10000x64xf32, #tpu.memory_space<hbm>> -> memref<10000x64xf32, #tpu.memory_space<hbm>>
    tpu.enqueue_indirect_dma source(%dma_start3A_37 : memref<10000x64xf32, #tpu.memory_space<hbm>>) target(%arg12 : memref<125x64xf32, #tpu.memory_space<vmem>>) offsets(%dma_start3A_34 : memref<125xi32, #tpu.memory_space<vmem>>) semaphore(%arg20 : memref<!tpu.dma_semaphore, #tpu.memory_space<semaphore_mem>>)
    %dma_start3A_38 = arith.constant 5 : i32
    %dma_start3A_39 = arith.constant 0 : i32
    %dma_start3A_40 = tpu.memref_slice %arg6[%dma_start3A_38, %dma_start3A_39] : memref<80x125xi32, #tpu.memory_space<vmem>> -> memref<1x125xi32, #tpu.memory_space<vmem>>
    %dma_start3A_41 = tpu.memref_squeeze %dma_start3A_40 : memref<1x125xi32, #tpu.memory_space<vmem>> -> memref<125xi32, #tpu.memory_space<vmem>>
    %dma_start3A_42 = arith.constant 0 : i32
    %dma_start3A_43 = arith.constant 0 : i32
    %dma_start3A_44 = tpu.memref_slice %arg2[%dma_start3A_42, %dma_start3A_43] : memref<10000x64xf32, #tpu.memory_space<hbm>> -> memref<10000x64xf32, #tpu.memory_space<hbm>>
    tpu.enqueue_indirect_dma source(%dma_start3A_44 : memref<10000x64xf32, #tpu.memory_space<hbm>>) target(%arg13 : memref<125x64xf32, #tpu.memory_space<vmem>>) offsets(%dma_start3A_41 : memref<125xi32, #tpu.memory_space<vmem>>) semaphore(%arg21 : memref<!tpu.dma_semaphore, #tpu.memory_space<semaphore_mem>>)
    %dma_start3A_45 = arith.constant 6 : i32
    %dma_start3A_46 = arith.constant 0 : i32
    %dma_start3A_47 = tpu.memref_slice %arg6[%dma_start3A_45, %dma_start3A_46] : memref<80x125xi32, #tpu.memory_space<vmem>> -> memref<1x125xi32, #tpu.memory_space<vmem>>
    %dma_start3A_48 = tpu.memref_squeeze %dma_start3A_47 : memref<1x125xi32, #tpu.memory_space<vmem>> -> memref<125xi32, #tpu.memory_space<vmem>>
    %dma_start3A_49 = arith.constant 0 : i32
    %dma_start3A_50 = arith.constant 0 : i32
    %dma_start3A_51 = tpu.memref_slice %arg2[%dma_start3A_49, %dma_start3A_50] : memref<10000x64xf32, #tpu.memory_space<hbm>> -> memref<10000x64xf32, #tpu.memory_space<hbm>>
    tpu.enqueue_indirect_dma source(%dma_start3A_51 : memref<10000x64xf32, #tpu.memory_space<hbm>>) target(%arg14 : memref<125x64xf32, #tpu.memory_space<vmem>>) offsets(%dma_start3A_48 : memref<125xi32, #tpu.memory_space<vmem>>) semaphore(%arg22 : memref<!tpu.dma_semaphore, #tpu.memory_space<semaphore_mem>>)
    %dma_start3A_52 = arith.constant 7 : i32
    %dma_start3A_53 = arith.constant 0 : i32
    %dma_start3A_54 = tpu.memref_slice %arg6[%dma_start3A_52, %dma_start3A_53] : memref<80x125xi32, #tpu.memory_space<vmem>> -> memref<1x125xi32, #tpu.memory_space<vmem>>
    %dma_start3A_55 = tpu.memref_squeeze %dma_start3A_54 : memref<1x125xi32, #tpu.memory_space<vmem>> -> memref<125xi32, #tpu.memory_space<vmem>>
    %dma_start3A_56 = arith.constant 0 : i32
    %dma_start3A_57 = arith.constant 0 : i32
    %dma_start3A_58 = tpu.memref_slice %arg2[%dma_start3A_56, %dma_start3A_57] : memref<10000x64xf32, #tpu.memory_space<hbm>> -> memref<10000x64xf32, #tpu.memory_space<hbm>>
    tpu.enqueue_indirect_dma source(%dma_start3A_58 : memref<10000x64xf32, #tpu.memory_space<hbm>>) target(%arg15 : memref<125x64xf32, #tpu.memory_space<vmem>>) offsets(%dma_start3A_55 : memref<125xi32, #tpu.memory_space<vmem>>) semaphore(%arg23 : memref<!tpu.dma_semaphore, #tpu.memory_space<semaphore_mem>>)
    %scan3A = arith.constant 0 : i32
    %scan3A_59 = arith.constant 10 : i32
    %scan3A_60 = arith.addi %scan3A, %scan3A_59 : i32
    %scan3A_61 = arith.constant 1 : i32
    scf.for %scan3A_123 = %scan3A to %scan3A_60 step %scan3A_61  : i32 {
      %mul3A_124 = arith.constant 8 : i32
      %mul3A_125 = arith.muli %scan3A_123, %mul3A_124 : i32
      %add3A_126 = arith.constant 0 : i32
      %add3A_127 = arith.addi %add3A_126, %mul3A_125 : i32
      %add3A_128 = arith.constant 0 : i32
      %add3A_129 = arith.addi %add3A_127, %add3A_128 : i32
      %dma_wait3A_130 = arith.constant 0 : i32
      %dma_wait3A_131 = tpu.memref_slice %arg6[%add3A_129, %dma_wait3A_130] : memref<80x125xi32, #tpu.memory_space<vmem>> -> memref<1x125xi32, #tpu.memory_space<vmem>>
      %dma_wait3A_132 = tpu.memref_squeeze %dma_wait3A_131 : memref<1x125xi32, #tpu.memory_space<vmem>> -> memref<125xi32, #tpu.memory_space<vmem>>
      %dma_wait3A_133 = arith.constant 0 : i32
      %dma_wait3A_134 = arith.constant 0 : i32
      %dma_wait3A_135 = tpu.memref_slice %arg2[%dma_wait3A_133, %dma_wait3A_134] : memref<10000x64xf32, #tpu.memory_space<hbm>> -> memref<10000x64xf32, #tpu.memory_space<hbm>>
      tpu.wait_indirect_dma semaphore(%arg16 : memref<!tpu.dma_semaphore, #tpu.memory_space<semaphore_mem>>) src(%dma_wait3A_135 : memref<10000x64xf32, #tpu.memory_space<hbm>>) dst(%arg8 : memref<125x64xf32, #tpu.memory_space<vmem>>)
      %add3A_136 = arith.constant 0 : i32
      %add3A_137 = arith.addi %add3A_127, %add3A_136 : i32
      %dma_start3A_138 = arith.constant 0 : i32
      %dma_start3A_139 = tpu.memref_slice %arg7[%add3A_137, %dma_start3A_138] : memref<80x125xi32, #tpu.memory_space<vmem>> -> memref<1x125xi32, #tpu.memory_space<vmem>>
      %dma_start3A_140 = tpu.memref_squeeze %dma_start3A_139 : memref<1x125xi32, #tpu.memory_space<vmem>> -> memref<125xi32, #tpu.memory_space<vmem>>
      %dma_start3A_141 = arith.constant 0 : i32
      %dma_start3A_142 = arith.constant 0 : i32
      %dma_start3A_143 = tpu.memref_slice %arg32[%dma_start3A_141, %dma_start3A_142] : memref<10240x64xf32, #tpu.memory_space<vmem_shared>> -> memref<10240x64xf32, #tpu.memory_space<vmem_shared>>
      tpu.enqueue_indirect_dma source(%arg8 : memref<125x64xf32, #tpu.memory_space<vmem>>) target(%dma_start3A_143 : memref<10240x64xf32, #tpu.memory_space<vmem_shared>>) offsets(%dma_start3A_140 : memref<125xi32, #tpu.memory_space<vmem>>) semaphore(%arg24 : memref<!tpu.dma_semaphore, #tpu.memory_space<semaphore_mem>>) {add = true}
      %add3A_144 = arith.constant 1 : i32
      %add3A_145 = arith.addi %add3A_127, %add3A_144 : i32
      %dma_wait3A_146 = arith.constant 0 : i32
      %dma_wait3A_147 = tpu.memref_slice %arg6[%add3A_145, %dma_wait3A_146] : memref<80x125xi32, #tpu.memory_space<vmem>> -> memref<1x125xi32, #tpu.memory_space<vmem>>
      %dma_wait3A_148 = tpu.memref_squeeze %dma_wait3A_147 : memref<1x125xi32, #tpu.memory_space<vmem>> -> memref<125xi32, #tpu.memory_space<vmem>>
      %dma_wait3A_149 = arith.constant 0 : i32
      %dma_wait3A_150 = arith.constant 0 : i32
      %dma_wait3A_151 = tpu.memref_slice %arg2[%dma_wait3A_149, %dma_wait3A_150] : memref<10000x64xf32, #tpu.memory_space<hbm>> -> memref<10000x64xf32, #tpu.memory_space<hbm>>
      tpu.wait_indirect_dma semaphore(%arg17 : memref<!tpu.dma_semaphore, #tpu.memory_space<semaphore_mem>>) src(%dma_wait3A_151 : memref<10000x64xf32, #tpu.memory_space<hbm>>) dst(%arg9 : memref<125x64xf32, #tpu.memory_space<vmem>>)
      %add3A_152 = arith.constant 1 : i32
      %add3A_153 = arith.addi %add3A_127, %add3A_152 : i32
      %dma_start3A_154 = arith.constant 0 : i32
      %dma_start3A_155 = tpu.memref_slice %arg7[%add3A_153, %dma_start3A_154] : memref<80x125xi32, #tpu.memory_space<vmem>> -> memref<1x125xi32, #tpu.memory_space<vmem>>
      %dma_start3A_156 = tpu.memref_squeeze %dma_start3A_155 : memref<1x125xi32, #tpu.memory_space<vmem>> -> memref<125xi32, #tpu.memory_space<vmem>>
      %dma_start3A_157 = arith.constant 0 : i32
      %dma_start3A_158 = arith.constant 0 : i32
      %dma_start3A_159 = tpu.memref_slice %arg32[%dma_start3A_157, %dma_start3A_158] : memref<10240x64xf32, #tpu.memory_space<vmem_shared>> -> memref<10240x64xf32, #tpu.memory_space<vmem_shared>>
      tpu.enqueue_indirect_dma source(%arg9 : memref<125x64xf32, #tpu.memory_space<vmem>>) target(%dma_start3A_159 : memref<10240x64xf32, #tpu.memory_space<vmem_shared>>) offsets(%dma_start3A_156 : memref<125xi32, #tpu.memory_space<vmem>>) semaphore(%arg25 : memref<!tpu.dma_semaphore, #tpu.memory_space<semaphore_mem>>) {add = true}
      %add3A_160 = arith.constant 2 : i32
      %add3A_161 = arith.addi %add3A_127, %add3A_160 : i32
      %dma_wait3A_162 = arith.constant 0 : i32
      %dma_wait3A_163 = tpu.memref_slice %arg6[%add3A_161, %dma_wait3A_162] : memref<80x125xi32, #tpu.memory_space<vmem>> -> memref<1x125xi32, #tpu.memory_space<vmem>>
      %dma_wait3A_164 = tpu.memref_squeeze %dma_wait3A_163 : memref<1x125xi32, #tpu.memory_space<vmem>> -> memref<125xi32, #tpu.memory_space<vmem>>
      %dma_wait3A_165 = arith.constant 0 : i32
      %dma_wait3A_166 = arith.constant 0 : i32
      %dma_wait3A_167 = tpu.memref_slice %arg2[%dma_wait3A_165, %dma_wait3A_166] : memref<10000x64xf32, #tpu.memory_space<hbm>> -> memref<10000x64xf32, #tpu.memory_space<hbm>>
      tpu.wait_indirect_dma semaphore(%arg18 : memref<!tpu.dma_semaphore, #tpu.memory_space<semaphore_mem>>) src(%dma_wait3A_167 : memref<10000x64xf32, #tpu.memory_space<hbm>>) dst(%arg10 : memref<125x64xf32, #tpu.memory_space<vmem>>)
      %add3A_168 = arith.constant 2 : i32
      %add3A_169 = arith.addi %add3A_127, %add3A_168 : i32
      %dma_start3A_170 = arith.constant 0 : i32
      %dma_start3A_171 = tpu.memref_slice %arg7[%add3A_169, %dma_start3A_170] : memref<80x125xi32, #tpu.memory_space<vmem>> -> memref<1x125xi32, #tpu.memory_space<vmem>>
      %dma_start3A_172 = tpu.memref_squeeze %dma_start3A_171 : memref<1x125xi32, #tpu.memory_space<vmem>> -> memref<125xi32, #tpu.memory_space<vmem>>
      %dma_start3A_173 = arith.constant 0 : i32
      %dma_start3A_174 = arith.constant 0 : i32
      %dma_start3A_175 = tpu.memref_slice %arg32[%dma_start3A_173, %dma_start3A_174] : memref<10240x64xf32, #tpu.memory_space<vmem_shared>> -> memref<10240x64xf32, #tpu.memory_space<vmem_shared>>
      tpu.enqueue_indirect_dma source(%arg10 : memref<125x64xf32, #tpu.memory_space<vmem>>) target(%dma_start3A_175 : memref<10240x64xf32, #tpu.memory_space<vmem_shared>>) offsets(%dma_start3A_172 : memref<125xi32, #tpu.memory_space<vmem>>) semaphore(%arg26 : memref<!tpu.dma_semaphore, #tpu.memory_space<semaphore_mem>>) {add = true}
      %add3A_176 = arith.constant 3 : i32
      %add3A_177 = arith.addi %add3A_127, %add3A_176 : i32
      %dma_wait3A_178 = arith.constant 0 : i32
      %dma_wait3A_179 = tpu.memref_slice %arg6[%add3A_177, %dma_wait3A_178] : memref<80x125xi32, #tpu.memory_space<vmem>> -> memref<1x125xi32, #tpu.memory_space<vmem>>
      %dma_wait3A_180 = tpu.memref_squeeze %dma_wait3A_179 : memref<1x125xi32, #tpu.memory_space<vmem>> -> memref<125xi32, #tpu.memory_space<vmem>>
      %dma_wait3A_181 = arith.constant 0 : i32
      %dma_wait3A_182 = arith.constant 0 : i32
      %dma_wait3A_183 = tpu.memref_slice %arg2[%dma_wait3A_181, %dma_wait3A_182] : memref<10000x64xf32, #tpu.memory_space<hbm>> -> memref<10000x64xf32, #tpu.memory_space<hbm>>
      tpu.wait_indirect_dma semaphore(%arg19 : memref<!tpu.dma_semaphore, #tpu.memory_space<semaphore_mem>>) src(%dma_wait3A_183 : memref<10000x64xf32, #tpu.memory_space<hbm>>) dst(%arg11 : memref<125x64xf32, #tpu.memory_space<vmem>>)
      %add3A_184 = arith.constant 3 : i32
      %add3A_185 = arith.addi %add3A_127, %add3A_184 : i32
      %dma_start3A_186 = arith.constant 0 : i32
      %dma_start3A_187 = tpu.memref_slice %arg7[%add3A_185, %dma_start3A_186] : memref<80x125xi32, #tpu.memory_space<vmem>> -> memref<1x125xi32, #tpu.memory_space<vmem>>
      %dma_start3A_188 = tpu.memref_squeeze %dma_start3A_187 : memref<1x125xi32, #tpu.memory_space<vmem>> -> memref<125xi32, #tpu.memory_space<vmem>>
      %dma_start3A_189 = arith.constant 0 : i32
      %dma_start3A_190 = arith.constant 0 : i32
      %dma_start3A_191 = tpu.memref_slice %arg32[%dma_start3A_189, %dma_start3A_190] : memref<10240x64xf32, #tpu.memory_space<vmem_shared>> -> memref<10240x64xf32, #tpu.memory_space<vmem_shared>>
      tpu.enqueue_indirect_dma source(%arg11 : memref<125x64xf32, #tpu.memory_space<vmem>>) target(%dma_start3A_191 : memref<10240x64xf32, #tpu.memory_space<vmem_shared>>) offsets(%dma_start3A_188 : memref<125xi32, #tpu.memory_space<vmem>>) semaphore(%arg27 : memref<!tpu.dma_semaphore, #tpu.memory_space<semaphore_mem>>) {add = true}
      %add3A_192 = arith.constant 4 : i32
      %add3A_193 = arith.addi %add3A_127, %add3A_192 : i32
      %dma_wait3A_194 = arith.constant 0 : i32
      %dma_wait3A_195 = tpu.memref_slice %arg6[%add3A_193, %dma_wait3A_194] : memref<80x125xi32, #tpu.memory_space<vmem>> -> memref<1x125xi32, #tpu.memory_space<vmem>>
      %dma_wait3A_196 = tpu.memref_squeeze %dma_wait3A_195 : memref<1x125xi32, #tpu.memory_space<vmem>> -> memref<125xi32, #tpu.memory_space<vmem>>
      %dma_wait3A_197 = arith.constant 0 : i32
      %dma_wait3A_198 = arith.constant 0 : i32
      %dma_wait3A_199 = tpu.memref_slice %arg2[%dma_wait3A_197, %dma_wait3A_198] : memref<10000x64xf32, #tpu.memory_space<hbm>> -> memref<10000x64xf32, #tpu.memory_space<hbm>>
      tpu.wait_indirect_dma semaphore(%arg20 : memref<!tpu.dma_semaphore, #tpu.memory_space<semaphore_mem>>) src(%dma_wait3A_199 : memref<10000x64xf32, #tpu.memory_space<hbm>>) dst(%arg12 : memref<125x64xf32, #tpu.memory_space<vmem>>)
      %add3A_200 = arith.constant 4 : i32
      %add3A_201 = arith.addi %add3A_127, %add3A_200 : i32
      %dma_start3A_202 = arith.constant 0 : i32
      %dma_start3A_203 = tpu.memref_slice %arg7[%add3A_201, %dma_start3A_202] : memref<80x125xi32, #tpu.memory_space<vmem>> -> memref<1x125xi32, #tpu.memory_space<vmem>>
      %dma_start3A_204 = tpu.memref_squeeze %dma_start3A_203 : memref<1x125xi32, #tpu.memory_space<vmem>> -> memref<125xi32, #tpu.memory_space<vmem>>
      %dma_start3A_205 = arith.constant 0 : i32
      %dma_start3A_206 = arith.constant 0 : i32
      %dma_start3A_207 = tpu.memref_slice %arg32[%dma_start3A_205, %dma_start3A_206] : memref<10240x64xf32, #tpu.memory_space<vmem_shared>> -> memref<10240x64xf32, #tpu.memory_space<vmem_shared>>
      tpu.enqueue_indirect_dma source(%arg12 : memref<125x64xf32, #tpu.memory_space<vmem>>) target(%dma_start3A_207 : memref<10240x64xf32, #tpu.memory_space<vmem_shared>>) offsets(%dma_start3A_204 : memref<125xi32, #tpu.memory_space<vmem>>) semaphore(%arg28 : memref<!tpu.dma_semaphore, #tpu.memory_space<semaphore_mem>>) {add = true}
      %add3A_208 = arith.constant 5 : i32
      %add3A_209 = arith.addi %add3A_127, %add3A_208 : i32
      %dma_wait3A_210 = arith.constant 0 : i32
      %dma_wait3A_211 = tpu.memref_slice %arg6[%add3A_209, %dma_wait3A_210] : memref<80x125xi32, #tpu.memory_space<vmem>> -> memref<1x125xi32, #tpu.memory_space<vmem>>
      %dma_wait3A_212 = tpu.memref_squeeze %dma_wait3A_211 : memref<1x125xi32, #tpu.memory_space<vmem>> -> memref<125xi32, #tpu.memory_space<vmem>>
      %dma_wait3A_213 = arith.constant 0 : i32
      %dma_wait3A_214 = arith.constant 0 : i32
      %dma_wait3A_215 = tpu.memref_slice %arg2[%dma_wait3A_213, %dma_wait3A_214] : memref<10000x64xf32, #tpu.memory_space<hbm>> -> memref<10000x64xf32, #tpu.memory_space<hbm>>
      tpu.wait_indirect_dma semaphore(%arg21 : memref<!tpu.dma_semaphore, #tpu.memory_space<semaphore_mem>>) src(%dma_wait3A_215 : memref<10000x64xf32, #tpu.memory_space<hbm>>) dst(%arg13 : memref<125x64xf32, #tpu.memory_space<vmem>>)
      %add3A_216 = arith.constant 5 : i32
      %add3A_217 = arith.addi %add3A_127, %add3A_216 : i32
      %dma_start3A_218 = arith.constant 0 : i32
      %dma_start3A_219 = tpu.memref_slice %arg7[%add3A_217, %dma_start3A_218] : memref<80x125xi32, #tpu.memory_space<vmem>> -> memref<1x125xi32, #tpu.memory_space<vmem>>
      %dma_start3A_220 = tpu.memref_squeeze %dma_start3A_219 : memref<1x125xi32, #tpu.memory_space<vmem>> -> memref<125xi32, #tpu.memory_space<vmem>>
      %dma_start3A_221 = arith.constant 0 : i32
      %dma_start3A_222 = arith.constant 0 : i32
      %dma_start3A_223 = tpu.memref_slice %arg32[%dma_start3A_221, %dma_start3A_222] : memref<10240x64xf32, #tpu.memory_space<vmem_shared>> -> memref<10240x64xf32, #tpu.memory_space<vmem_shared>>
      tpu.enqueue_indirect_dma source(%arg13 : memref<125x64xf32, #tpu.memory_space<vmem>>) target(%dma_start3A_223 : memref<10240x64xf32, #tpu.memory_space<vmem_shared>>) offsets(%dma_start3A_220 : memref<125xi32, #tpu.memory_space<vmem>>) semaphore(%arg29 : memref<!tpu.dma_semaphore, #tpu.memory_space<semaphore_mem>>) {add = true}
      %add3A_224 = arith.constant 6 : i32
      %add3A_225 = arith.addi %add3A_127, %add3A_224 : i32
      %dma_wait3A_226 = arith.constant 0 : i32
      %dma_wait3A_227 = tpu.memref_slice %arg6[%add3A_225, %dma_wait3A_226] : memref<80x125xi32, #tpu.memory_space<vmem>> -> memref<1x125xi32, #tpu.memory_space<vmem>>
      %dma_wait3A_228 = tpu.memref_squeeze %dma_wait3A_227 : memref<1x125xi32, #tpu.memory_space<vmem>> -> memref<125xi32, #tpu.memory_space<vmem>>
      %dma_wait3A_229 = arith.constant 0 : i32
      %dma_wait3A_230 = arith.constant 0 : i32
      %dma_wait3A_231 = tpu.memref_slice %arg2[%dma_wait3A_229, %dma_wait3A_230] : memref<10000x64xf32, #tpu.memory_space<hbm>> -> memref<10000x64xf32, #tpu.memory_space<hbm>>
      tpu.wait_indirect_dma semaphore(%arg22 : memref<!tpu.dma_semaphore, #tpu.memory_space<semaphore_mem>>) src(%dma_wait3A_231 : memref<10000x64xf32, #tpu.memory_space<hbm>>) dst(%arg14 : memref<125x64xf32, #tpu.memory_space<vmem>>)
      %add3A_232 = arith.constant 6 : i32
      %add3A_233 = arith.addi %add3A_127, %add3A_232 : i32
      %dma_start3A_234 = arith.constant 0 : i32
      %dma_start3A_235 = tpu.memref_slice %arg7[%add3A_233, %dma_start3A_234] : memref<80x125xi32, #tpu.memory_space<vmem>> -> memref<1x125xi32, #tpu.memory_space<vmem>>
      %dma_start3A_236 = tpu.memref_squeeze %dma_start3A_235 : memref<1x125xi32, #tpu.memory_space<vmem>> -> memref<125xi32, #tpu.memory_space<vmem>>
      %dma_start3A_237 = arith.constant 0 : i32
      %dma_start3A_238 = arith.constant 0 : i32
      %dma_start3A_239 = tpu.memref_slice %arg32[%dma_start3A_237, %dma_start3A_238] : memref<10240x64xf32, #tpu.memory_space<vmem_shared>> -> memref<10240x64xf32, #tpu.memory_space<vmem_shared>>
      tpu.enqueue_indirect_dma source(%arg14 : memref<125x64xf32, #tpu.memory_space<vmem>>) target(%dma_start3A_239 : memref<10240x64xf32, #tpu.memory_space<vmem_shared>>) offsets(%dma_start3A_236 : memref<125xi32, #tpu.memory_space<vmem>>) semaphore(%arg30 : memref<!tpu.dma_semaphore, #tpu.memory_space<semaphore_mem>>) {add = true}
      %add3A_240 = arith.constant 7 : i32
      %add3A_241 = arith.addi %add3A_127, %add3A_240 : i32
      %dma_wait3A_242 = arith.constant 0 : i32
      %dma_wait3A_243 = tpu.memref_slice %arg6[%add3A_241, %dma_wait3A_242] : memref<80x125xi32, #tpu.memory_space<vmem>> -> memref<1x125xi32, #tpu.memory_space<vmem>>
      %dma_wait3A_244 = tpu.memref_squeeze %dma_wait3A_243 : memref<1x125xi32, #tpu.memory_space<vmem>> -> memref<125xi32, #tpu.memory_space<vmem>>
      %dma_wait3A_245 = arith.constant 0 : i32
      %dma_wait3A_246 = arith.constant 0 : i32
      %dma_wait3A_247 = tpu.memref_slice %arg2[%dma_wait3A_245, %dma_wait3A_246] : memref<10000x64xf32, #tpu.memory_space<hbm>> -> memref<10000x64xf32, #tpu.memory_space<hbm>>
      tpu.wait_indirect_dma semaphore(%arg23 : memref<!tpu.dma_semaphore, #tpu.memory_space<semaphore_mem>>) src(%dma_wait3A_247 : memref<10000x64xf32, #tpu.memory_space<hbm>>) dst(%arg15 : memref<125x64xf32, #tpu.memory_space<vmem>>)
      %add3A_248 = arith.constant 7 : i32
      %add3A_249 = arith.addi %add3A_127, %add3A_248 : i32
      %dma_start3A_250 = arith.constant 0 : i32
      %dma_start3A_251 = tpu.memref_slice %arg7[%add3A_249, %dma_start3A_250] : memref<80x125xi32, #tpu.memory_space<vmem>> -> memref<1x125xi32, #tpu.memory_space<vmem>>
      %dma_start3A_252 = tpu.memref_squeeze %dma_start3A_251 : memref<1x125xi32, #tpu.memory_space<vmem>> -> memref<125xi32, #tpu.memory_space<vmem>>
      %dma_start3A_253 = arith.constant 0 : i32
      %dma_start3A_254 = arith.constant 0 : i32
      %dma_start3A_255 = tpu.memref_slice %arg32[%dma_start3A_253, %dma_start3A_254] : memref<10240x64xf32, #tpu.memory_space<vmem_shared>> -> memref<10240x64xf32, #tpu.memory_space<vmem_shared>>
      tpu.enqueue_indirect_dma source(%arg15 : memref<125x64xf32, #tpu.memory_space<vmem>>) target(%dma_start3A_255 : memref<10240x64xf32, #tpu.memory_space<vmem_shared>>) offsets(%dma_start3A_252 : memref<125xi32, #tpu.memory_space<vmem>>) semaphore(%arg31 : memref<!tpu.dma_semaphore, #tpu.memory_space<semaphore_mem>>) {add = true}
      %add3A_256 = arith.constant 8 : i32
      %add3A_257 = arith.addi %add3A_127, %add3A_256 : i32
      %lt3A = arith.constant 80 : i32
      %lt3A_258 = arith.cmpi slt, %add3A_257, %lt3A : i32
      %convert_element_type3A = arith.extui %lt3A_258 : i1 to i32
      %cond3A = arith.constant 0 : i32
      %cond3A_259 = arith.cmpi ne, %convert_element_type3A, %cond3A : i32
      scf.if %cond3A_259 {
        %add3A_260 = arith.constant 0 : i32
        %add3A_261 = arith.addi %add3A_127, %add3A_260 : i32
        %dma_wait3A_262 = arith.constant 0 : i32
        %dma_wait3A_263 = tpu.memref_slice %arg7[%add3A_261, %dma_wait3A_262] : memref<80x125xi32, #tpu.memory_space<vmem>> -> memref<1x125xi32, #tpu.memory_space<vmem>>
        %dma_wait3A_264 = tpu.memref_squeeze %dma_wait3A_263 : memref<1x125xi32, #tpu.memory_space<vmem>> -> memref<125xi32, #tpu.memory_space<vmem>>
        %dma_wait3A_265 = arith.constant 0 : i32
        %dma_wait3A_266 = arith.constant 0 : i32
        %dma_wait3A_267 = tpu.memref_slice %arg32[%dma_wait3A_265, %dma_wait3A_266] : memref<10240x64xf32, #tpu.memory_space<vmem_shared>> -> memref<10240x64xf32, #tpu.memory_space<vmem_shared>>
        tpu.wait_indirect_dma semaphore(%arg24 : memref<!tpu.dma_semaphore, #tpu.memory_space<semaphore_mem>>) src(%arg8 : memref<125x64xf32, #tpu.memory_space<vmem>>) dst(%dma_wait3A_267 : memref<10240x64xf32, #tpu.memory_space<vmem_shared>>)
        %add3A_268 = arith.constant 8 : i32
        %add3A_269 = arith.addi %add3A_127, %add3A_268 : i32
        %add3A_270 = arith.constant 0 : i32
        %add3A_271 = arith.addi %add3A_269, %add3A_270 : i32
        %dma_start3A_272 = arith.constant 0 : i32
        %dma_start3A_273 = tpu.memref_slice %arg6[%add3A_271, %dma_start3A_272] : memref<80x125xi32, #tpu.memory_space<vmem>> -> memref<1x125xi32, #tpu.memory_space<vmem>>
        %dma_start3A_274 = tpu.memref_squeeze %dma_start3A_273 : memref<1x125xi32, #tpu.memory_space<vmem>> -> memref<125xi32, #tpu.memory_space<vmem>>
        %dma_start3A_275 = arith.constant 0 : i32
        %dma_start3A_276 = arith.constant 0 : i32
        %dma_start3A_277 = tpu.memref_slice %arg2[%dma_start3A_275, %dma_start3A_276] : memref<10000x64xf32, #tpu.memory_space<hbm>> -> memref<10000x64xf32, #tpu.memory_space<hbm>>
        tpu.enqueue_indirect_dma source(%dma_start3A_277 : memref<10000x64xf32, #tpu.memory_space<hbm>>) target(%arg8 : memref<125x64xf32, #tpu.memory_space<vmem>>) offsets(%dma_start3A_274 : memref<125xi32, #tpu.memory_space<vmem>>) semaphore(%arg16 : memref<!tpu.dma_semaphore, #tpu.memory_space<semaphore_mem>>)
        %add3A_278 = arith.constant 1 : i32
        %add3A_279 = arith.addi %add3A_127, %add3A_278 : i32
        %dma_wait3A_280 = arith.constant 0 : i32
        %dma_wait3A_281 = tpu.memref_slice %arg7[%add3A_279, %dma_wait3A_280] : memref<80x125xi32, #tpu.memory_space<vmem>> -> memref<1x125xi32, #tpu.memory_space<vmem>>
        %dma_wait3A_282 = tpu.memref_squeeze %dma_wait3A_281 : memref<1x125xi32, #tpu.memory_space<vmem>> -> memref<125xi32, #tpu.memory_space<vmem>>
        %dma_wait3A_283 = arith.constant 0 : i32
        %dma_wait3A_284 = arith.constant 0 : i32
        %dma_wait3A_285 = tpu.memref_slice %arg32[%dma_wait3A_283, %dma_wait3A_284] : memref<10240x64xf32, #tpu.memory_space<vmem_shared>> -> memref<10240x64xf32, #tpu.memory_space<vmem_shared>>
        tpu.wait_indirect_dma semaphore(%arg25 : memref<!tpu.dma_semaphore, #tpu.memory_space<semaphore_mem>>) src(%arg9 : memref<125x64xf32, #tpu.memory_space<vmem>>) dst(%dma_wait3A_285 : memref<10240x64xf32, #tpu.memory_space<vmem_shared>>)
        %add3A_286 = arith.constant 8 : i32
        %add3A_287 = arith.addi %add3A_127, %add3A_286 : i32
        %add3A_288 = arith.constant 1 : i32
        %add3A_289 = arith.addi %add3A_287, %add3A_288 : i32
        %dma_start3A_290 = arith.constant 0 : i32
        %dma_start3A_291 = tpu.memref_slice %arg6[%add3A_289, %dma_start3A_290] : memref<80x125xi32, #tpu.memory_space<vmem>> -> memref<1x125xi32, #tpu.memory_space<vmem>>
        %dma_start3A_292 = tpu.memref_squeeze %dma_start3A_291 : memref<1x125xi32, #tpu.memory_space<vmem>> -> memref<125xi32, #tpu.memory_space<vmem>>
        %dma_start3A_293 = arith.constant 0 : i32
        %dma_start3A_294 = arith.constant 0 : i32
        %dma_start3A_295 = tpu.memref_slice %arg2[%dma_start3A_293, %dma_start3A_294] : memref<10000x64xf32, #tpu.memory_space<hbm>> -> memref<10000x64xf32, #tpu.memory_space<hbm>>
        tpu.enqueue_indirect_dma source(%dma_start3A_295 : memref<10000x64xf32, #tpu.memory_space<hbm>>) target(%arg9 : memref<125x64xf32, #tpu.memory_space<vmem>>) offsets(%dma_start3A_292 : memref<125xi32, #tpu.memory_space<vmem>>) semaphore(%arg17 : memref<!tpu.dma_semaphore, #tpu.memory_space<semaphore_mem>>)
        %add3A_296 = arith.constant 2 : i32
        %add3A_297 = arith.addi %add3A_127, %add3A_296 : i32
        %dma_wait3A_298 = arith.constant 0 : i32
        %dma_wait3A_299 = tpu.memref_slice %arg7[%add3A_297, %dma_wait3A_298] : memref<80x125xi32, #tpu.memory_space<vmem>> -> memref<1x125xi32, #tpu.memory_space<vmem>>
        %dma_wait3A_300 = tpu.memref_squeeze %dma_wait3A_299 : memref<1x125xi32, #tpu.memory_space<vmem>> -> memref<125xi32, #tpu.memory_space<vmem>>
        %dma_wait3A_301 = arith.constant 0 : i32
        %dma_wait3A_302 = arith.constant 0 : i32
        %dma_wait3A_303 = tpu.memref_slice %arg32[%dma_wait3A_301, %dma_wait3A_302] : memref<10240x64xf32, #tpu.memory_space<vmem_shared>> -> memref<10240x64xf32, #tpu.memory_space<vmem_shared>>
        tpu.wait_indirect_dma semaphore(%arg26 : memref<!tpu.dma_semaphore, #tpu.memory_space<semaphore_mem>>) src(%arg10 : memref<125x64xf32, #tpu.memory_space<vmem>>) dst(%dma_wait3A_303 : memref<10240x64xf32, #tpu.memory_space<vmem_shared>>)
        %add3A_304 = arith.constant 8 : i32
        %add3A_305 = arith.addi %add3A_127, %add3A_304 : i32
        %add3A_306 = arith.constant 2 : i32
        %add3A_307 = arith.addi %add3A_305, %add3A_306 : i32
        %dma_start3A_308 = arith.constant 0 : i32
        %dma_start3A_309 = tpu.memref_slice %arg6[%add3A_307, %dma_start3A_308] : memref<80x125xi32, #tpu.memory_space<vmem>> -> memref<1x125xi32, #tpu.memory_space<vmem>>
        %dma_start3A_310 = tpu.memref_squeeze %dma_start3A_309 : memref<1x125xi32, #tpu.memory_space<vmem>> -> memref<125xi32, #tpu.memory_space<vmem>>
        %dma_start3A_311 = arith.constant 0 : i32
        %dma_start3A_312 = arith.constant 0 : i32
        %dma_start3A_313 = tpu.memref_slice %arg2[%dma_start3A_311, %dma_start3A_312] : memref<10000x64xf32, #tpu.memory_space<hbm>> -> memref<10000x64xf32, #tpu.memory_space<hbm>>
        tpu.enqueue_indirect_dma source(%dma_start3A_313 : memref<10000x64xf32, #tpu.memory_space<hbm>>) target(%arg10 : memref<125x64xf32, #tpu.memory_space<vmem>>) offsets(%dma_start3A_310 : memref<125xi32, #tpu.memory_space<vmem>>) semaphore(%arg18 : memref<!tpu.dma_semaphore, #tpu.memory_space<semaphore_mem>>)
        %add3A_314 = arith.constant 3 : i32
        %add3A_315 = arith.addi %add3A_127, %add3A_314 : i32
        %dma_wait3A_316 = arith.constant 0 : i32
        %dma_wait3A_317 = tpu.memref_slice %arg7[%add3A_315, %dma_wait3A_316] : memref<80x125xi32, #tpu.memory_space<vmem>> -> memref<1x125xi32, #tpu.memory_space<vmem>>
        %dma_wait3A_318 = tpu.memref_squeeze %dma_wait3A_317 : memref<1x125xi32, #tpu.memory_space<vmem>> -> memref<125xi32, #tpu.memory_space<vmem>>
        %dma_wait3A_319 = arith.constant 0 : i32
        %dma_wait3A_320 = arith.constant 0 : i32
        %dma_wait3A_321 = tpu.memref_slice %arg32[%dma_wait3A_319, %dma_wait3A_320] : memref<10240x64xf32, #tpu.memory_space<vmem_shared>> -> memref<10240x64xf32, #tpu.memory_space<vmem_shared>>
        tpu.wait_indirect_dma semaphore(%arg27 : memref<!tpu.dma_semaphore, #tpu.memory_space<semaphore_mem>>) src(%arg11 : memref<125x64xf32, #tpu.memory_space<vmem>>) dst(%dma_wait3A_321 : memref<10240x64xf32, #tpu.memory_space<vmem_shared>>)
        %add3A_322 = arith.constant 8 : i32
        %add3A_323 = arith.addi %add3A_127, %add3A_322 : i32
        %add3A_324 = arith.constant 3 : i32
        %add3A_325 = arith.addi %add3A_323, %add3A_324 : i32
        %dma_start3A_326 = arith.constant 0 : i32
        %dma_start3A_327 = tpu.memref_slice %arg6[%add3A_325, %dma_start3A_326] : memref<80x125xi32, #tpu.memory_space<vmem>> -> memref<1x125xi32, #tpu.memory_space<vmem>>
        %dma_start3A_328 = tpu.memref_squeeze %dma_start3A_327 : memref<1x125xi32, #tpu.memory_space<vmem>> -> memref<125xi32, #tpu.memory_space<vmem>>
        %dma_start3A_329 = arith.constant 0 : i32
        %dma_start3A_330 = arith.constant 0 : i32
        %dma_start3A_331 = tpu.memref_slice %arg2[%dma_start3A_329, %dma_start3A_330] : memref<10000x64xf32, #tpu.memory_space<hbm>> -> memref<10000x64xf32, #tpu.memory_space<hbm>>
        tpu.enqueue_indirect_dma source(%dma_start3A_331 : memref<10000x64xf32, #tpu.memory_space<hbm>>) target(%arg11 : memref<125x64xf32, #tpu.memory_space<vmem>>) offsets(%dma_start3A_328 : memref<125xi32, #tpu.memory_space<vmem>>) semaphore(%arg19 : memref<!tpu.dma_semaphore, #tpu.memory_space<semaphore_mem>>)
        %add3A_332 = arith.constant 4 : i32
        %add3A_333 = arith.addi %add3A_127, %add3A_332 : i32
        %dma_wait3A_334 = arith.constant 0 : i32
        %dma_wait3A_335 = tpu.memref_slice %arg7[%add3A_333, %dma_wait3A_334] : memref<80x125xi32, #tpu.memory_space<vmem>> -> memref<1x125xi32, #tpu.memory_space<vmem>>
        %dma_wait3A_336 = tpu.memref_squeeze %dma_wait3A_335 : memref<1x125xi32, #tpu.memory_space<vmem>> -> memref<125xi32, #tpu.memory_space<vmem>>
        %dma_wait3A_337 = arith.constant 0 : i32
        %dma_wait3A_338 = arith.constant 0 : i32
        %dma_wait3A_339 = tpu.memref_slice %arg32[%dma_wait3A_337, %dma_wait3A_338] : memref<10240x64xf32, #tpu.memory_space<vmem_shared>> -> memref<10240x64xf32, #tpu.memory_space<vmem_shared>>
        tpu.wait_indirect_dma semaphore(%arg28 : memref<!tpu.dma_semaphore, #tpu.memory_space<semaphore_mem>>) src(%arg12 : memref<125x64xf32, #tpu.memory_space<vmem>>) dst(%dma_wait3A_339 : memref<10240x64xf32, #tpu.memory_space<vmem_shared>>)
        %add3A_340 = arith.constant 8 : i32
        %add3A_341 = arith.addi %add3A_127, %add3A_340 : i32
        %add3A_342 = arith.constant 4 : i32
        %add3A_343 = arith.addi %add3A_341, %add3A_342 : i32
        %dma_start3A_344 = arith.constant 0 : i32
        %dma_start3A_345 = tpu.memref_slice %arg6[%add3A_343, %dma_start3A_344] : memref<80x125xi32, #tpu.memory_space<vmem>> -> memref<1x125xi32, #tpu.memory_space<vmem>>
        %dma_start3A_346 = tpu.memref_squeeze %dma_start3A_345 : memref<1x125xi32, #tpu.memory_space<vmem>> -> memref<125xi32, #tpu.memory_space<vmem>>
        %dma_start3A_347 = arith.constant 0 : i32
        %dma_start3A_348 = arith.constant 0 : i32
        %dma_start3A_349 = tpu.memref_slice %arg2[%dma_start3A_347, %dma_start3A_348] : memref<10000x64xf32, #tpu.memory_space<hbm>> -> memref<10000x64xf32, #tpu.memory_space<hbm>>
        tpu.enqueue_indirect_dma source(%dma_start3A_349 : memref<10000x64xf32, #tpu.memory_space<hbm>>) target(%arg12 : memref<125x64xf32, #tpu.memory_space<vmem>>) offsets(%dma_start3A_346 : memref<125xi32, #tpu.memory_space<vmem>>) semaphore(%arg20 : memref<!tpu.dma_semaphore, #tpu.memory_space<semaphore_mem>>)
        %add3A_350 = arith.constant 5 : i32
        %add3A_351 = arith.addi %add3A_127, %add3A_350 : i32
        %dma_wait3A_352 = arith.constant 0 : i32
        %dma_wait3A_353 = tpu.memref_slice %arg7[%add3A_351, %dma_wait3A_352] : memref<80x125xi32, #tpu.memory_space<vmem>> -> memref<1x125xi32, #tpu.memory_space<vmem>>
        %dma_wait3A_354 = tpu.memref_squeeze %dma_wait3A_353 : memref<1x125xi32, #tpu.memory_space<vmem>> -> memref<125xi32, #tpu.memory_space<vmem>>
        %dma_wait3A_355 = arith.constant 0 : i32
        %dma_wait3A_356 = arith.constant 0 : i32
        %dma_wait3A_357 = tpu.memref_slice %arg32[%dma_wait3A_355, %dma_wait3A_356] : memref<10240x64xf32, #tpu.memory_space<vmem_shared>> -> memref<10240x64xf32, #tpu.memory_space<vmem_shared>>
        tpu.wait_indirect_dma semaphore(%arg29 : memref<!tpu.dma_semaphore, #tpu.memory_space<semaphore_mem>>) src(%arg13 : memref<125x64xf32, #tpu.memory_space<vmem>>) dst(%dma_wait3A_357 : memref<10240x64xf32, #tpu.memory_space<vmem_shared>>)
        %add3A_358 = arith.constant 8 : i32
        %add3A_359 = arith.addi %add3A_127, %add3A_358 : i32
        %add3A_360 = arith.constant 5 : i32
        %add3A_361 = arith.addi %add3A_359, %add3A_360 : i32
        %dma_start3A_362 = arith.constant 0 : i32
        %dma_start3A_363 = tpu.memref_slice %arg6[%add3A_361, %dma_start3A_362] : memref<80x125xi32, #tpu.memory_space<vmem>> -> memref<1x125xi32, #tpu.memory_space<vmem>>
        %dma_start3A_364 = tpu.memref_squeeze %dma_start3A_363 : memref<1x125xi32, #tpu.memory_space<vmem>> -> memref<125xi32, #tpu.memory_space<vmem>>
        %dma_start3A_365 = arith.constant 0 : i32
        %dma_start3A_366 = arith.constant 0 : i32
        %dma_start3A_367 = tpu.memref_slice %arg2[%dma_start3A_365, %dma_start3A_366] : memref<10000x64xf32, #tpu.memory_space<hbm>> -> memref<10000x64xf32, #tpu.memory_space<hbm>>
        tpu.enqueue_indirect_dma source(%dma_start3A_367 : memref<10000x64xf32, #tpu.memory_space<hbm>>) target(%arg13 : memref<125x64xf32, #tpu.memory_space<vmem>>) offsets(%dma_start3A_364 : memref<125xi32, #tpu.memory_space<vmem>>) semaphore(%arg21 : memref<!tpu.dma_semaphore, #tpu.memory_space<semaphore_mem>>)
        %add3A_368 = arith.constant 6 : i32
        %add3A_369 = arith.addi %add3A_127, %add3A_368 : i32
        %dma_wait3A_370 = arith.constant 0 : i32
        %dma_wait3A_371 = tpu.memref_slice %arg7[%add3A_369, %dma_wait3A_370] : memref<80x125xi32, #tpu.memory_space<vmem>> -> memref<1x125xi32, #tpu.memory_space<vmem>>
        %dma_wait3A_372 = tpu.memref_squeeze %dma_wait3A_371 : memref<1x125xi32, #tpu.memory_space<vmem>> -> memref<125xi32, #tpu.memory_space<vmem>>
        %dma_wait3A_373 = arith.constant 0 : i32
        %dma_wait3A_374 = arith.constant 0 : i32
        %dma_wait3A_375 = tpu.memref_slice %arg32[%dma_wait3A_373, %dma_wait3A_374] : memref<10240x64xf32, #tpu.memory_space<vmem_shared>> -> memref<10240x64xf32, #tpu.memory_space<vmem_shared>>
        tpu.wait_indirect_dma semaphore(%arg30 : memref<!tpu.dma_semaphore, #tpu.memory_space<semaphore_mem>>) src(%arg14 : memref<125x64xf32, #tpu.memory_space<vmem>>) dst(%dma_wait3A_375 : memref<10240x64xf32, #tpu.memory_space<vmem_shared>>)
        %add3A_376 = arith.constant 8 : i32
        %add3A_377 = arith.addi %add3A_127, %add3A_376 : i32
        %add3A_378 = arith.constant 6 : i32
        %add3A_379 = arith.addi %add3A_377, %add3A_378 : i32
        %dma_start3A_380 = arith.constant 0 : i32
        %dma_start3A_381 = tpu.memref_slice %arg6[%add3A_379, %dma_start3A_380] : memref<80x125xi32, #tpu.memory_space<vmem>> -> memref<1x125xi32, #tpu.memory_space<vmem>>
        %dma_start3A_382 = tpu.memref_squeeze %dma_start3A_381 : memref<1x125xi32, #tpu.memory_space<vmem>> -> memref<125xi32, #tpu.memory_space<vmem>>
        %dma_start3A_383 = arith.constant 0 : i32
        %dma_start3A_384 = arith.constant 0 : i32
        %dma_start3A_385 = tpu.memref_slice %arg2[%dma_start3A_383, %dma_start3A_384] : memref<10000x64xf32, #tpu.memory_space<hbm>> -> memref<10000x64xf32, #tpu.memory_space<hbm>>
        tpu.enqueue_indirect_dma source(%dma_start3A_385 : memref<10000x64xf32, #tpu.memory_space<hbm>>) target(%arg14 : memref<125x64xf32, #tpu.memory_space<vmem>>) offsets(%dma_start3A_382 : memref<125xi32, #tpu.memory_space<vmem>>) semaphore(%arg22 : memref<!tpu.dma_semaphore, #tpu.memory_space<semaphore_mem>>)
        %add3A_386 = arith.constant 7 : i32
        %add3A_387 = arith.addi %add3A_127, %add3A_386 : i32
        %dma_wait3A_388 = arith.constant 0 : i32
        %dma_wait3A_389 = tpu.memref_slice %arg7[%add3A_387, %dma_wait3A_388] : memref<80x125xi32, #tpu.memory_space<vmem>> -> memref<1x125xi32, #tpu.memory_space<vmem>>
        %dma_wait3A_390 = tpu.memref_squeeze %dma_wait3A_389 : memref<1x125xi32, #tpu.memory_space<vmem>> -> memref<125xi32, #tpu.memory_space<vmem>>
        %dma_wait3A_391 = arith.constant 0 : i32
        %dma_wait3A_392 = arith.constant 0 : i32
        %dma_wait3A_393 = tpu.memref_slice %arg32[%dma_wait3A_391, %dma_wait3A_392] : memref<10240x64xf32, #tpu.memory_space<vmem_shared>> -> memref<10240x64xf32, #tpu.memory_space<vmem_shared>>
        tpu.wait_indirect_dma semaphore(%arg31 : memref<!tpu.dma_semaphore, #tpu.memory_space<semaphore_mem>>) src(%arg15 : memref<125x64xf32, #tpu.memory_space<vmem>>) dst(%dma_wait3A_393 : memref<10240x64xf32, #tpu.memory_space<vmem_shared>>)
        %add3A_394 = arith.constant 8 : i32
        %add3A_395 = arith.addi %add3A_127, %add3A_394 : i32
        %add3A_396 = arith.constant 7 : i32
        %add3A_397 = arith.addi %add3A_395, %add3A_396 : i32
        %dma_start3A_398 = arith.constant 0 : i32
        %dma_start3A_399 = tpu.memref_slice %arg6[%add3A_397, %dma_start3A_398] : memref<80x125xi32, #tpu.memory_space<vmem>> -> memref<1x125xi32, #tpu.memory_space<vmem>>
        %dma_start3A_400 = tpu.memref_squeeze %dma_start3A_399 : memref<1x125xi32, #tpu.memory_space<vmem>> -> memref<125xi32, #tpu.memory_space<vmem>>
        %dma_start3A_401 = arith.constant 0 : i32
        %dma_start3A_402 = arith.constant 0 : i32
        %dma_start3A_403 = tpu.memref_slice %arg2[%dma_start3A_401, %dma_start3A_402] : memref<10000x64xf32, #tpu.memory_space<hbm>> -> memref<10000x64xf32, #tpu.memory_space<hbm>>
        tpu.enqueue_indirect_dma source(%dma_start3A_403 : memref<10000x64xf32, #tpu.memory_space<hbm>>) target(%arg15 : memref<125x64xf32, #tpu.memory_space<vmem>>) offsets(%dma_start3A_400 : memref<125xi32, #tpu.memory_space<vmem>>) semaphore(%arg23 : memref<!tpu.dma_semaphore, #tpu.memory_space<semaphore_mem>>)
      } else {
      }
    }
    %scan3A_62 = arith.constant 10 : i32
    %dma_wait3A = arith.constant 72 : i32
    %dma_wait3A_63 = arith.constant 0 : i32
    %dma_wait3A_64 = tpu.memref_slice %arg7[%dma_wait3A, %dma_wait3A_63] : memref<80x125xi32, #tpu.memory_space<vmem>> -> memref<1x125xi32, #tpu.memory_space<vmem>>
    %dma_wait3A_65 = tpu.memref_squeeze %dma_wait3A_64 : memref<1x125xi32, #tpu.memory_space<vmem>> -> memref<125xi32, #tpu.memory_space<vmem>>
    %dma_wait3A_66 = arith.constant 0 : i32
    %dma_wait3A_67 = arith.constant 0 : i32
    %dma_wait3A_68 = tpu.memref_slice %arg32[%dma_wait3A_66, %dma_wait3A_67] : memref<10240x64xf32, #tpu.memory_space<vmem_shared>> -> memref<10240x64xf32, #tpu.memory_space<vmem_shared>>
    tpu.wait_indirect_dma semaphore(%arg24 : memref<!tpu.dma_semaphore, #tpu.memory_space<semaphore_mem>>) src(%arg8 : memref<125x64xf32, #tpu.memory_space<vmem>>) dst(%dma_wait3A_68 : memref<10240x64xf32, #tpu.memory_space<vmem_shared>>)
    %dma_wait3A_69 = arith.constant 73 : i32
    %dma_wait3A_70 = arith.constant 0 : i32
    %dma_wait3A_71 = tpu.memref_slice %arg7[%dma_wait3A_69, %dma_wait3A_70] : memref<80x125xi32, #tpu.memory_space<vmem>> -> memref<1x125xi32, #tpu.memory_space<vmem>>
    %dma_wait3A_72 = tpu.memref_squeeze %dma_wait3A_71 : memref<1x125xi32, #tpu.memory_space<vmem>> -> memref<125xi32, #tpu.memory_space<vmem>>
    %dma_wait3A_73 = arith.constant 0 : i32
    %dma_wait3A_74 = arith.constant 0 : i32
    %dma_wait3A_75 = tpu.memref_slice %arg32[%dma_wait3A_73, %dma_wait3A_74] : memref<10240x64xf32, #tpu.memory_space<vmem_shared>> -> memref<10240x64xf32, #tpu.memory_space<vmem_shared>>
    tpu.wait_indirect_dma semaphore(%arg25 : memref<!tpu.dma_semaphore, #tpu.memory_space<semaphore_mem>>) src(%arg9 : memref<125x64xf32, #tpu.memory_space<vmem>>) dst(%dma_wait3A_75 : memref<10240x64xf32, #tpu.memory_space<vmem_shared>>)
    %dma_wait3A_76 = arith.constant 74 : i32
    %dma_wait3A_77 = arith.constant 0 : i32
    %dma_wait3A_78 = tpu.memref_slice %arg7[%dma_wait3A_76, %dma_wait3A_77] : memref<80x125xi32, #tpu.memory_space<vmem>> -> memref<1x125xi32, #tpu.memory_space<vmem>>
    %dma_wait3A_79 = tpu.memref_squeeze %dma_wait3A_78 : memref<1x125xi32, #tpu.memory_space<vmem>> -> memref<125xi32, #tpu.memory_space<vmem>>
    %dma_wait3A_80 = arith.constant 0 : i32
    %dma_wait3A_81 = arith.constant 0 : i32
    %dma_wait3A_82 = tpu.memref_slice %arg32[%dma_wait3A_80, %dma_wait3A_81] : memref<10240x64xf32, #tpu.memory_space<vmem_shared>> -> memref<10240x64xf32, #tpu.memory_space<vmem_shared>>
    tpu.wait_indirect_dma semaphore(%arg26 : memref<!tpu.dma_semaphore, #tpu.memory_space<semaphore_mem>>) src(%arg10 : memref<125x64xf32, #tpu.memory_space<vmem>>) dst(%dma_wait3A_82 : memref<10240x64xf32, #tpu.memory_space<vmem_shared>>)
    %dma_wait3A_83 = arith.constant 75 : i32
    %dma_wait3A_84 = arith.constant 0 : i32
    %dma_wait3A_85 = tpu.memref_slice %arg7[%dma_wait3A_83, %dma_wait3A_84] : memref<80x125xi32, #tpu.memory_space<vmem>> -> memref<1x125xi32, #tpu.memory_space<vmem>>
    %dma_wait3A_86 = tpu.memref_squeeze %dma_wait3A_85 : memref<1x125xi32, #tpu.memory_space<vmem>> -> memref<125xi32, #tpu.memory_space<vmem>>
    %dma_wait3A_87 = arith.constant 0 : i32
    %dma_wait3A_88 = arith.constant 0 : i32
    %dma_wait3A_89 = tpu.memref_slice %arg32[%dma_wait3A_87, %dma_wait3A_88] : memref<10240x64xf32, #tpu.memory_space<vmem_shared>> -> memref<10240x64xf32, #tpu.memory_space<vmem_shared>>
    tpu.wait_indirect_dma semaphore(%arg27 : memref<!tpu.dma_semaphore, #tpu.memory_space<semaphore_mem>>) src(%arg11 : memref<125x64xf32, #tpu.memory_space<vmem>>) dst(%dma_wait3A_89 : memref<10240x64xf32, #tpu.memory_space<vmem_shared>>)
    %dma_wait3A_90 = arith.constant 76 : i32
    %dma_wait3A_91 = arith.constant 0 : i32
    %dma_wait3A_92 = tpu.memref_slice %arg7[%dma_wait3A_90, %dma_wait3A_91] : memref<80x125xi32, #tpu.memory_space<vmem>> -> memref<1x125xi32, #tpu.memory_space<vmem>>
    %dma_wait3A_93 = tpu.memref_squeeze %dma_wait3A_92 : memref<1x125xi32, #tpu.memory_space<vmem>> -> memref<125xi32, #tpu.memory_space<vmem>>
    %dma_wait3A_94 = arith.constant 0 : i32
    %dma_wait3A_95 = arith.constant 0 : i32
    %dma_wait3A_96 = tpu.memref_slice %arg32[%dma_wait3A_94, %dma_wait3A_95] : memref<10240x64xf32, #tpu.memory_space<vmem_shared>> -> memref<10240x64xf32, #tpu.memory_space<vmem_shared>>
    tpu.wait_indirect_dma semaphore(%arg28 : memref<!tpu.dma_semaphore, #tpu.memory_space<semaphore_mem>>) src(%arg12 : memref<125x64xf32, #tpu.memory_space<vmem>>) dst(%dma_wait3A_96 : memref<10240x64xf32, #tpu.memory_space<vmem_shared>>)
    %dma_wait3A_97 = arith.constant 77 : i32
    %dma_wait3A_98 = arith.constant 0 : i32
    %dma_wait3A_99 = tpu.memref_slice %arg7[%dma_wait3A_97, %dma_wait3A_98] : memref<80x125xi32, #tpu.memory_space<vmem>> -> memref<1x125xi32, #tpu.memory_space<vmem>>
    %dma_wait3A_100 = tpu.memref_squeeze %dma_wait3A_99 : memref<1x125xi32, #tpu.memory_space<vmem>> -> memref<125xi32, #tpu.memory_space<vmem>>
    %dma_wait3A_101 = arith.constant 0 : i32
    %dma_wait3A_102 = arith.constant 0 : i32
    %dma_wait3A_103 = tpu.memref_slice %arg32[%dma_wait3A_101, %dma_wait3A_102] : memref<10240x64xf32, #tpu.memory_space<vmem_shared>> -> memref<10240x64xf32, #tpu.memory_space<vmem_shared>>
    tpu.wait_indirect_dma semaphore(%arg29 : memref<!tpu.dma_semaphore, #tpu.memory_space<semaphore_mem>>) src(%arg13 : memref<125x64xf32, #tpu.memory_space<vmem>>) dst(%dma_wait3A_103 : memref<10240x64xf32, #tpu.memory_space<vmem_shared>>)
    %dma_wait3A_104 = arith.constant 78 : i32
    %dma_wait3A_105 = arith.constant 0 : i32
    %dma_wait3A_106 = tpu.memref_slice %arg7[%dma_wait3A_104, %dma_wait3A_105] : memref<80x125xi32, #tpu.memory_space<vmem>> -> memref<1x125xi32, #tpu.memory_space<vmem>>
    %dma_wait3A_107 = tpu.memref_squeeze %dma_wait3A_106 : memref<1x125xi32, #tpu.memory_space<vmem>> -> memref<125xi32, #tpu.memory_space<vmem>>
    %dma_wait3A_108 = arith.constant 0 : i32
    %dma_wait3A_109 = arith.constant 0 : i32
    %dma_wait3A_110 = tpu.memref_slice %arg32[%dma_wait3A_108, %dma_wait3A_109] : memref<10240x64xf32, #tpu.memory_space<vmem_shared>> -> memref<10240x64xf32, #tpu.memory_space<vmem_shared>>
    tpu.wait_indirect_dma semaphore(%arg30 : memref<!tpu.dma_semaphore, #tpu.memory_space<semaphore_mem>>) src(%arg14 : memref<125x64xf32, #tpu.memory_space<vmem>>) dst(%dma_wait3A_110 : memref<10240x64xf32, #tpu.memory_space<vmem_shared>>)
    %dma_wait3A_111 = arith.constant 79 : i32
    %dma_wait3A_112 = arith.constant 0 : i32
    %dma_wait3A_113 = tpu.memref_slice %arg7[%dma_wait3A_111, %dma_wait3A_112] : memref<80x125xi32, #tpu.memory_space<vmem>> -> memref<1x125xi32, #tpu.memory_space<vmem>>
    %dma_wait3A_114 = tpu.memref_squeeze %dma_wait3A_113 : memref<1x125xi32, #tpu.memory_space<vmem>> -> memref<125xi32, #tpu.memory_space<vmem>>
    %dma_wait3A_115 = arith.constant 0 : i32
    %dma_wait3A_116 = arith.constant 0 : i32
    %dma_wait3A_117 = tpu.memref_slice %arg32[%dma_wait3A_115, %dma_wait3A_116] : memref<10240x64xf32, #tpu.memory_space<vmem_shared>> -> memref<10240x64xf32, #tpu.memory_space<vmem_shared>>
    tpu.wait_indirect_dma semaphore(%arg31 : memref<!tpu.dma_semaphore, #tpu.memory_space<semaphore_mem>>) src(%arg15 : memref<125x64xf32, #tpu.memory_space<vmem>>) dst(%dma_wait3A_117 : memref<10240x64xf32, #tpu.memory_space<vmem_shared>>)
    %barrier3A_118 = arith.constant 0 : index
    tpu.barrier barrier_id(%barrier3A_118)
    %mul3A_119 = arith.constant 640 : i32
    %mul3A_120 = arith.muli %arg1, %mul3A_119 : i32
    %mul3A_121 = arith.constant 640 : i32
    %mul3A_122 = arith.muli %arg1, %mul3A_121 : i32
    "tpu.region"() ({
      %run_scoped3A_123 = tpu.sem_alloc : memref<!tpu.dma_semaphore, #tpu.memory_space<semaphore_mem>>
      %dma_start3A_124 = arith.constant 0 : i32
      %dma_start3A_125 = tpu.memref_slice %arg5[%arg0, %mul3A_122, %dma_start3A_124] : memref<2x10240x64xf32, #tpu.memory_space<hbm>> -> memref<1x640x64xf32, #tpu.memory_space<hbm>>
      %dma_start3A_126 = tpu.memref_squeeze %dma_start3A_125 : memref<1x640x64xf32, #tpu.memory_space<hbm>> -> memref<640x64xf32, #tpu.memory_space<hbm>>
      %dma_start3A_127 = arith.constant 0 : i32
      %dma_start3A_128 = tpu.memref_slice %arg32[%mul3A_120, %dma_start3A_127] : memref<10240x64xf32, #tpu.memory_space<vmem_shared>> -> memref<640x64xf32, #tpu.memory_space<vmem_shared>>
      tpu.enqueue_dma source(%dma_start3A_128 : memref<640x64xf32, #tpu.memory_space<vmem_shared>>) target(%dma_start3A_126 : memref<640x64xf32, #tpu.memory_space<hbm>>) target_semaphore(%run_scoped3A_123 : memref<!tpu.dma_semaphore, #tpu.memory_space<semaphore_mem>>)
      %dma_wait3A_129 = arith.constant 0 : i32
      %dma_wait3A_130 = tpu.memref_slice %arg5[%arg0, %mul3A_122, %dma_wait3A_129] : memref<2x10240x64xf32, #tpu.memory_space<hbm>> -> memref<1x640x64xf32, #tpu.memory_space<hbm>>
      %dma_wait3A_131 = tpu.memref_squeeze %dma_wait3A_130 : memref<1x640x64xf32, #tpu.memory_space<hbm>> -> memref<640x64xf32, #tpu.memory_space<hbm>>
      %dma_wait3A_132 = arith.constant 0 : i32
      %dma_wait3A_133 = tpu.memref_slice %arg32[%mul3A_120, %dma_wait3A_132] : memref<10240x64xf32, #tpu.memory_space<vmem_shared>> -> memref<640x64xf32, #tpu.memory_space<vmem_shared>>
      tpu.wait_dma2 semaphore(%run_scoped3A_123 : memref<!tpu.dma_semaphore, #tpu.memory_space<semaphore_mem>>) src(%dma_wait3A_133 : memref<640x64xf32, #tpu.memory_space<vmem_shared>>) dst(%dma_wait3A_131 : memref<640x64xf32, #tpu.memory_space<hbm>>)
      tpu.yield
    }) : () -> ()
    return
  }
}

#map = affine_map<(d0, d1) -> (0, 0)>
#map1 = affine_map<(d0, d1) -> (0, 0, 0, 0)>
#map2 = affine_map<(d0, d1) -> (0, 0, 0)>
module attributes {stable_mosaic.version = 14 : i64} {
  func.func @k(%arg0: i32, %arg1: i32, %arg2: memref<10000x64xf32, #tpu.memory_space<hbm>>, %arg3: memref<2x32x80x125xi32, #tpu.memory_space<hbm>>, %arg4: memref<640x64xf32, #tpu.memory_space<hbm>>, %arg5: memref<2x10240x64xf32, #tpu.memory_space<hbm>>, %arg6: memref<80x125xi32, #tpu.memory_space<vmem>>, %arg7: memref<80x125xi32, #tpu.memory_space<vmem>>, %arg8: memref<125x64xf32, #tpu.memory_space<vmem>>, %arg9: memref<125x64xf32, #tpu.memory_space<vmem>>, %arg10: memref<125x64xf32, #tpu.memory_space<vmem>>, %arg11: memref<125x64xf32, #tpu.memory_space<vmem>>, %arg12: memref<125x64xf32, #tpu.memory_space<vmem>>, %arg13: memref<125x64xf32, #tpu.memory_space<vmem>>, %arg14: memref<125x64xf32, #tpu.memory_space<vmem>>, %arg15: memref<125x64xf32, #tpu.memory_space<vmem>>, %arg16: memref<!tpu.dma_semaphore, #tpu.memory_space<semaphore_mem>>, %arg17: memref<!tpu.dma_semaphore, #tpu.memory_space<semaphore_mem>>, %arg18: memref<!tpu.dma_semaphore, #tpu.memory_space<semaphore_mem>>, %arg19: memref<!tpu.dma_semaphore, #tpu.memory_space<semaphore_mem>>, %arg20: memref<!tpu.dma_semaphore, #tpu.memory_space<semaphore_mem>>, %arg21: memref<!tpu.dma_semaphore, #tpu.memory_space<semaphore_mem>>, %arg22: memref<!tpu.dma_semaphore, #tpu.memory_space<semaphore_mem>>, %arg23: memref<!tpu.dma_semaphore, #tpu.memory_space<semaphore_mem>>, %arg24: memref<!tpu.dma_semaphore, #tpu.memory_space<semaphore_mem>>, %arg25: memref<!tpu.dma_semaphore, #tpu.memory_space<semaphore_mem>>, %arg26: memref<!tpu.dma_semaphore, #tpu.memory_space<semaphore_mem>>, %arg27: memref<!tpu.dma_semaphore, #tpu.memory_space<semaphore_mem>>, %arg28: memref<!tpu.dma_semaphore, #tpu.memory_space<semaphore_mem>>, %arg29: memref<!tpu.dma_semaphore, #tpu.memory_space<semaphore_mem>>, %arg30: memref<!tpu.dma_semaphore, #tpu.memory_space<semaphore_mem>>, %arg31: memref<!tpu.dma_semaphore, #tpu.memory_space<semaphore_mem>>, %arg32: memref<10240x64xf32, #tpu.memory_space<vmem_shared>>) attributes {dimension_semantics = [#tpu.dimension_semantics<core_parallel>, #tpu.dimension_semantics<subcore_parallel>], iteration_bounds = array<i64: 2, 16>, scalar_prefetch = 0 : i64, scratch_operands = 27 : i64, tpu.core_type = #tpu.core_type<sc_vector_subcore>, window_params = [{transform_indices = #map}, {transform_indices = #map1}, {transform_indices = #map}, {transform_indices = #map2}]} {
    %mul3A = arith.constant 16 : i32
    %mul3A_0 = arith.muli %arg0, %mul3A : i32
    %add3A = arith.addi %mul3A_0, %arg1 : i32
    %mul3A_1 = arith.constant 640 : i32
    %mul3A_2 = arith.muli %arg1, %mul3A_1 : i32
    "tpu.region"() ({
      %run_scoped3A_123 = tpu.sem_alloc : memref<!tpu.dma_semaphore, #tpu.memory_space<semaphore_mem>>
      %dma_start3A_124 = arith.constant 0 : i32
      %dma_start3A_125 = tpu.memref_slice %arg32[%mul3A_2, %dma_start3A_124] : memref<10240x64xf32, #tpu.memory_space<vmem_shared>> -> memref<640x64xf32, #tpu.memory_space<vmem_shared>>
      tpu.enqueue_dma source(%arg4 : memref<640x64xf32, #tpu.memory_space<hbm>>) target(%dma_start3A_125 : memref<640x64xf32, #tpu.memory_space<vmem_shared>>) target_semaphore(%run_scoped3A_123 : memref<!tpu.dma_semaphore, #tpu.memory_space<semaphore_mem>>)
      %dma_wait3A_126 = arith.constant 0 : i32
      %dma_wait3A_127 = tpu.memref_slice %arg32[%mul3A_2, %dma_wait3A_126] : memref<10240x64xf32, #tpu.memory_space<vmem_shared>> -> memref<640x64xf32, #tpu.memory_space<vmem_shared>>
      tpu.wait_dma2 semaphore(%run_scoped3A_123 : memref<!tpu.dma_semaphore, #tpu.memory_space<semaphore_mem>>) src(%arg4 : memref<640x64xf32, #tpu.memory_space<hbm>>) dst(%dma_wait3A_127 : memref<640x64xf32, #tpu.memory_space<vmem_shared>>)
      tpu.yield
    }) : () -> ()
    %run_scoped3A = arith.constant 0 : i32
    "tpu.region"() ({
      %run_scoped3A_123 = tpu.sem_alloc : memref<!tpu.dma_semaphore, #tpu.memory_space<semaphore_mem>>
      %dma_start3A_124 = arith.constant 0 : i32
      %dma_start3A_125 = arith.constant 0 : i32
      %dma_start3A_126 = tpu.memref_slice %arg3[%run_scoped3A, %add3A, %dma_start3A_124, %dma_start3A_125] : memref<2x32x80x125xi32, #tpu.memory_space<hbm>> -> memref<1x1x80x125xi32, #tpu.memory_space<hbm>>
      %dma_start3A_127 = tpu.memref_squeeze %dma_start3A_126 : memref<1x1x80x125xi32, #tpu.memory_space<hbm>> -> memref<80x125xi32, #tpu.memory_space<hbm>>
      %dma_start3A_128 = arith.constant 0 : i32
      %dma_start3A_129 = arith.constant 0 : i32
      %dma_start3A_130 = tpu.memref_slice %arg3[%run_scoped3A, %add3A, %dma_start3A_128, %dma_start3A_129] : memref<2x32x80x125xi32, #tpu.memory_space<hbm>> -> memref<1x1x80x125xi32, #tpu.memory_space<hbm>>
      %dma_start3A_131 = tpu.memref_squeeze %dma_start3A_130 : memref<1x1x80x125xi32, #tpu.memory_space<hbm>> -> memref<80x125xi32, #tpu.memory_space<hbm>>
      tpu.enqueue_dma source(%dma_start3A_131 : memref<80x125xi32, #tpu.memory_space<hbm>>) target(%arg6 : memref<80x125xi32, #tpu.memory_space<vmem>>) target_semaphore(%run_scoped3A_123 : memref<!tpu.dma_semaphore, #tpu.memory_space<semaphore_mem>>)
      %dma_wait3A_132 = arith.constant 0 : i32
      %dma_wait3A_133 = arith.constant 0 : i32
      %dma_wait3A_134 = tpu.memref_slice %arg3[%run_scoped3A, %add3A, %dma_wait3A_132, %dma_wait3A_133] : memref<2x32x80x125xi32, #tpu.memory_space<hbm>> -> memref<1x1x80x125xi32, #tpu.memory_space<hbm>>
      %dma_wait3A_135 = tpu.memref_squeeze %dma_wait3A_134 : memref<1x1x80x125xi32, #tpu.memory_space<hbm>> -> memref<80x125xi32, #tpu.memory_space<hbm>>
      %dma_wait3A_136 = arith.constant 0 : i32
      %dma_wait3A_137 = arith.constant 0 : i32
      %dma_wait3A_138 = tpu.memref_slice %arg3[%run_scoped3A, %add3A, %dma_wait3A_136, %dma_wait3A_137] : memref<2x32x80x125xi32, #tpu.memory_space<hbm>> -> memref<1x1x80x125xi32, #tpu.memory_space<hbm>>
      %dma_wait3A_139 = tpu.memref_squeeze %dma_wait3A_138 : memref<1x1x80x125xi32, #tpu.memory_space<hbm>> -> memref<80x125xi32, #tpu.memory_space<hbm>>
      tpu.wait_dma2 semaphore(%run_scoped3A_123 : memref<!tpu.dma_semaphore, #tpu.memory_space<semaphore_mem>>) src(%dma_wait3A_139 : memref<80x125xi32, #tpu.memory_space<hbm>>) dst(%arg6 : memref<80x125xi32, #tpu.memory_space<vmem>>)
      tpu.yield
    }) : () -> ()
    %run_scoped3A_3 = arith.constant 1 : i32
    "tpu.region"() ({
      %run_scoped3A_123 = tpu.sem_alloc : memref<!tpu.dma_semaphore, #tpu.memory_space<semaphore_mem>>
      %dma_start3A_124 = arith.constant 0 : i32
      %dma_start3A_125 = arith.constant 0 : i32
      %dma_start3A_126 = tpu.memref_slice %arg3[%run_scoped3A_3, %add3A, %dma_start3A_124, %dma_start3A_125] : memref<2x32x80x125xi32, #tpu.memory_space<hbm>> -> memref<1x1x80x125xi32, #tpu.memory_space<hbm>>
      %dma_start3A_127 = tpu.memref_squeeze %dma_start3A_126 : memref<1x1x80x125xi32, #tpu.memory_space<hbm>> -> memref<80x125xi32, #tpu.memory_space<hbm>>
      %dma_start3A_128 = arith.constant 0 : i32
      %dma_start3A_129 = arith.constant 0 : i32
      %dma_start3A_130 = tpu.memref_slice %arg3[%run_scoped3A_3, %add3A, %dma_start3A_128, %dma_start3A_129] : memref<2x32x80x125xi32, #tpu.memory_space<hbm>> -> memref<1x1x80x125xi32, #tpu.memory_space<hbm>>
      %dma_start3A_131 = tpu.memref_squeeze %dma_start3A_130 : memref<1x1x80x125xi32, #tpu.memory_space<hbm>> -> memref<80x125xi32, #tpu.memory_space<hbm>>
      tpu.enqueue_dma source(%dma_start3A_131 : memref<80x125xi32, #tpu.memory_space<hbm>>) target(%arg7 : memref<80x125xi32, #tpu.memory_space<vmem>>) target_semaphore(%run_scoped3A_123 : memref<!tpu.dma_semaphore, #tpu.memory_space<semaphore_mem>>)
      %dma_wait3A_132 = arith.constant 0 : i32
      %dma_wait3A_133 = arith.constant 0 : i32
      %dma_wait3A_134 = tpu.memref_slice %arg3[%run_scoped3A_3, %add3A, %dma_wait3A_132, %dma_wait3A_133] : memref<2x32x80x125xi32, #tpu.memory_space<hbm>> -> memref<1x1x80x125xi32, #tpu.memory_space<hbm>>
      %dma_wait3A_135 = tpu.memref_squeeze %dma_wait3A_134 : memref<1x1x80x125xi32, #tpu.memory_space<hbm>> -> memref<80x125xi32, #tpu.memory_space<hbm>>
      %dma_wait3A_136 = arith.constant 0 : i32
      %dma_wait3A_137 = arith.constant 0 : i32
      %dma_wait3A_138 = tpu.memref_slice %arg3[%run_scoped3A_3, %add3A, %dma_wait3A_136, %dma_wait3A_137] : memref<2x32x80x125xi32, #tpu.memory_space<hbm>> -> memref<1x1x80x125xi32, #tpu.memory_space<hbm>>
      %dma_wait3A_139 = tpu.memref_squeeze %dma_wait3A_138 : memref<1x1x80x125xi32, #tpu.memory_space<hbm>> -> memref<80x125xi32, #tpu.memory_space<hbm>>
      tpu.wait_dma2 semaphore(%run_scoped3A_123 : memref<!tpu.dma_semaphore, #tpu.memory_space<semaphore_mem>>) src(%dma_wait3A_139 : memref<80x125xi32, #tpu.memory_space<hbm>>) dst(%arg7 : memref<80x125xi32, #tpu.memory_space<vmem>>)
      tpu.yield
    }) : () -> ()
    %barrier3A = arith.constant 0 : index
    tpu.barrier barrier_id(%barrier3A)
    %dma_start3A = arith.constant 0 : i32
    %dma_start3A_4 = arith.constant 0 : i32
    %dma_start3A_5 = tpu.memref_slice %arg6[%dma_start3A, %dma_start3A_4] : memref<80x125xi32, #tpu.memory_space<vmem>> -> memref<1x125xi32, #tpu.memory_space<vmem>>
    %dma_start3A_6 = tpu.memref_squeeze %dma_start3A_5 : memref<1x125xi32, #tpu.memory_space<vmem>> -> memref<125xi32, #tpu.memory_space<vmem>>
    %dma_start3A_7 = arith.constant 0 : i32
    %dma_start3A_8 = arith.constant 0 : i32
    %dma_start3A_9 = tpu.memref_slice %arg2[%dma_start3A_7, %dma_start3A_8] : memref<10000x64xf32, #tpu.memory_space<hbm>> -> memref<10000x64xf32, #tpu.memory_space<hbm>>
    tpu.enqueue_indirect_dma source(%dma_start3A_9 : memref<10000x64xf32, #tpu.memory_space<hbm>>) target(%arg8 : memref<125x64xf32, #tpu.memory_space<vmem>>) offsets(%dma_start3A_6 : memref<125xi32, #tpu.memory_space<vmem>>) semaphore(%arg16 : memref<!tpu.dma_semaphore, #tpu.memory_space<semaphore_mem>>)
    %dma_start3A_10 = arith.constant 1 : i32
    %dma_start3A_11 = arith.constant 0 : i32
    %dma_start3A_12 = tpu.memref_slice %arg6[%dma_start3A_10, %dma_start3A_11] : memref<80x125xi32, #tpu.memory_space<vmem>> -> memref<1x125xi32, #tpu.memory_space<vmem>>
    %dma_start3A_13 = tpu.memref_squeeze %dma_start3A_12 : memref<1x125xi32, #tpu.memory_space<vmem>> -> memref<125xi32, #tpu.memory_space<vmem>>
    %dma_start3A_14 = arith.constant 0 : i32
    %dma_start3A_15 = arith.constant 0 : i32
    %dma_start3A_16 = tpu.memref_slice %arg2[%dma_start3A_14, %dma_start3A_15] : memref<10000x64xf32, #tpu.memory_space<hbm>> -> memref<10000x64xf32, #tpu.memory_space<hbm>>
    tpu.enqueue_indirect_dma source(%dma_start3A_16 : memref<10000x64xf32, #tpu.memory_space<hbm>>) target(%arg9 : memref<125x64xf32, #tpu.memory_space<vmem>>) offsets(%dma_start3A_13 : memref<125xi32, #tpu.memory_space<vmem>>) semaphore(%arg17 : memref<!tpu.dma_semaphore, #tpu.memory_space<semaphore_mem>>)
    %dma_start3A_17 = arith.constant 2 : i32
    %dma_start3A_18 = arith.constant 0 : i32
    %dma_start3A_19 = tpu.memref_slice %arg6[%dma_start3A_17, %dma_start3A_18] : memref<80x125xi32, #tpu.memory_space<vmem>> -> memref<1x125xi32, #tpu.memory_space<vmem>>
    %dma_start3A_20 = tpu.memref_squeeze %dma_start3A_19 : memref<1x125xi32, #tpu.memory_space<vmem>> -> memref<125xi32, #tpu.memory_space<vmem>>
    %dma_start3A_21 = arith.constant 0 : i32
    %dma_start3A_22 = arith.constant 0 : i32
    %dma_start3A_23 = tpu.memref_slice %arg2[%dma_start3A_21, %dma_start3A_22] : memref<10000x64xf32, #tpu.memory_space<hbm>> -> memref<10000x64xf32, #tpu.memory_space<hbm>>
    tpu.enqueue_indirect_dma source(%dma_start3A_23 : memref<10000x64xf32, #tpu.memory_space<hbm>>) target(%arg10 : memref<125x64xf32, #tpu.memory_space<vmem>>) offsets(%dma_start3A_20 : memref<125xi32, #tpu.memory_space<vmem>>) semaphore(%arg18 : memref<!tpu.dma_semaphore, #tpu.memory_space<semaphore_mem>>)
    %dma_start3A_24 = arith.constant 3 : i32
    %dma_start3A_25 = arith.constant 0 : i32
    %dma_start3A_26 = tpu.memref_slice %arg6[%dma_start3A_24, %dma_start3A_25] : memref<80x125xi32, #tpu.memory_space<vmem>> -> memref<1x125xi32, #tpu.memory_space<vmem>>
    %dma_start3A_27 = tpu.memref_squeeze %dma_start3A_26 : memref<1x125xi32, #tpu.memory_space<vmem>> -> memref<125xi32, #tpu.memory_space<vmem>>
    %dma_start3A_28 = arith.constant 0 : i32
    %dma_start3A_29 = arith.constant 0 : i32
    %dma_start3A_30 = tpu.memref_slice %arg2[%dma_start3A_28, %dma_start3A_29] : memref<10000x64xf32, #tpu.memory_space<hbm>> -> memref<10000x64xf32, #tpu.memory_space<hbm>>
    tpu.enqueue_indirect_dma source(%dma_start3A_30 : memref<10000x64xf32, #tpu.memory_space<hbm>>) target(%arg11 : memref<125x64xf32, #tpu.memory_space<vmem>>) offsets(%dma_start3A_27 : memref<125xi32, #tpu.memory_space<vmem>>) semaphore(%arg19 : memref<!tpu.dma_semaphore, #tpu.memory_space<semaphore_mem>>)
    %dma_start3A_31 = arith.constant 4 : i32
    %dma_start3A_32 = arith.constant 0 : i32
    %dma_start3A_33 = tpu.memref_slice %arg6[%dma_start3A_31, %dma_start3A_32] : memref<80x125xi32, #tpu.memory_space<vmem>> -> memref<1x125xi32, #tpu.memory_space<vmem>>
    %dma_start3A_34 = tpu.memref_squeeze %dma_start3A_33 : memref<1x125xi32, #tpu.memory_space<vmem>> -> memref<125xi32, #tpu.memory_space<vmem>>
    %dma_start3A_35 = arith.constant 0 : i32
    %dma_start3A_36 = arith.constant 0 : i32
    %dma_start3A_37 = tpu.memref_slice %arg2[%dma_start3A_35, %dma_start3A_36] : memref<10000x64xf32, #tpu.memory_space<hbm>> -> memref<10000x64xf32, #tpu.memory_space<hbm>>
    tpu.enqueue_indirect_dma source(%dma_start3A_37 : memref<10000x64xf32, #tpu.memory_space<hbm>>) target(%arg12 : memref<125x64xf32, #tpu.memory_space<vmem>>) offsets(%dma_start3A_34 : memref<125xi32, #tpu.memory_space<vmem>>) semaphore(%arg20 : memref<!tpu.dma_semaphore, #tpu.memory_space<semaphore_mem>>)
    %dma_start3A_38 = arith.constant 5 : i32
    %dma_start3A_39 = arith.constant 0 : i32
    %dma_start3A_40 = tpu.memref_slice %arg6[%dma_start3A_38, %dma_start3A_39] : memref<80x125xi32, #tpu.memory_space<vmem>> -> memref<1x125xi32, #tpu.memory_space<vmem>>
    %dma_start3A_41 = tpu.memref_squeeze %dma_start3A_40 : memref<1x125xi32, #tpu.memory_space<vmem>> -> memref<125xi32, #tpu.memory_space<vmem>>
    %dma_start3A_42 = arith.constant 0 : i32
    %dma_start3A_43 = arith.constant 0 : i32
    %dma_start3A_44 = tpu.memref_slice %arg2[%dma_start3A_42, %dma_start3A_43] : memref<10000x64xf32, #tpu.memory_space<hbm>> -> memref<10000x64xf32, #tpu.memory_space<hbm>>
    tpu.enqueue_indirect_dma source(%dma_start3A_44 : memref<10000x64xf32, #tpu.memory_space<hbm>>) target(%arg13 : memref<125x64xf32, #tpu.memory_space<vmem>>) offsets(%dma_start3A_41 : memref<125xi32, #tpu.memory_space<vmem>>) semaphore(%arg21 : memref<!tpu.dma_semaphore, #tpu.memory_space<semaphore_mem>>)
    %dma_start3A_45 = arith.constant 6 : i32
    %dma_start3A_46 = arith.constant 0 : i32
    %dma_start3A_47 = tpu.memref_slice %arg6[%dma_start3A_45, %dma_start3A_46] : memref<80x125xi32, #tpu.memory_space<vmem>> -> memref<1x125xi32, #tpu.memory_space<vmem>>
    %dma_start3A_48 = tpu.memref_squeeze %dma_start3A_47 : memref<1x125xi32, #tpu.memory_space<vmem>> -> memref<125xi32, #tpu.memory_space<vmem>>
    %dma_start3A_49 = arith.constant 0 : i32
    %dma_start3A_50 = arith.constant 0 : i32
    %dma_start3A_51 = tpu.memref_slice %arg2[%dma_start3A_49, %dma_start3A_50] : memref<10000x64xf32, #tpu.memory_space<hbm>> -> memref<10000x64xf32, #tpu.memory_space<hbm>>
    tpu.enqueue_indirect_dma source(%dma_start3A_51 : memref<10000x64xf32, #tpu.memory_space<hbm>>) target(%arg14 : memref<125x64xf32, #tpu.memory_space<vmem>>) offsets(%dma_start3A_48 : memref<125xi32, #tpu.memory_space<vmem>>) semaphore(%arg22 : memref<!tpu.dma_semaphore, #tpu.memory_space<semaphore_mem>>)
    %dma_start3A_52 = arith.constant 7 : i32
    %dma_start3A_53 = arith.constant 0 : i32
    %dma_start3A_54 = tpu.memref_slice %arg6[%dma_start3A_52, %dma_start3A_53] : memref<80x125xi32, #tpu.memory_space<vmem>> -> memref<1x125xi32, #tpu.memory_space<vmem>>
    %dma_start3A_55 = tpu.memref_squeeze %dma_start3A_54 : memref<1x125xi32, #tpu.memory_space<vmem>> -> memref<125xi32, #tpu.memory_space<vmem>>
    %dma_start3A_56 = arith.constant 0 : i32
    %dma_start3A_57 = arith.constant 0 : i32
    %dma_start3A_58 = tpu.memref_slice %arg2[%dma_start3A_56, %dma_start3A_57] : memref<10000x64xf32, #tpu.memory_space<hbm>> -> memref<10000x64xf32, #tpu.memory_space<hbm>>
    tpu.enqueue_indirect_dma source(%dma_start3A_58 : memref<10000x64xf32, #tpu.memory_space<hbm>>) target(%arg15 : memref<125x64xf32, #tpu.memory_space<vmem>>) offsets(%dma_start3A_55 : memref<125xi32, #tpu.memory_space<vmem>>) semaphore(%arg23 : memref<!tpu.dma_semaphore, #tpu.memory_space<semaphore_mem>>)
    %scan3A = arith.constant 0 : i32
    %scan3A_59 = arith.constant 10 : i32
    %scan3A_60 = arith.addi %scan3A, %scan3A_59 : i32
    %scan3A_61 = arith.constant 1 : i32
    scf.for %scan3A_123 = %scan3A to %scan3A_60 step %scan3A_61  : i32 {
      %mul3A_124 = arith.constant 8 : i32
      %mul3A_125 = arith.muli %scan3A_123, %mul3A_124 : i32
      %add3A_126 = arith.constant 0 : i32
      %add3A_127 = arith.addi %add3A_126, %mul3A_125 : i32
      %add3A_128 = arith.constant 0 : i32
      %add3A_129 = arith.addi %add3A_127, %add3A_128 : i32
      %dma_wait3A_130 = arith.constant 0 : i32
      %dma_wait3A_131 = tpu.memref_slice %arg6[%add3A_129, %dma_wait3A_130] : memref<80x125xi32, #tpu.memory_space<vmem>> -> memref<1x125xi32, #tpu.memory_space<vmem>>
      %dma_wait3A_132 = tpu.memref_squeeze %dma_wait3A_131 : memref<1x125xi32, #tpu.memory_space<vmem>> -> memref<125xi32, #tpu.memory_space<vmem>>
      %dma_wait3A_133 = arith.constant 0 : i32
      %dma_wait3A_134 = arith.constant 0 : i32
      %dma_wait3A_135 = tpu.memref_slice %arg2[%dma_wait3A_133, %dma_wait3A_134] : memref<10000x64xf32, #tpu.memory_space<hbm>> -> memref<10000x64xf32, #tpu.memory_space<hbm>>
      tpu.wait_indirect_dma semaphore(%arg16 : memref<!tpu.dma_semaphore, #tpu.memory_space<semaphore_mem>>) src(%dma_wait3A_135 : memref<10000x64xf32, #tpu.memory_space<hbm>>) dst(%arg8 : memref<125x64xf32, #tpu.memory_space<vmem>>)
      %add3A_136 = arith.constant 0 : i32
      %add3A_137 = arith.addi %add3A_127, %add3A_136 : i32
      %dma_start3A_138 = arith.constant 0 : i32
      %dma_start3A_139 = tpu.memref_slice %arg7[%add3A_137, %dma_start3A_138] : memref<80x125xi32, #tpu.memory_space<vmem>> -> memref<1x125xi32, #tpu.memory_space<vmem>>
      %dma_start3A_140 = tpu.memref_squeeze %dma_start3A_139 : memref<1x125xi32, #tpu.memory_space<vmem>> -> memref<125xi32, #tpu.memory_space<vmem>>
      %dma_start3A_141 = arith.constant 0 : i32
      %dma_start3A_142 = arith.constant 0 : i32
      %dma_start3A_143 = tpu.memref_slice %arg32[%dma_start3A_141, %dma_start3A_142] : memref<10240x64xf32, #tpu.memory_space<vmem_shared>> -> memref<10240x64xf32, #tpu.memory_space<vmem_shared>>
      tpu.enqueue_indirect_dma source(%arg8 : memref<125x64xf32, #tpu.memory_space<vmem>>) target(%dma_start3A_143 : memref<10240x64xf32, #tpu.memory_space<vmem_shared>>) offsets(%dma_start3A_140 : memref<125xi32, #tpu.memory_space<vmem>>) semaphore(%arg24 : memref<!tpu.dma_semaphore, #tpu.memory_space<semaphore_mem>>) {add = true}
      %add3A_144 = arith.constant 1 : i32
      %add3A_145 = arith.addi %add3A_127, %add3A_144 : i32
      %dma_wait3A_146 = arith.constant 0 : i32
      %dma_wait3A_147 = tpu.memref_slice %arg6[%add3A_145, %dma_wait3A_146] : memref<80x125xi32, #tpu.memory_space<vmem>> -> memref<1x125xi32, #tpu.memory_space<vmem>>
      %dma_wait3A_148 = tpu.memref_squeeze %dma_wait3A_147 : memref<1x125xi32, #tpu.memory_space<vmem>> -> memref<125xi32, #tpu.memory_space<vmem>>
      %dma_wait3A_149 = arith.constant 0 : i32
      %dma_wait3A_150 = arith.constant 0 : i32
      %dma_wait3A_151 = tpu.memref_slice %arg2[%dma_wait3A_149, %dma_wait3A_150] : memref<10000x64xf32, #tpu.memory_space<hbm>> -> memref<10000x64xf32, #tpu.memory_space<hbm>>
      tpu.wait_indirect_dma semaphore(%arg17 : memref<!tpu.dma_semaphore, #tpu.memory_space<semaphore_mem>>) src(%dma_wait3A_151 : memref<10000x64xf32, #tpu.memory_space<hbm>>) dst(%arg9 : memref<125x64xf32, #tpu.memory_space<vmem>>)
      %add3A_152 = arith.constant 1 : i32
      %add3A_153 = arith.addi %add3A_127, %add3A_152 : i32
      %dma_start3A_154 = arith.constant 0 : i32
      %dma_start3A_155 = tpu.memref_slice %arg7[%add3A_153, %dma_start3A_154] : memref<80x125xi32, #tpu.memory_space<vmem>> -> memref<1x125xi32, #tpu.memory_space<vmem>>
      %dma_start3A_156 = tpu.memref_squeeze %dma_start3A_155 : memref<1x125xi32, #tpu.memory_space<vmem>> -> memref<125xi32, #tpu.memory_space<vmem>>
      %dma_start3A_157 = arith.constant 0 : i32
      %dma_start3A_158 = arith.constant 0 : i32
      %dma_start3A_159 = tpu.memref_slice %arg32[%dma_start3A_157, %dma_start3A_158] : memref<10240x64xf32, #tpu.memory_space<vmem_shared>> -> memref<10240x64xf32, #tpu.memory_space<vmem_shared>>
      tpu.enqueue_indirect_dma source(%arg9 : memref<125x64xf32, #tpu.memory_space<vmem>>) target(%dma_start3A_159 : memref<10240x64xf32, #tpu.memory_space<vmem_shared>>) offsets(%dma_start3A_156 : memref<125xi32, #tpu.memory_space<vmem>>) semaphore(%arg25 : memref<!tpu.dma_semaphore, #tpu.memory_space<semaphore_mem>>) {add = true}
      %add3A_160 = arith.constant 2 : i32
      %add3A_161 = arith.addi %add3A_127, %add3A_160 : i32
      %dma_wait3A_162 = arith.constant 0 : i32
      %dma_wait3A_163 = tpu.memref_slice %arg6[%add3A_161, %dma_wait3A_162] : memref<80x125xi32, #tpu.memory_space<vmem>> -> memref<1x125xi32, #tpu.memory_space<vmem>>
      %dma_wait3A_164 = tpu.memref_squeeze %dma_wait3A_163 : memref<1x125xi32, #tpu.memory_space<vmem>> -> memref<125xi32, #tpu.memory_space<vmem>>
      %dma_wait3A_165 = arith.constant 0 : i32
      %dma_wait3A_166 = arith.constant 0 : i32
      %dma_wait3A_167 = tpu.memref_slice %arg2[%dma_wait3A_165, %dma_wait3A_166] : memref<10000x64xf32, #tpu.memory_space<hbm>> -> memref<10000x64xf32, #tpu.memory_space<hbm>>
      tpu.wait_indirect_dma semaphore(%arg18 : memref<!tpu.dma_semaphore, #tpu.memory_space<semaphore_mem>>) src(%dma_wait3A_167 : memref<10000x64xf32, #tpu.memory_space<hbm>>) dst(%arg10 : memref<125x64xf32, #tpu.memory_space<vmem>>)
      %add3A_168 = arith.constant 2 : i32
      %add3A_169 = arith.addi %add3A_127, %add3A_168 : i32
      %dma_start3A_170 = arith.constant 0 : i32
      %dma_start3A_171 = tpu.memref_slice %arg7[%add3A_169, %dma_start3A_170] : memref<80x125xi32, #tpu.memory_space<vmem>> -> memref<1x125xi32, #tpu.memory_space<vmem>>
      %dma_start3A_172 = tpu.memref_squeeze %dma_start3A_171 : memref<1x125xi32, #tpu.memory_space<vmem>> -> memref<125xi32, #tpu.memory_space<vmem>>
      %dma_start3A_173 = arith.constant 0 : i32
      %dma_start3A_174 = arith.constant 0 : i32
      %dma_start3A_175 = tpu.memref_slice %arg32[%dma_start3A_173, %dma_start3A_174] : memref<10240x64xf32, #tpu.memory_space<vmem_shared>> -> memref<10240x64xf32, #tpu.memory_space<vmem_shared>>
      tpu.enqueue_indirect_dma source(%arg10 : memref<125x64xf32, #tpu.memory_space<vmem>>) target(%dma_start3A_175 : memref<10240x64xf32, #tpu.memory_space<vmem_shared>>) offsets(%dma_start3A_172 : memref<125xi32, #tpu.memory_space<vmem>>) semaphore(%arg26 : memref<!tpu.dma_semaphore, #tpu.memory_space<semaphore_mem>>) {add = true}
      %add3A_176 = arith.constant 3 : i32
      %add3A_177 = arith.addi %add3A_127, %add3A_176 : i32
      %dma_wait3A_178 = arith.constant 0 : i32
      %dma_wait3A_179 = tpu.memref_slice %arg6[%add3A_177, %dma_wait3A_178] : memref<80x125xi32, #tpu.memory_space<vmem>> -> memref<1x125xi32, #tpu.memory_space<vmem>>
      %dma_wait3A_180 = tpu.memref_squeeze %dma_wait3A_179 : memref<1x125xi32, #tpu.memory_space<vmem>> -> memref<125xi32, #tpu.memory_space<vmem>>
      %dma_wait3A_181 = arith.constant 0 : i32
      %dma_wait3A_182 = arith.constant 0 : i32
      %dma_wait3A_183 = tpu.memref_slice %arg2[%dma_wait3A_181, %dma_wait3A_182] : memref<10000x64xf32, #tpu.memory_space<hbm>> -> memref<10000x64xf32, #tpu.memory_space<hbm>>
      tpu.wait_indirect_dma semaphore(%arg19 : memref<!tpu.dma_semaphore, #tpu.memory_space<semaphore_mem>>) src(%dma_wait3A_183 : memref<10000x64xf32, #tpu.memory_space<hbm>>) dst(%arg11 : memref<125x64xf32, #tpu.memory_space<vmem>>)
      %add3A_184 = arith.constant 3 : i32
      %add3A_185 = arith.addi %add3A_127, %add3A_184 : i32
      %dma_start3A_186 = arith.constant 0 : i32
      %dma_start3A_187 = tpu.memref_slice %arg7[%add3A_185, %dma_start3A_186] : memref<80x125xi32, #tpu.memory_space<vmem>> -> memref<1x125xi32, #tpu.memory_space<vmem>>
      %dma_start3A_188 = tpu.memref_squeeze %dma_start3A_187 : memref<1x125xi32, #tpu.memory_space<vmem>> -> memref<125xi32, #tpu.memory_space<vmem>>
      %dma_start3A_189 = arith.constant 0 : i32
      %dma_start3A_190 = arith.constant 0 : i32
      %dma_start3A_191 = tpu.memref_slice %arg32[%dma_start3A_189, %dma_start3A_190] : memref<10240x64xf32, #tpu.memory_space<vmem_shared>> -> memref<10240x64xf32, #tpu.memory_space<vmem_shared>>
      tpu.enqueue_indirect_dma source(%arg11 : memref<125x64xf32, #tpu.memory_space<vmem>>) target(%dma_start3A_191 : memref<10240x64xf32, #tpu.memory_space<vmem_shared>>) offsets(%dma_start3A_188 : memref<125xi32, #tpu.memory_space<vmem>>) semaphore(%arg27 : memref<!tpu.dma_semaphore, #tpu.memory_space<semaphore_mem>>) {add = true}
      %add3A_192 = arith.constant 4 : i32
      %add3A_193 = arith.addi %add3A_127, %add3A_192 : i32
      %dma_wait3A_194 = arith.constant 0 : i32
      %dma_wait3A_195 = tpu.memref_slice %arg6[%add3A_193, %dma_wait3A_194] : memref<80x125xi32, #tpu.memory_space<vmem>> -> memref<1x125xi32, #tpu.memory_space<vmem>>
      %dma_wait3A_196 = tpu.memref_squeeze %dma_wait3A_195 : memref<1x125xi32, #tpu.memory_space<vmem>> -> memref<125xi32, #tpu.memory_space<vmem>>
      %dma_wait3A_197 = arith.constant 0 : i32
      %dma_wait3A_198 = arith.constant 0 : i32
      %dma_wait3A_199 = tpu.memref_slice %arg2[%dma_wait3A_197, %dma_wait3A_198] : memref<10000x64xf32, #tpu.memory_space<hbm>> -> memref<10000x64xf32, #tpu.memory_space<hbm>>
      tpu.wait_indirect_dma semaphore(%arg20 : memref<!tpu.dma_semaphore, #tpu.memory_space<semaphore_mem>>) src(%dma_wait3A_199 : memref<10000x64xf32, #tpu.memory_space<hbm>>) dst(%arg12 : memref<125x64xf32, #tpu.memory_space<vmem>>)
      %add3A_200 = arith.constant 4 : i32
      %add3A_201 = arith.addi %add3A_127, %add3A_200 : i32
      %dma_start3A_202 = arith.constant 0 : i32
      %dma_start3A_203 = tpu.memref_slice %arg7[%add3A_201, %dma_start3A_202] : memref<80x125xi32, #tpu.memory_space<vmem>> -> memref<1x125xi32, #tpu.memory_space<vmem>>
      %dma_start3A_204 = tpu.memref_squeeze %dma_start3A_203 : memref<1x125xi32, #tpu.memory_space<vmem>> -> memref<125xi32, #tpu.memory_space<vmem>>
      %dma_start3A_205 = arith.constant 0 : i32
      %dma_start3A_206 = arith.constant 0 : i32
      %dma_start3A_207 = tpu.memref_slice %arg32[%dma_start3A_205, %dma_start3A_206] : memref<10240x64xf32, #tpu.memory_space<vmem_shared>> -> memref<10240x64xf32, #tpu.memory_space<vmem_shared>>
      tpu.enqueue_indirect_dma source(%arg12 : memref<125x64xf32, #tpu.memory_space<vmem>>) target(%dma_start3A_207 : memref<10240x64xf32, #tpu.memory_space<vmem_shared>>) offsets(%dma_start3A_204 : memref<125xi32, #tpu.memory_space<vmem>>) semaphore(%arg28 : memref<!tpu.dma_semaphore, #tpu.memory_space<semaphore_mem>>) {add = true}
      %add3A_208 = arith.constant 5 : i32
      %add3A_209 = arith.addi %add3A_127, %add3A_208 : i32
      %dma_wait3A_210 = arith.constant 0 : i32
      %dma_wait3A_211 = tpu.memref_slice %arg6[%add3A_209, %dma_wait3A_210] : memref<80x125xi32, #tpu.memory_space<vmem>> -> memref<1x125xi32, #tpu.memory_space<vmem>>
      %dma_wait3A_212 = tpu.memref_squeeze %dma_wait3A_211 : memref<1x125xi32, #tpu.memory_space<vmem>> -> memref<125xi32, #tpu.memory_space<vmem>>
      %dma_wait3A_213 = arith.constant 0 : i32
      %dma_wait3A_214 = arith.constant 0 : i32
      %dma_wait3A_215 = tpu.memref_slice %arg2[%dma_wait3A_213, %dma_wait3A_214] : memref<10000x64xf32, #tpu.memory_space<hbm>> -> memref<10000x64xf32, #tpu.memory_space<hbm>>
      tpu.wait_indirect_dma semaphore(%arg21 : memref<!tpu.dma_semaphore, #tpu.memory_space<semaphore_mem>>) src(%dma_wait3A_215 : memref<10000x64xf32, #tpu.memory_space<hbm>>) dst(%arg13 : memref<125x64xf32, #tpu.memory_space<vmem>>)
      %add3A_216 = arith.constant 5 : i32
      %add3A_217 = arith.addi %add3A_127, %add3A_216 : i32
      %dma_start3A_218 = arith.constant 0 : i32
      %dma_start3A_219 = tpu.memref_slice %arg7[%add3A_217, %dma_start3A_218] : memref<80x125xi32, #tpu.memory_space<vmem>> -> memref<1x125xi32, #tpu.memory_space<vmem>>
      %dma_start3A_220 = tpu.memref_squeeze %dma_start3A_219 : memref<1x125xi32, #tpu.memory_space<vmem>> -> memref<125xi32, #tpu.memory_space<vmem>>
      %dma_start3A_221 = arith.constant 0 : i32
      %dma_start3A_222 = arith.constant 0 : i32
      %dma_start3A_223 = tpu.memref_slice %arg32[%dma_start3A_221, %dma_start3A_222] : memref<10240x64xf32, #tpu.memory_space<vmem_shared>> -> memref<10240x64xf32, #tpu.memory_space<vmem_shared>>
      tpu.enqueue_indirect_dma source(%arg13 : memref<125x64xf32, #tpu.memory_space<vmem>>) target(%dma_start3A_223 : memref<10240x64xf32, #tpu.memory_space<vmem_shared>>) offsets(%dma_start3A_220 : memref<125xi32, #tpu.memory_space<vmem>>) semaphore(%arg29 : memref<!tpu.dma_semaphore, #tpu.memory_space<semaphore_mem>>) {add = true}
      %add3A_224 = arith.constant 6 : i32
      %add3A_225 = arith.addi %add3A_127, %add3A_224 : i32
      %dma_wait3A_226 = arith.constant 0 : i32
      %dma_wait3A_227 = tpu.memref_slice %arg6[%add3A_225, %dma_wait3A_226] : memref<80x125xi32, #tpu.memory_space<vmem>> -> memref<1x125xi32, #tpu.memory_space<vmem>>
      %dma_wait3A_228 = tpu.memref_squeeze %dma_wait3A_227 : memref<1x125xi32, #tpu.memory_space<vmem>> -> memref<125xi32, #tpu.memory_space<vmem>>
      %dma_wait3A_229 = arith.constant 0 : i32
      %dma_wait3A_230 = arith.constant 0 : i32
      %dma_wait3A_231 = tpu.memref_slice %arg2[%dma_wait3A_229, %dma_wait3A_230] : memref<10000x64xf32, #tpu.memory_space<hbm>> -> memref<10000x64xf32, #tpu.memory_space<hbm>>
      tpu.wait_indirect_dma semaphore(%arg22 : memref<!tpu.dma_semaphore, #tpu.memory_space<semaphore_mem>>) src(%dma_wait3A_231 : memref<10000x64xf32, #tpu.memory_space<hbm>>) dst(%arg14 : memref<125x64xf32, #tpu.memory_space<vmem>>)
      %add3A_232 = arith.constant 6 : i32
      %add3A_233 = arith.addi %add3A_127, %add3A_232 : i32
      %dma_start3A_234 = arith.constant 0 : i32
      %dma_start3A_235 = tpu.memref_slice %arg7[%add3A_233, %dma_start3A_234] : memref<80x125xi32, #tpu.memory_space<vmem>> -> memref<1x125xi32, #tpu.memory_space<vmem>>
      %dma_start3A_236 = tpu.memref_squeeze %dma_start3A_235 : memref<1x125xi32, #tpu.memory_space<vmem>> -> memref<125xi32, #tpu.memory_space<vmem>>
      %dma_start3A_237 = arith.constant 0 : i32
      %dma_start3A_238 = arith.constant 0 : i32
      %dma_start3A_239 = tpu.memref_slice %arg32[%dma_start3A_237, %dma_start3A_238] : memref<10240x64xf32, #tpu.memory_space<vmem_shared>> -> memref<10240x64xf32, #tpu.memory_space<vmem_shared>>
      tpu.enqueue_indirect_dma source(%arg14 : memref<125x64xf32, #tpu.memory_space<vmem>>) target(%dma_start3A_239 : memref<10240x64xf32, #tpu.memory_space<vmem_shared>>) offsets(%dma_start3A_236 : memref<125xi32, #tpu.memory_space<vmem>>) semaphore(%arg30 : memref<!tpu.dma_semaphore, #tpu.memory_space<semaphore_mem>>) {add = true}
      %add3A_240 = arith.constant 7 : i32
      %add3A_241 = arith.addi %add3A_127, %add3A_240 : i32
      %dma_wait3A_242 = arith.constant 0 : i32
      %dma_wait3A_243 = tpu.memref_slice %arg6[%add3A_241, %dma_wait3A_242] : memref<80x125xi32, #tpu.memory_space<vmem>> -> memref<1x125xi32, #tpu.memory_space<vmem>>
      %dma_wait3A_244 = tpu.memref_squeeze %dma_wait3A_243 : memref<1x125xi32, #tpu.memory_space<vmem>> -> memref<125xi32, #tpu.memory_space<vmem>>
      %dma_wait3A_245 = arith.constant 0 : i32
      %dma_wait3A_246 = arith.constant 0 : i32
      %dma_wait3A_247 = tpu.memref_slice %arg2[%dma_wait3A_245, %dma_wait3A_246] : memref<10000x64xf32, #tpu.memory_space<hbm>> -> memref<10000x64xf32, #tpu.memory_space<hbm>>
      tpu.wait_indirect_dma semaphore(%arg23 : memref<!tpu.dma_semaphore, #tpu.memory_space<semaphore_mem>>) src(%dma_wait3A_247 : memref<10000x64xf32, #tpu.memory_space<hbm>>) dst(%arg15 : memref<125x64xf32, #tpu.memory_space<vmem>>)
      %add3A_248 = arith.constant 7 : i32
      %add3A_249 = arith.addi %add3A_127, %add3A_248 : i32
      %dma_start3A_250 = arith.constant 0 : i32
      %dma_start3A_251 = tpu.memref_slice %arg7[%add3A_249, %dma_start3A_250] : memref<80x125xi32, #tpu.memory_space<vmem>> -> memref<1x125xi32, #tpu.memory_space<vmem>>
      %dma_start3A_252 = tpu.memref_squeeze %dma_start3A_251 : memref<1x125xi32, #tpu.memory_space<vmem>> -> memref<125xi32, #tpu.memory_space<vmem>>
      %dma_start3A_253 = arith.constant 0 : i32
      %dma_start3A_254 = arith.constant 0 : i32
      %dma_start3A_255 = tpu.memref_slice %arg32[%dma_start3A_253, %dma_start3A_254] : memref<10240x64xf32, #tpu.memory_space<vmem_shared>> -> memref<10240x64xf32, #tpu.memory_space<vmem_shared>>
      tpu.enqueue_indirect_dma source(%arg15 : memref<125x64xf32, #tpu.memory_space<vmem>>) target(%dma_start3A_255 : memref<10240x64xf32, #tpu.memory_space<vmem_shared>>) offsets(%dma_start3A_252 : memref<125xi32, #tpu.memory_space<vmem>>) semaphore(%arg31 : memref<!tpu.dma_semaphore, #tpu.memory_space<semaphore_mem>>) {add = true}
      %add3A_256 = arith.constant 8 : i32
      %add3A_257 = arith.addi %add3A_127, %add3A_256 : i32
      %lt3A = arith.constant 80 : i32
      %lt3A_258 = arith.cmpi slt, %add3A_257, %lt3A : i32
      %convert_element_type3A = arith.extui %lt3A_258 : i1 to i32
      %cond3A = arith.constant 0 : i32
      %cond3A_259 = arith.cmpi ne, %convert_element_type3A, %cond3A : i32
      scf.if %cond3A_259 {
        %add3A_260 = arith.constant 0 : i32
        %add3A_261 = arith.addi %add3A_127, %add3A_260 : i32
        %dma_wait3A_262 = arith.constant 0 : i32
        %dma_wait3A_263 = tpu.memref_slice %arg7[%add3A_261, %dma_wait3A_262] : memref<80x125xi32, #tpu.memory_space<vmem>> -> memref<1x125xi32, #tpu.memory_space<vmem>>
        %dma_wait3A_264 = tpu.memref_squeeze %dma_wait3A_263 : memref<1x125xi32, #tpu.memory_space<vmem>> -> memref<125xi32, #tpu.memory_space<vmem>>
        %dma_wait3A_265 = arith.constant 0 : i32
        %dma_wait3A_266 = arith.constant 0 : i32
        %dma_wait3A_267 = tpu.memref_slice %arg32[%dma_wait3A_265, %dma_wait3A_266] : memref<10240x64xf32, #tpu.memory_space<vmem_shared>> -> memref<10240x64xf32, #tpu.memory_space<vmem_shared>>
        tpu.wait_indirect_dma semaphore(%arg24 : memref<!tpu.dma_semaphore, #tpu.memory_space<semaphore_mem>>) src(%arg8 : memref<125x64xf32, #tpu.memory_space<vmem>>) dst(%dma_wait3A_267 : memref<10240x64xf32, #tpu.memory_space<vmem_shared>>)
        %add3A_268 = arith.constant 8 : i32
        %add3A_269 = arith.addi %add3A_127, %add3A_268 : i32
        %add3A_270 = arith.constant 0 : i32
        %add3A_271 = arith.addi %add3A_269, %add3A_270 : i32
        %dma_start3A_272 = arith.constant 0 : i32
        %dma_start3A_273 = tpu.memref_slice %arg6[%add3A_271, %dma_start3A_272] : memref<80x125xi32, #tpu.memory_space<vmem>> -> memref<1x125xi32, #tpu.memory_space<vmem>>
        %dma_start3A_274 = tpu.memref_squeeze %dma_start3A_273 : memref<1x125xi32, #tpu.memory_space<vmem>> -> memref<125xi32, #tpu.memory_space<vmem>>
        %dma_start3A_275 = arith.constant 0 : i32
        %dma_start3A_276 = arith.constant 0 : i32
        %dma_start3A_277 = tpu.memref_slice %arg2[%dma_start3A_275, %dma_start3A_276] : memref<10000x64xf32, #tpu.memory_space<hbm>> -> memref<10000x64xf32, #tpu.memory_space<hbm>>
        tpu.enqueue_indirect_dma source(%dma_start3A_277 : memref<10000x64xf32, #tpu.memory_space<hbm>>) target(%arg8 : memref<125x64xf32, #tpu.memory_space<vmem>>) offsets(%dma_start3A_274 : memref<125xi32, #tpu.memory_space<vmem>>) semaphore(%arg16 : memref<!tpu.dma_semaphore, #tpu.memory_space<semaphore_mem>>)
        %add3A_278 = arith.constant 1 : i32
        %add3A_279 = arith.addi %add3A_127, %add3A_278 : i32
        %dma_wait3A_280 = arith.constant 0 : i32
        %dma_wait3A_281 = tpu.memref_slice %arg7[%add3A_279, %dma_wait3A_280] : memref<80x125xi32, #tpu.memory_space<vmem>> -> memref<1x125xi32, #tpu.memory_space<vmem>>
        %dma_wait3A_282 = tpu.memref_squeeze %dma_wait3A_281 : memref<1x125xi32, #tpu.memory_space<vmem>> -> memref<125xi32, #tpu.memory_space<vmem>>
        %dma_wait3A_283 = arith.constant 0 : i32
        %dma_wait3A_284 = arith.constant 0 : i32
        %dma_wait3A_285 = tpu.memref_slice %arg32[%dma_wait3A_283, %dma_wait3A_284] : memref<10240x64xf32, #tpu.memory_space<vmem_shared>> -> memref<10240x64xf32, #tpu.memory_space<vmem_shared>>
        tpu.wait_indirect_dma semaphore(%arg25 : memref<!tpu.dma_semaphore, #tpu.memory_space<semaphore_mem>>) src(%arg9 : memref<125x64xf32, #tpu.memory_space<vmem>>) dst(%dma_wait3A_285 : memref<10240x64xf32, #tpu.memory_space<vmem_shared>>)
        %add3A_286 = arith.constant 8 : i32
        %add3A_287 = arith.addi %add3A_127, %add3A_286 : i32
        %add3A_288 = arith.constant 1 : i32
        %add3A_289 = arith.addi %add3A_287, %add3A_288 : i32
        %dma_start3A_290 = arith.constant 0 : i32
        %dma_start3A_291 = tpu.memref_slice %arg6[%add3A_289, %dma_start3A_290] : memref<80x125xi32, #tpu.memory_space<vmem>> -> memref<1x125xi32, #tpu.memory_space<vmem>>
        %dma_start3A_292 = tpu.memref_squeeze %dma_start3A_291 : memref<1x125xi32, #tpu.memory_space<vmem>> -> memref<125xi32, #tpu.memory_space<vmem>>
        %dma_start3A_293 = arith.constant 0 : i32
        %dma_start3A_294 = arith.constant 0 : i32
        %dma_start3A_295 = tpu.memref_slice %arg2[%dma_start3A_293, %dma_start3A_294] : memref<10000x64xf32, #tpu.memory_space<hbm>> -> memref<10000x64xf32, #tpu.memory_space<hbm>>
        tpu.enqueue_indirect_dma source(%dma_start3A_295 : memref<10000x64xf32, #tpu.memory_space<hbm>>) target(%arg9 : memref<125x64xf32, #tpu.memory_space<vmem>>) offsets(%dma_start3A_292 : memref<125xi32, #tpu.memory_space<vmem>>) semaphore(%arg17 : memref<!tpu.dma_semaphore, #tpu.memory_space<semaphore_mem>>)
        %add3A_296 = arith.constant 2 : i32
        %add3A_297 = arith.addi %add3A_127, %add3A_296 : i32
        %dma_wait3A_298 = arith.constant 0 : i32
        %dma_wait3A_299 = tpu.memref_slice %arg7[%add3A_297, %dma_wait3A_298] : memref<80x125xi32, #tpu.memory_space<vmem>> -> memref<1x125xi32, #tpu.memory_space<vmem>>
        %dma_wait3A_300 = tpu.memref_squeeze %dma_wait3A_299 : memref<1x125xi32, #tpu.memory_space<vmem>> -> memref<125xi32, #tpu.memory_space<vmem>>
        %dma_wait3A_301 = arith.constant 0 : i32
        %dma_wait3A_302 = arith.constant 0 : i32
        %dma_wait3A_303 = tpu.memref_slice %arg32[%dma_wait3A_301, %dma_wait3A_302] : memref<10240x64xf32, #tpu.memory_space<vmem_shared>> -> memref<10240x64xf32, #tpu.memory_space<vmem_shared>>
        tpu.wait_indirect_dma semaphore(%arg26 : memref<!tpu.dma_semaphore, #tpu.memory_space<semaphore_mem>>) src(%arg10 : memref<125x64xf32, #tpu.memory_space<vmem>>) dst(%dma_wait3A_303 : memref<10240x64xf32, #tpu.memory_space<vmem_shared>>)
        %add3A_304 = arith.constant 8 : i32
        %add3A_305 = arith.addi %add3A_127, %add3A_304 : i32
        %add3A_306 = arith.constant 2 : i32
        %add3A_307 = arith.addi %add3A_305, %add3A_306 : i32
        %dma_start3A_308 = arith.constant 0 : i32
        %dma_start3A_309 = tpu.memref_slice %arg6[%add3A_307, %dma_start3A_308] : memref<80x125xi32, #tpu.memory_space<vmem>> -> memref<1x125xi32, #tpu.memory_space<vmem>>
        %dma_start3A_310 = tpu.memref_squeeze %dma_start3A_309 : memref<1x125xi32, #tpu.memory_space<vmem>> -> memref<125xi32, #tpu.memory_space<vmem>>
        %dma_start3A_311 = arith.constant 0 : i32
        %dma_start3A_312 = arith.constant 0 : i32
        %dma_start3A_313 = tpu.memref_slice %arg2[%dma_start3A_311, %dma_start3A_312] : memref<10000x64xf32, #tpu.memory_space<hbm>> -> memref<10000x64xf32, #tpu.memory_space<hbm>>
        tpu.enqueue_indirect_dma source(%dma_start3A_313 : memref<10000x64xf32, #tpu.memory_space<hbm>>) target(%arg10 : memref<125x64xf32, #tpu.memory_space<vmem>>) offsets(%dma_start3A_310 : memref<125xi32, #tpu.memory_space<vmem>>) semaphore(%arg18 : memref<!tpu.dma_semaphore, #tpu.memory_space<semaphore_mem>>)
        %add3A_314 = arith.constant 3 : i32
        %add3A_315 = arith.addi %add3A_127, %add3A_314 : i32
        %dma_wait3A_316 = arith.constant 0 : i32
        %dma_wait3A_317 = tpu.memref_slice %arg7[%add3A_315, %dma_wait3A_316] : memref<80x125xi32, #tpu.memory_space<vmem>> -> memref<1x125xi32, #tpu.memory_space<vmem>>
        %dma_wait3A_318 = tpu.memref_squeeze %dma_wait3A_317 : memref<1x125xi32, #tpu.memory_space<vmem>> -> memref<125xi32, #tpu.memory_space<vmem>>
        %dma_wait3A_319 = arith.constant 0 : i32
        %dma_wait3A_320 = arith.constant 0 : i32
        %dma_wait3A_321 = tpu.memref_slice %arg32[%dma_wait3A_319, %dma_wait3A_320] : memref<10240x64xf32, #tpu.memory_space<vmem_shared>> -> memref<10240x64xf32, #tpu.memory_space<vmem_shared>>
        tpu.wait_indirect_dma semaphore(%arg27 : memref<!tpu.dma_semaphore, #tpu.memory_space<semaphore_mem>>) src(%arg11 : memref<125x64xf32, #tpu.memory_space<vmem>>) dst(%dma_wait3A_321 : memref<10240x64xf32, #tpu.memory_space<vmem_shared>>)
        %add3A_322 = arith.constant 8 : i32
        %add3A_323 = arith.addi %add3A_127, %add3A_322 : i32
        %add3A_324 = arith.constant 3 : i32
        %add3A_325 = arith.addi %add3A_323, %add3A_324 : i32
        %dma_start3A_326 = arith.constant 0 : i32
        %dma_start3A_327 = tpu.memref_slice %arg6[%add3A_325, %dma_start3A_326] : memref<80x125xi32, #tpu.memory_space<vmem>> -> memref<1x125xi32, #tpu.memory_space<vmem>>
        %dma_start3A_328 = tpu.memref_squeeze %dma_start3A_327 : memref<1x125xi32, #tpu.memory_space<vmem>> -> memref<125xi32, #tpu.memory_space<vmem>>
        %dma_start3A_329 = arith.constant 0 : i32
        %dma_start3A_330 = arith.constant 0 : i32
        %dma_start3A_331 = tpu.memref_slice %arg2[%dma_start3A_329, %dma_start3A_330] : memref<10000x64xf32, #tpu.memory_space<hbm>> -> memref<10000x64xf32, #tpu.memory_space<hbm>>
        tpu.enqueue_indirect_dma source(%dma_start3A_331 : memref<10000x64xf32, #tpu.memory_space<hbm>>) target(%arg11 : memref<125x64xf32, #tpu.memory_space<vmem>>) offsets(%dma_start3A_328 : memref<125xi32, #tpu.memory_space<vmem>>) semaphore(%arg19 : memref<!tpu.dma_semaphore, #tpu.memory_space<semaphore_mem>>)
        %add3A_332 = arith.constant 4 : i32
        %add3A_333 = arith.addi %add3A_127, %add3A_332 : i32
        %dma_wait3A_334 = arith.constant 0 : i32
        %dma_wait3A_335 = tpu.memref_slice %arg7[%add3A_333, %dma_wait3A_334] : memref<80x125xi32, #tpu.memory_space<vmem>> -> memref<1x125xi32, #tpu.memory_space<vmem>>
        %dma_wait3A_336 = tpu.memref_squeeze %dma_wait3A_335 : memref<1x125xi32, #tpu.memory_space<vmem>> -> memref<125xi32, #tpu.memory_space<vmem>>
        %dma_wait3A_337 = arith.constant 0 : i32
        %dma_wait3A_338 = arith.constant 0 : i32
        %dma_wait3A_339 = tpu.memref_slice %arg32[%dma_wait3A_337, %dma_wait3A_338] : memref<10240x64xf32, #tpu.memory_space<vmem_shared>> -> memref<10240x64xf32, #tpu.memory_space<vmem_shared>>
        tpu.wait_indirect_dma semaphore(%arg28 : memref<!tpu.dma_semaphore, #tpu.memory_space<semaphore_mem>>) src(%arg12 : memref<125x64xf32, #tpu.memory_space<vmem>>) dst(%dma_wait3A_339 : memref<10240x64xf32, #tpu.memory_space<vmem_shared>>)
        %add3A_340 = arith.constant 8 : i32
        %add3A_341 = arith.addi %add3A_127, %add3A_340 : i32
        %add3A_342 = arith.constant 4 : i32
        %add3A_343 = arith.addi %add3A_341, %add3A_342 : i32
        %dma_start3A_344 = arith.constant 0 : i32
        %dma_start3A_345 = tpu.memref_slice %arg6[%add3A_343, %dma_start3A_344] : memref<80x125xi32, #tpu.memory_space<vmem>> -> memref<1x125xi32, #tpu.memory_space<vmem>>
        %dma_start3A_346 = tpu.memref_squeeze %dma_start3A_345 : memref<1x125xi32, #tpu.memory_space<vmem>> -> memref<125xi32, #tpu.memory_space<vmem>>
        %dma_start3A_347 = arith.constant 0 : i32
        %dma_start3A_348 = arith.constant 0 : i32
        %dma_start3A_349 = tpu.memref_slice %arg2[%dma_start3A_347, %dma_start3A_348] : memref<10000x64xf32, #tpu.memory_space<hbm>> -> memref<10000x64xf32, #tpu.memory_space<hbm>>
        tpu.enqueue_indirect_dma source(%dma_start3A_349 : memref<10000x64xf32, #tpu.memory_space<hbm>>) target(%arg12 : memref<125x64xf32, #tpu.memory_space<vmem>>) offsets(%dma_start3A_346 : memref<125xi32, #tpu.memory_space<vmem>>) semaphore(%arg20 : memref<!tpu.dma_semaphore, #tpu.memory_space<semaphore_mem>>)
        %add3A_350 = arith.constant 5 : i32
        %add3A_351 = arith.addi %add3A_127, %add3A_350 : i32
        %dma_wait3A_352 = arith.constant 0 : i32
        %dma_wait3A_353 = tpu.memref_slice %arg7[%add3A_351, %dma_wait3A_352] : memref<80x125xi32, #tpu.memory_space<vmem>> -> memref<1x125xi32, #tpu.memory_space<vmem>>
        %dma_wait3A_354 = tpu.memref_squeeze %dma_wait3A_353 : memref<1x125xi32, #tpu.memory_space<vmem>> -> memref<125xi32, #tpu.memory_space<vmem>>
        %dma_wait3A_355 = arith.constant 0 : i32
        %dma_wait3A_356 = arith.constant 0 : i32
        %dma_wait3A_357 = tpu.memref_slice %arg32[%dma_wait3A_355, %dma_wait3A_356] : memref<10240x64xf32, #tpu.memory_space<vmem_shared>> -> memref<10240x64xf32, #tpu.memory_space<vmem_shared>>
        tpu.wait_indirect_dma semaphore(%arg29 : memref<!tpu.dma_semaphore, #tpu.memory_space<semaphore_mem>>) src(%arg13 : memref<125x64xf32, #tpu.memory_space<vmem>>) dst(%dma_wait3A_357 : memref<10240x64xf32, #tpu.memory_space<vmem_shared>>)
        %add3A_358 = arith.constant 8 : i32
        %add3A_359 = arith.addi %add3A_127, %add3A_358 : i32
        %add3A_360 = arith.constant 5 : i32
        %add3A_361 = arith.addi %add3A_359, %add3A_360 : i32
        %dma_start3A_362 = arith.constant 0 : i32
        %dma_start3A_363 = tpu.memref_slice %arg6[%add3A_361, %dma_start3A_362] : memref<80x125xi32, #tpu.memory_space<vmem>> -> memref<1x125xi32, #tpu.memory_space<vmem>>
        %dma_start3A_364 = tpu.memref_squeeze %dma_start3A_363 : memref<1x125xi32, #tpu.memory_space<vmem>> -> memref<125xi32, #tpu.memory_space<vmem>>
        %dma_start3A_365 = arith.constant 0 : i32
        %dma_start3A_366 = arith.constant 0 : i32
        %dma_start3A_367 = tpu.memref_slice %arg2[%dma_start3A_365, %dma_start3A_366] : memref<10000x64xf32, #tpu.memory_space<hbm>> -> memref<10000x64xf32, #tpu.memory_space<hbm>>
        tpu.enqueue_indirect_dma source(%dma_start3A_367 : memref<10000x64xf32, #tpu.memory_space<hbm>>) target(%arg13 : memref<125x64xf32, #tpu.memory_space<vmem>>) offsets(%dma_start3A_364 : memref<125xi32, #tpu.memory_space<vmem>>) semaphore(%arg21 : memref<!tpu.dma_semaphore, #tpu.memory_space<semaphore_mem>>)
        %add3A_368 = arith.constant 6 : i32
        %add3A_369 = arith.addi %add3A_127, %add3A_368 : i32
        %dma_wait3A_370 = arith.constant 0 : i32
        %dma_wait3A_371 = tpu.memref_slice %arg7[%add3A_369, %dma_wait3A_370] : memref<80x125xi32, #tpu.memory_space<vmem>> -> memref<1x125xi32, #tpu.memory_space<vmem>>
        %dma_wait3A_372 = tpu.memref_squeeze %dma_wait3A_371 : memref<1x125xi32, #tpu.memory_space<vmem>> -> memref<125xi32, #tpu.memory_space<vmem>>
        %dma_wait3A_373 = arith.constant 0 : i32
        %dma_wait3A_374 = arith.constant 0 : i32
        %dma_wait3A_375 = tpu.memref_slice %arg32[%dma_wait3A_373, %dma_wait3A_374] : memref<10240x64xf32, #tpu.memory_space<vmem_shared>> -> memref<10240x64xf32, #tpu.memory_space<vmem_shared>>
        tpu.wait_indirect_dma semaphore(%arg30 : memref<!tpu.dma_semaphore, #tpu.memory_space<semaphore_mem>>) src(%arg14 : memref<125x64xf32, #tpu.memory_space<vmem>>) dst(%dma_wait3A_375 : memref<10240x64xf32, #tpu.memory_space<vmem_shared>>)
        %add3A_376 = arith.constant 8 : i32
        %add3A_377 = arith.addi %add3A_127, %add3A_376 : i32
        %add3A_378 = arith.constant 6 : i32
        %add3A_379 = arith.addi %add3A_377, %add3A_378 : i32
        %dma_start3A_380 = arith.constant 0 : i32
        %dma_start3A_381 = tpu.memref_slice %arg6[%add3A_379, %dma_start3A_380] : memref<80x125xi32, #tpu.memory_space<vmem>> -> memref<1x125xi32, #tpu.memory_space<vmem>>
        %dma_start3A_382 = tpu.memref_squeeze %dma_start3A_381 : memref<1x125xi32, #tpu.memory_space<vmem>> -> memref<125xi32, #tpu.memory_space<vmem>>
        %dma_start3A_383 = arith.constant 0 : i32
        %dma_start3A_384 = arith.constant 0 : i32
        %dma_start3A_385 = tpu.memref_slice %arg2[%dma_start3A_383, %dma_start3A_384] : memref<10000x64xf32, #tpu.memory_space<hbm>> -> memref<10000x64xf32, #tpu.memory_space<hbm>>
        tpu.enqueue_indirect_dma source(%dma_start3A_385 : memref<10000x64xf32, #tpu.memory_space<hbm>>) target(%arg14 : memref<125x64xf32, #tpu.memory_space<vmem>>) offsets(%dma_start3A_382 : memref<125xi32, #tpu.memory_space<vmem>>) semaphore(%arg22 : memref<!tpu.dma_semaphore, #tpu.memory_space<semaphore_mem>>)
        %add3A_386 = arith.constant 7 : i32
        %add3A_387 = arith.addi %add3A_127, %add3A_386 : i32
        %dma_wait3A_388 = arith.constant 0 : i32
        %dma_wait3A_389 = tpu.memref_slice %arg7[%add3A_387, %dma_wait3A_388] : memref<80x125xi32, #tpu.memory_space<vmem>> -> memref<1x125xi32, #tpu.memory_space<vmem>>
        %dma_wait3A_390 = tpu.memref_squeeze %dma_wait3A_389 : memref<1x125xi32, #tpu.memory_space<vmem>> -> memref<125xi32, #tpu.memory_space<vmem>>
        %dma_wait3A_391 = arith.constant 0 : i32
        %dma_wait3A_392 = arith.constant 0 : i32
        %dma_wait3A_393 = tpu.memref_slice %arg32[%dma_wait3A_391, %dma_wait3A_392] : memref<10240x64xf32, #tpu.memory_space<vmem_shared>> -> memref<10240x64xf32, #tpu.memory_space<vmem_shared>>
        tpu.wait_indirect_dma semaphore(%arg31 : memref<!tpu.dma_semaphore, #tpu.memory_space<semaphore_mem>>) src(%arg15 : memref<125x64xf32, #tpu.memory_space<vmem>>) dst(%dma_wait3A_393 : memref<10240x64xf32, #tpu.memory_space<vmem_shared>>)
        %add3A_394 = arith.constant 8 : i32
        %add3A_395 = arith.addi %add3A_127, %add3A_394 : i32
        %add3A_396 = arith.constant 7 : i32
        %add3A_397 = arith.addi %add3A_395, %add3A_396 : i32
        %dma_start3A_398 = arith.constant 0 : i32
        %dma_start3A_399 = tpu.memref_slice %arg6[%add3A_397, %dma_start3A_398] : memref<80x125xi32, #tpu.memory_space<vmem>> -> memref<1x125xi32, #tpu.memory_space<vmem>>
        %dma_start3A_400 = tpu.memref_squeeze %dma_start3A_399 : memref<1x125xi32, #tpu.memory_space<vmem>> -> memref<125xi32, #tpu.memory_space<vmem>>
        %dma_start3A_401 = arith.constant 0 : i32
        %dma_start3A_402 = arith.constant 0 : i32
        %dma_start3A_403 = tpu.memref_slice %arg2[%dma_start3A_401, %dma_start3A_402] : memref<10000x64xf32, #tpu.memory_space<hbm>> -> memref<10000x64xf32, #tpu.memory_space<hbm>>
        tpu.enqueue_indirect_dma source(%dma_start3A_403 : memref<10000x64xf32, #tpu.memory_space<hbm>>) target(%arg15 : memref<125x64xf32, #tpu.memory_space<vmem>>) offsets(%dma_start3A_400 : memref<125xi32, #tpu.memory_space<vmem>>) semaphore(%arg23 : memref<!tpu.dma_semaphore, #tpu.memory_space<semaphore_mem>>)
      } else {
      }
    }
    %scan3A_62 = arith.constant 10 : i32
    %dma_wait3A = arith.constant 72 : i32
    %dma_wait3A_63 = arith.constant 0 : i32
    %dma_wait3A_64 = tpu.memref_slice %arg7[%dma_wait3A, %dma_wait3A_63] : memref<80x125xi32, #tpu.memory_space<vmem>> -> memref<1x125xi32, #tpu.memory_space<vmem>>
    %dma_wait3A_65 = tpu.memref_squeeze %dma_wait3A_64 : memref<1x125xi32, #tpu.memory_space<vmem>> -> memref<125xi32, #tpu.memory_space<vmem>>
    %dma_wait3A_66 = arith.constant 0 : i32
    %dma_wait3A_67 = arith.constant 0 : i32
    %dma_wait3A_68 = tpu.memref_slice %arg32[%dma_wait3A_66, %dma_wait3A_67] : memref<10240x64xf32, #tpu.memory_space<vmem_shared>> -> memref<10240x64xf32, #tpu.memory_space<vmem_shared>>
    tpu.wait_indirect_dma semaphore(%arg24 : memref<!tpu.dma_semaphore, #tpu.memory_space<semaphore_mem>>) src(%arg8 : memref<125x64xf32, #tpu.memory_space<vmem>>) dst(%dma_wait3A_68 : memref<10240x64xf32, #tpu.memory_space<vmem_shared>>)
    %dma_wait3A_69 = arith.constant 73 : i32
    %dma_wait3A_70 = arith.constant 0 : i32
    %dma_wait3A_71 = tpu.memref_slice %arg7[%dma_wait3A_69, %dma_wait3A_70] : memref<80x125xi32, #tpu.memory_space<vmem>> -> memref<1x125xi32, #tpu.memory_space<vmem>>
    %dma_wait3A_72 = tpu.memref_squeeze %dma_wait3A_71 : memref<1x125xi32, #tpu.memory_space<vmem>> -> memref<125xi32, #tpu.memory_space<vmem>>
    %dma_wait3A_73 = arith.constant 0 : i32
    %dma_wait3A_74 = arith.constant 0 : i32
    %dma_wait3A_75 = tpu.memref_slice %arg32[%dma_wait3A_73, %dma_wait3A_74] : memref<10240x64xf32, #tpu.memory_space<vmem_shared>> -> memref<10240x64xf32, #tpu.memory_space<vmem_shared>>
    tpu.wait_indirect_dma semaphore(%arg25 : memref<!tpu.dma_semaphore, #tpu.memory_space<semaphore_mem>>) src(%arg9 : memref<125x64xf32, #tpu.memory_space<vmem>>) dst(%dma_wait3A_75 : memref<10240x64xf32, #tpu.memory_space<vmem_shared>>)
    %dma_wait3A_76 = arith.constant 74 : i32
    %dma_wait3A_77 = arith.constant 0 : i32
    %dma_wait3A_78 = tpu.memref_slice %arg7[%dma_wait3A_76, %dma_wait3A_77] : memref<80x125xi32, #tpu.memory_space<vmem>> -> memref<1x125xi32, #tpu.memory_space<vmem>>
    %dma_wait3A_79 = tpu.memref_squeeze %dma_wait3A_78 : memref<1x125xi32, #tpu.memory_space<vmem>> -> memref<125xi32, #tpu.memory_space<vmem>>
    %dma_wait3A_80 = arith.constant 0 : i32
    %dma_wait3A_81 = arith.constant 0 : i32
    %dma_wait3A_82 = tpu.memref_slice %arg32[%dma_wait3A_80, %dma_wait3A_81] : memref<10240x64xf32, #tpu.memory_space<vmem_shared>> -> memref<10240x64xf32, #tpu.memory_space<vmem_shared>>
    tpu.wait_indirect_dma semaphore(%arg26 : memref<!tpu.dma_semaphore, #tpu.memory_space<semaphore_mem>>) src(%arg10 : memref<125x64xf32, #tpu.memory_space<vmem>>) dst(%dma_wait3A_82 : memref<10240x64xf32, #tpu.memory_space<vmem_shared>>)
    %dma_wait3A_83 = arith.constant 75 : i32
    %dma_wait3A_84 = arith.constant 0 : i32
    %dma_wait3A_85 = tpu.memref_slice %arg7[%dma_wait3A_83, %dma_wait3A_84] : memref<80x125xi32, #tpu.memory_space<vmem>> -> memref<1x125xi32, #tpu.memory_space<vmem>>
    %dma_wait3A_86 = tpu.memref_squeeze %dma_wait3A_85 : memref<1x125xi32, #tpu.memory_space<vmem>> -> memref<125xi32, #tpu.memory_space<vmem>>
    %dma_wait3A_87 = arith.constant 0 : i32
    %dma_wait3A_88 = arith.constant 0 : i32
    %dma_wait3A_89 = tpu.memref_slice %arg32[%dma_wait3A_87, %dma_wait3A_88] : memref<10240x64xf32, #tpu.memory_space<vmem_shared>> -> memref<10240x64xf32, #tpu.memory_space<vmem_shared>>
    tpu.wait_indirect_dma semaphore(%arg27 : memref<!tpu.dma_semaphore, #tpu.memory_space<semaphore_mem>>) src(%arg11 : memref<125x64xf32, #tpu.memory_space<vmem>>) dst(%dma_wait3A_89 : memref<10240x64xf32, #tpu.memory_space<vmem_shared>>)
    %dma_wait3A_90 = arith.constant 76 : i32
    %dma_wait3A_91 = arith.constant 0 : i32
    %dma_wait3A_92 = tpu.memref_slice %arg7[%dma_wait3A_90, %dma_wait3A_91] : memref<80x125xi32, #tpu.memory_space<vmem>> -> memref<1x125xi32, #tpu.memory_space<vmem>>
    %dma_wait3A_93 = tpu.memref_squeeze %dma_wait3A_92 : memref<1x125xi32, #tpu.memory_space<vmem>> -> memref<125xi32, #tpu.memory_space<vmem>>
    %dma_wait3A_94 = arith.constant 0 : i32
    %dma_wait3A_95 = arith.constant 0 : i32
    %dma_wait3A_96 = tpu.memref_slice %arg32[%dma_wait3A_94, %dma_wait3A_95] : memref<10240x64xf32, #tpu.memory_space<vmem_shared>> -> memref<10240x64xf32, #tpu.memory_space<vmem_shared>>
    tpu.wait_indirect_dma semaphore(%arg28 : memref<!tpu.dma_semaphore, #tpu.memory_space<semaphore_mem>>) src(%arg12 : memref<125x64xf32, #tpu.memory_space<vmem>>) dst(%dma_wait3A_96 : memref<10240x64xf32, #tpu.memory_space<vmem_shared>>)
    %dma_wait3A_97 = arith.constant 77 : i32
    %dma_wait3A_98 = arith.constant 0 : i32
    %dma_wait3A_99 = tpu.memref_slice %arg7[%dma_wait3A_97, %dma_wait3A_98] : memref<80x125xi32, #tpu.memory_space<vmem>> -> memref<1x125xi32, #tpu.memory_space<vmem>>
    %dma_wait3A_100 = tpu.memref_squeeze %dma_wait3A_99 : memref<1x125xi32, #tpu.memory_space<vmem>> -> memref<125xi32, #tpu.memory_space<vmem>>
    %dma_wait3A_101 = arith.constant 0 : i32
    %dma_wait3A_102 = arith.constant 0 : i32
    %dma_wait3A_103 = tpu.memref_slice %arg32[%dma_wait3A_101, %dma_wait3A_102] : memref<10240x64xf32, #tpu.memory_space<vmem_shared>> -> memref<10240x64xf32, #tpu.memory_space<vmem_shared>>
    tpu.wait_indirect_dma semaphore(%arg29 : memref<!tpu.dma_semaphore, #tpu.memory_space<semaphore_mem>>) src(%arg13 : memref<125x64xf32, #tpu.memory_space<vmem>>) dst(%dma_wait3A_103 : memref<10240x64xf32, #tpu.memory_space<vmem_shared>>)
    %dma_wait3A_104 = arith.constant 78 : i32
    %dma_wait3A_105 = arith.constant 0 : i32
    %dma_wait3A_106 = tpu.memref_slice %arg7[%dma_wait3A_104, %dma_wait3A_105] : memref<80x125xi32, #tpu.memory_space<vmem>> -> memref<1x125xi32, #tpu.memory_space<vmem>>
    %dma_wait3A_107 = tpu.memref_squeeze %dma_wait3A_106 : memref<1x125xi32, #tpu.memory_space<vmem>> -> memref<125xi32, #tpu.memory_space<vmem>>
    %dma_wait3A_108 = arith.constant 0 : i32
    %dma_wait3A_109 = arith.constant 0 : i32
    %dma_wait3A_110 = tpu.memref_slice %arg32[%dma_wait3A_108, %dma_wait3A_109] : memref<10240x64xf32, #tpu.memory_space<vmem_shared>> -> memref<10240x64xf32, #tpu.memory_space<vmem_shared>>
    tpu.wait_indirect_dma semaphore(%arg30 : memref<!tpu.dma_semaphore, #tpu.memory_space<semaphore_mem>>) src(%arg14 : memref<125x64xf32, #tpu.memory_space<vmem>>) dst(%dma_wait3A_110 : memref<10240x64xf32, #tpu.memory_space<vmem_shared>>)
    %dma_wait3A_111 = arith.constant 79 : i32
    %dma_wait3A_112 = arith.constant 0 : i32
    %dma_wait3A_113 = tpu.memref_slice %arg7[%dma_wait3A_111, %dma_wait3A_112] : memref<80x125xi32, #tpu.memory_space<vmem>> -> memref<1x125xi32, #tpu.memory_space<vmem>>
    %dma_wait3A_114 = tpu.memref_squeeze %dma_wait3A_113 : memref<1x125xi32, #tpu.memory_space<vmem>> -> memref<125xi32, #tpu.memory_space<vmem>>
    %dma_wait3A_115 = arith.constant 0 : i32
    %dma_wait3A_116 = arith.constant 0 : i32
    %dma_wait3A_117 = tpu.memref_slice %arg32[%dma_wait3A_115, %dma_wait3A_116] : memref<10240x64xf32, #tpu.memory_space<vmem_shared>> -> memref<10240x64xf32, #tpu.memory_space<vmem_shared>>
    tpu.wait_indirect_dma semaphore(%arg31 : memref<!tpu.dma_semaphore, #tpu.memory_space<semaphore_mem>>) src(%arg15 : memref<125x64xf32, #tpu.memory_space<vmem>>) dst(%dma_wait3A_117 : memref<10240x64xf32, #tpu.memory_space<vmem_shared>>)
    %barrier3A_118 = arith.constant 0 : index
    tpu.barrier barrier_id(%barrier3A_118)
    %mul3A_119 = arith.constant 640 : i32
    %mul3A_120 = arith.muli %arg1, %mul3A_119 : i32
    %mul3A_121 = arith.constant 640 : i32
    %mul3A_122 = arith.muli %arg1, %mul3A_121 : i32
    "tpu.region"() ({
      %run_scoped3A_123 = tpu.sem_alloc : memref<!tpu.dma_semaphore, #tpu.memory_space<semaphore_mem>>
      %dma_start3A_124 = arith.constant 0 : i32
      %dma_start3A_125 = tpu.memref_slice %arg5[%arg0, %mul3A_122, %dma_start3A_124] : memref<2x10240x64xf32, #tpu.memory_space<hbm>> -> memref<1x640x64xf32, #tpu.memory_space<hbm>>
      %dma_start3A_126 = tpu.memref_squeeze %dma_start3A_125 : memref<1x640x64xf32, #tpu.memory_space<hbm>> -> memref<640x64xf32, #tpu.memory_space<hbm>>
      %dma_start3A_127 = arith.constant 0 : i32
      %dma_start3A_128 = tpu.memref_slice %arg32[%mul3A_120, %dma_start3A_127] : memref<10240x64xf32, #tpu.memory_space<vmem_shared>> -> memref<640x64xf32, #tpu.memory_space<vmem_shared>>
      tpu.enqueue_dma source(%dma_start3A_128 : memref<640x64xf32, #tpu.memory_space<vmem_shared>>) target(%dma_start3A_126 : memref<640x64xf32, #tpu.memory_space<hbm>>) target_semaphore(%run_scoped3A_123 : memref<!tpu.dma_semaphore, #tpu.memory_space<semaphore_mem>>)
      %dma_wait3A_129 = arith.constant 0 : i32
      %dma_wait3A_130 = tpu.memref_slice %arg5[%arg0, %mul3A_122, %dma_wait3A_129] : memref<2x10240x64xf32, #tpu.memory_space<hbm>> -> memref<1x640x64xf32, #tpu.memory_space<hbm>>
      %dma_wait3A_131 = tpu.memref_squeeze %dma_wait3A_130 : memref<1x640x64xf32, #tpu.memory_space<hbm>> -> memref<640x64xf32, #tpu.memory_space<hbm>>
      %dma_wait3A_132 = arith.constant 0 : i32
      %dma_wait3A_133 = tpu.memref_slice %arg32[%mul3A_120, %dma_wait3A_132] : memref<10240x64xf32, #tpu.memory_space<vmem_shared>> -> memref<640x64xf32, #tpu.memory_space<vmem_shared>>
      tpu.wait_dma2 semaphore(%run_scoped3A_123 : memref<!tpu.dma_semaphore, #tpu.memory_space<semaphore_mem>>) src(%dma_wait3A_133 : memref<640x64xf32, #tpu.memory_space<vmem_shared>>) dst(%dma_wait3A_131 : memref<640x64xf32, #tpu.memory_space<hbm>>)
      tpu.yield
    }) : () -> ()
    return
  }
}

#map = affine_map<(d0, d1) -> (0, 0)>
#map1 = affine_map<(d0, d1) -> (0, 0, 0, 0)>
#map2 = affine_map<(d0, d1) -> (0, 0, 0)>
module attributes {stable_mosaic.version = 14 : i64} {
  func.func @k(%arg0: i32, %arg1: i32, %arg2: memref<10000x64xf32, #tpu.memory_space<hbm>>, %arg3: memref<2x32x80x125xi32, #tpu.memory_space<hbm>>, %arg4: memref<640x64xf32, #tpu.memory_space<hbm>>, %arg5: memref<2x10240x64xf32, #tpu.memory_space<hbm>>, %arg6: memref<80x125xi32, #tpu.memory_space<vmem>>, %arg7: memref<80x125xi32, #tpu.memory_space<vmem>>, %arg8: memref<125x64xf32, #tpu.memory_space<vmem>>, %arg9: memref<125x64xf32, #tpu.memory_space<vmem>>, %arg10: memref<125x64xf32, #tpu.memory_space<vmem>>, %arg11: memref<125x64xf32, #tpu.memory_space<vmem>>, %arg12: memref<125x64xf32, #tpu.memory_space<vmem>>, %arg13: memref<125x64xf32, #tpu.memory_space<vmem>>, %arg14: memref<125x64xf32, #tpu.memory_space<vmem>>, %arg15: memref<125x64xf32, #tpu.memory_space<vmem>>, %arg16: memref<!tpu.dma_semaphore, #tpu.memory_space<semaphore_mem>>, %arg17: memref<!tpu.dma_semaphore, #tpu.memory_space<semaphore_mem>>, %arg18: memref<!tpu.dma_semaphore, #tpu.memory_space<semaphore_mem>>, %arg19: memref<!tpu.dma_semaphore, #tpu.memory_space<semaphore_mem>>, %arg20: memref<!tpu.dma_semaphore, #tpu.memory_space<semaphore_mem>>, %arg21: memref<!tpu.dma_semaphore, #tpu.memory_space<semaphore_mem>>, %arg22: memref<!tpu.dma_semaphore, #tpu.memory_space<semaphore_mem>>, %arg23: memref<!tpu.dma_semaphore, #tpu.memory_space<semaphore_mem>>, %arg24: memref<!tpu.dma_semaphore, #tpu.memory_space<semaphore_mem>>, %arg25: memref<!tpu.dma_semaphore, #tpu.memory_space<semaphore_mem>>, %arg26: memref<!tpu.dma_semaphore, #tpu.memory_space<semaphore_mem>>, %arg27: memref<!tpu.dma_semaphore, #tpu.memory_space<semaphore_mem>>, %arg28: memref<!tpu.dma_semaphore, #tpu.memory_space<semaphore_mem>>, %arg29: memref<!tpu.dma_semaphore, #tpu.memory_space<semaphore_mem>>, %arg30: memref<!tpu.dma_semaphore, #tpu.memory_space<semaphore_mem>>, %arg31: memref<!tpu.dma_semaphore, #tpu.memory_space<semaphore_mem>>, %arg32: memref<10240x64xf32, #tpu.memory_space<vmem_shared>>) attributes {dimension_semantics = [#tpu.dimension_semantics<core_parallel>, #tpu.dimension_semantics<subcore_parallel>], iteration_bounds = array<i64: 2, 16>, scalar_prefetch = 0 : i64, scratch_operands = 27 : i64, tpu.core_type = #tpu.core_type<sc_vector_subcore>, window_params = [{transform_indices = #map}, {transform_indices = #map1}, {transform_indices = #map}, {transform_indices = #map2}]} {
    %mul3A = arith.constant 16 : i32
    %mul3A_0 = arith.muli %arg0, %mul3A : i32
    %add3A = arith.addi %mul3A_0, %arg1 : i32
    %mul3A_1 = arith.constant 640 : i32
    %mul3A_2 = arith.muli %arg1, %mul3A_1 : i32
    "tpu.region"() ({
      %run_scoped3A_123 = tpu.sem_alloc : memref<!tpu.dma_semaphore, #tpu.memory_space<semaphore_mem>>
      %dma_start3A_124 = arith.constant 0 : i32
      %dma_start3A_125 = tpu.memref_slice %arg32[%mul3A_2, %dma_start3A_124] : memref<10240x64xf32, #tpu.memory_space<vmem_shared>> -> memref<640x64xf32, #tpu.memory_space<vmem_shared>>
      tpu.enqueue_dma source(%arg4 : memref<640x64xf32, #tpu.memory_space<hbm>>) target(%dma_start3A_125 : memref<640x64xf32, #tpu.memory_space<vmem_shared>>) target_semaphore(%run_scoped3A_123 : memref<!tpu.dma_semaphore, #tpu.memory_space<semaphore_mem>>)
      %dma_wait3A_126 = arith.constant 0 : i32
      %dma_wait3A_127 = tpu.memref_slice %arg32[%mul3A_2, %dma_wait3A_126] : memref<10240x64xf32, #tpu.memory_space<vmem_shared>> -> memref<640x64xf32, #tpu.memory_space<vmem_shared>>
      tpu.wait_dma2 semaphore(%run_scoped3A_123 : memref<!tpu.dma_semaphore, #tpu.memory_space<semaphore_mem>>) src(%arg4 : memref<640x64xf32, #tpu.memory_space<hbm>>) dst(%dma_wait3A_127 : memref<640x64xf32, #tpu.memory_space<vmem_shared>>)
      tpu.yield
    }) : () -> ()
    %run_scoped3A = arith.constant 0 : i32
    "tpu.region"() ({
      %run_scoped3A_123 = tpu.sem_alloc : memref<!tpu.dma_semaphore, #tpu.memory_space<semaphore_mem>>
      %dma_start3A_124 = arith.constant 0 : i32
      %dma_start3A_125 = arith.constant 0 : i32
      %dma_start3A_126 = tpu.memref_slice %arg3[%run_scoped3A, %add3A, %dma_start3A_124, %dma_start3A_125] : memref<2x32x80x125xi32, #tpu.memory_space<hbm>> -> memref<1x1x80x125xi32, #tpu.memory_space<hbm>>
      %dma_start3A_127 = tpu.memref_squeeze %dma_start3A_126 : memref<1x1x80x125xi32, #tpu.memory_space<hbm>> -> memref<80x125xi32, #tpu.memory_space<hbm>>
      %dma_start3A_128 = arith.constant 0 : i32
      %dma_start3A_129 = arith.constant 0 : i32
      %dma_start3A_130 = tpu.memref_slice %arg3[%run_scoped3A, %add3A, %dma_start3A_128, %dma_start3A_129] : memref<2x32x80x125xi32, #tpu.memory_space<hbm>> -> memref<1x1x80x125xi32, #tpu.memory_space<hbm>>
      %dma_start3A_131 = tpu.memref_squeeze %dma_start3A_130 : memref<1x1x80x125xi32, #tpu.memory_space<hbm>> -> memref<80x125xi32, #tpu.memory_space<hbm>>
      tpu.enqueue_dma source(%dma_start3A_131 : memref<80x125xi32, #tpu.memory_space<hbm>>) target(%arg6 : memref<80x125xi32, #tpu.memory_space<vmem>>) target_semaphore(%run_scoped3A_123 : memref<!tpu.dma_semaphore, #tpu.memory_space<semaphore_mem>>)
      %dma_wait3A_132 = arith.constant 0 : i32
      %dma_wait3A_133 = arith.constant 0 : i32
      %dma_wait3A_134 = tpu.memref_slice %arg3[%run_scoped3A, %add3A, %dma_wait3A_132, %dma_wait3A_133] : memref<2x32x80x125xi32, #tpu.memory_space<hbm>> -> memref<1x1x80x125xi32, #tpu.memory_space<hbm>>
      %dma_wait3A_135 = tpu.memref_squeeze %dma_wait3A_134 : memref<1x1x80x125xi32, #tpu.memory_space<hbm>> -> memref<80x125xi32, #tpu.memory_space<hbm>>
      %dma_wait3A_136 = arith.constant 0 : i32
      %dma_wait3A_137 = arith.constant 0 : i32
      %dma_wait3A_138 = tpu.memref_slice %arg3[%run_scoped3A, %add3A, %dma_wait3A_136, %dma_wait3A_137] : memref<2x32x80x125xi32, #tpu.memory_space<hbm>> -> memref<1x1x80x125xi32, #tpu.memory_space<hbm>>
      %dma_wait3A_139 = tpu.memref_squeeze %dma_wait3A_138 : memref<1x1x80x125xi32, #tpu.memory_space<hbm>> -> memref<80x125xi32, #tpu.memory_space<hbm>>
      tpu.wait_dma2 semaphore(%run_scoped3A_123 : memref<!tpu.dma_semaphore, #tpu.memory_space<semaphore_mem>>) src(%dma_wait3A_139 : memref<80x125xi32, #tpu.memory_space<hbm>>) dst(%arg6 : memref<80x125xi32, #tpu.memory_space<vmem>>)
      tpu.yield
    }) : () -> ()
    %run_scoped3A_3 = arith.constant 1 : i32
    "tpu.region"() ({
      %run_scoped3A_123 = tpu.sem_alloc : memref<!tpu.dma_semaphore, #tpu.memory_space<semaphore_mem>>
      %dma_start3A_124 = arith.constant 0 : i32
      %dma_start3A_125 = arith.constant 0 : i32
      %dma_start3A_126 = tpu.memref_slice %arg3[%run_scoped3A_3, %add3A, %dma_start3A_124, %dma_start3A_125] : memref<2x32x80x125xi32, #tpu.memory_space<hbm>> -> memref<1x1x80x125xi32, #tpu.memory_space<hbm>>
      %dma_start3A_127 = tpu.memref_squeeze %dma_start3A_126 : memref<1x1x80x125xi32, #tpu.memory_space<hbm>> -> memref<80x125xi32, #tpu.memory_space<hbm>>
      %dma_start3A_128 = arith.constant 0 : i32
      %dma_start3A_129 = arith.constant 0 : i32
      %dma_start3A_130 = tpu.memref_slice %arg3[%run_scoped3A_3, %add3A, %dma_start3A_128, %dma_start3A_129] : memref<2x32x80x125xi32, #tpu.memory_space<hbm>> -> memref<1x1x80x125xi32, #tpu.memory_space<hbm>>
      %dma_start3A_131 = tpu.memref_squeeze %dma_start3A_130 : memref<1x1x80x125xi32, #tpu.memory_space<hbm>> -> memref<80x125xi32, #tpu.memory_space<hbm>>
      tpu.enqueue_dma source(%dma_start3A_131 : memref<80x125xi32, #tpu.memory_space<hbm>>) target(%arg7 : memref<80x125xi32, #tpu.memory_space<vmem>>) target_semaphore(%run_scoped3A_123 : memref<!tpu.dma_semaphore, #tpu.memory_space<semaphore_mem>>)
      %dma_wait3A_132 = arith.constant 0 : i32
      %dma_wait3A_133 = arith.constant 0 : i32
      %dma_wait3A_134 = tpu.memref_slice %arg3[%run_scoped3A_3, %add3A, %dma_wait3A_132, %dma_wait3A_133] : memref<2x32x80x125xi32, #tpu.memory_space<hbm>> -> memref<1x1x80x125xi32, #tpu.memory_space<hbm>>
      %dma_wait3A_135 = tpu.memref_squeeze %dma_wait3A_134 : memref<1x1x80x125xi32, #tpu.memory_space<hbm>> -> memref<80x125xi32, #tpu.memory_space<hbm>>
      %dma_wait3A_136 = arith.constant 0 : i32
      %dma_wait3A_137 = arith.constant 0 : i32
      %dma_wait3A_138 = tpu.memref_slice %arg3[%run_scoped3A_3, %add3A, %dma_wait3A_136, %dma_wait3A_137] : memref<2x32x80x125xi32, #tpu.memory_space<hbm>> -> memref<1x1x80x125xi32, #tpu.memory_space<hbm>>
      %dma_wait3A_139 = tpu.memref_squeeze %dma_wait3A_138 : memref<1x1x80x125xi32, #tpu.memory_space<hbm>> -> memref<80x125xi32, #tpu.memory_space<hbm>>
      tpu.wait_dma2 semaphore(%run_scoped3A_123 : memref<!tpu.dma_semaphore, #tpu.memory_space<semaphore_mem>>) src(%dma_wait3A_139 : memref<80x125xi32, #tpu.memory_space<hbm>>) dst(%arg7 : memref<80x125xi32, #tpu.memory_space<vmem>>)
      tpu.yield
    }) : () -> ()
    %barrier3A = arith.constant 0 : index
    tpu.barrier barrier_id(%barrier3A)
    %dma_start3A = arith.constant 0 : i32
    %dma_start3A_4 = arith.constant 0 : i32
    %dma_start3A_5 = tpu.memref_slice %arg6[%dma_start3A, %dma_start3A_4] : memref<80x125xi32, #tpu.memory_space<vmem>> -> memref<1x125xi32, #tpu.memory_space<vmem>>
    %dma_start3A_6 = tpu.memref_squeeze %dma_start3A_5 : memref<1x125xi32, #tpu.memory_space<vmem>> -> memref<125xi32, #tpu.memory_space<vmem>>
    %dma_start3A_7 = arith.constant 0 : i32
    %dma_start3A_8 = arith.constant 0 : i32
    %dma_start3A_9 = tpu.memref_slice %arg2[%dma_start3A_7, %dma_start3A_8] : memref<10000x64xf32, #tpu.memory_space<hbm>> -> memref<10000x64xf32, #tpu.memory_space<hbm>>
    tpu.enqueue_indirect_dma source(%dma_start3A_9 : memref<10000x64xf32, #tpu.memory_space<hbm>>) target(%arg8 : memref<125x64xf32, #tpu.memory_space<vmem>>) offsets(%dma_start3A_6 : memref<125xi32, #tpu.memory_space<vmem>>) semaphore(%arg16 : memref<!tpu.dma_semaphore, #tpu.memory_space<semaphore_mem>>)
    %dma_start3A_10 = arith.constant 1 : i32
    %dma_start3A_11 = arith.constant 0 : i32
    %dma_start3A_12 = tpu.memref_slice %arg6[%dma_start3A_10, %dma_start3A_11] : memref<80x125xi32, #tpu.memory_space<vmem>> -> memref<1x125xi32, #tpu.memory_space<vmem>>
    %dma_start3A_13 = tpu.memref_squeeze %dma_start3A_12 : memref<1x125xi32, #tpu.memory_space<vmem>> -> memref<125xi32, #tpu.memory_space<vmem>>
    %dma_start3A_14 = arith.constant 0 : i32
    %dma_start3A_15 = arith.constant 0 : i32
    %dma_start3A_16 = tpu.memref_slice %arg2[%dma_start3A_14, %dma_start3A_15] : memref<10000x64xf32, #tpu.memory_space<hbm>> -> memref<10000x64xf32, #tpu.memory_space<hbm>>
    tpu.enqueue_indirect_dma source(%dma_start3A_16 : memref<10000x64xf32, #tpu.memory_space<hbm>>) target(%arg9 : memref<125x64xf32, #tpu.memory_space<vmem>>) offsets(%dma_start3A_13 : memref<125xi32, #tpu.memory_space<vmem>>) semaphore(%arg17 : memref<!tpu.dma_semaphore, #tpu.memory_space<semaphore_mem>>)
    %dma_start3A_17 = arith.constant 2 : i32
    %dma_start3A_18 = arith.constant 0 : i32
    %dma_start3A_19 = tpu.memref_slice %arg6[%dma_start3A_17, %dma_start3A_18] : memref<80x125xi32, #tpu.memory_space<vmem>> -> memref<1x125xi32, #tpu.memory_space<vmem>>
    %dma_start3A_20 = tpu.memref_squeeze %dma_start3A_19 : memref<1x125xi32, #tpu.memory_space<vmem>> -> memref<125xi32, #tpu.memory_space<vmem>>
    %dma_start3A_21 = arith.constant 0 : i32
    %dma_start3A_22 = arith.constant 0 : i32
    %dma_start3A_23 = tpu.memref_slice %arg2[%dma_start3A_21, %dma_start3A_22] : memref<10000x64xf32, #tpu.memory_space<hbm>> -> memref<10000x64xf32, #tpu.memory_space<hbm>>
    tpu.enqueue_indirect_dma source(%dma_start3A_23 : memref<10000x64xf32, #tpu.memory_space<hbm>>) target(%arg10 : memref<125x64xf32, #tpu.memory_space<vmem>>) offsets(%dma_start3A_20 : memref<125xi32, #tpu.memory_space<vmem>>) semaphore(%arg18 : memref<!tpu.dma_semaphore, #tpu.memory_space<semaphore_mem>>)
    %dma_start3A_24 = arith.constant 3 : i32
    %dma_start3A_25 = arith.constant 0 : i32
    %dma_start3A_26 = tpu.memref_slice %arg6[%dma_start3A_24, %dma_start3A_25] : memref<80x125xi32, #tpu.memory_space<vmem>> -> memref<1x125xi32, #tpu.memory_space<vmem>>
    %dma_start3A_27 = tpu.memref_squeeze %dma_start3A_26 : memref<1x125xi32, #tpu.memory_space<vmem>> -> memref<125xi32, #tpu.memory_space<vmem>>
    %dma_start3A_28 = arith.constant 0 : i32
    %dma_start3A_29 = arith.constant 0 : i32
    %dma_start3A_30 = tpu.memref_slice %arg2[%dma_start3A_28, %dma_start3A_29] : memref<10000x64xf32, #tpu.memory_space<hbm>> -> memref<10000x64xf32, #tpu.memory_space<hbm>>
    tpu.enqueue_indirect_dma source(%dma_start3A_30 : memref<10000x64xf32, #tpu.memory_space<hbm>>) target(%arg11 : memref<125x64xf32, #tpu.memory_space<vmem>>) offsets(%dma_start3A_27 : memref<125xi32, #tpu.memory_space<vmem>>) semaphore(%arg19 : memref<!tpu.dma_semaphore, #tpu.memory_space<semaphore_mem>>)
    %dma_start3A_31 = arith.constant 4 : i32
    %dma_start3A_32 = arith.constant 0 : i32
    %dma_start3A_33 = tpu.memref_slice %arg6[%dma_start3A_31, %dma_start3A_32] : memref<80x125xi32, #tpu.memory_space<vmem>> -> memref<1x125xi32, #tpu.memory_space<vmem>>
    %dma_start3A_34 = tpu.memref_squeeze %dma_start3A_33 : memref<1x125xi32, #tpu.memory_space<vmem>> -> memref<125xi32, #tpu.memory_space<vmem>>
    %dma_start3A_35 = arith.constant 0 : i32
    %dma_start3A_36 = arith.constant 0 : i32
    %dma_start3A_37 = tpu.memref_slice %arg2[%dma_start3A_35, %dma_start3A_36] : memref<10000x64xf32, #tpu.memory_space<hbm>> -> memref<10000x64xf32, #tpu.memory_space<hbm>>
    tpu.enqueue_indirect_dma source(%dma_start3A_37 : memref<10000x64xf32, #tpu.memory_space<hbm>>) target(%arg12 : memref<125x64xf32, #tpu.memory_space<vmem>>) offsets(%dma_start3A_34 : memref<125xi32, #tpu.memory_space<vmem>>) semaphore(%arg20 : memref<!tpu.dma_semaphore, #tpu.memory_space<semaphore_mem>>)
    %dma_start3A_38 = arith.constant 5 : i32
    %dma_start3A_39 = arith.constant 0 : i32
    %dma_start3A_40 = tpu.memref_slice %arg6[%dma_start3A_38, %dma_start3A_39] : memref<80x125xi32, #tpu.memory_space<vmem>> -> memref<1x125xi32, #tpu.memory_space<vmem>>
    %dma_start3A_41 = tpu.memref_squeeze %dma_start3A_40 : memref<1x125xi32, #tpu.memory_space<vmem>> -> memref<125xi32, #tpu.memory_space<vmem>>
    %dma_start3A_42 = arith.constant 0 : i32
    %dma_start3A_43 = arith.constant 0 : i32
    %dma_start3A_44 = tpu.memref_slice %arg2[%dma_start3A_42, %dma_start3A_43] : memref<10000x64xf32, #tpu.memory_space<hbm>> -> memref<10000x64xf32, #tpu.memory_space<hbm>>
    tpu.enqueue_indirect_dma source(%dma_start3A_44 : memref<10000x64xf32, #tpu.memory_space<hbm>>) target(%arg13 : memref<125x64xf32, #tpu.memory_space<vmem>>) offsets(%dma_start3A_41 : memref<125xi32, #tpu.memory_space<vmem>>) semaphore(%arg21 : memref<!tpu.dma_semaphore, #tpu.memory_space<semaphore_mem>>)
    %dma_start3A_45 = arith.constant 6 : i32
    %dma_start3A_46 = arith.constant 0 : i32
    %dma_start3A_47 = tpu.memref_slice %arg6[%dma_start3A_45, %dma_start3A_46] : memref<80x125xi32, #tpu.memory_space<vmem>> -> memref<1x125xi32, #tpu.memory_space<vmem>>
    %dma_start3A_48 = tpu.memref_squeeze %dma_start3A_47 : memref<1x125xi32, #tpu.memory_space<vmem>> -> memref<125xi32, #tpu.memory_space<vmem>>
    %dma_start3A_49 = arith.constant 0 : i32
    %dma_start3A_50 = arith.constant 0 : i32
    %dma_start3A_51 = tpu.memref_slice %arg2[%dma_start3A_49, %dma_start3A_50] : memref<10000x64xf32, #tpu.memory_space<hbm>> -> memref<10000x64xf32, #tpu.memory_space<hbm>>
    tpu.enqueue_indirect_dma source(%dma_start3A_51 : memref<10000x64xf32, #tpu.memory_space<hbm>>) target(%arg14 : memref<125x64xf32, #tpu.memory_space<vmem>>) offsets(%dma_start3A_48 : memref<125xi32, #tpu.memory_space<vmem>>) semaphore(%arg22 : memref<!tpu.dma_semaphore, #tpu.memory_space<semaphore_mem>>)
    %dma_start3A_52 = arith.constant 7 : i32
    %dma_start3A_53 = arith.constant 0 : i32
    %dma_start3A_54 = tpu.memref_slice %arg6[%dma_start3A_52, %dma_start3A_53] : memref<80x125xi32, #tpu.memory_space<vmem>> -> memref<1x125xi32, #tpu.memory_space<vmem>>
    %dma_start3A_55 = tpu.memref_squeeze %dma_start3A_54 : memref<1x125xi32, #tpu.memory_space<vmem>> -> memref<125xi32, #tpu.memory_space<vmem>>
    %dma_start3A_56 = arith.constant 0 : i32
    %dma_start3A_57 = arith.constant 0 : i32
    %dma_start3A_58 = tpu.memref_slice %arg2[%dma_start3A_56, %dma_start3A_57] : memref<10000x64xf32, #tpu.memory_space<hbm>> -> memref<10000x64xf32, #tpu.memory_space<hbm>>
    tpu.enqueue_indirect_dma source(%dma_start3A_58 : memref<10000x64xf32, #tpu.memory_space<hbm>>) target(%arg15 : memref<125x64xf32, #tpu.memory_space<vmem>>) offsets(%dma_start3A_55 : memref<125xi32, #tpu.memory_space<vmem>>) semaphore(%arg23 : memref<!tpu.dma_semaphore, #tpu.memory_space<semaphore_mem>>)
    %scan3A = arith.constant 0 : i32
    %scan3A_59 = arith.constant 10 : i32
    %scan3A_60 = arith.addi %scan3A, %scan3A_59 : i32
    %scan3A_61 = arith.constant 1 : i32
    scf.for %scan3A_123 = %scan3A to %scan3A_60 step %scan3A_61  : i32 {
      %mul3A_124 = arith.constant 8 : i32
      %mul3A_125 = arith.muli %scan3A_123, %mul3A_124 : i32
      %add3A_126 = arith.constant 0 : i32
      %add3A_127 = arith.addi %add3A_126, %mul3A_125 : i32
      %add3A_128 = arith.constant 0 : i32
      %add3A_129 = arith.addi %add3A_127, %add3A_128 : i32
      %dma_wait3A_130 = arith.constant 0 : i32
      %dma_wait3A_131 = tpu.memref_slice %arg6[%add3A_129, %dma_wait3A_130] : memref<80x125xi32, #tpu.memory_space<vmem>> -> memref<1x125xi32, #tpu.memory_space<vmem>>
      %dma_wait3A_132 = tpu.memref_squeeze %dma_wait3A_131 : memref<1x125xi32, #tpu.memory_space<vmem>> -> memref<125xi32, #tpu.memory_space<vmem>>
      %dma_wait3A_133 = arith.constant 0 : i32
      %dma_wait3A_134 = arith.constant 0 : i32
      %dma_wait3A_135 = tpu.memref_slice %arg2[%dma_wait3A_133, %dma_wait3A_134] : memref<10000x64xf32, #tpu.memory_space<hbm>> -> memref<10000x64xf32, #tpu.memory_space<hbm>>
      tpu.wait_indirect_dma semaphore(%arg16 : memref<!tpu.dma_semaphore, #tpu.memory_space<semaphore_mem>>) src(%dma_wait3A_135 : memref<10000x64xf32, #tpu.memory_space<hbm>>) dst(%arg8 : memref<125x64xf32, #tpu.memory_space<vmem>>)
      %add3A_136 = arith.constant 0 : i32
      %add3A_137 = arith.addi %add3A_127, %add3A_136 : i32
      %dma_start3A_138 = arith.constant 0 : i32
      %dma_start3A_139 = tpu.memref_slice %arg7[%add3A_137, %dma_start3A_138] : memref<80x125xi32, #tpu.memory_space<vmem>> -> memref<1x125xi32, #tpu.memory_space<vmem>>
      %dma_start3A_140 = tpu.memref_squeeze %dma_start3A_139 : memref<1x125xi32, #tpu.memory_space<vmem>> -> memref<125xi32, #tpu.memory_space<vmem>>
      %dma_start3A_141 = arith.constant 0 : i32
      %dma_start3A_142 = arith.constant 0 : i32
      %dma_start3A_143 = tpu.memref_slice %arg32[%dma_start3A_141, %dma_start3A_142] : memref<10240x64xf32, #tpu.memory_space<vmem_shared>> -> memref<10240x64xf32, #tpu.memory_space<vmem_shared>>
      tpu.enqueue_indirect_dma source(%arg8 : memref<125x64xf32, #tpu.memory_space<vmem>>) target(%dma_start3A_143 : memref<10240x64xf32, #tpu.memory_space<vmem_shared>>) offsets(%dma_start3A_140 : memref<125xi32, #tpu.memory_space<vmem>>) semaphore(%arg24 : memref<!tpu.dma_semaphore, #tpu.memory_space<semaphore_mem>>) {add = true}
      %add3A_144 = arith.constant 1 : i32
      %add3A_145 = arith.addi %add3A_127, %add3A_144 : i32
      %dma_wait3A_146 = arith.constant 0 : i32
      %dma_wait3A_147 = tpu.memref_slice %arg6[%add3A_145, %dma_wait3A_146] : memref<80x125xi32, #tpu.memory_space<vmem>> -> memref<1x125xi32, #tpu.memory_space<vmem>>
      %dma_wait3A_148 = tpu.memref_squeeze %dma_wait3A_147 : memref<1x125xi32, #tpu.memory_space<vmem>> -> memref<125xi32, #tpu.memory_space<vmem>>
      %dma_wait3A_149 = arith.constant 0 : i32
      %dma_wait3A_150 = arith.constant 0 : i32
      %dma_wait3A_151 = tpu.memref_slice %arg2[%dma_wait3A_149, %dma_wait3A_150] : memref<10000x64xf32, #tpu.memory_space<hbm>> -> memref<10000x64xf32, #tpu.memory_space<hbm>>
      tpu.wait_indirect_dma semaphore(%arg17 : memref<!tpu.dma_semaphore, #tpu.memory_space<semaphore_mem>>) src(%dma_wait3A_151 : memref<10000x64xf32, #tpu.memory_space<hbm>>) dst(%arg9 : memref<125x64xf32, #tpu.memory_space<vmem>>)
      %add3A_152 = arith.constant 1 : i32
      %add3A_153 = arith.addi %add3A_127, %add3A_152 : i32
      %dma_start3A_154 = arith.constant 0 : i32
      %dma_start3A_155 = tpu.memref_slice %arg7[%add3A_153, %dma_start3A_154] : memref<80x125xi32, #tpu.memory_space<vmem>> -> memref<1x125xi32, #tpu.memory_space<vmem>>
      %dma_start3A_156 = tpu.memref_squeeze %dma_start3A_155 : memref<1x125xi32, #tpu.memory_space<vmem>> -> memref<125xi32, #tpu.memory_space<vmem>>
      %dma_start3A_157 = arith.constant 0 : i32
      %dma_start3A_158 = arith.constant 0 : i32
      %dma_start3A_159 = tpu.memref_slice %arg32[%dma_start3A_157, %dma_start3A_158] : memref<10240x64xf32, #tpu.memory_space<vmem_shared>> -> memref<10240x64xf32, #tpu.memory_space<vmem_shared>>
      tpu.enqueue_indirect_dma source(%arg9 : memref<125x64xf32, #tpu.memory_space<vmem>>) target(%dma_start3A_159 : memref<10240x64xf32, #tpu.memory_space<vmem_shared>>) offsets(%dma_start3A_156 : memref<125xi32, #tpu.memory_space<vmem>>) semaphore(%arg25 : memref<!tpu.dma_semaphore, #tpu.memory_space<semaphore_mem>>) {add = true}
      %add3A_160 = arith.constant 2 : i32
      %add3A_161 = arith.addi %add3A_127, %add3A_160 : i32
      %dma_wait3A_162 = arith.constant 0 : i32
      %dma_wait3A_163 = tpu.memref_slice %arg6[%add3A_161, %dma_wait3A_162] : memref<80x125xi32, #tpu.memory_space<vmem>> -> memref<1x125xi32, #tpu.memory_space<vmem>>
      %dma_wait3A_164 = tpu.memref_squeeze %dma_wait3A_163 : memref<1x125xi32, #tpu.memory_space<vmem>> -> memref<125xi32, #tpu.memory_space<vmem>>
      %dma_wait3A_165 = arith.constant 0 : i32
      %dma_wait3A_166 = arith.constant 0 : i32
      %dma_wait3A_167 = tpu.memref_slice %arg2[%dma_wait3A_165, %dma_wait3A_166] : memref<10000x64xf32, #tpu.memory_space<hbm>> -> memref<10000x64xf32, #tpu.memory_space<hbm>>
      tpu.wait_indirect_dma semaphore(%arg18 : memref<!tpu.dma_semaphore, #tpu.memory_space<semaphore_mem>>) src(%dma_wait3A_167 : memref<10000x64xf32, #tpu.memory_space<hbm>>) dst(%arg10 : memref<125x64xf32, #tpu.memory_space<vmem>>)
      %add3A_168 = arith.constant 2 : i32
      %add3A_169 = arith.addi %add3A_127, %add3A_168 : i32
      %dma_start3A_170 = arith.constant 0 : i32
      %dma_start3A_171 = tpu.memref_slice %arg7[%add3A_169, %dma_start3A_170] : memref<80x125xi32, #tpu.memory_space<vmem>> -> memref<1x125xi32, #tpu.memory_space<vmem>>
      %dma_start3A_172 = tpu.memref_squeeze %dma_start3A_171 : memref<1x125xi32, #tpu.memory_space<vmem>> -> memref<125xi32, #tpu.memory_space<vmem>>
      %dma_start3A_173 = arith.constant 0 : i32
      %dma_start3A_174 = arith.constant 0 : i32
      %dma_start3A_175 = tpu.memref_slice %arg32[%dma_start3A_173, %dma_start3A_174] : memref<10240x64xf32, #tpu.memory_space<vmem_shared>> -> memref<10240x64xf32, #tpu.memory_space<vmem_shared>>
      tpu.enqueue_indirect_dma source(%arg10 : memref<125x64xf32, #tpu.memory_space<vmem>>) target(%dma_start3A_175 : memref<10240x64xf32, #tpu.memory_space<vmem_shared>>) offsets(%dma_start3A_172 : memref<125xi32, #tpu.memory_space<vmem>>) semaphore(%arg26 : memref<!tpu.dma_semaphore, #tpu.memory_space<semaphore_mem>>) {add = true}
      %add3A_176 = arith.constant 3 : i32
      %add3A_177 = arith.addi %add3A_127, %add3A_176 : i32
      %dma_wait3A_178 = arith.constant 0 : i32
      %dma_wait3A_179 = tpu.memref_slice %arg6[%add3A_177, %dma_wait3A_178] : memref<80x125xi32, #tpu.memory_space<vmem>> -> memref<1x125xi32, #tpu.memory_space<vmem>>
      %dma_wait3A_180 = tpu.memref_squeeze %dma_wait3A_179 : memref<1x125xi32, #tpu.memory_space<vmem>> -> memref<125xi32, #tpu.memory_space<vmem>>
      %dma_wait3A_181 = arith.constant 0 : i32
      %dma_wait3A_182 = arith.constant 0 : i32
      %dma_wait3A_183 = tpu.memref_slice %arg2[%dma_wait3A_181, %dma_wait3A_182] : memref<10000x64xf32, #tpu.memory_space<hbm>> -> memref<10000x64xf32, #tpu.memory_space<hbm>>
      tpu.wait_indirect_dma semaphore(%arg19 : memref<!tpu.dma_semaphore, #tpu.memory_space<semaphore_mem>>) src(%dma_wait3A_183 : memref<10000x64xf32, #tpu.memory_space<hbm>>) dst(%arg11 : memref<125x64xf32, #tpu.memory_space<vmem>>)
      %add3A_184 = arith.constant 3 : i32
      %add3A_185 = arith.addi %add3A_127, %add3A_184 : i32
      %dma_start3A_186 = arith.constant 0 : i32
      %dma_start3A_187 = tpu.memref_slice %arg7[%add3A_185, %dma_start3A_186] : memref<80x125xi32, #tpu.memory_space<vmem>> -> memref<1x125xi32, #tpu.memory_space<vmem>>
      %dma_start3A_188 = tpu.memref_squeeze %dma_start3A_187 : memref<1x125xi32, #tpu.memory_space<vmem>> -> memref<125xi32, #tpu.memory_space<vmem>>
      %dma_start3A_189 = arith.constant 0 : i32
      %dma_start3A_190 = arith.constant 0 : i32
      %dma_start3A_191 = tpu.memref_slice %arg32[%dma_start3A_189, %dma_start3A_190] : memref<10240x64xf32, #tpu.memory_space<vmem_shared>> -> memref<10240x64xf32, #tpu.memory_space<vmem_shared>>
      tpu.enqueue_indirect_dma source(%arg11 : memref<125x64xf32, #tpu.memory_space<vmem>>) target(%dma_start3A_191 : memref<10240x64xf32, #tpu.memory_space<vmem_shared>>) offsets(%dma_start3A_188 : memref<125xi32, #tpu.memory_space<vmem>>) semaphore(%arg27 : memref<!tpu.dma_semaphore, #tpu.memory_space<semaphore_mem>>) {add = true}
      %add3A_192 = arith.constant 4 : i32
      %add3A_193 = arith.addi %add3A_127, %add3A_192 : i32
      %dma_wait3A_194 = arith.constant 0 : i32
      %dma_wait3A_195 = tpu.memref_slice %arg6[%add3A_193, %dma_wait3A_194] : memref<80x125xi32, #tpu.memory_space<vmem>> -> memref<1x125xi32, #tpu.memory_space<vmem>>
      %dma_wait3A_196 = tpu.memref_squeeze %dma_wait3A_195 : memref<1x125xi32, #tpu.memory_space<vmem>> -> memref<125xi32, #tpu.memory_space<vmem>>
      %dma_wait3A_197 = arith.constant 0 : i32
      %dma_wait3A_198 = arith.constant 0 : i32
      %dma_wait3A_199 = tpu.memref_slice %arg2[%dma_wait3A_197, %dma_wait3A_198] : memref<10000x64xf32, #tpu.memory_space<hbm>> -> memref<10000x64xf32, #tpu.memory_space<hbm>>
      tpu.wait_indirect_dma semaphore(%arg20 : memref<!tpu.dma_semaphore, #tpu.memory_space<semaphore_mem>>) src(%dma_wait3A_199 : memref<10000x64xf32, #tpu.memory_space<hbm>>) dst(%arg12 : memref<125x64xf32, #tpu.memory_space<vmem>>)
      %add3A_200 = arith.constant 4 : i32
      %add3A_201 = arith.addi %add3A_127, %add3A_200 : i32
      %dma_start3A_202 = arith.constant 0 : i32
      %dma_start3A_203 = tpu.memref_slice %arg7[%add3A_201, %dma_start3A_202] : memref<80x125xi32, #tpu.memory_space<vmem>> -> memref<1x125xi32, #tpu.memory_space<vmem>>
      %dma_start3A_204 = tpu.memref_squeeze %dma_start3A_203 : memref<1x125xi32, #tpu.memory_space<vmem>> -> memref<125xi32, #tpu.memory_space<vmem>>
      %dma_start3A_205 = arith.constant 0 : i32
      %dma_start3A_206 = arith.constant 0 : i32
      %dma_start3A_207 = tpu.memref_slice %arg32[%dma_start3A_205, %dma_start3A_206] : memref<10240x64xf32, #tpu.memory_space<vmem_shared>> -> memref<10240x64xf32, #tpu.memory_space<vmem_shared>>
      tpu.enqueue_indirect_dma source(%arg12 : memref<125x64xf32, #tpu.memory_space<vmem>>) target(%dma_start3A_207 : memref<10240x64xf32, #tpu.memory_space<vmem_shared>>) offsets(%dma_start3A_204 : memref<125xi32, #tpu.memory_space<vmem>>) semaphore(%arg28 : memref<!tpu.dma_semaphore, #tpu.memory_space<semaphore_mem>>) {add = true}
      %add3A_208 = arith.constant 5 : i32
      %add3A_209 = arith.addi %add3A_127, %add3A_208 : i32
      %dma_wait3A_210 = arith.constant 0 : i32
      %dma_wait3A_211 = tpu.memref_slice %arg6[%add3A_209, %dma_wait3A_210] : memref<80x125xi32, #tpu.memory_space<vmem>> -> memref<1x125xi32, #tpu.memory_space<vmem>>
      %dma_wait3A_212 = tpu.memref_squeeze %dma_wait3A_211 : memref<1x125xi32, #tpu.memory_space<vmem>> -> memref<125xi32, #tpu.memory_space<vmem>>
      %dma_wait3A_213 = arith.constant 0 : i32
      %dma_wait3A_214 = arith.constant 0 : i32
      %dma_wait3A_215 = tpu.memref_slice %arg2[%dma_wait3A_213, %dma_wait3A_214] : memref<10000x64xf32, #tpu.memory_space<hbm>> -> memref<10000x64xf32, #tpu.memory_space<hbm>>
      tpu.wait_indirect_dma semaphore(%arg21 : memref<!tpu.dma_semaphore, #tpu.memory_space<semaphore_mem>>) src(%dma_wait3A_215 : memref<10000x64xf32, #tpu.memory_space<hbm>>) dst(%arg13 : memref<125x64xf32, #tpu.memory_space<vmem>>)
      %add3A_216 = arith.constant 5 : i32
      %add3A_217 = arith.addi %add3A_127, %add3A_216 : i32
      %dma_start3A_218 = arith.constant 0 : i32
      %dma_start3A_219 = tpu.memref_slice %arg7[%add3A_217, %dma_start3A_218] : memref<80x125xi32, #tpu.memory_space<vmem>> -> memref<1x125xi32, #tpu.memory_space<vmem>>
      %dma_start3A_220 = tpu.memref_squeeze %dma_start3A_219 : memref<1x125xi32, #tpu.memory_space<vmem>> -> memref<125xi32, #tpu.memory_space<vmem>>
      %dma_start3A_221 = arith.constant 0 : i32
      %dma_start3A_222 = arith.constant 0 : i32
      %dma_start3A_223 = tpu.memref_slice %arg32[%dma_start3A_221, %dma_start3A_222] : memref<10240x64xf32, #tpu.memory_space<vmem_shared>> -> memref<10240x64xf32, #tpu.memory_space<vmem_shared>>
      tpu.enqueue_indirect_dma source(%arg13 : memref<125x64xf32, #tpu.memory_space<vmem>>) target(%dma_start3A_223 : memref<10240x64xf32, #tpu.memory_space<vmem_shared>>) offsets(%dma_start3A_220 : memref<125xi32, #tpu.memory_space<vmem>>) semaphore(%arg29 : memref<!tpu.dma_semaphore, #tpu.memory_space<semaphore_mem>>) {add = true}
      %add3A_224 = arith.constant 6 : i32
      %add3A_225 = arith.addi %add3A_127, %add3A_224 : i32
      %dma_wait3A_226 = arith.constant 0 : i32
      %dma_wait3A_227 = tpu.memref_slice %arg6[%add3A_225, %dma_wait3A_226] : memref<80x125xi32, #tpu.memory_space<vmem>> -> memref<1x125xi32, #tpu.memory_space<vmem>>
      %dma_wait3A_228 = tpu.memref_squeeze %dma_wait3A_227 : memref<1x125xi32, #tpu.memory_space<vmem>> -> memref<125xi32, #tpu.memory_space<vmem>>
      %dma_wait3A_229 = arith.constant 0 : i32
      %dma_wait3A_230 = arith.constant 0 : i32
      %dma_wait3A_231 = tpu.memref_slice %arg2[%dma_wait3A_229, %dma_wait3A_230] : memref<10000x64xf32, #tpu.memory_space<hbm>> -> memref<10000x64xf32, #tpu.memory_space<hbm>>
      tpu.wait_indirect_dma semaphore(%arg22 : memref<!tpu.dma_semaphore, #tpu.memory_space<semaphore_mem>>) src(%dma_wait3A_231 : memref<10000x64xf32, #tpu.memory_space<hbm>>) dst(%arg14 : memref<125x64xf32, #tpu.memory_space<vmem>>)
      %add3A_232 = arith.constant 6 : i32
      %add3A_233 = arith.addi %add3A_127, %add3A_232 : i32
      %dma_start3A_234 = arith.constant 0 : i32
      %dma_start3A_235 = tpu.memref_slice %arg7[%add3A_233, %dma_start3A_234] : memref<80x125xi32, #tpu.memory_space<vmem>> -> memref<1x125xi32, #tpu.memory_space<vmem>>
      %dma_start3A_236 = tpu.memref_squeeze %dma_start3A_235 : memref<1x125xi32, #tpu.memory_space<vmem>> -> memref<125xi32, #tpu.memory_space<vmem>>
      %dma_start3A_237 = arith.constant 0 : i32
      %dma_start3A_238 = arith.constant 0 : i32
      %dma_start3A_239 = tpu.memref_slice %arg32[%dma_start3A_237, %dma_start3A_238] : memref<10240x64xf32, #tpu.memory_space<vmem_shared>> -> memref<10240x64xf32, #tpu.memory_space<vmem_shared>>
      tpu.enqueue_indirect_dma source(%arg14 : memref<125x64xf32, #tpu.memory_space<vmem>>) target(%dma_start3A_239 : memref<10240x64xf32, #tpu.memory_space<vmem_shared>>) offsets(%dma_start3A_236 : memref<125xi32, #tpu.memory_space<vmem>>) semaphore(%arg30 : memref<!tpu.dma_semaphore, #tpu.memory_space<semaphore_mem>>) {add = true}
      %add3A_240 = arith.constant 7 : i32
      %add3A_241 = arith.addi %add3A_127, %add3A_240 : i32
      %dma_wait3A_242 = arith.constant 0 : i32
      %dma_wait3A_243 = tpu.memref_slice %arg6[%add3A_241, %dma_wait3A_242] : memref<80x125xi32, #tpu.memory_space<vmem>> -> memref<1x125xi32, #tpu.memory_space<vmem>>
      %dma_wait3A_244 = tpu.memref_squeeze %dma_wait3A_243 : memref<1x125xi32, #tpu.memory_space<vmem>> -> memref<125xi32, #tpu.memory_space<vmem>>
      %dma_wait3A_245 = arith.constant 0 : i32
      %dma_wait3A_246 = arith.constant 0 : i32
      %dma_wait3A_247 = tpu.memref_slice %arg2[%dma_wait3A_245, %dma_wait3A_246] : memref<10000x64xf32, #tpu.memory_space<hbm>> -> memref<10000x64xf32, #tpu.memory_space<hbm>>
      tpu.wait_indirect_dma semaphore(%arg23 : memref<!tpu.dma_semaphore, #tpu.memory_space<semaphore_mem>>) src(%dma_wait3A_247 : memref<10000x64xf32, #tpu.memory_space<hbm>>) dst(%arg15 : memref<125x64xf32, #tpu.memory_space<vmem>>)
      %add3A_248 = arith.constant 7 : i32
      %add3A_249 = arith.addi %add3A_127, %add3A_248 : i32
      %dma_start3A_250 = arith.constant 0 : i32
      %dma_start3A_251 = tpu.memref_slice %arg7[%add3A_249, %dma_start3A_250] : memref<80x125xi32, #tpu.memory_space<vmem>> -> memref<1x125xi32, #tpu.memory_space<vmem>>
      %dma_start3A_252 = tpu.memref_squeeze %dma_start3A_251 : memref<1x125xi32, #tpu.memory_space<vmem>> -> memref<125xi32, #tpu.memory_space<vmem>>
      %dma_start3A_253 = arith.constant 0 : i32
      %dma_start3A_254 = arith.constant 0 : i32
      %dma_start3A_255 = tpu.memref_slice %arg32[%dma_start3A_253, %dma_start3A_254] : memref<10240x64xf32, #tpu.memory_space<vmem_shared>> -> memref<10240x64xf32, #tpu.memory_space<vmem_shared>>
      tpu.enqueue_indirect_dma source(%arg15 : memref<125x64xf32, #tpu.memory_space<vmem>>) target(%dma_start3A_255 : memref<10240x64xf32, #tpu.memory_space<vmem_shared>>) offsets(%dma_start3A_252 : memref<125xi32, #tpu.memory_space<vmem>>) semaphore(%arg31 : memref<!tpu.dma_semaphore, #tpu.memory_space<semaphore_mem>>) {add = true}
      %add3A_256 = arith.constant 8 : i32
      %add3A_257 = arith.addi %add3A_127, %add3A_256 : i32
      %lt3A = arith.constant 80 : i32
      %lt3A_258 = arith.cmpi slt, %add3A_257, %lt3A : i32
      %convert_element_type3A = arith.extui %lt3A_258 : i1 to i32
      %cond3A = arith.constant 0 : i32
      %cond3A_259 = arith.cmpi ne, %convert_element_type3A, %cond3A : i32
      scf.if %cond3A_259 {
        %add3A_260 = arith.constant 0 : i32
        %add3A_261 = arith.addi %add3A_127, %add3A_260 : i32
        %dma_wait3A_262 = arith.constant 0 : i32
        %dma_wait3A_263 = tpu.memref_slice %arg7[%add3A_261, %dma_wait3A_262] : memref<80x125xi32, #tpu.memory_space<vmem>> -> memref<1x125xi32, #tpu.memory_space<vmem>>
        %dma_wait3A_264 = tpu.memref_squeeze %dma_wait3A_263 : memref<1x125xi32, #tpu.memory_space<vmem>> -> memref<125xi32, #tpu.memory_space<vmem>>
        %dma_wait3A_265 = arith.constant 0 : i32
        %dma_wait3A_266 = arith.constant 0 : i32
        %dma_wait3A_267 = tpu.memref_slice %arg32[%dma_wait3A_265, %dma_wait3A_266] : memref<10240x64xf32, #tpu.memory_space<vmem_shared>> -> memref<10240x64xf32, #tpu.memory_space<vmem_shared>>
        tpu.wait_indirect_dma semaphore(%arg24 : memref<!tpu.dma_semaphore, #tpu.memory_space<semaphore_mem>>) src(%arg8 : memref<125x64xf32, #tpu.memory_space<vmem>>) dst(%dma_wait3A_267 : memref<10240x64xf32, #tpu.memory_space<vmem_shared>>)
        %add3A_268 = arith.constant 8 : i32
        %add3A_269 = arith.addi %add3A_127, %add3A_268 : i32
        %add3A_270 = arith.constant 0 : i32
        %add3A_271 = arith.addi %add3A_269, %add3A_270 : i32
        %dma_start3A_272 = arith.constant 0 : i32
        %dma_start3A_273 = tpu.memref_slice %arg6[%add3A_271, %dma_start3A_272] : memref<80x125xi32, #tpu.memory_space<vmem>> -> memref<1x125xi32, #tpu.memory_space<vmem>>
        %dma_start3A_274 = tpu.memref_squeeze %dma_start3A_273 : memref<1x125xi32, #tpu.memory_space<vmem>> -> memref<125xi32, #tpu.memory_space<vmem>>
        %dma_start3A_275 = arith.constant 0 : i32
        %dma_start3A_276 = arith.constant 0 : i32
        %dma_start3A_277 = tpu.memref_slice %arg2[%dma_start3A_275, %dma_start3A_276] : memref<10000x64xf32, #tpu.memory_space<hbm>> -> memref<10000x64xf32, #tpu.memory_space<hbm>>
        tpu.enqueue_indirect_dma source(%dma_start3A_277 : memref<10000x64xf32, #tpu.memory_space<hbm>>) target(%arg8 : memref<125x64xf32, #tpu.memory_space<vmem>>) offsets(%dma_start3A_274 : memref<125xi32, #tpu.memory_space<vmem>>) semaphore(%arg16 : memref<!tpu.dma_semaphore, #tpu.memory_space<semaphore_mem>>)
        %add3A_278 = arith.constant 1 : i32
        %add3A_279 = arith.addi %add3A_127, %add3A_278 : i32
        %dma_wait3A_280 = arith.constant 0 : i32
        %dma_wait3A_281 = tpu.memref_slice %arg7[%add3A_279, %dma_wait3A_280] : memref<80x125xi32, #tpu.memory_space<vmem>> -> memref<1x125xi32, #tpu.memory_space<vmem>>
        %dma_wait3A_282 = tpu.memref_squeeze %dma_wait3A_281 : memref<1x125xi32, #tpu.memory_space<vmem>> -> memref<125xi32, #tpu.memory_space<vmem>>
        %dma_wait3A_283 = arith.constant 0 : i32
        %dma_wait3A_284 = arith.constant 0 : i32
        %dma_wait3A_285 = tpu.memref_slice %arg32[%dma_wait3A_283, %dma_wait3A_284] : memref<10240x64xf32, #tpu.memory_space<vmem_shared>> -> memref<10240x64xf32, #tpu.memory_space<vmem_shared>>
        tpu.wait_indirect_dma semaphore(%arg25 : memref<!tpu.dma_semaphore, #tpu.memory_space<semaphore_mem>>) src(%arg9 : memref<125x64xf32, #tpu.memory_space<vmem>>) dst(%dma_wait3A_285 : memref<10240x64xf32, #tpu.memory_space<vmem_shared>>)
        %add3A_286 = arith.constant 8 : i32
        %add3A_287 = arith.addi %add3A_127, %add3A_286 : i32
        %add3A_288 = arith.constant 1 : i32
        %add3A_289 = arith.addi %add3A_287, %add3A_288 : i32
        %dma_start3A_290 = arith.constant 0 : i32
        %dma_start3A_291 = tpu.memref_slice %arg6[%add3A_289, %dma_start3A_290] : memref<80x125xi32, #tpu.memory_space<vmem>> -> memref<1x125xi32, #tpu.memory_space<vmem>>
        %dma_start3A_292 = tpu.memref_squeeze %dma_start3A_291 : memref<1x125xi32, #tpu.memory_space<vmem>> -> memref<125xi32, #tpu.memory_space<vmem>>
        %dma_start3A_293 = arith.constant 0 : i32
        %dma_start3A_294 = arith.constant 0 : i32
        %dma_start3A_295 = tpu.memref_slice %arg2[%dma_start3A_293, %dma_start3A_294] : memref<10000x64xf32, #tpu.memory_space<hbm>> -> memref<10000x64xf32, #tpu.memory_space<hbm>>
        tpu.enqueue_indirect_dma source(%dma_start3A_295 : memref<10000x64xf32, #tpu.memory_space<hbm>>) target(%arg9 : memref<125x64xf32, #tpu.memory_space<vmem>>) offsets(%dma_start3A_292 : memref<125xi32, #tpu.memory_space<vmem>>) semaphore(%arg17 : memref<!tpu.dma_semaphore, #tpu.memory_space<semaphore_mem>>)
        %add3A_296 = arith.constant 2 : i32
        %add3A_297 = arith.addi %add3A_127, %add3A_296 : i32
        %dma_wait3A_298 = arith.constant 0 : i32
        %dma_wait3A_299 = tpu.memref_slice %arg7[%add3A_297, %dma_wait3A_298] : memref<80x125xi32, #tpu.memory_space<vmem>> -> memref<1x125xi32, #tpu.memory_space<vmem>>
        %dma_wait3A_300 = tpu.memref_squeeze %dma_wait3A_299 : memref<1x125xi32, #tpu.memory_space<vmem>> -> memref<125xi32, #tpu.memory_space<vmem>>
        %dma_wait3A_301 = arith.constant 0 : i32
        %dma_wait3A_302 = arith.constant 0 : i32
        %dma_wait3A_303 = tpu.memref_slice %arg32[%dma_wait3A_301, %dma_wait3A_302] : memref<10240x64xf32, #tpu.memory_space<vmem_shared>> -> memref<10240x64xf32, #tpu.memory_space<vmem_shared>>
        tpu.wait_indirect_dma semaphore(%arg26 : memref<!tpu.dma_semaphore, #tpu.memory_space<semaphore_mem>>) src(%arg10 : memref<125x64xf32, #tpu.memory_space<vmem>>) dst(%dma_wait3A_303 : memref<10240x64xf32, #tpu.memory_space<vmem_shared>>)
        %add3A_304 = arith.constant 8 : i32
        %add3A_305 = arith.addi %add3A_127, %add3A_304 : i32
        %add3A_306 = arith.constant 2 : i32
        %add3A_307 = arith.addi %add3A_305, %add3A_306 : i32
        %dma_start3A_308 = arith.constant 0 : i32
        %dma_start3A_309 = tpu.memref_slice %arg6[%add3A_307, %dma_start3A_308] : memref<80x125xi32, #tpu.memory_space<vmem>> -> memref<1x125xi32, #tpu.memory_space<vmem>>
        %dma_start3A_310 = tpu.memref_squeeze %dma_start3A_309 : memref<1x125xi32, #tpu.memory_space<vmem>> -> memref<125xi32, #tpu.memory_space<vmem>>
        %dma_start3A_311 = arith.constant 0 : i32
        %dma_start3A_312 = arith.constant 0 : i32
        %dma_start3A_313 = tpu.memref_slice %arg2[%dma_start3A_311, %dma_start3A_312] : memref<10000x64xf32, #tpu.memory_space<hbm>> -> memref<10000x64xf32, #tpu.memory_space<hbm>>
        tpu.enqueue_indirect_dma source(%dma_start3A_313 : memref<10000x64xf32, #tpu.memory_space<hbm>>) target(%arg10 : memref<125x64xf32, #tpu.memory_space<vmem>>) offsets(%dma_start3A_310 : memref<125xi32, #tpu.memory_space<vmem>>) semaphore(%arg18 : memref<!tpu.dma_semaphore, #tpu.memory_space<semaphore_mem>>)
        %add3A_314 = arith.constant 3 : i32
        %add3A_315 = arith.addi %add3A_127, %add3A_314 : i32
        %dma_wait3A_316 = arith.constant 0 : i32
        %dma_wait3A_317 = tpu.memref_slice %arg7[%add3A_315, %dma_wait3A_316] : memref<80x125xi32, #tpu.memory_space<vmem>> -> memref<1x125xi32, #tpu.memory_space<vmem>>
        %dma_wait3A_318 = tpu.memref_squeeze %dma_wait3A_317 : memref<1x125xi32, #tpu.memory_space<vmem>> -> memref<125xi32, #tpu.memory_space<vmem>>
        %dma_wait3A_319 = arith.constant 0 : i32
        %dma_wait3A_320 = arith.constant 0 : i32
        %dma_wait3A_321 = tpu.memref_slice %arg32[%dma_wait3A_319, %dma_wait3A_320] : memref<10240x64xf32, #tpu.memory_space<vmem_shared>> -> memref<10240x64xf32, #tpu.memory_space<vmem_shared>>
        tpu.wait_indirect_dma semaphore(%arg27 : memref<!tpu.dma_semaphore, #tpu.memory_space<semaphore_mem>>) src(%arg11 : memref<125x64xf32, #tpu.memory_space<vmem>>) dst(%dma_wait3A_321 : memref<10240x64xf32, #tpu.memory_space<vmem_shared>>)
        %add3A_322 = arith.constant 8 : i32
        %add3A_323 = arith.addi %add3A_127, %add3A_322 : i32
        %add3A_324 = arith.constant 3 : i32
        %add3A_325 = arith.addi %add3A_323, %add3A_324 : i32
        %dma_start3A_326 = arith.constant 0 : i32
        %dma_start3A_327 = tpu.memref_slice %arg6[%add3A_325, %dma_start3A_326] : memref<80x125xi32, #tpu.memory_space<vmem>> -> memref<1x125xi32, #tpu.memory_space<vmem>>
        %dma_start3A_328 = tpu.memref_squeeze %dma_start3A_327 : memref<1x125xi32, #tpu.memory_space<vmem>> -> memref<125xi32, #tpu.memory_space<vmem>>
        %dma_start3A_329 = arith.constant 0 : i32
        %dma_start3A_330 = arith.constant 0 : i32
        %dma_start3A_331 = tpu.memref_slice %arg2[%dma_start3A_329, %dma_start3A_330] : memref<10000x64xf32, #tpu.memory_space<hbm>> -> memref<10000x64xf32, #tpu.memory_space<hbm>>
        tpu.enqueue_indirect_dma source(%dma_start3A_331 : memref<10000x64xf32, #tpu.memory_space<hbm>>) target(%arg11 : memref<125x64xf32, #tpu.memory_space<vmem>>) offsets(%dma_start3A_328 : memref<125xi32, #tpu.memory_space<vmem>>) semaphore(%arg19 : memref<!tpu.dma_semaphore, #tpu.memory_space<semaphore_mem>>)
        %add3A_332 = arith.constant 4 : i32
        %add3A_333 = arith.addi %add3A_127, %add3A_332 : i32
        %dma_wait3A_334 = arith.constant 0 : i32
        %dma_wait3A_335 = tpu.memref_slice %arg7[%add3A_333, %dma_wait3A_334] : memref<80x125xi32, #tpu.memory_space<vmem>> -> memref<1x125xi32, #tpu.memory_space<vmem>>
        %dma_wait3A_336 = tpu.memref_squeeze %dma_wait3A_335 : memref<1x125xi32, #tpu.memory_space<vmem>> -> memref<125xi32, #tpu.memory_space<vmem>>
        %dma_wait3A_337 = arith.constant 0 : i32
        %dma_wait3A_338 = arith.constant 0 : i32
        %dma_wait3A_339 = tpu.memref_slice %arg32[%dma_wait3A_337, %dma_wait3A_338] : memref<10240x64xf32, #tpu.memory_space<vmem_shared>> -> memref<10240x64xf32, #tpu.memory_space<vmem_shared>>
        tpu.wait_indirect_dma semaphore(%arg28 : memref<!tpu.dma_semaphore, #tpu.memory_space<semaphore_mem>>) src(%arg12 : memref<125x64xf32, #tpu.memory_space<vmem>>) dst(%dma_wait3A_339 : memref<10240x64xf32, #tpu.memory_space<vmem_shared>>)
        %add3A_340 = arith.constant 8 : i32
        %add3A_341 = arith.addi %add3A_127, %add3A_340 : i32
        %add3A_342 = arith.constant 4 : i32
        %add3A_343 = arith.addi %add3A_341, %add3A_342 : i32
        %dma_start3A_344 = arith.constant 0 : i32
        %dma_start3A_345 = tpu.memref_slice %arg6[%add3A_343, %dma_start3A_344] : memref<80x125xi32, #tpu.memory_space<vmem>> -> memref<1x125xi32, #tpu.memory_space<vmem>>
        %dma_start3A_346 = tpu.memref_squeeze %dma_start3A_345 : memref<1x125xi32, #tpu.memory_space<vmem>> -> memref<125xi32, #tpu.memory_space<vmem>>
        %dma_start3A_347 = arith.constant 0 : i32
        %dma_start3A_348 = arith.constant 0 : i32
        %dma_start3A_349 = tpu.memref_slice %arg2[%dma_start3A_347, %dma_start3A_348] : memref<10000x64xf32, #tpu.memory_space<hbm>> -> memref<10000x64xf32, #tpu.memory_space<hbm>>
        tpu.enqueue_indirect_dma source(%dma_start3A_349 : memref<10000x64xf32, #tpu.memory_space<hbm>>) target(%arg12 : memref<125x64xf32, #tpu.memory_space<vmem>>) offsets(%dma_start3A_346 : memref<125xi32, #tpu.memory_space<vmem>>) semaphore(%arg20 : memref<!tpu.dma_semaphore, #tpu.memory_space<semaphore_mem>>)
        %add3A_350 = arith.constant 5 : i32
        %add3A_351 = arith.addi %add3A_127, %add3A_350 : i32
        %dma_wait3A_352 = arith.constant 0 : i32
        %dma_wait3A_353 = tpu.memref_slice %arg7[%add3A_351, %dma_wait3A_352] : memref<80x125xi32, #tpu.memory_space<vmem>> -> memref<1x125xi32, #tpu.memory_space<vmem>>
        %dma_wait3A_354 = tpu.memref_squeeze %dma_wait3A_353 : memref<1x125xi32, #tpu.memory_space<vmem>> -> memref<125xi32, #tpu.memory_space<vmem>>
        %dma_wait3A_355 = arith.constant 0 : i32
        %dma_wait3A_356 = arith.constant 0 : i32
        %dma_wait3A_357 = tpu.memref_slice %arg32[%dma_wait3A_355, %dma_wait3A_356] : memref<10240x64xf32, #tpu.memory_space<vmem_shared>> -> memref<10240x64xf32, #tpu.memory_space<vmem_shared>>
        tpu.wait_indirect_dma semaphore(%arg29 : memref<!tpu.dma_semaphore, #tpu.memory_space<semaphore_mem>>) src(%arg13 : memref<125x64xf32, #tpu.memory_space<vmem>>) dst(%dma_wait3A_357 : memref<10240x64xf32, #tpu.memory_space<vmem_shared>>)
        %add3A_358 = arith.constant 8 : i32
        %add3A_359 = arith.addi %add3A_127, %add3A_358 : i32
        %add3A_360 = arith.constant 5 : i32
        %add3A_361 = arith.addi %add3A_359, %add3A_360 : i32
        %dma_start3A_362 = arith.constant 0 : i32
        %dma_start3A_363 = tpu.memref_slice %arg6[%add3A_361, %dma_start3A_362] : memref<80x125xi32, #tpu.memory_space<vmem>> -> memref<1x125xi32, #tpu.memory_space<vmem>>
        %dma_start3A_364 = tpu.memref_squeeze %dma_start3A_363 : memref<1x125xi32, #tpu.memory_space<vmem>> -> memref<125xi32, #tpu.memory_space<vmem>>
        %dma_start3A_365 = arith.constant 0 : i32
        %dma_start3A_366 = arith.constant 0 : i32
        %dma_start3A_367 = tpu.memref_slice %arg2[%dma_start3A_365, %dma_start3A_366] : memref<10000x64xf32, #tpu.memory_space<hbm>> -> memref<10000x64xf32, #tpu.memory_space<hbm>>
        tpu.enqueue_indirect_dma source(%dma_start3A_367 : memref<10000x64xf32, #tpu.memory_space<hbm>>) target(%arg13 : memref<125x64xf32, #tpu.memory_space<vmem>>) offsets(%dma_start3A_364 : memref<125xi32, #tpu.memory_space<vmem>>) semaphore(%arg21 : memref<!tpu.dma_semaphore, #tpu.memory_space<semaphore_mem>>)
        %add3A_368 = arith.constant 6 : i32
        %add3A_369 = arith.addi %add3A_127, %add3A_368 : i32
        %dma_wait3A_370 = arith.constant 0 : i32
        %dma_wait3A_371 = tpu.memref_slice %arg7[%add3A_369, %dma_wait3A_370] : memref<80x125xi32, #tpu.memory_space<vmem>> -> memref<1x125xi32, #tpu.memory_space<vmem>>
        %dma_wait3A_372 = tpu.memref_squeeze %dma_wait3A_371 : memref<1x125xi32, #tpu.memory_space<vmem>> -> memref<125xi32, #tpu.memory_space<vmem>>
        %dma_wait3A_373 = arith.constant 0 : i32
        %dma_wait3A_374 = arith.constant 0 : i32
        %dma_wait3A_375 = tpu.memref_slice %arg32[%dma_wait3A_373, %dma_wait3A_374] : memref<10240x64xf32, #tpu.memory_space<vmem_shared>> -> memref<10240x64xf32, #tpu.memory_space<vmem_shared>>
        tpu.wait_indirect_dma semaphore(%arg30 : memref<!tpu.dma_semaphore, #tpu.memory_space<semaphore_mem>>) src(%arg14 : memref<125x64xf32, #tpu.memory_space<vmem>>) dst(%dma_wait3A_375 : memref<10240x64xf32, #tpu.memory_space<vmem_shared>>)
        %add3A_376 = arith.constant 8 : i32
        %add3A_377 = arith.addi %add3A_127, %add3A_376 : i32
        %add3A_378 = arith.constant 6 : i32
        %add3A_379 = arith.addi %add3A_377, %add3A_378 : i32
        %dma_start3A_380 = arith.constant 0 : i32
        %dma_start3A_381 = tpu.memref_slice %arg6[%add3A_379, %dma_start3A_380] : memref<80x125xi32, #tpu.memory_space<vmem>> -> memref<1x125xi32, #tpu.memory_space<vmem>>
        %dma_start3A_382 = tpu.memref_squeeze %dma_start3A_381 : memref<1x125xi32, #tpu.memory_space<vmem>> -> memref<125xi32, #tpu.memory_space<vmem>>
        %dma_start3A_383 = arith.constant 0 : i32
        %dma_start3A_384 = arith.constant 0 : i32
        %dma_start3A_385 = tpu.memref_slice %arg2[%dma_start3A_383, %dma_start3A_384] : memref<10000x64xf32, #tpu.memory_space<hbm>> -> memref<10000x64xf32, #tpu.memory_space<hbm>>
        tpu.enqueue_indirect_dma source(%dma_start3A_385 : memref<10000x64xf32, #tpu.memory_space<hbm>>) target(%arg14 : memref<125x64xf32, #tpu.memory_space<vmem>>) offsets(%dma_start3A_382 : memref<125xi32, #tpu.memory_space<vmem>>) semaphore(%arg22 : memref<!tpu.dma_semaphore, #tpu.memory_space<semaphore_mem>>)
        %add3A_386 = arith.constant 7 : i32
        %add3A_387 = arith.addi %add3A_127, %add3A_386 : i32
        %dma_wait3A_388 = arith.constant 0 : i32
        %dma_wait3A_389 = tpu.memref_slice %arg7[%add3A_387, %dma_wait3A_388] : memref<80x125xi32, #tpu.memory_space<vmem>> -> memref<1x125xi32, #tpu.memory_space<vmem>>
        %dma_wait3A_390 = tpu.memref_squeeze %dma_wait3A_389 : memref<1x125xi32, #tpu.memory_space<vmem>> -> memref<125xi32, #tpu.memory_space<vmem>>
        %dma_wait3A_391 = arith.constant 0 : i32
        %dma_wait3A_392 = arith.constant 0 : i32
        %dma_wait3A_393 = tpu.memref_slice %arg32[%dma_wait3A_391, %dma_wait3A_392] : memref<10240x64xf32, #tpu.memory_space<vmem_shared>> -> memref<10240x64xf32, #tpu.memory_space<vmem_shared>>
        tpu.wait_indirect_dma semaphore(%arg31 : memref<!tpu.dma_semaphore, #tpu.memory_space<semaphore_mem>>) src(%arg15 : memref<125x64xf32, #tpu.memory_space<vmem>>) dst(%dma_wait3A_393 : memref<10240x64xf32, #tpu.memory_space<vmem_shared>>)
        %add3A_394 = arith.constant 8 : i32
        %add3A_395 = arith.addi %add3A_127, %add3A_394 : i32
        %add3A_396 = arith.constant 7 : i32
        %add3A_397 = arith.addi %add3A_395, %add3A_396 : i32
        %dma_start3A_398 = arith.constant 0 : i32
        %dma_start3A_399 = tpu.memref_slice %arg6[%add3A_397, %dma_start3A_398] : memref<80x125xi32, #tpu.memory_space<vmem>> -> memref<1x125xi32, #tpu.memory_space<vmem>>
        %dma_start3A_400 = tpu.memref_squeeze %dma_start3A_399 : memref<1x125xi32, #tpu.memory_space<vmem>> -> memref<125xi32, #tpu.memory_space<vmem>>
        %dma_start3A_401 = arith.constant 0 : i32
        %dma_start3A_402 = arith.constant 0 : i32
        %dma_start3A_403 = tpu.memref_slice %arg2[%dma_start3A_401, %dma_start3A_402] : memref<10000x64xf32, #tpu.memory_space<hbm>> -> memref<10000x64xf32, #tpu.memory_space<hbm>>
        tpu.enqueue_indirect_dma source(%dma_start3A_403 : memref<10000x64xf32, #tpu.memory_space<hbm>>) target(%arg15 : memref<125x64xf32, #tpu.memory_space<vmem>>) offsets(%dma_start3A_400 : memref<125xi32, #tpu.memory_space<vmem>>) semaphore(%arg23 : memref<!tpu.dma_semaphore, #tpu.memory_space<semaphore_mem>>)
      } else {
      }
    }
    %scan3A_62 = arith.constant 10 : i32
    %dma_wait3A = arith.constant 72 : i32
    %dma_wait3A_63 = arith.constant 0 : i32
    %dma_wait3A_64 = tpu.memref_slice %arg7[%dma_wait3A, %dma_wait3A_63] : memref<80x125xi32, #tpu.memory_space<vmem>> -> memref<1x125xi32, #tpu.memory_space<vmem>>
    %dma_wait3A_65 = tpu.memref_squeeze %dma_wait3A_64 : memref<1x125xi32, #tpu.memory_space<vmem>> -> memref<125xi32, #tpu.memory_space<vmem>>
    %dma_wait3A_66 = arith.constant 0 : i32
    %dma_wait3A_67 = arith.constant 0 : i32
    %dma_wait3A_68 = tpu.memref_slice %arg32[%dma_wait3A_66, %dma_wait3A_67] : memref<10240x64xf32, #tpu.memory_space<vmem_shared>> -> memref<10240x64xf32, #tpu.memory_space<vmem_shared>>
    tpu.wait_indirect_dma semaphore(%arg24 : memref<!tpu.dma_semaphore, #tpu.memory_space<semaphore_mem>>) src(%arg8 : memref<125x64xf32, #tpu.memory_space<vmem>>) dst(%dma_wait3A_68 : memref<10240x64xf32, #tpu.memory_space<vmem_shared>>)
    %dma_wait3A_69 = arith.constant 73 : i32
    %dma_wait3A_70 = arith.constant 0 : i32
    %dma_wait3A_71 = tpu.memref_slice %arg7[%dma_wait3A_69, %dma_wait3A_70] : memref<80x125xi32, #tpu.memory_space<vmem>> -> memref<1x125xi32, #tpu.memory_space<vmem>>
    %dma_wait3A_72 = tpu.memref_squeeze %dma_wait3A_71 : memref<1x125xi32, #tpu.memory_space<vmem>> -> memref<125xi32, #tpu.memory_space<vmem>>
    %dma_wait3A_73 = arith.constant 0 : i32
    %dma_wait3A_74 = arith.constant 0 : i32
    %dma_wait3A_75 = tpu.memref_slice %arg32[%dma_wait3A_73, %dma_wait3A_74] : memref<10240x64xf32, #tpu.memory_space<vmem_shared>> -> memref<10240x64xf32, #tpu.memory_space<vmem_shared>>
    tpu.wait_indirect_dma semaphore(%arg25 : memref<!tpu.dma_semaphore, #tpu.memory_space<semaphore_mem>>) src(%arg9 : memref<125x64xf32, #tpu.memory_space<vmem>>) dst(%dma_wait3A_75 : memref<10240x64xf32, #tpu.memory_space<vmem_shared>>)
    %dma_wait3A_76 = arith.constant 74 : i32
    %dma_wait3A_77 = arith.constant 0 : i32
    %dma_wait3A_78 = tpu.memref_slice %arg7[%dma_wait3A_76, %dma_wait3A_77] : memref<80x125xi32, #tpu.memory_space<vmem>> -> memref<1x125xi32, #tpu.memory_space<vmem>>
    %dma_wait3A_79 = tpu.memref_squeeze %dma_wait3A_78 : memref<1x125xi32, #tpu.memory_space<vmem>> -> memref<125xi32, #tpu.memory_space<vmem>>
    %dma_wait3A_80 = arith.constant 0 : i32
    %dma_wait3A_81 = arith.constant 0 : i32
    %dma_wait3A_82 = tpu.memref_slice %arg32[%dma_wait3A_80, %dma_wait3A_81] : memref<10240x64xf32, #tpu.memory_space<vmem_shared>> -> memref<10240x64xf32, #tpu.memory_space<vmem_shared>>
    tpu.wait_indirect_dma semaphore(%arg26 : memref<!tpu.dma_semaphore, #tpu.memory_space<semaphore_mem>>) src(%arg10 : memref<125x64xf32, #tpu.memory_space<vmem>>) dst(%dma_wait3A_82 : memref<10240x64xf32, #tpu.memory_space<vmem_shared>>)
    %dma_wait3A_83 = arith.constant 75 : i32
    %dma_wait3A_84 = arith.constant 0 : i32
    %dma_wait3A_85 = tpu.memref_slice %arg7[%dma_wait3A_83, %dma_wait3A_84] : memref<80x125xi32, #tpu.memory_space<vmem>> -> memref<1x125xi32, #tpu.memory_space<vmem>>
    %dma_wait3A_86 = tpu.memref_squeeze %dma_wait3A_85 : memref<1x125xi32, #tpu.memory_space<vmem>> -> memref<125xi32, #tpu.memory_space<vmem>>
    %dma_wait3A_87 = arith.constant 0 : i32
    %dma_wait3A_88 = arith.constant 0 : i32
    %dma_wait3A_89 = tpu.memref_slice %arg32[%dma_wait3A_87, %dma_wait3A_88] : memref<10240x64xf32, #tpu.memory_space<vmem_shared>> -> memref<10240x64xf32, #tpu.memory_space<vmem_shared>>
    tpu.wait_indirect_dma semaphore(%arg27 : memref<!tpu.dma_semaphore, #tpu.memory_space<semaphore_mem>>) src(%arg11 : memref<125x64xf32, #tpu.memory_space<vmem>>) dst(%dma_wait3A_89 : memref<10240x64xf32, #tpu.memory_space<vmem_shared>>)
    %dma_wait3A_90 = arith.constant 76 : i32
    %dma_wait3A_91 = arith.constant 0 : i32
    %dma_wait3A_92 = tpu.memref_slice %arg7[%dma_wait3A_90, %dma_wait3A_91] : memref<80x125xi32, #tpu.memory_space<vmem>> -> memref<1x125xi32, #tpu.memory_space<vmem>>
    %dma_wait3A_93 = tpu.memref_squeeze %dma_wait3A_92 : memref<1x125xi32, #tpu.memory_space<vmem>> -> memref<125xi32, #tpu.memory_space<vmem>>
    %dma_wait3A_94 = arith.constant 0 : i32
    %dma_wait3A_95 = arith.constant 0 : i32
    %dma_wait3A_96 = tpu.memref_slice %arg32[%dma_wait3A_94, %dma_wait3A_95] : memref<10240x64xf32, #tpu.memory_space<vmem_shared>> -> memref<10240x64xf32, #tpu.memory_space<vmem_shared>>
    tpu.wait_indirect_dma semaphore(%arg28 : memref<!tpu.dma_semaphore, #tpu.memory_space<semaphore_mem>>) src(%arg12 : memref<125x64xf32, #tpu.memory_space<vmem>>) dst(%dma_wait3A_96 : memref<10240x64xf32, #tpu.memory_space<vmem_shared>>)
    %dma_wait3A_97 = arith.constant 77 : i32
    %dma_wait3A_98 = arith.constant 0 : i32
    %dma_wait3A_99 = tpu.memref_slice %arg7[%dma_wait3A_97, %dma_wait3A_98] : memref<80x125xi32, #tpu.memory_space<vmem>> -> memref<1x125xi32, #tpu.memory_space<vmem>>
    %dma_wait3A_100 = tpu.memref_squeeze %dma_wait3A_99 : memref<1x125xi32, #tpu.memory_space<vmem>> -> memref<125xi32, #tpu.memory_space<vmem>>
    %dma_wait3A_101 = arith.constant 0 : i32
    %dma_wait3A_102 = arith.constant 0 : i32
    %dma_wait3A_103 = tpu.memref_slice %arg32[%dma_wait3A_101, %dma_wait3A_102] : memref<10240x64xf32, #tpu.memory_space<vmem_shared>> -> memref<10240x64xf32, #tpu.memory_space<vmem_shared>>
    tpu.wait_indirect_dma semaphore(%arg29 : memref<!tpu.dma_semaphore, #tpu.memory_space<semaphore_mem>>) src(%arg13 : memref<125x64xf32, #tpu.memory_space<vmem>>) dst(%dma_wait3A_103 : memref<10240x64xf32, #tpu.memory_space<vmem_shared>>)
    %dma_wait3A_104 = arith.constant 78 : i32
    %dma_wait3A_105 = arith.constant 0 : i32
    %dma_wait3A_106 = tpu.memref_slice %arg7[%dma_wait3A_104, %dma_wait3A_105] : memref<80x125xi32, #tpu.memory_space<vmem>> -> memref<1x125xi32, #tpu.memory_space<vmem>>
    %dma_wait3A_107 = tpu.memref_squeeze %dma_wait3A_106 : memref<1x125xi32, #tpu.memory_space<vmem>> -> memref<125xi32, #tpu.memory_space<vmem>>
    %dma_wait3A_108 = arith.constant 0 : i32
    %dma_wait3A_109 = arith.constant 0 : i32
    %dma_wait3A_110 = tpu.memref_slice %arg32[%dma_wait3A_108, %dma_wait3A_109] : memref<10240x64xf32, #tpu.memory_space<vmem_shared>> -> memref<10240x64xf32, #tpu.memory_space<vmem_shared>>
    tpu.wait_indirect_dma semaphore(%arg30 : memref<!tpu.dma_semaphore, #tpu.memory_space<semaphore_mem>>) src(%arg14 : memref<125x64xf32, #tpu.memory_space<vmem>>) dst(%dma_wait3A_110 : memref<10240x64xf32, #tpu.memory_space<vmem_shared>>)
    %dma_wait3A_111 = arith.constant 79 : i32
    %dma_wait3A_112 = arith.constant 0 : i32
    %dma_wait3A_113 = tpu.memref_slice %arg7[%dma_wait3A_111, %dma_wait3A_112] : memref<80x125xi32, #tpu.memory_space<vmem>> -> memref<1x125xi32, #tpu.memory_space<vmem>>
    %dma_wait3A_114 = tpu.memref_squeeze %dma_wait3A_113 : memref<1x125xi32, #tpu.memory_space<vmem>> -> memref<125xi32, #tpu.memory_space<vmem>>
    %dma_wait3A_115 = arith.constant 0 : i32
    %dma_wait3A_116 = arith.constant 0 : i32
    %dma_wait3A_117 = tpu.memref_slice %arg32[%dma_wait3A_115, %dma_wait3A_116] : memref<10240x64xf32, #tpu.memory_space<vmem_shared>> -> memref<10240x64xf32, #tpu.memory_space<vmem_shared>>
    tpu.wait_indirect_dma semaphore(%arg31 : memref<!tpu.dma_semaphore, #tpu.memory_space<semaphore_mem>>) src(%arg15 : memref<125x64xf32, #tpu.memory_space<vmem>>) dst(%dma_wait3A_117 : memref<10240x64xf32, #tpu.memory_space<vmem_shared>>)
    %barrier3A_118 = arith.constant 0 : index
    tpu.barrier barrier_id(%barrier3A_118)
    %mul3A_119 = arith.constant 640 : i32
    %mul3A_120 = arith.muli %arg1, %mul3A_119 : i32
    %mul3A_121 = arith.constant 640 : i32
    %mul3A_122 = arith.muli %arg1, %mul3A_121 : i32
    "tpu.region"() ({
      %run_scoped3A_123 = tpu.sem_alloc : memref<!tpu.dma_semaphore, #tpu.memory_space<semaphore_mem>>
      %dma_start3A_124 = arith.constant 0 : i32
      %dma_start3A_125 = tpu.memref_slice %arg5[%arg0, %mul3A_122, %dma_start3A_124] : memref<2x10240x64xf32, #tpu.memory_space<hbm>> -> memref<1x640x64xf32, #tpu.memory_space<hbm>>
      %dma_start3A_126 = tpu.memref_squeeze %dma_start3A_125 : memref<1x640x64xf32, #tpu.memory_space<hbm>> -> memref<640x64xf32, #tpu.memory_space<hbm>>
      %dma_start3A_127 = arith.constant 0 : i32
      %dma_start3A_128 = tpu.memref_slice %arg32[%mul3A_120, %dma_start3A_127] : memref<10240x64xf32, #tpu.memory_space<vmem_shared>> -> memref<640x64xf32, #tpu.memory_space<vmem_shared>>
      tpu.enqueue_dma source(%dma_start3A_128 : memref<640x64xf32, #tpu.memory_space<vmem_shared>>) target(%dma_start3A_126 : memref<640x64xf32, #tpu.memory_space<hbm>>) target_semaphore(%run_scoped3A_123 : memref<!tpu.dma_semaphore, #tpu.memory_space<semaphore_mem>>)
      %dma_wait3A_129 = arith.constant 0 : i32
      %dma_wait3A_130 = tpu.memref_slice %arg5[%arg0, %mul3A_122, %dma_wait3A_129] : memref<2x10240x64xf32, #tpu.memory_space<hbm>> -> memref<1x640x64xf32, #tpu.memory_space<hbm>>
      %dma_wait3A_131 = tpu.memref_squeeze %dma_wait3A_130 : memref<1x640x64xf32, #tpu.memory_space<hbm>> -> memref<640x64xf32, #tpu.memory_space<hbm>>
      %dma_wait3A_132 = arith.constant 0 : i32
      %dma_wait3A_133 = tpu.memref_slice %arg32[%mul3A_120, %dma_wait3A_132] : memref<10240x64xf32, #tpu.memory_space<vmem_shared>> -> memref<640x64xf32, #tpu.memory_space<vmem_shared>>
      tpu.wait_dma2 semaphore(%run_scoped3A_123 : memref<!tpu.dma_semaphore, #tpu.memory_space<semaphore_mem>>) src(%dma_wait3A_133 : memref<640x64xf32, #tpu.memory_space<vmem_shared>>) dst(%dma_wait3A_131 : memref<640x64xf32, #tpu.memory_space<hbm>>)
      tpu.yield
    }) : () -> ()
    return
  }
}

module attributes {stable_mosaic.version = 14 : i64} {
  func.func @body(%arg0: i32, %arg1: memref<1000x128xf32, #tpu.memory_space<vmem>>, %arg2: memref<1000x128xf32, #tpu.memory_space<vmem>>, %arg3: memref<128x64xf32, #tpu.memory_space<vmem>>, %arg4: memref<1000x128xf32, #tpu.memory_space<vmem>>) attributes {dimension_semantics = [#tpu.dimension_semantics<arbitrary>], iteration_bounds = array<i64: 5>, scalar_prefetch = 0 : i64, scratch_operands = 0 : i64, tpu.core_type = #tpu.core_type<tc>, window_params = [{transform_indices = @transform_0, window_bounds = array<i64: 1000, 128>}, {transform_indices = @transform_1, window_bounds = array<i64: 1000, 128>}, {pipeline_mode = #tpu.pipeline_mode<synchronous>, transform_indices = @transform_2, window_bounds = array<i64: 128, 64>}, {transform_indices = @transform_3, window_bounds = array<i64: 1000, 128>}]} {
    %get3A = arith.constant 0 : index
    %get3A_0 = arith.constant 0 : index
    %get3A_1 = vector.load %arg1[%get3A, %get3A_0] : memref<1000x128xf32, #tpu.memory_space<vmem>>, vector<1000x128xf32>
    %get3A_2 = arith.constant 0 : index
    %get3A_3 = arith.constant 0 : index
    %get3A_4 = vector.load %arg3[%get3A_2, %get3A_3] : memref<128x64xf32, #tpu.memory_space<vmem>>, vector<128x64xf32>
    %dot_general3A = arith.constant dense<0.000000e+00> : vector<1000x64xf32>
    %dot_general3A_5 = tpu.matmul %get3A_1, %get3A_4, %dot_general3A {dimension_numbers = #tpu.dot_dimension_numbers<[1], [0], [0], [1], [0, 0, 1, 1], [], []>, transpose_lhs_hint = false} : vector<1000x128xf32>, vector<128x64xf32>, vector<1000x64xf32> -> vector<1000x64xf32>
    %get3A_6 = arith.constant 0 : index
    %get3A_7 = arith.constant 0 : index
    %get3A_8 = vector.load %arg2[%get3A_6, %get3A_7] : memref<1000x128xf32, #tpu.memory_space<vmem>>, vector<1000x128xf32>
    %get3A_9 = arith.constant 0 : index
    %get3A_10 = arith.constant 0 : index
    %get3A_11 = vector.load %arg3[%get3A_9, %get3A_10] : memref<128x64xf32, #tpu.memory_space<vmem>>, vector<128x64xf32>
    %dot_general3A_12 = arith.constant dense<0.000000e+00> : vector<1000x64xf32>
    %dot_general3A_13 = tpu.matmul %get3A_8, %get3A_11, %dot_general3A_12 {dimension_numbers = #tpu.dot_dimension_numbers<[1], [0], [0], [1], [0, 0, 1, 1], [], []>, transpose_lhs_hint = false} : vector<1000x128xf32>, vector<128x64xf32>, vector<1000x64xf32> -> vector<1000x64xf32>
    %concatenate3A = tpu.concatenate %dot_general3A_5, %dot_general3A_13 in 1 : vector<1000x64xf32>, vector<1000x64xf32> -> vector<1000x128xf32>
    %swap3A = arith.constant 0 : index
    %swap3A_14 = arith.constant 0 : index
    %swap3A_15 = vector.load %arg4[%swap3A, %swap3A_14] : memref<1000x128xf32, #tpu.memory_space<vmem>>, vector<1000x128xf32>
    tpu.vector_store %arg4[%swap3A, %swap3A_14], %concatenate3A {strides = array<i32>} : memref<1000x128xf32, #tpu.memory_space<vmem>>, vector<1000x128xf32>,
    return
  }
  func.func @transform_0(%arg0: i32) -> (i32, i32) {
    %c0_i32 = arith.constant 0 : i32
    %c0_i32_0 = arith.constant 0 : i32
    return %arg0, %c0_i32 : i32, i32
  }
  func.func @transform_1(%arg0: i32) -> (i32, i32) {
    %add3A = arith.constant 5 : i32
    %add3A_0 = arith.addi %arg0, %add3A : i32
    %c0_i32 = arith.constant 0 : i32
    %c0_i32_1 = arith.constant 0 : i32
    return %add3A_0, %c0_i32 : i32, i32
  }
  func.func @transform_2(%arg0: i32) -> (i32, i32) {
    %c0_i32 = arith.constant 0 : i32
    %c0_i32_0 = arith.constant 0 : i32
    %c0_i32_1 = arith.constant 0 : i32
    return %c0_i32, %c0_i32_0 : i32, i32
  }
  func.func @transform_3(%arg0: i32) -> (i32, i32) {
    %c0_i32 = arith.constant 0 : i32
    %c0_i32_0 = arith.constant 0 : i32
    return %arg0, %c0_i32 : i32, i32
  }
}

module attributes {stable_mosaic.version = 14 : i64} {
  func.func @body(%arg0: i32, %arg1: memref<2x1000x128xf32, #tpu.memory_space<vmem>>, %arg2: memref<1000x128xf32, #tpu.memory_space<vmem>>, %arg3: memref<1000x128xf32, #tpu.memory_space<vmem>>, %arg4: memref<1000x128xf32, #tpu.memory_space<vmem>>) attributes {dimension_semantics = [#tpu.dimension_semantics<arbitrary>], iteration_bounds = array<i64: 5>, scalar_prefetch = 0 : i64, scratch_operands = 0 : i64, tpu.core_type = #tpu.core_type<tc>, window_params = [{transform_indices = @transform_0, window_bounds = array<i64: 2, 1000, 128>}, {transform_indices = @transform_1, window_bounds = array<i64: 1000, 128>}, {transform_indices = @transform_2, window_bounds = array<i64: 1000, 128>}, {transform_indices = @transform_3, window_bounds = array<i64: 1000, 128>}]} {
    %get3A = arith.constant 0 : index
    %get3A_0 = arith.constant 0 : index
    %get3A_1 = arith.constant 0 : index
    %get3A_2 = vector.load %arg1[%get3A, %get3A_0, %get3A_1] : memref<2x1000x128xf32, #tpu.memory_space<vmem>>, vector<1x1000x128xf32>
    %get3A_3 = vector.shape_cast %get3A_2 : vector<1x1000x128xf32> to vector<1000x128xf32>
    %get3A_4 = arith.constant 1 : index
    %get3A_5 = arith.constant 0 : index
    %get3A_6 = arith.constant 0 : index
    %get3A_7 = vector.load %arg1[%get3A_4, %get3A_5, %get3A_6] : memref<2x1000x128xf32, #tpu.memory_space<vmem>>, vector<1x1000x128xf32>
    %get3A_8 = vector.shape_cast %get3A_7 : vector<1x1000x128xf32> to vector<1000x128xf32>
    %add3A = arith.addf %get3A_3, %get3A_8 : vector<1000x128xf32>
    %add3A_9 = arith.constant 1.000000e+00 : f32
    %add3A_10 = vector.broadcast %add3A_9 : f32 to vector<1000x128xf32>
    %add3A_11 = arith.addf %add3A, %add3A_10 : vector<1000x128xf32>
    %rsqrt3A = math.rsqrt %add3A_11 : vector<1000x128xf32>
    %swap3A = arith.constant 0 : index
    %swap3A_12 = arith.constant 0 : index
    %swap3A_13 = vector.load %arg3[%swap3A, %swap3A_12] : memref<1000x128xf32, #tpu.memory_space<vmem>>, vector<1000x128xf32>
    tpu.vector_store %arg3[%swap3A, %swap3A_12], %rsqrt3A {strides = array<i32>} : memref<1000x128xf32, #tpu.memory_space<vmem>>, vector<1000x128xf32>,
    %get3A_14 = arith.constant 0 : index
    %get3A_15 = arith.constant 0 : index
    %get3A_16 = vector.load %arg2[%get3A_14, %get3A_15] : memref<1000x128xf32, #tpu.memory_space<vmem>>, vector<1000x128xf32>
    %mul3A = arith.mulf %get3A_16, %rsqrt3A : vector<1000x128xf32>
    %swap3A_17 = arith.constant 0 : index
    %swap3A_18 = arith.constant 0 : index
    %swap3A_19 = vector.load %arg4[%swap3A_17, %swap3A_18] : memref<1000x128xf32, #tpu.memory_space<vmem>>, vector<1000x128xf32>
    tpu.vector_store %arg4[%swap3A_17, %swap3A_18], %mul3A {strides = array<i32>} : memref<1000x128xf32, #tpu.memory_space<vmem>>, vector<1000x128xf32>,
    return
  }
  func.func @transform_0(%arg0: i32) -> (i32, i32, i32) {
    %c0_i32 = arith.constant 0 : i32
    %c0_i32_0 = arith.constant 0 : i32
    %c0_i32_1 = arith.constant 0 : i32
    return %c0_i32, %arg0, %c0_i32_0 : i32, i32, i32
  }
  func.func @transform_1(%arg0: i32) -> (i32, i32) {
    %c0_i32 = arith.constant 0 : i32
    %c0_i32_0 = arith.constant 0 : i32
    return %arg0, %c0_i32 : i32, i32
  }
  func.func @transform_2(%arg0: i32) -> (i32, i32) {
    %c0_i32 = arith.constant 0 : i32
    %c0_i32_0 = arith.constant 0 : i32
    return %arg0, %c0_i32 : i32, i32
  }
  func.func @transform_3(%arg0: i32) -> (i32, i32) {
    %c0_i32 = arith.constant 0 : i32
    %c0_i32_0 = arith.constant 0 : i32
    return %arg0, %c0_i32 : i32, i32
  }
}

module attributes {stable_mosaic.version = 14 : i64} {
  func.func @body(%arg0: i32, %arg1: memref<2x1000x128xf32, #tpu.memory_space<vmem>>, %arg2: memref<1000x128xf32, #tpu.memory_space<vmem>>, %arg3: memref<1000x128xf32, #tpu.memory_space<vmem>>, %arg4: memref<1x128xf32, #tpu.memory_space<vmem>>, %arg5: memref<1x128xf32, #tpu.memory_space<vmem>>, %arg6: memref<1x128xf32, #tpu.memory_space<vmem>>, %arg7: memref<128x512xf32, #tpu.memory_space<vmem>>, %arg8: memref<1x512xf32, #tpu.memory_space<vmem>>, %arg9: memref<512x128xf32, #tpu.memory_space<vmem>>, %arg10: memref<128x128xf32, #tpu.memory_space<vmem>>, %arg11: memref<1000x128xf32, #tpu.memory_space<vmem>>) attributes {dimension_semantics = [#tpu.dimension_semantics<arbitrary>], iteration_bounds = array<i64: 5>, scalar_prefetch = 0 : i64, scratch_operands = 0 : i64, tpu.core_type = #tpu.core_type<tc>, window_params = [{transform_indices = @transform_0, window_bounds = array<i64: 2, 1000, 128>}, {transform_indices = @transform_1, window_bounds = array<i64: 1000, 128>}, {transform_indices = @transform_2, window_bounds = array<i64: 1000, 128>}, {pipeline_mode = #tpu.pipeline_mode<synchronous>, transform_indices = @transform_3, window_bounds = array<i64: 1, 128>}, {pipeline_mode = #tpu.pipeline_mode<synchronous>, transform_indices = @transform_4, window_bounds = array<i64: 1, 128>}, {pipeline_mode = #tpu.pipeline_mode<synchronous>, transform_indices = @transform_5, window_bounds = array<i64: 1, 128>}, {pipeline_mode = #tpu.pipeline_mode<synchronous>, transform_indices = @transform_6, window_bounds = array<i64: 128, 512>}, {pipeline_mode = #tpu.pipeline_mode<synchronous>, transform_indices = @transform_7, window_bounds = array<i64: 1, 512>}, {pipeline_mode = #tpu.pipeline_mode<synchronous>, transform_indices = @transform_8, window_bounds = array<i64: 512, 128>}, {pipeline_mode = #tpu.pipeline_mode<synchronous>, transform_indices = @transform_9, window_bounds = array<i64: 128, 128>}, {transform_indices = @transform_10, window_bounds = array<i64: 1000, 128>}]} {
    %get3A = arith.constant 0 : index
    %get3A_0 = arith.constant 0 : index
    %get3A_1 = arith.constant 0 : index
    %get3A_2 = vector.load %arg1[%get3A, %get3A_0, %get3A_1] : memref<2x1000x128xf32, #tpu.memory_space<vmem>>, vector<1x1000x128xf32>
    %get3A_3 = vector.shape_cast %get3A_2 : vector<1x1000x128xf32> to vector<1000x128xf32>
    %get3A_4 = arith.constant 1 : index
    %get3A_5 = arith.constant 0 : index
    %get3A_6 = arith.constant 0 : index
    %get3A_7 = vector.load %arg1[%get3A_4, %get3A_5, %get3A_6] : memref<2x1000x128xf32, #tpu.memory_space<vmem>>, vector<1x1000x128xf32>
    %get3A_8 = vector.shape_cast %get3A_7 : vector<1x1000x128xf32> to vector<1000x128xf32>
    %add3A = arith.addf %get3A_3, %get3A_8 : vector<1000x128xf32>
    %get3A_9 = arith.constant 0 : index
    %get3A_10 = arith.constant 0 : index
    %get3A_11 = vector.load %arg2[%get3A_9, %get3A_10] : memref<1000x128xf32, #tpu.memory_space<vmem>>, vector<1000x128xf32>
    %add3A_12 = arith.addf %add3A, %get3A_11 : vector<1000x128xf32>
    %get3A_13 = arith.constant 0 : index
    %get3A_14 = arith.constant 0 : index
    %get3A_15 = vector.load %arg3[%get3A_13, %get3A_14] : memref<1000x128xf32, #tpu.memory_space<vmem>>, vector<1000x128xf32>
    %mul3A = arith.mulf %add3A_12, %get3A_15 : vector<1000x128xf32>
    %get3A_16 = arith.constant 0 : index
    %get3A_17 = arith.constant 0 : index
    %get3A_18 = vector.load %arg4[%get3A_16, %get3A_17] : memref<1x128xf32, #tpu.memory_space<vmem>>, vector<1x128xf32>
    %add3A_19 = vector.broadcast %get3A_18 : vector<1x128xf32> to vector<1000x128xf32>
    %add3A_20 = arith.addf %mul3A, %add3A_19 : vector<1000x128xf32>
    %max3A = arith.constant 0.000000e+00 : f32
    %max3A_21 = vector.broadcast %max3A : f32 to vector<1000x128xf32>
    %max3A_22 = arith.maximumf %add3A_20, %max3A_21 : vector<1000x128xf32>
    %get3A_23 = arith.constant 0 : index
    %get3A_24 = arith.constant 0 : index
    %get3A_25 = vector.load %arg10[%get3A_23, %get3A_24] : memref<128x128xf32, #tpu.memory_space<vmem>>, vector<128x128xf32>
    %dot_general3A = arith.constant dense<0.000000e+00> : vector<1000x128xf32>
    %dot_general3A_26 = tpu.matmul %max3A_22, %get3A_25, %dot_general3A {dimension_numbers = #tpu.dot_dimension_numbers<[1], [0], [0], [1], [0, 0, 1, 1], [], []>, transpose_lhs_hint = false} : vector<1000x128xf32>, vector<128x128xf32>, vector<1000x128xf32> -> vector<1000x128xf32>
    %sub3A = arith.subf %max3A_22, %dot_general3A_26 : vector<1000x128xf32>
    %mul3A_27 = arith.mulf %sub3A, %sub3A : vector<1000x128xf32>
    %get3A_28 = arith.constant 0 : index
    %get3A_29 = arith.constant 0 : index
    %get3A_30 = vector.load %arg10[%get3A_28, %get3A_29] : memref<128x128xf32, #tpu.memory_space<vmem>>, vector<128x128xf32>
    %dot_general3A_31 = arith.constant dense<0.000000e+00> : vector<1000x128xf32>
    %dot_general3A_32 = tpu.matmul %mul3A_27, %get3A_30, %dot_general3A_31 {dimension_numbers = #tpu.dot_dimension_numbers<[1], [0], [0], [1], [0, 0, 1, 1], [], []>, transpose_lhs_hint = false} : vector<1000x128xf32>, vector<128x128xf32>, vector<1000x128xf32> -> vector<1000x128xf32>
    %add3A_33 = arith.constant 9.99999974E-6 : f32
    %add3A_34 = vector.broadcast %add3A_33 : f32 to vector<1000x128xf32>
    %add3A_35 = arith.addf %dot_general3A_32, %add3A_34 : vector<1000x128xf32>
    %rsqrt3A = math.rsqrt %add3A_35 : vector<1000x128xf32>
    %mul3A_36 = arith.mulf %sub3A, %rsqrt3A : vector<1000x128xf32>
    %get3A_37 = arith.constant 0 : index
    %get3A_38 = arith.constant 0 : index
    %get3A_39 = vector.load %arg5[%get3A_37, %get3A_38] : memref<1x128xf32, #tpu.memory_space<vmem>>, vector<1x128xf32>
    %mul3A_40 = vector.broadcast %get3A_39 : vector<1x128xf32> to vector<1000x128xf32>
    %mul3A_41 = arith.mulf %mul3A_36, %mul3A_40 : vector<1000x128xf32>
    %get3A_42 = arith.constant 0 : index
    %get3A_43 = arith.constant 0 : index
    %get3A_44 = vector.load %arg6[%get3A_42, %get3A_43] : memref<1x128xf32, #tpu.memory_space<vmem>>, vector<1x128xf32>
    %add3A_45 = vector.broadcast %get3A_44 : vector<1x128xf32> to vector<1000x128xf32>
    %add3A_46 = arith.addf %mul3A_41, %add3A_45 : vector<1000x128xf32>
    %get3A_47 = arith.constant 0 : index
    %get3A_48 = arith.constant 0 : index
    %get3A_49 = vector.load %arg7[%get3A_47, %get3A_48] : memref<128x512xf32, #tpu.memory_space<vmem>>, vector<128x512xf32>
    %dot_general3A_50 = arith.constant dense<0.000000e+00> : vector<1000x512xf32>
    %dot_general3A_51 = tpu.matmul %add3A_46, %get3A_49, %dot_general3A_50 {dimension_numbers = #tpu.dot_dimension_numbers<[1], [0], [0], [1], [0, 0, 1, 1], [], []>, transpose_lhs_hint = false} : vector<1000x128xf32>, vector<128x512xf32>, vector<1000x512xf32> -> vector<1000x512xf32>
    %get3A_52 = arith.constant 0 : index
    %get3A_53 = arith.constant 0 : index
    %get3A_54 = vector.load %arg8[%get3A_52, %get3A_53] : memref<1x512xf32, #tpu.memory_space<vmem>>, vector<1x512xf32>
    %add3A_55 = vector.broadcast %get3A_54 : vector<1x512xf32> to vector<1000x512xf32>
    %add3A_56 = arith.addf %dot_general3A_51, %add3A_55 : vector<1000x512xf32>
    %max3A_57 = arith.constant 0.000000e+00 : f32
    %max3A_58 = vector.broadcast %max3A_57 : f32 to vector<1000x512xf32>
    %max3A_59 = arith.maximumf %add3A_56, %max3A_58 : vector<1000x512xf32>
    %get3A_60 = arith.constant 0 : index
    %get3A_61 = arith.constant 0 : index
    %get3A_62 = vector.load %arg9[%get3A_60, %get3A_61] : memref<512x128xf32, #tpu.memory_space<vmem>>, vector<512x128xf32>
    %dot_general3A_63 = arith.constant dense<0.000000e+00> : vector<1000x128xf32>
    %dot_general3A_64 = tpu.matmul %max3A_59, %get3A_62, %dot_general3A_63 {dimension_numbers = #tpu.dot_dimension_numbers<[1], [0], [0], [1], [0, 0, 1, 1], [], []>, transpose_lhs_hint = false} : vector<1000x512xf32>, vector<512x128xf32>, vector<1000x128xf32> -> vector<1000x128xf32>
    %get3A_65 = arith.constant 0 : index
    %get3A_66 = arith.constant 0 : index
    %get3A_67 = vector.load %arg3[%get3A_65, %get3A_66] : memref<1000x128xf32, #tpu.memory_space<vmem>>, vector<1000x128xf32>
    %mul3A_68 = arith.mulf %dot_general3A_64, %get3A_67 : vector<1000x128xf32>
    %swap3A = arith.constant 0 : index
    %swap3A_69 = arith.constant 0 : index
    %swap3A_70 = vector.load %arg11[%swap3A, %swap3A_69] : memref<1000x128xf32, #tpu.memory_space<vmem>>, vector<1000x128xf32>
    tpu.vector_store %arg11[%swap3A, %swap3A_69], %mul3A_68 {strides = array<i32>} : memref<1000x128xf32, #tpu.memory_space<vmem>>, vector<1000x128xf32>,
    return
  }
  func.func @transform_0(%arg0: i32) -> (i32, i32, i32) {
    %c0_i32 = arith.constant 0 : i32
    %c0_i32_0 = arith.constant 0 : i32
    %c0_i32_1 = arith.constant 0 : i32
    return %c0_i32, %arg0, %c0_i32_0 : i32, i32, i32
  }
  func.func @transform_1(%arg0: i32) -> (i32, i32) {
    %c0_i32 = arith.constant 0 : i32
    %c0_i32_0 = arith.constant 0 : i32
    return %arg0, %c0_i32 : i32, i32
  }
  func.func @transform_2(%arg0: i32) -> (i32, i32) {
    %c0_i32 = arith.constant 0 : i32
    %c0_i32_0 = arith.constant 0 : i32
    return %arg0, %c0_i32 : i32, i32
  }
  func.func @transform_3(%arg0: i32) -> (i32, i32) {
    %c0_i32 = arith.constant 0 : i32
    %c0_i32_0 = arith.constant 0 : i32
    %c0_i32_1 = arith.constant 0 : i32
    return %c0_i32, %c0_i32_0 : i32, i32
  }
  func.func @transform_4(%arg0: i32) -> (i32, i32) {
    %c0_i32 = arith.constant 0 : i32
    %c0_i32_0 = arith.constant 0 : i32
    %c0_i32_1 = arith.constant 0 : i32
    return %c0_i32, %c0_i32_0 : i32, i32
  }
  func.func @transform_5(%arg0: i32) -> (i32, i32) {
    %c0_i32 = arith.constant 0 : i32
    %c0_i32_0 = arith.constant 0 : i32
    %c0_i32_1 = arith.constant 0 : i32
    return %c0_i32, %c0_i32_0 : i32, i32
  }
  func.func @transform_6(%arg0: i32) -> (i32, i32) {
    %c0_i32 = arith.constant 0 : i32
    %c0_i32_0 = arith.constant 0 : i32
    %c0_i32_1 = arith.constant 0 : i32
    return %c0_i32, %c0_i32_0 : i32, i32
  }
  func.func @transform_7(%arg0: i32) -> (i32, i32) {
    %c0_i32 = arith.constant 0 : i32
    %c0_i32_0 = arith.constant 0 : i32
    %c0_i32_1 = arith.constant 0 : i32
    return %c0_i32, %c0_i32_0 : i32, i32
  }
  func.func @transform_8(%arg0: i32) -> (i32, i32) {
    %c0_i32 = arith.constant 0 : i32
    %c0_i32_0 = arith.constant 0 : i32
    %c0_i32_1 = arith.constant 0 : i32
    return %c0_i32, %c0_i32_0 : i32, i32
  }
  func.func @transform_9(%arg0: i32) -> (i32, i32) {
    %c0_i32 = arith.constant 0 : i32
    %c0_i32_0 = arith.constant 0 : i32
    %c0_i32_1 = arith.constant 0 : i32
    return %c0_i32, %c0_i32_0 : i32, i32
  }
  func.func @transform_10(%arg0: i32) -> (i32, i32) {
    %c0_i32 = arith.constant 0 : i32
    %c0_i32_0 = arith.constant 0 : i32
    return %arg0, %c0_i32 : i32, i32
  }
}

module attributes {stable_mosaic.version = 14 : i64} {
  func.func @body(%arg0: i32, %arg1: memref<2x1000x128xf32, #tpu.memory_space<vmem>>, %arg2: memref<1000x128xf32, #tpu.memory_space<vmem>>, %arg3: memref<1000x128xf32, #tpu.memory_space<vmem>>, %arg4: memref<1x128xf32, #tpu.memory_space<vmem>>, %arg5: memref<1x128xf32, #tpu.memory_space<vmem>>, %arg6: memref<1x128xf32, #tpu.memory_space<vmem>>, %arg7: memref<128x1024xf32, #tpu.memory_space<vmem>>, %arg8: memref<1x1024xf32, #tpu.memory_space<vmem>>, %arg9: memref<1024x128xf32, #tpu.memory_space<vmem>>, %arg10: memref<128x128xf32, #tpu.memory_space<vmem>>, %arg11: memref<1000x128xf32, #tpu.memory_space<vmem>>) attributes {dimension_semantics = [#tpu.dimension_semantics<arbitrary>], iteration_bounds = array<i64: 5>, scalar_prefetch = 0 : i64, scratch_operands = 0 : i64, tpu.core_type = #tpu.core_type<tc>, window_params = [{transform_indices = @transform_0, window_bounds = array<i64: 2, 1000, 128>}, {transform_indices = @transform_1, window_bounds = array<i64: 1000, 128>}, {transform_indices = @transform_2, window_bounds = array<i64: 1000, 128>}, {pipeline_mode = #tpu.pipeline_mode<synchronous>, transform_indices = @transform_3, window_bounds = array<i64: 1, 128>}, {pipeline_mode = #tpu.pipeline_mode<synchronous>, transform_indices = @transform_4, window_bounds = array<i64: 1, 128>}, {pipeline_mode = #tpu.pipeline_mode<synchronous>, transform_indices = @transform_5, window_bounds = array<i64: 1, 128>}, {pipeline_mode = #tpu.pipeline_mode<synchronous>, transform_indices = @transform_6, window_bounds = array<i64: 128, 1024>}, {pipeline_mode = #tpu.pipeline_mode<synchronous>, transform_indices = @transform_7, window_bounds = array<i64: 1, 1024>}, {pipeline_mode = #tpu.pipeline_mode<synchronous>, transform_indices = @transform_8, window_bounds = array<i64: 1024, 128>}, {pipeline_mode = #tpu.pipeline_mode<synchronous>, transform_indices = @transform_9, window_bounds = array<i64: 128, 128>}, {transform_indices = @transform_10, window_bounds = array<i64: 1000, 128>}]} {
    %get3A = arith.constant 0 : index
    %get3A_0 = arith.constant 0 : index
    %get3A_1 = arith.constant 0 : index
    %get3A_2 = vector.load %arg1[%get3A, %get3A_0, %get3A_1] : memref<2x1000x128xf32, #tpu.memory_space<vmem>>, vector<1x1000x128xf32>
    %get3A_3 = vector.shape_cast %get3A_2 : vector<1x1000x128xf32> to vector<1000x128xf32>
    %get3A_4 = arith.constant 1 : index
    %get3A_5 = arith.constant 0 : index
    %get3A_6 = arith.constant 0 : index
    %get3A_7 = vector.load %arg1[%get3A_4, %get3A_5, %get3A_6] : memref<2x1000x128xf32, #tpu.memory_space<vmem>>, vector<1x1000x128xf32>
    %get3A_8 = vector.shape_cast %get3A_7 : vector<1x1000x128xf32> to vector<1000x128xf32>
    %add3A = arith.addf %get3A_3, %get3A_8 : vector<1000x128xf32>
    %get3A_9 = arith.constant 0 : index
    %get3A_10 = arith.constant 0 : index
    %get3A_11 = vector.load %arg2[%get3A_9, %get3A_10] : memref<1000x128xf32, #tpu.memory_space<vmem>>, vector<1000x128xf32>
    %add3A_12 = arith.addf %add3A, %get3A_11 : vector<1000x128xf32>
    %get3A_13 = arith.constant 0 : index
    %get3A_14 = arith.constant 0 : index
    %get3A_15 = vector.load %arg3[%get3A_13, %get3A_14] : memref<1000x128xf32, #tpu.memory_space<vmem>>, vector<1000x128xf32>
    %mul3A = arith.mulf %add3A_12, %get3A_15 : vector<1000x128xf32>
    %get3A_16 = arith.constant 0 : index
    %get3A_17 = arith.constant 0 : index
    %get3A_18 = vector.load %arg4[%get3A_16, %get3A_17] : memref<1x128xf32, #tpu.memory_space<vmem>>, vector<1x128xf32>
    %add3A_19 = vector.broadcast %get3A_18 : vector<1x128xf32> to vector<1000x128xf32>
    %add3A_20 = arith.addf %mul3A, %add3A_19 : vector<1000x128xf32>
    %max3A = arith.constant 0.000000e+00 : f32
    %max3A_21 = vector.broadcast %max3A : f32 to vector<1000x128xf32>
    %max3A_22 = arith.maximumf %add3A_20, %max3A_21 : vector<1000x128xf32>
    %get3A_23 = arith.constant 0 : index
    %get3A_24 = arith.constant 0 : index
    %get3A_25 = vector.load %arg10[%get3A_23, %get3A_24] : memref<128x128xf32, #tpu.memory_space<vmem>>, vector<128x128xf32>
    %dot_general3A = arith.constant dense<0.000000e+00> : vector<1000x128xf32>
    %dot_general3A_26 = tpu.matmul %max3A_22, %get3A_25, %dot_general3A {dimension_numbers = #tpu.dot_dimension_numbers<[1], [0], [0], [1], [0, 0, 1, 1], [], []>, transpose_lhs_hint = false} : vector<1000x128xf32>, vector<128x128xf32>, vector<1000x128xf32> -> vector<1000x128xf32>
    %sub3A = arith.subf %max3A_22, %dot_general3A_26 : vector<1000x128xf32>
    %mul3A_27 = arith.mulf %sub3A, %sub3A : vector<1000x128xf32>
    %get3A_28 = arith.constant 0 : index
    %get3A_29 = arith.constant 0 : index
    %get3A_30 = vector.load %arg10[%get3A_28, %get3A_29] : memref<128x128xf32, #tpu.memory_space<vmem>>, vector<128x128xf32>
    %dot_general3A_31 = arith.constant dense<0.000000e+00> : vector<1000x128xf32>
    %dot_general3A_32 = tpu.matmul %mul3A_27, %get3A_30, %dot_general3A_31 {dimension_numbers = #tpu.dot_dimension_numbers<[1], [0], [0], [1], [0, 0, 1, 1], [], []>, transpose_lhs_hint = false} : vector<1000x128xf32>, vector<128x128xf32>, vector<1000x128xf32> -> vector<1000x128xf32>
    %add3A_33 = arith.constant 9.99999974E-6 : f32
    %add3A_34 = vector.broadcast %add3A_33 : f32 to vector<1000x128xf32>
    %add3A_35 = arith.addf %dot_general3A_32, %add3A_34 : vector<1000x128xf32>
    %rsqrt3A = math.rsqrt %add3A_35 : vector<1000x128xf32>
    %mul3A_36 = arith.mulf %sub3A, %rsqrt3A : vector<1000x128xf32>
    %get3A_37 = arith.constant 0 : index
    %get3A_38 = arith.constant 0 : index
    %get3A_39 = vector.load %arg5[%get3A_37, %get3A_38] : memref<1x128xf32, #tpu.memory_space<vmem>>, vector<1x128xf32>
    %mul3A_40 = vector.broadcast %get3A_39 : vector<1x128xf32> to vector<1000x128xf32>
    %mul3A_41 = arith.mulf %mul3A_36, %mul3A_40 : vector<1000x128xf32>
    %get3A_42 = arith.constant 0 : index
    %get3A_43 = arith.constant 0 : index
    %get3A_44 = vector.load %arg6[%get3A_42, %get3A_43] : memref<1x128xf32, #tpu.memory_space<vmem>>, vector<1x128xf32>
    %add3A_45 = vector.broadcast %get3A_44 : vector<1x128xf32> to vector<1000x128xf32>
    %add3A_46 = arith.addf %mul3A_41, %add3A_45 : vector<1000x128xf32>
    %get3A_47 = arith.constant 0 : index
    %get3A_48 = arith.constant 0 : index
    %get3A_49 = vector.load %arg7[%get3A_47, %get3A_48] : memref<128x1024xf32, #tpu.memory_space<vmem>>, vector<128x1024xf32>
    %dot_general3A_50 = arith.constant dense<0.000000e+00> : vector<1000x1024xf32>
    %dot_general3A_51 = tpu.matmul %add3A_46, %get3A_49, %dot_general3A_50 {dimension_numbers = #tpu.dot_dimension_numbers<[1], [0], [0], [1], [0, 0, 1, 1], [], []>, transpose_lhs_hint = false} : vector<1000x128xf32>, vector<128x1024xf32>, vector<1000x1024xf32> -> vector<1000x1024xf32>
    %get3A_52 = arith.constant 0 : index
    %get3A_53 = arith.constant 0 : index
    %get3A_54 = vector.load %arg8[%get3A_52, %get3A_53] : memref<1x1024xf32, #tpu.memory_space<vmem>>, vector<1x1024xf32>
    %add3A_55 = vector.broadcast %get3A_54 : vector<1x1024xf32> to vector<1000x1024xf32>
    %add3A_56 = arith.addf %dot_general3A_51, %add3A_55 : vector<1000x1024xf32>
    %max3A_57 = arith.constant 0.000000e+00 : f32
    %max3A_58 = vector.broadcast %max3A_57 : f32 to vector<1000x1024xf32>
    %max3A_59 = arith.maximumf %add3A_56, %max3A_58 : vector<1000x1024xf32>
    %get3A_60 = arith.constant 0 : index
    %get3A_61 = arith.constant 0 : index
    %get3A_62 = vector.load %arg9[%get3A_60, %get3A_61] : memref<1024x128xf32, #tpu.memory_space<vmem>>, vector<1024x128xf32>
    %dot_general3A_63 = arith.constant dense<0.000000e+00> : vector<1000x128xf32>
    %dot_general3A_64 = tpu.matmul %max3A_59, %get3A_62, %dot_general3A_63 {dimension_numbers = #tpu.dot_dimension_numbers<[1], [0], [0], [1], [0, 0, 1, 1], [], []>, transpose_lhs_hint = false} : vector<1000x1024xf32>, vector<1024x128xf32>, vector<1000x128xf32> -> vector<1000x128xf32>
    %get3A_65 = arith.constant 0 : index
    %get3A_66 = arith.constant 0 : index
    %get3A_67 = vector.load %arg3[%get3A_65, %get3A_66] : memref<1000x128xf32, #tpu.memory_space<vmem>>, vector<1000x128xf32>
    %mul3A_68 = arith.mulf %dot_general3A_64, %get3A_67 : vector<1000x128xf32>
    %swap3A = arith.constant 0 : index
    %swap3A_69 = arith.constant 0 : index
    %swap3A_70 = vector.load %arg11[%swap3A, %swap3A_69] : memref<1000x128xf32, #tpu.memory_space<vmem>>, vector<1000x128xf32>
    tpu.vector_store %arg11[%swap3A, %swap3A_69], %mul3A_68 {strides = array<i32>} : memref<1000x128xf32, #tpu.memory_space<vmem>>, vector<1000x128xf32>,
    return
  }
  func.func @transform_0(%arg0: i32) -> (i32, i32, i32) {
    %c0_i32 = arith.constant 0 : i32
    %c0_i32_0 = arith.constant 0 : i32
    %c0_i32_1 = arith.constant 0 : i32
    return %c0_i32, %arg0, %c0_i32_0 : i32, i32, i32
  }
  func.func @transform_1(%arg0: i32) -> (i32, i32) {
    %c0_i32 = arith.constant 0 : i32
    %c0_i32_0 = arith.constant 0 : i32
    return %arg0, %c0_i32 : i32, i32
  }
  func.func @transform_2(%arg0: i32) -> (i32, i32) {
    %c0_i32 = arith.constant 0 : i32
    %c0_i32_0 = arith.constant 0 : i32
    return %arg0, %c0_i32 : i32, i32
  }
  func.func @transform_3(%arg0: i32) -> (i32, i32) {
    %c0_i32 = arith.constant 0 : i32
    %c0_i32_0 = arith.constant 0 : i32
    %c0_i32_1 = arith.constant 0 : i32
    return %c0_i32, %c0_i32_0 : i32, i32
  }
  func.func @transform_4(%arg0: i32) -> (i32, i32) {
    %c0_i32 = arith.constant 0 : i32
    %c0_i32_0 = arith.constant 0 : i32
    %c0_i32_1 = arith.constant 0 : i32
    return %c0_i32, %c0_i32_0 : i32, i32
  }
  func.func @transform_5(%arg0: i32) -> (i32, i32) {
    %c0_i32 = arith.constant 0 : i32
    %c0_i32_0 = arith.constant 0 : i32
    %c0_i32_1 = arith.constant 0 : i32
    return %c0_i32, %c0_i32_0 : i32, i32
  }
  func.func @transform_6(%arg0: i32) -> (i32, i32) {
    %c0_i32 = arith.constant 0 : i32
    %c0_i32_0 = arith.constant 0 : i32
    %c0_i32_1 = arith.constant 0 : i32
    return %c0_i32, %c0_i32_0 : i32, i32
  }
  func.func @transform_7(%arg0: i32) -> (i32, i32) {
    %c0_i32 = arith.constant 0 : i32
    %c0_i32_0 = arith.constant 0 : i32
    %c0_i32_1 = arith.constant 0 : i32
    return %c0_i32, %c0_i32_0 : i32, i32
  }
  func.func @transform_8(%arg0: i32) -> (i32, i32) {
    %c0_i32 = arith.constant 0 : i32
    %c0_i32_0 = arith.constant 0 : i32
    %c0_i32_1 = arith.constant 0 : i32
    return %c0_i32, %c0_i32_0 : i32, i32
  }
  func.func @transform_9(%arg0: i32) -> (i32, i32) {
    %c0_i32 = arith.constant 0 : i32
    %c0_i32_0 = arith.constant 0 : i32
    %c0_i32_1 = arith.constant 0 : i32
    return %c0_i32, %c0_i32_0 : i32, i32
  }
  func.func @transform_10(%arg0: i32) -> (i32, i32) {
    %c0_i32 = arith.constant 0 : i32
    %c0_i32_0 = arith.constant 0 : i32
    return %arg0, %c0_i32 : i32, i32
  }
}

module attributes {stable_mosaic.version = 14 : i64} {
  func.func @body(%arg0: i32, %arg1: memref<2x1000x128xf32, #tpu.memory_space<vmem>>, %arg2: memref<1000x128xf32, #tpu.memory_space<vmem>>, %arg3: memref<1000x128xf32, #tpu.memory_space<vmem>>, %arg4: memref<1x128xf32, #tpu.memory_space<vmem>>, %arg5: memref<1x128xf32, #tpu.memory_space<vmem>>, %arg6: memref<1x128xf32, #tpu.memory_space<vmem>>, %arg7: memref<128x2048xf32, #tpu.memory_space<vmem>>, %arg8: memref<1x2048xf32, #tpu.memory_space<vmem>>, %arg9: memref<128x128xf32, #tpu.memory_space<vmem>>, %arg10: memref<1x1024xf32, #tpu.memory_space<vmem>>) attributes {dimension_semantics = [#tpu.dimension_semantics<arbitrary>], iteration_bounds = array<i64: 5>, scalar_prefetch = 0 : i64, scratch_operands = 0 : i64, tpu.core_type = #tpu.core_type<tc>, window_params = [{transform_indices = @transform_0, window_bounds = array<i64: 2, 1000, 128>}, {transform_indices = @transform_1, window_bounds = array<i64: 1000, 128>}, {transform_indices = @transform_2, window_bounds = array<i64: 1000, 128>}, {pipeline_mode = #tpu.pipeline_mode<synchronous>, transform_indices = @transform_3, window_bounds = array<i64: 1, 128>}, {pipeline_mode = #tpu.pipeline_mode<synchronous>, transform_indices = @transform_4, window_bounds = array<i64: 1, 128>}, {pipeline_mode = #tpu.pipeline_mode<synchronous>, transform_indices = @transform_5, window_bounds = array<i64: 1, 128>}, {pipeline_mode = #tpu.pipeline_mode<synchronous>, transform_indices = @transform_6, window_bounds = array<i64: 128, 2048>}, {pipeline_mode = #tpu.pipeline_mode<synchronous>, transform_indices = @transform_7, window_bounds = array<i64: 1, 2048>}, {pipeline_mode = #tpu.pipeline_mode<synchronous>, transform_indices = @transform_8, window_bounds = array<i64: 128, 128>}, {pipeline_mode = #tpu.pipeline_mode<synchronous>, transform_indices = @transform_9, window_bounds = array<i64: 1, 1024>}]} {
    %get3A = arith.constant 0 : index
    %get3A_0 = arith.constant 0 : index
    %get3A_1 = arith.constant 0 : index
    %get3A_2 = vector.load %arg1[%get3A, %get3A_0, %get3A_1] : memref<2x1000x128xf32, #tpu.memory_space<vmem>>, vector<1x1000x128xf32>
    %get3A_3 = vector.shape_cast %get3A_2 : vector<1x1000x128xf32> to vector<1000x128xf32>
    %get3A_4 = arith.constant 1 : index
    %get3A_5 = arith.constant 0 : index
    %get3A_6 = arith.constant 0 : index
    %get3A_7 = vector.load %arg1[%get3A_4, %get3A_5, %get3A_6] : memref<2x1000x128xf32, #tpu.memory_space<vmem>>, vector<1x1000x128xf32>
    %get3A_8 = vector.shape_cast %get3A_7 : vector<1x1000x128xf32> to vector<1000x128xf32>
    %add3A = arith.addf %get3A_3, %get3A_8 : vector<1000x128xf32>
    %get3A_9 = arith.constant 0 : index
    %get3A_10 = arith.constant 0 : index
    %get3A_11 = vector.load %arg2[%get3A_9, %get3A_10] : memref<1000x128xf32, #tpu.memory_space<vmem>>, vector<1000x128xf32>
    %add3A_12 = arith.addf %add3A, %get3A_11 : vector<1000x128xf32>
    %get3A_13 = arith.constant 0 : index
    %get3A_14 = arith.constant 0 : index
    %get3A_15 = vector.load %arg3[%get3A_13, %get3A_14] : memref<1000x128xf32, #tpu.memory_space<vmem>>, vector<1000x128xf32>
    %mul3A = arith.mulf %add3A_12, %get3A_15 : vector<1000x128xf32>
    %get3A_16 = arith.constant 0 : index
    %get3A_17 = arith.constant 0 : index
    %get3A_18 = vector.load %arg4[%get3A_16, %get3A_17] : memref<1x128xf32, #tpu.memory_space<vmem>>, vector<1x128xf32>
    %add3A_19 = vector.broadcast %get3A_18 : vector<1x128xf32> to vector<1000x128xf32>
    %add3A_20 = arith.addf %mul3A, %add3A_19 : vector<1000x128xf32>
    %max3A = arith.constant 0.000000e+00 : f32
    %max3A_21 = vector.broadcast %max3A : f32 to vector<1000x128xf32>
    %max3A_22 = arith.maximumf %add3A_20, %max3A_21 : vector<1000x128xf32>
    %get3A_23 = arith.constant 0 : index
    %get3A_24 = arith.constant 0 : index
    %get3A_25 = vector.load %arg9[%get3A_23, %get3A_24] : memref<128x128xf32, #tpu.memory_space<vmem>>, vector<128x128xf32>
    %dot_general3A = arith.constant dense<0.000000e+00> : vector<1000x128xf32>
    %dot_general3A_26 = tpu.matmul %max3A_22, %get3A_25, %dot_general3A {dimension_numbers = #tpu.dot_dimension_numbers<[1], [0], [0], [1], [0, 0, 1, 1], [], []>, transpose_lhs_hint = false} : vector<1000x128xf32>, vector<128x128xf32>, vector<1000x128xf32> -> vector<1000x128xf32>
    %sub3A = arith.subf %max3A_22, %dot_general3A_26 : vector<1000x128xf32>
    %mul3A_27 = arith.mulf %sub3A, %sub3A : vector<1000x128xf32>
    %get3A_28 = arith.constant 0 : index
    %get3A_29 = arith.constant 0 : index
    %get3A_30 = vector.load %arg9[%get3A_28, %get3A_29] : memref<128x128xf32, #tpu.memory_space<vmem>>, vector<128x128xf32>
    %dot_general3A_31 = arith.constant dense<0.000000e+00> : vector<1000x128xf32>
    %dot_general3A_32 = tpu.matmul %mul3A_27, %get3A_30, %dot_general3A_31 {dimension_numbers = #tpu.dot_dimension_numbers<[1], [0], [0], [1], [0, 0, 1, 1], [], []>, transpose_lhs_hint = false} : vector<1000x128xf32>, vector<128x128xf32>, vector<1000x128xf32> -> vector<1000x128xf32>
    %add3A_33 = arith.constant 9.99999974E-6 : f32
    %add3A_34 = vector.broadcast %add3A_33 : f32 to vector<1000x128xf32>
    %add3A_35 = arith.addf %dot_general3A_32, %add3A_34 : vector<1000x128xf32>
    %rsqrt3A = math.rsqrt %add3A_35 : vector<1000x128xf32>
    %mul3A_36 = arith.mulf %sub3A, %rsqrt3A : vector<1000x128xf32>
    %get3A_37 = arith.constant 0 : index
    %get3A_38 = arith.constant 0 : index
    %get3A_39 = vector.load %arg5[%get3A_37, %get3A_38] : memref<1x128xf32, #tpu.memory_space<vmem>>, vector<1x128xf32>
    %mul3A_40 = vector.broadcast %get3A_39 : vector<1x128xf32> to vector<1000x128xf32>
    %mul3A_41 = arith.mulf %mul3A_36, %mul3A_40 : vector<1000x128xf32>
    %get3A_42 = arith.constant 0 : index
    %get3A_43 = arith.constant 0 : index
    %get3A_44 = vector.load %arg6[%get3A_42, %get3A_43] : memref<1x128xf32, #tpu.memory_space<vmem>>, vector<1x128xf32>
    %add3A_45 = vector.broadcast %get3A_44 : vector<1x128xf32> to vector<1000x128xf32>
    %add3A_46 = arith.addf %mul3A_41, %add3A_45 : vector<1000x128xf32>
    %get3A_47 = arith.constant 0 : index
    %get3A_48 = arith.constant 0 : index
    %get3A_49 = vector.load %arg7[%get3A_47, %get3A_48] : memref<128x2048xf32, #tpu.memory_space<vmem>>, vector<128x2048xf32>
    %dot_general3A_50 = arith.constant dense<0.000000e+00> : vector<1000x2048xf32>
    %dot_general3A_51 = tpu.matmul %add3A_46, %get3A_49, %dot_general3A_50 {dimension_numbers = #tpu.dot_dimension_numbers<[1], [0], [0], [1], [0, 0, 1, 1], [], []>, transpose_lhs_hint = false} : vector<1000x128xf32>, vector<128x2048xf32>, vector<1000x2048xf32> -> vector<1000x2048xf32>
    %get3A_52 = arith.constant 0 : index
    %get3A_53 = arith.constant 0 : index
    %get3A_54 = vector.load %arg8[%get3A_52, %get3A_53] : memref<1x2048xf32, #tpu.memory_space<vmem>>, vector<1x2048xf32>
    %add3A_55 = vector.broadcast %get3A_54 : vector<1x2048xf32> to vector<1000x2048xf32>
    %add3A_56 = arith.addf %dot_general3A_51, %add3A_55 : vector<1000x2048xf32>
    %max3A_57 = arith.constant 0.000000e+00 : f32
    %max3A_58 = vector.broadcast %max3A_57 : f32 to vector<1000x2048xf32>
    %max3A_59 = arith.maximumf %add3A_56, %max3A_58 : vector<1000x2048xf32>
    %reduce_max3A = arith.constant dense<0xFF800000> : vector<2048xf32>
    %reduce_max3A_60 = vector.multi_reduction <maximumf>, %max3A_59, %reduce_max3A [0] : vector<1000x2048xf32> to vector<2048xf32>
    %broadcast_in_dim3A = vector.shape_cast %reduce_max3A_60 : vector<2048xf32> to vector<1x2048xf32>
    %slice3A = vector.extract_strided_slice %broadcast_in_dim3A {offsets = [0, 0], sizes = [1, 1024], strides = [1, 1]} : vector<1x2048xf32> to vector<1x1024xf32>
    %slice3A_61 = vector.extract_strided_slice %broadcast_in_dim3A {offsets = [0, 1024], sizes = [1, 1024], strides = [1, 1]} : vector<1x2048xf32> to vector<1x1024xf32>
    %max3A_62 = arith.maximumf %slice3A, %slice3A_61 : vector<1x1024xf32>
    %eq3A = arith.constant 0 : i32
    %eq3A_63 = arith.cmpi eq, %arg0, %eq3A : i32
    %convert_element_type3A = arith.extui %eq3A_63 : i1 to i32
    %cond3A = arith.constant 0 : i32
    %cond3A_64 = arith.cmpi ne, %convert_element_type3A, %cond3A : i32
    scf.if %cond3A_64 {
      %swap3A = arith.constant 0 : index
      %swap3A_69 = arith.constant 0 : index
      %swap3A_70 = vector.load %arg10[%swap3A, %swap3A_69] : memref<1x1024xf32, #tpu.memory_space<vmem>>, vector<1x1024xf32>
      tpu.vector_store %arg10[%swap3A, %swap3A_69], %max3A_62 {strides = array<i32>} : memref<1x1024xf32, #tpu.memory_space<vmem>>, vector<1x1024xf32>,
    } else {
    }
    %gt3A = arith.constant 0 : i32
    %gt3A_65 = arith.cmpi sgt, %arg0, %gt3A : i32
    %convert_element_type3A_66 = arith.extui %gt3A_65 : i1 to i32
    %cond3A_67 = arith.constant 0 : i32
    %cond3A_68 = arith.cmpi ne, %convert_element_type3A_66, %cond3A_67 : i32
    scf.if %cond3A_68 {
      %get3A_69 = arith.constant 0 : index
      %get3A_70 = arith.constant 0 : index
      %get3A_71 = vector.load %arg10[%get3A_69, %get3A_70] : memref<1x1024xf32, #tpu.memory_space<vmem>>, vector<1x1024xf32>
      %max3A_72 = arith.maximumf %get3A_71, %max3A_62 : vector<1x1024xf32>
      %swap3A = arith.constant 0 : index
      %swap3A_73 = arith.constant 0 : index
      %swap3A_74 = vector.load %arg10[%swap3A, %swap3A_73] : memref<1x1024xf32, #tpu.memory_space<vmem>>, vector<1x1024xf32>
      tpu.vector_store %arg10[%swap3A, %swap3A_73], %max3A_72 {strides = array<i32>} : memref<1x1024xf32, #tpu.memory_space<vmem>>, vector<1x1024xf32>,
    } else {
    }
    return
  }
  func.func @transform_0(%arg0: i32) -> (i32, i32, i32) {
    %c0_i32 = arith.constant 0 : i32
    %c0_i32_0 = arith.constant 0 : i32
    %c0_i32_1 = arith.constant 0 : i32
    return %c0_i32, %arg0, %c0_i32_0 : i32, i32, i32
  }
  func.func @transform_1(%arg0: i32) -> (i32, i32) {
    %c0_i32 = arith.constant 0 : i32
    %c0_i32_0 = arith.constant 0 : i32
    return %arg0, %c0_i32 : i32, i32
  }
  func.func @transform_2(%arg0: i32) -> (i32, i32) {
    %c0_i32 = arith.constant 0 : i32
    %c0_i32_0 = arith.constant 0 : i32
    return %arg0, %c0_i32 : i32, i32
  }
  func.func @transform_3(%arg0: i32) -> (i32, i32) {
    %c0_i32 = arith.constant 0 : i32
    %c0_i32_0 = arith.constant 0 : i32
    %c0_i32_1 = arith.constant 0 : i32
    return %c0_i32, %c0_i32_0 : i32, i32
  }
  func.func @transform_4(%arg0: i32) -> (i32, i32) {
    %c0_i32 = arith.constant 0 : i32
    %c0_i32_0 = arith.constant 0 : i32
    %c0_i32_1 = arith.constant 0 : i32
    return %c0_i32, %c0_i32_0 : i32, i32
  }
  func.func @transform_5(%arg0: i32) -> (i32, i32) {
    %c0_i32 = arith.constant 0 : i32
    %c0_i32_0 = arith.constant 0 : i32
    %c0_i32_1 = arith.constant 0 : i32
    return %c0_i32, %c0_i32_0 : i32, i32
  }
  func.func @transform_6(%arg0: i32) -> (i32, i32) {
    %c0_i32 = arith.constant 0 : i32
    %c0_i32_0 = arith.constant 0 : i32
    %c0_i32_1 = arith.constant 0 : i32
    return %c0_i32, %c0_i32_0 : i32, i32
  }
  func.func @transform_7(%arg0: i32) -> (i32, i32) {
    %c0_i32 = arith.constant 0 : i32
    %c0_i32_0 = arith.constant 0 : i32
    %c0_i32_1 = arith.constant 0 : i32
    return %c0_i32, %c0_i32_0 : i32, i32
  }
  func.func @transform_8(%arg0: i32) -> (i32, i32) {
    %c0_i32 = arith.constant 0 : i32
    %c0_i32_0 = arith.constant 0 : i32
    %c0_i32_1 = arith.constant 0 : i32
    return %c0_i32, %c0_i32_0 : i32, i32
  }
  func.func @transform_9(%arg0: i32) -> (i32, i32) {
    %c0_i32 = arith.constant 0 : i32
    %c0_i32_0 = arith.constant 0 : i32
    %c0_i32_1 = arith.constant 0 : i32
    return %c0_i32, %c0_i32_0 : i32, i32
  }
}

</mosaic_0001>

<sc_bundles>
// kernel: kernel.11.cloned.1.call-start
scs
__scs_entry_jumppad:
0x0: {  	(pc) =	sbr.rel $0x88, $3  }
0x1: {  	(tag) =	ssettag $0x0;
	lr =	simm.s32 $0x1  }
0x2: {  	[smem:$0x3F8D] =	sst lr;
	_ =	strace $0xD0000000  }
0x3: {  	_ = 	snop  }
0x4: {  	_ = 	snop  }
0x5: {  	_ = 	snop  }
0x6: {  	_ = 	snop  }
0x7: {  	_ = 	snop  }
__scs_overlays_trampoline_lowered:
0x8: {  	[smem:$0x3F9C] =	sst s0  }
0x9: {  	[smem:$0x3F9D] =	sst s1  }
0xa: {  	[smem:$0x3F9E] =	sst s2  }
0xb: {  	[smem:$0x3F9F] =	sst s3  }
0xc: {  	[smem:$0x3FA0] =	sst s4  }
0xd: {  	[smem:$0x3FA1] =	sst s5  }
0xe: {  	[smem:$0x3FA2] =	sst s6  }
0xf: {  	[smem:$0x3FA3] =	sst s7  }
0x10: {  	[smem:$0x3FA4] =	sst s8  }
0x11: {  	[smem:$0x3FA5] =	sst s9;
	s0 =	simm.s32 @!p0 $0x0  }
0x12: {  	s1 =	sld [smem:$0x3F8B];
	s0 =	simm.s32 @p0 $0x1  }
0x13: {  	[smem:$0x3FA6] =	sst s0;
	s0 =	simm.s32 @!p1 $0x0  }
0x14: {  	s2 =	sld [smem:$0x3F8A];
	s0 =	simm.s32 @p1 $0x1  }
0x15: {  	[smem:$0x3FA7] =	sst s0;
	s0 =	simm.s32 @!p2 $0x0  }
0x16: {  	s3 =	sld [smem:$0x3FDB];
	s0 =	simm.s32 @p2 $0x1  }
0x17: {  	s4 =	simm.s32 $0x1BF5;
	[smem:$0x3FA9] =	sst s0  }
0x18: {  	s0 =	sld [smem:$0x3F8C];
	_ =	swait.ge [sflag:s4], $0x0  }
0x19: {  	s7 =	sld [smem:$0x3F8D]  }
0x1a: {  	s8 =	sadd.s32 $0xFFFFE003, lr  }
0x1b: {  	s9 =	sadd.s32 $0xFFFFFEF7, lr;
	s5 =	simm.s32 $0xFFFFFFFF;
	p2 =	slt.u32 s8, $0xFFFFF086  }
0x1c: {  	p1 =	slt.u32 s9, $0xF7A;
	s5 =	simm.s32 @!p2 $0x0  }
0x1d: {  	s5 =	simm.s32 @p1 $0x1;
	p0 =	seq.s32 s7, s2  }
0x1e: {  	s7 =	smul.u32 @!p0 $0xF7A, s2;
	p2 =	seq.s32 @!p0 s5, $0x0  }
0x1f: {  	s9 =	smul.u32 $0xF7A, s1;
	s8 =	simm.s32 @!p0 $0x1BF5;
	p2 =	por !p2, p0  }
0x20: {  	[sflag:s8] =	ssyncset.s32 @!p0 $0xFFFFF086;
	s6 =	sadd.s32 @!p0 s3, s7;
	s7 =	simm.s32 @!p0 $0x108  }
0x21: {  	s3 =	sadd.s32 s3, s9;
	s6 =	sadd.s32 @!p0 $0x88, s6;
	s7 =	simm.s32 @p2 $0x1082  }
0x22: {  	[simem:s7], [sflag:s8] =	dma.local @!p0 [hbm:s6], $0xF7A  }
0x23: {  	s9 =	sor.u32 $0xD0000000, s2;
	s6 =	simm.s32 $0x108;
	_ =	swait.ge @!p0 [sflag:s8], $0x0  }
0x24: {  	s3 =	sadd.s32 $0x88, s3;
	s6 =	simm.s32 @!p1 $0x1082;
	[sflag:s4] =	ssyncset.s32 $0xFFFFF086  }
0x25: {  	[simem:s6], [sflag:s4] =	dma.local [hbm:s3], $0xF7A  }
0x26: {  	[smem:$0x3F8D] =	sst s1;
	(tag) =	ssettag s2;
	_ =	strace s9  }
0x27: {  	s1 =	sld [smem:$0x3F9D]  }
0x28: {  	s2 =	sld [smem:$0x3F9E]  }
0x29: {  	s4 =	sld [smem:$0x3FA0]  }
0x2a: {  	p0 =	seq.s32 s5, $0x0;
	s5 =	sld [smem:$0x3FA1]  }
0x2b: {  	s6 =	sld [smem:$0x3FA2]  }
0x2c: {  	s7 =	sld [smem:$0x3FA3]  }
0x2d: {  	s3 =	simm.s32 $0x108;
	s8 =	sld [smem:$0x3FA4]  }
0x2e: {  	s3 =	simm.s32 @!p0 $0x1082;
	s9 =	sld [smem:$0x3FA5]  }
0x2f: {  	lr =	sadd.s32 s0, s3;
	s0 =	sld [smem:$0x3F9C]  }
0x30: {  	s3 =	sld [smem:$0x3F9F]  }
0x31: {  	[smem:$0x3FA8] =	sst s10  }
0x32: {  	s10 =	sld [smem:$0x3FA6];
	_ =	sdelay $0x3  }
0x33: {  	p0 =	seq.s32 s10, $0x1;
	s10 =	sld [smem:$0x3FA8];
	_ =	sdelay $0x3  }
0x34: {  	[smem:$0x3FA8] =	sst s10  }
0x35: {  	s10 =	sld [smem:$0x3FA7];
	_ =	sdelay $0x3  }
0x36: {  	p1 =	seq.s32 s10, $0x1;
	s10 =	sld [smem:$0x3FA8];
	_ =	sdelay $0x3  }
0x37: {  	[smem:$0x3FA8] =	sst s10  }
0x38: {  	s10 =	sld [smem:$0x3FA9]  }
0x39: {  	_ = 	snop;
	(pc) =	sbr.ind lr, $3  }
0x3a: {  	_ = 	snop  }
0x3b: {  	_ = 	snop  }
0x3c: {  	p2 =	seq.s32 s10, $0x1;
	s10 =	sld [smem:$0x3FA8]  }
0x3d: {  	_ =	shalt  }
0x3e: {  	_ =	shalt  }
0x3f: {  	_ =	shalt  }
0x40: {  	_ =	shalt  }
0x41: {  	_ =	shalt  }
0x42: {  	_ =	shalt  }
0x43: {  	_ =	shalt  }
0x44: {  	_ =	shalt  }
0x45: {  	_ =	shalt  }
0x46: {  	_ =	shalt  }
0x47: {  	_ =	shalt  }
0x48: {  	_ =	shalt  }
0x49: {  	_ =	shalt  }
0x4a: {  	_ =	shalt  }
0x4b: {  	_ =	shalt  }
0x4c: {  	_ =	shalt  }
0x4d: {  	_ =	shalt  }
0x4e: {  	_ =	shalt  }
0x4f: {  	_ =	shalt  }
0x50: {  	_ =	shalt  }
0x51: {  	_ =	shalt  }
0x52: {  	_ =	shalt  }
0x53: {  	_ =	shalt  }
0x54: {  	_ =	shalt  }
0x55: {  	_ =	shalt  }
0x56: {  	_ =	shalt  }
0x57: {  	_ =	shalt  }
0x58: {  	_ =	shalt  }
0x59: {  	_ =	shalt  }
0x5a: {  	_ =	shalt  }
0x5b: {  	_ =	shalt  }
0x5c: {  	_ =	shalt  }
0x5d: {  	_ =	shalt  }
0x5e: {  	_ =	shalt  }
0x5f: {  	_ =	shalt  }
0x60: {  	_ =	shalt  }
0x61: {  	_ =	shalt  }
0x62: {  	_ =	shalt  }
0x63: {  	_ =	shalt  }
0x64: {  	_ =	shalt  }
0x65: {  	_ =	shalt  }
0x66: {  	_ =	shalt  }
0x67: {  	_ =	shalt  }
0x68: {  	_ =	shalt  }
0x69: {  	_ =	shalt  }
0x6a: {  	_ =	shalt  }
0x6b: {  	_ =	shalt  }
0x6c: {  	_ =	shalt  }
0x6d: {  	_ =	shalt  }
0x6e: {  	_ =	shalt  }
0x6f: {  	_ =	shalt  }
0x70: {  	_ =	shalt  }
0x71: {  	_ =	shalt  }
0x72: {  	_ =	shalt  }
0x73: {  	_ =	shalt  }
0x74: {  	_ =	shalt  }
0x75: {  	_ =	shalt  }
0x76: {  	_ =	shalt  }
0x77: {  	_ =	shalt  }
0x78: {  	_ =	shalt  }
0x79: {  	_ =	shalt  }
0x7a: {  	_ =	shalt  }
0x7b: {  	_ =	shalt  }
0x7c: {  	_ =	shalt  }
0x7d: {  	_ =	shalt  }
0x7e: {  	_ =	shalt  }
0x7f: {  	_ =	shalt  }
0x80: {  	_ =	shalt  }
0x81: {  	_ =	shalt  }
0x82: {  	_ =	shalt  }
0x83: {  	_ =	shalt  }
0x84: {  	_ =	shalt  }
0x85: {  	_ =	shalt  }
0x86: {  	_ =	shalt  }
0x87: {  	_ =	shalt  }
.Lfunc_end0:
.L_simem_size_0:
called_computation_lowered:
.L_overlay_start_0:
0x88: {  	s2 =	sld [smem:$0x3FD9]  }
0x89: {  	s3 =	sld [smem:$0x3FFE];
	_ =	sdelay $0x1  }
0x8a: {  	s1 =	srdreg.scid  }
0x8b: {  	s0 =	sand.u32 $0x1, s1  }
0x8c: {  	s16 =	sshll.u32 s0, $0xA;
	s2 =	sadd.s32 s3, s2  }
0x8d: {  	s2 =	sadd.s32 s2, s16  }
0x8e: {  	[smem:$0x3FB4] =	sst s2  }
0x8f: {  	_ = 	snop  }
0x90: {  	(tm) =	ssettm $0x1  }
0x91: {  	s17 =	sld [smem:$0x3FFB];
	_ =	sdelay $0x3  }
0x92: {  	_ =	strace s17  }
0x93: {  	s2 =	sld [smem:$0x3FFC];
	_ =	sdelay $0x3  }
0x94: {  	_ =	strace s2  }
0x95: {  	s2 =	sld [smem:$0x3FFD];
	_ =	sdelay $0x3  }
0x96: {  	_ =	strace s2  }
0x97: {  	_ =	strace $0x8FFFFFFF  }
0x98: {  	s18 =	sld [smem:$0x3FDB];
	_ =	sdelay $0x1  }
0x99: {  	s19 =	simm.s32 $_scs_section_size  }
0x9a: {  	s4 =	simm.s32 $_size__tile_overlayer_lowered;
	s5 =	simm.s32 $_tile_overlayer_lowered  }
0x9b: {  	s22 =	simm.s32 $0x1BFF;
	s21 =	sshll.u32 s5, $0x1;
	s2 =	sadd.s32 s19, s18  }
0x9c: {  	s6 =	simm.s32 $0x0;
	s20 =	sshll.u32 s4, $0x1;
	s4 =	sadd.s32 s21, s2  }
0x9d: {  	[timem:s6], [sflag:s22] =	dma.local [hbm:s4], s20  }
0x9e: {  	_ =	swait.ge [sflag:s22], s20  }
0x9f: {  	s3 =	ssub.s32 $0x0, s20;
	[sflag:s22] =	ssyncset.done $0x0  }
0xa0: {  	[sflag:s22] =	ssyncadd.s32 s3;
	_ =	sdelay $0x1  }
0xa1: {  	s23 =	simm.s32 $0x1B8B  }
0xa2: {  	_ =	swait.ge [sflag:s23], $0x1  }
0xa3: {  	[sflag:s23] =	ssyncset.done $0x0  }
0xa4: {  	s25 =	simm.s32 $0x1B8E;
	s24 =	sld [smem:$0x3FFE];
	[sflag:s23] =	ssyncadd.s32 $0xFFFFFFFF  }
0xa5: {  	s26 =	simm.s32 $execute0_lowered;
	[smem:$0x3FD2] =	sst s25  }
0xa6: {  	s4 =	sshll.u32 s26, $0x1;
	_ =	strace $0x80000046;
	[dreg:$0x1] =	wrdreg $0xFFFFFFFF  }
0xa7: {  	s28 =	simm.s32 $_size_execute0_lowered;
	s2 =	sadd.s32 s2, s4;
	[dreg:$0x0] =	wrdreg $0x0  }
0xa8: {  	s4 =	sshll.u32 s28, $0x1;
	[dreg:$0x2] =	wrdreg s2  }
0xa9: {  	[dreg:$0x3] =	wrdreg s4  }
0xaa: {  	[dreg:$0x4] =	wrdreg $0xC0  }
0xab: {  	_ =	task [dreg:s6], $0x5FFFF  }
0xac: {  	[dreg:$0x1] =	wrdreg $0xFFFFFFFF  }
0xad: {  	[dreg:$0x0] =	wrdreg $0x60  }
0xae: {  	[dreg:$0x2] =	wrdreg s24  }
0xaf: {  	[dreg:$0x3] =	wrdreg $0xF7D00  }
0xb0: {  	[dreg:$0x4] =	wrdreg $0x9  }
0xb1: {  	_ =	task.clear_ibuf [dreg:s6], $0x5FFFF;
	_ =	strace $0x90000046  }
0xb2: {  	s29 =	simm.s32 $0x9;
	_ =	strace $0x80000048  }
0xb3: {  	_ =	swait.ge [sflag:s29], $0x1  }
0xb4: {  	[sflag:s29] =	ssyncadd.s32 $0xFFFFFFFF  }
0xb5: {  	_ =	strace $0x90000048  }
0xb6: {  	_ =	sfence  }
0xb7: {  	s30 =	sld [smem:$0x0];
	_ =	sdelay $0x2  }
0xb8: {  	s31 =	sshll.u32 s1, $0xD;
	s1 =	sshrl.u32 s1, $0x2  }
0xb9: {  	s3 =	sand.u32 $0x4000, s31;
	s1 =	sadd.s32 s1, s30  }
0xba: {  	s0 =	sor.u32 s3, s0;
	s1 =	sshll.u32 s1, $0x11  }
0xbb: {  	s0 =	sor.u32 s1, s0  }
0xbc: {  	s0 =	sadd.s32 $0x8F2B, s0  }
0xbd: {  	[sflag:s0] =	ssyncadd.remote.s32 $0x1  }
0xbe: {  	_ =	sfence.sel $0xFFFF  }
0xbf: {  	[dreg:$0x0] =	wrdreg $0xFFFFFFFF;
	(pc) =	sbr.abs _section_cstart, $3  }
0xc0: {  	[dreg:$0x1] =	wrdreg $0xFFFFFFFF  }
0xc1: {  	_ =	task.clear_ibuf [dreg:s6], $0x2FFFF;
	_ =	strace $0x9FFFFFFF  }
0xc2: {  	(tm) =	ssettm $0x7FFFFFFF  }
0xc3: {  	_ =	shalt  }
tec
execute0_lowered:
.L_overlay_start_1:
0x0: {  	(tag) =	ssettag $0x1  }
0x1: {  	s7 =	rddreg [dreg:$0x0]  }
0x2: {  	s2 =	rddreg [dreg:$0x1]  }
0x3: {  	s0 =	rddreg [dreg:$0x2]  }
0x4: {  	s4 =	srdreg.scid;
	s1 =	stileid.u32;
	s3 =	simm.s32 $0x0  }
0x5: {  	s12 =	simm.s32 $0x2;
	s13 =	simm.s32 $0x2800;
	s14 =	simm.s32 $0x7D  }
0x6: {  	s15 =	simm.s32 $0x1;
	s16 =	simm.s32 $0x2FD0;
	s17 =	simm.s32 $0x57D0  }
0x7: {  	s18 =	simm.s32 $0x0;
	s5 =	sand.u32 $0x1, s4;
	s6 =	smul.u32 $0xA000, s1  }
0x8: {  	[smem:$0x7FF] =	sst s3;
	s4 =	sadd.s32 $0x1A000, s7;
	s31 =	sshll.u32 s1, $0x6  }
0x9: {  	s8 =	smul.u32 $0xA0000, s5;
	_ =	strace $0x80000047;
	s9 =	sshll.u32 s5, $0x4  }
0xa: {  	s10 =	ssub.s32 $0x2, s5;
	s5 =	sadd.s32 $0x19A00, s7;
	s9 =	sor.u32 s1, s9  }
0xb: {  	s29 =	sshrl.u32 s10, $0x1;
	s8 =	sadd.s32 s6, s8;
	s9 =	smul.u32 $0x2800, s9  }
0xc: {  	s10 =	ssub.s32 s10, s29;
	s6 =	sshrl.u32 s6, $0x2;
	s8 =	sshrl.u32 s8, $0x3  }
0xd: {  	s6 =	sadd.s32 s6, s2;
	s10 =	smax.u32 s10, $0x1;
	s30 =	sshrl.u32 s9, $0x3  }
0xe: {  	s11 =	sadd.s32 s8, s7;
	s8 =	sadd.s32 s7, s30;
	s7 =	sor.u32 $0x1C02, s31  }
0xf: {  	s9 =	sadd.s32 $0x1A200, s11;
	s11 =	sshrl.u32 s6, $0x3;
	s8 =	sadd.s32 $0xFA00, s8  }
.LBB2_1:
0x10: {  	[spmem:s11], [sflag:s7] =	dma.local [hbm:s5], $0x500  }
0x11: {  	_ =	swait.ge [sflag:s12], $0x500  }
0x12: {  	[sflag:s12] =	ssyncset.done $0x0  }
0x13: {  	[sflag:s12] =	ssyncadd.s32 $0xFFFFFB00  }
0x14: {  	[tilespmem:s3], [sflag:$0x2] =	stream.linear.gather [hbm4b:s8+s3], $0x2800, $0x38;
	[tilespmem:$0x11FD0] =	vst v63  }
0x15: {  	_ =	swait.ge [sflag:s12], $0x2800  }
0x16: {  	[sflag:s12] =	ssyncset.done $0x0  }
0x17: {  	[sflag:s12] =	ssyncadd.s32 $0xFFFFD800  }
0x18: {  	[tilespmem:s13], [sflag:$0x2] =	stream.linear.gather [hbm4b:s4+s3], $0x7D0, $0x38;
	[tilespmem:$0x11FD0] =	vst v63  }
0x19: {  	_ =	swait.ge [sflag:s12], $0x7D0  }
0x1a: {  	[sflag:s12] =	ssyncset.done $0x0  }
0x1b: {  	[sflag:s12] =	ssyncadd.s32 $0xFFFFF830  }
0x1c: {  	s19 =	simm.s32 $0x0;
	[bflag:$0x0] =	sbarrier.arrive $0xFFFF  }
.LBB2_2:
0x1d: {  	p0 =	sne.s32 s19, $0x9E00  }
.Ltmp0:
0x1e: {  	_ = 	snop;
	(pc) =	sbr.rel @p0 .LBB2_2-.Ltmp0, $3  }
0x1f: {  	_ =	sdelay $0x1  }
0x20: {  	s20 =	sshra.s32 s19, $0x2;
	s19 =	sadd.s32 $0x200, s19  }
0x21: {  	[spmem:s2] =	stream.indirect.scatter.add.f32 [tilespmem:s13], [sflag:$0x1], $0x10, s20, s14, $0xb8;
	[tilespmem:$0x11FD0] =	vst v63  }
0x22: {  	_ =	swait.ge [sflag:s15], $0x7D0  }
0x23: {  	s19 =	simm.s32 $0x4F;
	[sflag:s15] =	ssyncset.done $0x0  }
.LBB2_4:
0x24: {  	p0 =	sne.s32 s19, $0x1;
	s19 =	sadd.s32 $0xFFFFFFFF, s19;
	[sflag:s15] =	ssyncadd.s32 $0xFFFFF830  }
.Ltmp1:
0x25: {  	(pc) =	sbr.rel @p0 .LBB2_4-.Ltmp1, $3  }
0x26: {  	_ =	sdelay $0x1  }
0x27: {  	_ =	swait.ge [sflag:s15], $0x7D0  }
0x28: {  	[sflag:s15] =	ssyncset.done $0x0  }
0x29: {  	[sflag:s15] =	ssyncadd.s32 $0xFFFFF830  }
0x2a: {  	[bflag:$0x0] =	sbarrier.arrive $0xFFFF  }
0x2b: {  	[tilespmem:s16], [sflag:$0x2] =	stream.linear.gather [spmem:s6], $0x2800, $0x38;
	[tilespmem:$0x11FD0] =	vst v63  }
0x2c: {  	_ =	swait.ge [sflag:s12], $0x2800  }
0x2d: {  	[sflag:s12] =	ssyncset.done $0x0  }
0x2e: {  	s19 =	simm.s32 $0x0;
	[sflag:s12] =	ssyncadd.s32 $0xFFFFD800  }
0x2f: {  	v0 =	vld [tilespmem:s19+$0x2FD0];
	_ =	sdelay $0x3  }
0x30: {  	s19 =	simm.s32 $0x57F0  }
0x31: {  	[tilespmem:s19+$0xFFFFFFE0] =	vst v0  }
0x32: {  	[tilespmem:s19+$0xFFFFFFF0] =	vst v0  }
0x33: {  	[tilespmem:s19+$0x0] =	vst v0  }
0x34: {  	s21 =	simm.s32 $0x10;
	s20 =	simm.s32 $0x80;
	[tilespmem:s19+$0x10] =	vst v0  }
.LBB2_6:
0x35: {  	p0 =	sne.s32 s20, $0x9FC0;
	v0 =	vld [tilespmem:s21+$0x2FD0];
	_ =	sdelay $0x3  }
.Ltmp2:
0x36: {  	s19 =	sadd.s32 $0x40, s19;
	(pc) =	sbr.rel @p0 .LBB2_6-.Ltmp2, $4  }
0x37: {  	[tilespmem:s19+$0xFFFFFFE0] =	vst v0  }
0x38: {  	[tilespmem:s19+$0xFFFFFFF0] =	vst v0  }
0x39: {  	[tilespmem:s19+$0x0] =	vst v0  }
0x3a: {  	s21 =	sshra.s32 s20, $0x2;
	s20 =	sadd.s32 $0x40, s20;
	[tilespmem:s19+$0x10] =	vst v0  }
0x3b: {  	v0 =	vld [tilespmem:s21+$0x2FD0];
	_ =	sdelay $0x3  }
0x3c: {  	s19 =	sadd.s32 $0x40, s19  }
0x3d: {  	[tilespmem:s19+$0xFFFFFFE0] =	vst v0  }
0x3e: {  	s18 =	sadd.s32 $0x1, s18;
	[tilespmem:s19+$0xFFFFFFF0] =	vst v0  }
0x3f: {  	p0 =	sne.s32 s18, s10;
	[tilespmem:s19+$0x0] =	vst v0  }
.Ltmp3:
0x40: {  	[tilespmem:s19+$0x10] =	vst v0;
	(pc) =	sbr.rel @p0 .LBB2_1-.Ltmp3, $4  }
0x41: {  	[hbm4b:s9+s3] =	stream.linear.scatter [tilespmem:s17], [sflag:$0x2], $0xA000, $0x38;
	[tilespmem:$0x11FD0] =	vst v63  }
0x42: {  	_ =	swait.ge [sflag:s12], $0xA000  }
0x43: {  	[sflag:s12] =	ssyncset.done $0x0  }
0x44: {  	[sflag:s12] =	ssyncadd.s32 $0xFFFF6000  }
0x45: {  	_ =	sfence.sel $0x180000  }
0x46: {  	[bflag:$0x0] =	sbarrier.arrive $0xFFFF  }
0x47: {  	p0 =	sne.s32 s1, $0x0;
	_ =	strace $0x90000047  }
0x48: {  	s0 =	sadd.s32 @!p0 $0x100000, s0;
	[bflag:$0x2] =	sbarrier.arrive $0xFFFF  }
0x49: {  	[sflag:s0] =	ssyncadd.tile.s32 @!p0 $0x1;
	_ =	shalt  }
.Lfunc_end2:
_tile_overlayer_lowered:
.L_overlay_start_2:
0x4a: {  	(tag) =	ssettag $0x2  }
0x4b: {  	s0 =	rddreg [dreg:$0x0];
	s2 =	stileid.u32  }
0x4c: {  	s1 =	rddreg [dreg:$0x1];
	p0 =	sne.s32 s2, $0x0  }
0x4d: {  	s3 =	rddreg [dreg:$0x2];
	[bflag:$0x3] =	sbarrier.arrive $0xFFFF;
	s2 =	simm.s32 @!p0 $0x1C02  }
0x4e: {  	[timem:s3], [sflag:s2] =	dma.local @!p0 [hbm:s0], s1  }
0x4f: {  	s0 =	simm.s32 @!p0 $0x2  }
0x50: {  	_ =	swait.ge @!p0 [sflag:s0], s1  }
0x51: {  	s1 =	ssub.s32 @!p0 $0x0, s1;
	[sflag:s0] =	ssyncset.done @!p0 $0x0  }
0x52: {  	[sflag:s0] =	ssyncadd.s32 @!p0 s1  }
0x53: {  	[bflag:$0x3] =	sbarrier.arrive $0xFFFF  }
0x54: {  	_ =	shalt  }

// kernel: kernel.14.cloned.1.call-start
scs
__scs_entry_jumppad:
0x0: {  	(pc) =	sbr.rel $0x88, $3  }
0x1: {  	(tag) =	ssettag $0x0;
	lr =	simm.s32 $0x1  }
0x2: {  	[smem:$0x3F8D] =	sst lr;
	_ =	strace $0xD0000000  }
0x3: {  	_ = 	snop  }
0x4: {  	_ = 	snop  }
0x5: {  	_ = 	snop  }
0x6: {  	_ = 	snop  }
0x7: {  	_ = 	snop  }
__scs_overlays_trampoline_lowered:
0x8: {  	[smem:$0x3F9C] =	sst s0  }
0x9: {  	[smem:$0x3F9D] =	sst s1  }
0xa: {  	[smem:$0x3F9E] =	sst s2  }
0xb: {  	[smem:$0x3F9F] =	sst s3  }
0xc: {  	[smem:$0x3FA0] =	sst s4  }
0xd: {  	[smem:$0x3FA1] =	sst s5  }
0xe: {  	[smem:$0x3FA2] =	sst s6  }
0xf: {  	[smem:$0x3FA3] =	sst s7  }
0x10: {  	[smem:$0x3FA4] =	sst s8  }
0x11: {  	[smem:$0x3FA5] =	sst s9;
	s0 =	simm.s32 @!p0 $0x0  }
0x12: {  	s1 =	sld [smem:$0x3F8B];
	s0 =	simm.s32 @p0 $0x1  }
0x13: {  	[smem:$0x3FA6] =	sst s0;
	s0 =	simm.s32 @!p1 $0x0  }
0x14: {  	s2 =	sld [smem:$0x3F8A];
	s0 =	simm.s32 @p1 $0x1  }
0x15: {  	[smem:$0x3FA7] =	sst s0;
	s0 =	simm.s32 @!p2 $0x0  }
0x16: {  	s3 =	sld [smem:$0x3FDB];
	s0 =	simm.s32 @p2 $0x1  }
0x17: {  	s4 =	simm.s32 $0x1BF5;
	[smem:$0x3FA9] =	sst s0  }
0x18: {  	s0 =	sld [smem:$0x3F8C];
	_ =	swait.ge [sflag:s4], $0x0  }
0x19: {  	s7 =	sld [smem:$0x3F8D]  }
0x1a: {  	s8 =	sadd.s32 $0xFFFFE003, lr  }
0x1b: {  	s9 =	sadd.s32 $0xFFFFFEF7, lr;
	s5 =	simm.s32 $0xFFFFFFFF;
	p2 =	slt.u32 s8, $0xFFFFF086  }
0x1c: {  	p1 =	slt.u32 s9, $0xF7A;
	s5 =	simm.s32 @!p2 $0x0  }
0x1d: {  	s5 =	simm.s32 @p1 $0x1;
	p0 =	seq.s32 s7, s2  }
0x1e: {  	s7 =	smul.u32 @!p0 $0xF7A, s2;
	p2 =	seq.s32 @!p0 s5, $0x0  }
0x1f: {  	s9 =	smul.u32 $0xF7A, s1;
	s8 =	simm.s32 @!p0 $0x1BF5;
	p2 =	por !p2, p0  }
0x20: {  	[sflag:s8] =	ssyncset.s32 @!p0 $0xFFFFF086;
	s6 =	sadd.s32 @!p0 s3, s7;
	s7 =	simm.s32 @!p0 $0x108  }
0x21: {  	s3 =	sadd.s32 s3, s9;
	s6 =	sadd.s32 @!p0 $0x88, s6;
	s7 =	simm.s32 @p2 $0x1082  }
0x22: {  	[simem:s7], [sflag:s8] =	dma.local @!p0 [hbm:s6], $0xF7A  }
0x23: {  	s9 =	sor.u32 $0xD0000000, s2;
	s6 =	simm.s32 $0x108;
	_ =	swait.ge @!p0 [sflag:s8], $0x0  }
0x24: {  	s3 =	sadd.s32 $0x88, s3;
	s6 =	simm.s32 @!p1 $0x1082;
	[sflag:s4] =	ssyncset.s32 $0xFFFFF086  }
0x25: {  	[simem:s6], [sflag:s4] =	dma.local [hbm:s3], $0xF7A  }
0x26: {  	[smem:$0x3F8D] =	sst s1;
	(tag) =	ssettag s2;
	_ =	strace s9  }
0x27: {  	s1 =	sld [smem:$0x3F9D]  }
0x28: {  	s2 =	sld [smem:$0x3F9E]  }
0x29: {  	s4 =	sld [smem:$0x3FA0]  }
0x2a: {  	p0 =	seq.s32 s5, $0x0;
	s5 =	sld [smem:$0x3FA1]  }
0x2b: {  	s6 =	sld [smem:$0x3FA2]  }
0x2c: {  	s7 =	sld [smem:$0x3FA3]  }
0x2d: {  	s3 =	simm.s32 $0x108;
	s8 =	sld [smem:$0x3FA4]  }
0x2e: {  	s3 =	simm.s32 @!p0 $0x1082;
	s9 =	sld [smem:$0x3FA5]  }
0x2f: {  	lr =	sadd.s32 s0, s3;
	s0 =	sld [smem:$0x3F9C]  }
0x30: {  	s3 =	sld [smem:$0x3F9F]  }
0x31: {  	[smem:$0x3FA8] =	sst s10  }
0x32: {  	s10 =	sld [smem:$0x3FA6];
	_ =	sdelay $0x3  }
0x33: {  	p0 =	seq.s32 s10, $0x1;
	s10 =	sld [smem:$0x3FA8];
	_ =	sdelay $0x3  }
0x34: {  	[smem:$0x3FA8] =	sst s10  }
0x35: {  	s10 =	sld [smem:$0x3FA7];
	_ =	sdelay $0x3  }
0x36: {  	p1 =	seq.s32 s10, $0x1;
	s10 =	sld [smem:$0x3FA8];
	_ =	sdelay $0x3  }
0x37: {  	[smem:$0x3FA8] =	sst s10  }
0x38: {  	s10 =	sld [smem:$0x3FA9]  }
0x39: {  	_ = 	snop;
	(pc) =	sbr.ind lr, $3  }
0x3a: {  	_ = 	snop  }
0x3b: {  	_ = 	snop  }
0x3c: {  	p2 =	seq.s32 s10, $0x1;
	s10 =	sld [smem:$0x3FA8]  }
0x3d: {  	_ =	shalt  }
0x3e: {  	_ =	shalt  }
0x3f: {  	_ =	shalt  }
0x40: {  	_ =	shalt  }
0x41: {  	_ =	shalt  }
0x42: {  	_ =	shalt  }
0x43: {  	_ =	shalt  }
0x44: {  	_ =	shalt  }
0x45: {  	_ =	shalt  }
0x46: {  	_ =	shalt  }
0x47: {  	_ =	shalt  }
0x48: {  	_ =	shalt  }
0x49: {  	_ =	shalt  }
0x4a: {  	_ =	shalt  }
0x4b: {  	_ =	shalt  }
0x4c: {  	_ =	shalt  }
0x4d: {  	_ =	shalt  }
0x4e: {  	_ =	shalt  }
0x4f: {  	_ =	shalt  }
0x50: {  	_ =	shalt  }
0x51: {  	_ =	shalt  }
0x52: {  	_ =	shalt  }
0x53: {  	_ =	shalt  }
0x54: {  	_ =	shalt  }
0x55: {  	_ =	shalt  }
0x56: {  	_ =	shalt  }
0x57: {  	_ =	shalt  }
0x58: {  	_ =	shalt  }
0x59: {  	_ =	shalt  }
0x5a: {  	_ =	shalt  }
0x5b: {  	_ =	shalt  }
0x5c: {  	_ =	shalt  }
0x5d: {  	_ =	shalt  }
0x5e: {  	_ =	shalt  }
0x5f: {  	_ =	shalt  }
0x60: {  	_ =	shalt  }
0x61: {  	_ =	shalt  }
0x62: {  	_ =	shalt  }
0x63: {  	_ =	shalt  }
0x64: {  	_ =	shalt  }
0x65: {  	_ =	shalt  }
0x66: {  	_ =	shalt  }
0x67: {  	_ =	shalt  }
0x68: {  	_ =	shalt  }
0x69: {  	_ =	shalt  }
0x6a: {  	_ =	shalt  }
0x6b: {  	_ =	shalt  }
0x6c: {  	_ =	shalt  }
0x6d: {  	_ =	shalt  }
0x6e: {  	_ =	shalt  }
0x6f: {  	_ =	shalt  }
0x70: {  	_ =	shalt  }
0x71: {  	_ =	shalt  }
0x72: {  	_ =	shalt  }
0x73: {  	_ =	shalt  }
0x74: {  	_ =	shalt  }
0x75: {  	_ =	shalt  }
0x76: {  	_ =	shalt  }
0x77: {  	_ =	shalt  }
0x78: {  	_ =	shalt  }
0x79: {  	_ =	shalt  }
0x7a: {  	_ =	shalt  }
0x7b: {  	_ =	shalt  }
0x7c: {  	_ =	shalt  }
0x7d: {  	_ =	shalt  }
0x7e: {  	_ =	shalt  }
0x7f: {  	_ =	shalt  }
0x80: {  	_ =	shalt  }
0x81: {  	_ =	shalt  }
0x82: {  	_ =	shalt  }
0x83: {  	_ =	shalt  }
0x84: {  	_ =	shalt  }
0x85: {  	_ =	shalt  }
0x86: {  	_ =	shalt  }
0x87: {  	_ =	shalt  }
.Lfunc_end0:
.L_simem_size_0:
called_computation.1_lowered:
.L_overlay_start_0:
0x88: {  	s2 =	sld [smem:$0x3FD9]  }
0x89: {  	s3 =	sld [smem:$0x3FFE];
	_ =	sdelay $0x1  }
0x8a: {  	s1 =	srdreg.scid  }
0x8b: {  	s0 =	sand.u32 $0x1, s1  }
0x8c: {  	s16 =	sshll.u32 s0, $0xA;
	s2 =	sadd.s32 s3, s2  }
0x8d: {  	s2 =	sadd.s32 s2, s16  }
0x8e: {  	[smem:$0x3FB4] =	sst s2  }
0x8f: {  	_ = 	snop  }
0x90: {  	(tm) =	ssettm $0x1  }
0x91: {  	s17 =	sld [smem:$0x3FFB];
	_ =	sdelay $0x3  }
0x92: {  	_ =	strace s17  }
0x93: {  	s2 =	sld [smem:$0x3FFC];
	_ =	sdelay $0x3  }
0x94: {  	_ =	strace s2  }
0x95: {  	s2 =	sld [smem:$0x3FFD];
	_ =	sdelay $0x3  }
0x96: {  	_ =	strace s2  }
0x97: {  	_ =	strace $0x8FFFFFFF  }
0x98: {  	s18 =	sld [smem:$0x3FDB];
	_ =	sdelay $0x1  }
0x99: {  	s19 =	simm.s32 $_scs_section_size  }
0x9a: {  	s4 =	simm.s32 $_size__tile_overlayer_lowered;
	s5 =	simm.s32 $_tile_overlayer_lowered  }
0x9b: {  	s22 =	simm.s32 $0x1BFF;
	s21 =	sshll.u32 s5, $0x1;
	s2 =	sadd.s32 s19, s18  }
0x9c: {  	s6 =	simm.s32 $0x0;
	s20 =	sshll.u32 s4, $0x1;
	s4 =	sadd.s32 s21, s2  }
0x9d: {  	[timem:s6], [sflag:s22] =	dma.local [hbm:s4], s20  }
0x9e: {  	_ =	swait.ge [sflag:s22], s20  }
0x9f: {  	s3 =	ssub.s32 $0x0, s20;
	[sflag:s22] =	ssyncset.done $0x0  }
0xa0: {  	[sflag:s22] =	ssyncadd.s32 s3;
	_ =	sdelay $0x1  }
0xa1: {  	s23 =	simm.s32 $0x1B8B  }
0xa2: {  	_ =	swait.ge [sflag:s23], $0x1  }
0xa3: {  	[sflag:s23] =	ssyncset.done $0x0  }
0xa4: {  	s25 =	simm.s32 $0x1B8E;
	s24 =	sld [smem:$0x3FFE];
	[sflag:s23] =	ssyncadd.s32 $0xFFFFFFFF  }
0xa5: {  	s26 =	simm.s32 $execute0_lowered;
	[smem:$0x3FD2] =	sst s25  }
0xa6: {  	s4 =	sshll.u32 s26, $0x1;
	_ =	strace $0x80000049;
	[dreg:$0x1] =	wrdreg $0xFFFFFFFF  }
0xa7: {  	s28 =	simm.s32 $_size_execute0_lowered;
	s2 =	sadd.s32 s2, s4;
	[dreg:$0x0] =	wrdreg $0x0  }
0xa8: {  	s4 =	sshll.u32 s28, $0x1;
	[dreg:$0x2] =	wrdreg s2  }
0xa9: {  	[dreg:$0x3] =	wrdreg s4  }
0xaa: {  	[dreg:$0x4] =	wrdreg $0xC0  }
0xab: {  	_ =	task [dreg:s6], $0x5FFFF  }
0xac: {  	[dreg:$0x1] =	wrdreg $0xFFFFFFFF  }
0xad: {  	[dreg:$0x0] =	wrdreg $0x60  }
0xae: {  	[dreg:$0x2] =	wrdreg s24  }
0xaf: {  	[dreg:$0x3] =	wrdreg $0x14A000  }
0xb0: {  	[dreg:$0x4] =	wrdreg $0x9  }
0xb1: {  	_ =	task.clear_ibuf [dreg:s6], $0x5FFFF;
	_ =	strace $0x90000049  }
0xb2: {  	s29 =	simm.s32 $0x9;
	_ =	strace $0x8000004B  }
0xb3: {  	_ =	swait.ge [sflag:s29], $0x1  }
0xb4: {  	[sflag:s29] =	ssyncadd.s32 $0xFFFFFFFF  }
0xb5: {  	_ =	strace $0x9000004B  }
0xb6: {  	_ =	sfence  }
0xb7: {  	s30 =	sld [smem:$0x0];
	_ =	sdelay $0x2  }
0xb8: {  	s31 =	sshll.u32 s1, $0xD;
	s1 =	sshrl.u32 s1, $0x2  }
0xb9: {  	s3 =	sand.u32 $0x4000, s31;
	s1 =	sadd.s32 s1, s30  }
0xba: {  	s0 =	sor.u32 s3, s0;
	s1 =	sshll.u32 s1, $0x11  }
0xbb: {  	s0 =	sor.u32 s1, s0  }
0xbc: {  	s0 =	sadd.s32 $0x8F2B, s0  }
0xbd: {  	[sflag:s0] =	ssyncadd.remote.s32 $0x1  }
0xbe: {  	_ =	sfence.sel $0xFFFF  }
0xbf: {  	[dreg:$0x0] =	wrdreg $0xFFFFFFFF;
	(pc) =	sbr.abs _section_cstart, $3  }
0xc0: {  	[dreg:$0x1] =	wrdreg $0xFFFFFFFF  }
0xc1: {  	_ =	task.clear_ibuf [dreg:s6], $0x2FFFF;
	_ =	strace $0x9FFFFFFF  }
0xc2: {  	(tm) =	ssettm $0x7FFFFFFF  }
0xc3: {  	_ =	shalt  }
tec
execute0_lowered:
.L_overlay_start_1:
0x0: {  	(tag) =	ssettag $0x1  }
0x1: {  	s0 =	srdreg.scid;
	s3 =	rddreg [dreg:$0x0]  }
0x2: {  	s7 =	stileid.u32;
	s2 =	rddreg [dreg:$0x1];
	s4 =	simm.s32 $0x0  }
0x3: {  	s14 =	simm.s32 $0x7D;
	s15 =	simm.s32 $0x5000;
	s17 =	simm.s32 $0x6F40  }
0x4: {  	s19 =	simm.s32 $0x8E80;
	s21 =	simm.s32 $0xADC0;
	s23 =	simm.s32 $0xCD00  }
0x5: {  	s28 =	simm.s32 $0x10B80;
	s30 =	simm.s32 $0x12AC0;
	s31 =	simm.s32 $0x1  }
0x6: {  	s13 =	simm.s32 $0x4;
	s16 =	simm.s32 $0x5;
	s18 =	simm.s32 $0x6  }
0x7: {  	s20 =	simm.s32 $0x7;
	s22 =	simm.s32 $0x8;
	s24 =	simm.s32 $0x9  }
0x8: {  	s29 =	simm.s32 $0xB;
	s9 =	simm.s32 $0xF;
	s10 =	simm.s32 $0x10  }
0x9: {  	s0 =	sand.u32 $0x1, s0;
	s5 =	smul.u32 $0xA000, s7;
	[smem:$0x7FF] =	sst s4  }
0xa: {  	s4 =	sadd.s32 $0x19A00, s3;
	s8 =	sadd.s32 $0x2D400, s3;
	s1 =	sshll.u32 s0, $0x4  }
0xb: {  	s6 =	smul.u32 $0xA0000, s0;
	_ =	strace $0x8000004A;
	[dreg:$0x3] =	wrdreg s8  }
0xc: {  	s0 =	ssub.s32 $0x2, s0;
	s8 =	simm.s32 $0xE;
	s1 =	sor.u32 s7, s1  }
0xd: {  	s25 =	sshrl.u32 s0, $0x1;
	s7 =	sshll.u32 s7, $0x6;
	s1 =	smul.u32 $0x2800, s1  }
0xe: {  	s6 =	sadd.s32 s5, s6;
	s0 =	ssub.s32 s0, s25;
	s11 =	sor.u32 $0x1C11, s7  }
0xf: {  	s5 =	sadd.s32 s5, s2;
	s0 =	smax.u32 s0, $0x1;
	[dreg:$0x4] =	wrdreg s11  }
0x10: {  	s25 =	simm.s32 $0xEC40;
	s12 =	sshrl.u32 s5, $0x3;
	[dreg:$0x8] =	wrdreg s0  }
0x11: {  	s6 =	sshrl.u32 s6, $0x3;
	s1 =	sshrl.u32 s1, $0x3;
	[dreg:$0x9] =	wrdreg s12  }
0x12: {  	s1 =	sadd.s32 s1, s3;
	s3 =	sadd.s32 s6, s3;
	s6 =	simm.s32 $0x0  }
0x13: {  	s7 =	simm.s32 $0xD;
	s26 =	sadd.s32 $0x5A00, s1;
	[dreg:$0xa] =	wrdreg s6  }
0x14: {  	s5 =	simm.s32 $0xC;
	s1 =	sadd.s32 $0xFA00, s1;
	[dreg:$0x5] =	wrdreg s26  }
0x15: {  	s0 =	simm.s32 $0x3;
	s3 =	sadd.s32 $0x2E800, s3;
	[dreg:$0x6] =	wrdreg s1  }
0x16: {  	[dreg:$0x7] =	wrdreg s3;
	s1 =	simm.s32 $0x2;
	s26 =	simm.s32 $0xA  }
.LBB2_1:
0x17: {  	s3 =	simm.s32 $0x11;
	s6 =	rddreg [dreg:$0x3]  }
0x18: {  	[spmem:s12], [sflag:s11] =	dma.local [hbm:s6], $0x1400  }
0x19: {  	_ =	swait.ge [sflag:s3], $0x1400  }
0x1a: {  	[sflag:s3] =	ssyncset.done $0x0  }
0x1b: {  	s6 =	simm.s32 $0x0;
	s12 =	rddreg [dreg:$0x5];
	[sflag:s3] =	ssyncadd.s32 $0xFFFFEC00  }
0x1c: {  	[tilespmem:s6], [sflag:$0x11] =	stream.linear.gather [hbm4b:s12+s6], $0x2800, $0x38;
	[tilespmem:$0x1EA00] =	vst v63  }
0x1d: {  	_ =	swait.ge [sflag:s3], $0x2800  }
0x1e: {  	[sflag:s3] =	ssyncset.done $0x0  }
0x1f: {  	s12 =	simm.s32 $0x2800;
	s11 =	rddreg [dreg:$0x6];
	[sflag:s3] =	ssyncadd.s32 $0xFFFFD800  }
0x20: {  	[tilespmem:s12], [sflag:$0x11] =	stream.linear.gather [hbm4b:s11+s6], $0x2800, $0x38;
	[tilespmem:$0x1EA00] =	vst v63  }
0x21: {  	_ =	swait.ge [sflag:s3], $0x2800  }
0x22: {  	[sflag:s3] =	ssyncset.done $0x0  }
0x23: {  	[sflag:s3] =	ssyncadd.s32 $0xFFFFD800  }
0x24: {  	[bflag:$0x0] =	sbarrier.arrive $0xFFFF  }
0x25: {  	[tilespmem:s15], [sflag:$0x1] =	stream.indirect.gather [hbm4b:s4+s14], $0x40, s6, s14, $0xb8;
	[tilespmem:$0x1EA00] =	vst v63  }
0x26: {  	s12 =	simm.s32 $0x80  }
0x27: {  	[tilespmem:s17], [sflag:$0x2] =	stream.indirect.gather [hbm4b:s4+s14], $0x40, s12, s14, $0xb8;
	[tilespmem:$0x1EA00] =	vst v63  }
0x28: {  	s6 =	simm.s32 $0x100  }
0x29: {  	[tilespmem:s19], [sflag:$0x3] =	stream.indirect.gather [hbm4b:s4+s14], $0x40, s6, s14, $0xb8;
	[tilespmem:$0x1EA00] =	vst v63  }
0x2a: {  	s11 =	simm.s32 $0x180  }
0x2b: {  	[tilespmem:s21], [sflag:$0x4] =	stream.indirect.gather [hbm4b:s4+s14], $0x40, s11, s14, $0xb8;
	[tilespmem:$0x1EA00] =	vst v63  }
0x2c: {  	s12 =	simm.s32 $0x200  }
0x2d: {  	[tilespmem:s23], [sflag:$0x5] =	stream.indirect.gather [hbm4b:s4+s14], $0x40, s12, s14, $0xb8;
	[tilespmem:$0x1EA00] =	vst v63  }
0x2e: {  	s6 =	simm.s32 $0x280  }
0x2f: {  	[tilespmem:s25], [sflag:$0x6] =	stream.indirect.gather [hbm4b:s4+s14], $0x40, s6, s14, $0xb8;
	[tilespmem:$0x1EA00] =	vst v63  }
0x30: {  	s11 =	simm.s32 $0x300  }
0x31: {  	[tilespmem:s28], [sflag:$0x7] =	stream.indirect.gather [hbm4b:s4+s14], $0x40, s11, s14, $0xb8;
	[tilespmem:$0x1EA00] =	vst v63  }
0x32: {  	s12 =	simm.s32 $0x380  }
0x33: {  	[tilespmem:s30], [sflag:$0x8] =	stream.indirect.gather [hbm4b:s4+s14], $0x40, s12, s14, $0xb8;
	[tilespmem:$0x1EA00] =	vst v63  }
0x34: {  	_ =	swait.ge [sflag:s31], $0x1F40  }
0x35: {  	[sflag:s31] =	ssyncset.done $0x0  }
0x36: {  	s3 =	simm.s32 $0x2800;
	[sflag:s31] =	ssyncadd.s32 $0xFFFFE0C0  }
0x37: {  	[spmem:s2] =	stream.indirect.scatter.add.f32 [tilespmem:s15], [sflag:$0x9], $0x40, s3, s14, $0xb8;
	[tilespmem:$0x1EA00] =	vst v63  }
0x38: {  	_ =	swait.ge [sflag:s1], $0x1F40  }
0x39: {  	[sflag:s1] =	ssyncset.done $0x0  }
0x3a: {  	s11 =	simm.s32 $0x2880;
	[sflag:s1] =	ssyncadd.s32 $0xFFFFE0C0  }
0x3b: {  	[spmem:s2] =	stream.indirect.scatter.add.f32 [tilespmem:s17], [sflag:$0xA], $0x40, s11, s14, $0xb8;
	[tilespmem:$0x1EA00] =	vst v63  }
0x3c: {  	_ =	swait.ge [sflag:s0], $0x1F40  }
0x3d: {  	[sflag:s0] =	ssyncset.done $0x0  }
0x3e: {  	s12 =	simm.s32 $0x2900;
	[sflag:s0] =	ssyncadd.s32 $0xFFFFE0C0  }
0x3f: {  	[spmem:s2] =	stream.indirect.scatter.add.f32 [tilespmem:s19], [sflag:$0xB], $0x40, s12, s14, $0xb8;
	[tilespmem:$0x1EA00] =	vst v63  }
0x40: {  	_ =	swait.ge [sflag:s13], $0x1F40  }
0x41: {  	[sflag:s13] =	ssyncset.done $0x0  }
0x42: {  	s3 =	simm.s32 $0x2980;
	[sflag:s13] =	ssyncadd.s32 $0xFFFFE0C0  }
0x43: {  	[spmem:s2] =	stream.indirect.scatter.add.f32 [tilespmem:s21], [sflag:$0xC], $0x40, s3, s14, $0xb8;
	[tilespmem:$0x1EA00] =	vst v63  }
0x44: {  	_ =	swait.ge [sflag:s16], $0x1F40  }
0x45: {  	[sflag:s16] =	ssyncset.done $0x0  }
0x46: {  	s11 =	simm.s32 $0x2A00;
	[sflag:s16] =	ssyncadd.s32 $0xFFFFE0C0  }
0x47: {  	[spmem:s2] =	stream.indirect.scatter.add.f32 [tilespmem:s23], [sflag:$0xD], $0x40, s11, s14, $0xb8;
	[tilespmem:$0x1EA00] =	vst v63  }
0x48: {  	_ =	swait.ge [sflag:s18], $0x1F40  }
0x49: {  	[sflag:s18] =	ssyncset.done $0x0  }
0x4a: {  	s12 =	simm.s32 $0x2A80;
	[sflag:s18] =	ssyncadd.s32 $0xFFFFE0C0  }
0x4b: {  	[spmem:s2] =	stream.indirect.scatter.add.f32 [tilespmem:s25], [sflag:$0xE], $0x40, s12, s14, $0xb8;
	[tilespmem:$0x1EA00] =	vst v63  }
0x4c: {  	_ =	swait.ge [sflag:s20], $0x1F40  }
0x4d: {  	[sflag:s20] =	ssyncset.done $0x0  }
0x4e: {  	s3 =	simm.s32 $0x2B00;
	[sflag:s20] =	ssyncadd.s32 $0xFFFFE0C0  }
0x4f: {  	[spmem:s2] =	stream.indirect.scatter.add.f32 [tilespmem:s28], [sflag:$0xF], $0x40, s3, s14, $0xb8;
	[tilespmem:$0x1EA00] =	vst v63  }
0x50: {  	_ =	swait.ge [sflag:s22], $0x1F40  }
0x51: {  	[sflag:s22] =	ssyncset.done $0x0  }
0x52: {  	s11 =	simm.s32 $0x2B80;
	[sflag:s22] =	ssyncadd.s32 $0xFFFFE0C0  }
0x53: {  	[spmem:s2] =	stream.indirect.scatter.add.f32 [tilespmem:s30], [sflag:$0x10], $0x40, s11, s14, $0xb8;
	[tilespmem:$0x1EA00] =	vst v63  }
0x54: {  	_ =	swait.ge [sflag:s24], $0x1F40  }
0x55: {  	[sflag:s24] =	ssyncset.done $0x0  }
0x56: {  	s12 =	simm.s32 $0x400;
	[sflag:s24] =	ssyncadd.s32 $0xFFFFE0C0  }
0x57: {  	[tilespmem:s15], [sflag:$0x1] =	stream.indirect.gather [hbm4b:s4+s14], $0x40, s12, s14, $0xb8;
	[tilespmem:$0x1EA00] =	vst v63  }
0x58: {  	_ =	swait.ge [sflag:s26], $0x1F40  }
0x59: {  	[sflag:s26] =	ssyncset.done $0x0  }
0x5a: {  	s3 =	simm.s32 $0x480;
	[sflag:s26] =	ssyncadd.s32 $0xFFFFE0C0  }
0x5b: {  	[tilespmem:s17], [sflag:$0x2] =	stream.indirect.gather [hbm4b:s4+s14], $0x40, s3, s14, $0xb8;
	[tilespmem:$0x1EA00] =	vst v63  }
0x5c: {  	_ =	swait.ge [sflag:s29], $0x1F40  }
0x5d: {  	[sflag:s29] =	ssyncset.done $0x0  }
0x5e: {  	s11 =	simm.s32 $0x500;
	[sflag:s29] =	ssyncadd.s32 $0xFFFFE0C0  }
0x5f: {  	[tilespmem:s19], [sflag:$0x3] =	stream.indirect.gather [hbm4b:s4+s14], $0x40, s11, s14, $0xb8;
	[tilespmem:$0x1EA00] =	vst v63  }
0x60: {  	_ =	swait.ge [sflag:s5], $0x1F40  }
0x61: {  	[sflag:s5] =	ssyncset.done $0x0  }
0x62: {  	s12 =	simm.s32 $0x580;
	[sflag:s5] =	ssyncadd.s32 $0xFFFFE0C0  }
0x63: {  	[tilespmem:s21], [sflag:$0x4] =	stream.indirect.gather [hbm4b:s4+s14], $0x40, s12, s14, $0xb8;
	[tilespmem:$0x1EA00] =	vst v63  }
0x64: {  	_ =	swait.ge [sflag:s7], $0x1F40  }
0x65: {  	[sflag:s7] =	ssyncset.done $0x0  }
0x66: {  	s3 =	simm.s32 $0x600;
	[sflag:s7] =	ssyncadd.s32 $0xFFFFE0C0  }
0x67: {  	[tilespmem:s23], [sflag:$0x5] =	stream.indirect.gather [hbm4b:s4+s14], $0x40, s3, s14, $0xb8;
	[tilespmem:$0x1EA00] =	vst v63  }
0x68: {  	_ =	swait.ge [sflag:s8], $0x1F40  }
0x69: {  	[sflag:s8] =	ssyncset.done $0x0  }
0x6a: {  	s11 =	simm.s32 $0x680;
	[sflag:s8] =	ssyncadd.s32 $0xFFFFE0C0  }
0x6b: {  	[tilespmem:s25], [sflag:$0x6] =	stream.indirect.gather [hbm4b:s4+s14], $0x40, s11, s14, $0xb8;
	[tilespmem:$0x1EA00] =	vst v63  }
0x6c: {  	_ =	swait.ge [sflag:s9], $0x1F40  }
0x6d: {  	[sflag:s9] =	ssyncset.done $0x0  }
0x6e: {  	s12 =	simm.s32 $0x700;
	[sflag:s9] =	ssyncadd.s32 $0xFFFFE0C0  }
0x6f: {  	[tilespmem:s28], [sflag:$0x7] =	stream.indirect.gather [hbm4b:s4+s14], $0x40, s12, s14, $0xb8;
	[tilespmem:$0x1EA00] =	vst v63  }
0x70: {  	_ =	swait.ge [sflag:s10], $0x1F40  }
0x71: {  	[sflag:s10] =	ssyncset.done $0x0  }
0x72: {  	s6 =	simm.s32 $0x1000;
	s11 =	simm.s32 $0x780;
	[sflag:s10] =	ssyncadd.s32 $0xFFFFE0C0  }
.LBB2_2:
0x73: {  	[tilespmem:s30], [sflag:$0x8] =	stream.indirect.gather [hbm4b:s4+s14], $0x40, s11, s14, $0xb8;
	[tilespmem:$0x1EA00] =	vst v63  }
0x74: {  	s11 =	smov.u32 s6  }
0x75: {  	p0 =	sne.s32 s6, $0x8000;
	s6 =	sadd.s32 $0x1000, s6;
	_ =	swait.ge [sflag:s31], $0x1F40  }
0x76: {  	s11 =	sshra.s32 s11, $0x2;
	[sflag:s31] =	ssyncset.done $0x0  }
0x77: {  	s12 =	sadd.s32 $0x2800, s11;
	[sflag:s31] =	ssyncadd.s32 $0xFFFFE0C0  }
0x78: {  	[spmem:s2] =	stream.indirect.scatter.add.f32 [tilespmem:s15], [sflag:$0x9], $0x40, s12, s14, $0xb8;
	[tilespmem:$0x1EA00] =	vst v63  }
0x79: {  	_ =	swait.ge [sflag:s1], $0x1F40  }
0x7a: {  	[sflag:s1] =	ssyncset.done $0x0  }
0x7b: {  	s12 =	sadd.s32 $0x2880, s11;
	[sflag:s1] =	ssyncadd.s32 $0xFFFFE0C0  }
0x7c: {  	[spmem:s2] =	stream.indirect.scatter.add.f32 [tilespmem:s17], [sflag:$0xA], $0x40, s12, s14, $0xb8;
	[tilespmem:$0x1EA00] =	vst v63  }
0x7d: {  	_ =	swait.ge [sflag:s0], $0x1F40  }
0x7e: {  	[sflag:s0] =	ssyncset.done $0x0  }
0x7f: {  	s12 =	sadd.s32 $0x2900, s11;
	[sflag:s0] =	ssyncadd.s32 $0xFFFFE0C0  }
0x80: {  	[spmem:s2] =	stream.indirect.scatter.add.f32 [tilespmem:s19], [sflag:$0xB], $0x40, s12, s14, $0xb8;
	[tilespmem:$0x1EA00] =	vst v63  }
0x81: {  	_ =	swait.ge [sflag:s13], $0x1F40  }
0x82: {  	[sflag:s13] =	ssyncset.done $0x0  }
0x83: {  	s12 =	sadd.s32 $0x2980, s11;
	[sflag:s13] =	ssyncadd.s32 $0xFFFFE0C0  }
0x84: {  	[spmem:s2] =	stream.indirect.scatter.add.f32 [tilespmem:s21], [sflag:$0xC], $0x40, s12, s14, $0xb8;
	[tilespmem:$0x1EA00] =	vst v63  }
0x85: {  	_ =	swait.ge [sflag:s16], $0x1F40  }
0x86: {  	[sflag:s16] =	ssyncset.done $0x0  }
0x87: {  	s12 =	sadd.s32 $0x2A00, s11;
	[sflag:s16] =	ssyncadd.s32 $0xFFFFE0C0  }
0x88: {  	[spmem:s2] =	stream.indirect.scatter.add.f32 [tilespmem:s23], [sflag:$0xD], $0x40, s12, s14, $0xb8;
	[tilespmem:$0x1EA00] =	vst v63  }
0x89: {  	_ =	swait.ge [sflag:s18], $0x1F40  }
0x8a: {  	[sflag:s18] =	ssyncset.done $0x0  }
0x8b: {  	s12 =	sadd.s32 $0x2A80, s11;
	[sflag:s18] =	ssyncadd.s32 $0xFFFFE0C0  }
0x8c: {  	[spmem:s2] =	stream.indirect.scatter.add.f32 [tilespmem:s25], [sflag:$0xE], $0x40, s12, s14, $0xb8;
	[tilespmem:$0x1EA00] =	vst v63  }
0x8d: {  	_ =	swait.ge [sflag:s20], $0x1F40  }
0x8e: {  	[sflag:s20] =	ssyncset.done $0x0  }
0x8f: {  	s12 =	sadd.s32 $0x2B00, s11;
	[sflag:s20] =	ssyncadd.s32 $0xFFFFE0C0  }
0x90: {  	[spmem:s2] =	stream.indirect.scatter.add.f32 [tilespmem:s28], [sflag:$0xF], $0x40, s12, s14, $0xb8;
	[tilespmem:$0x1EA00] =	vst v63  }
0x91: {  	_ =	swait.ge [sflag:s22], $0x1F40  }
0x92: {  	[sflag:s22] =	ssyncset.done $0x0  }
0x93: {  	s12 =	sadd.s32 $0x2B80, s11;
	[sflag:s22] =	ssyncadd.s32 $0xFFFFE0C0  }
0x94: {  	[spmem:s2] =	stream.indirect.scatter.add.f32 [tilespmem:s30], [sflag:$0x10], $0x40, s12, s14, $0xb8;
	[tilespmem:$0x1EA00] =	vst v63  }
0x95: {  	_ =	swait.ge [sflag:s24], $0x1F40  }
0x96: {  	[sflag:s24] =	ssyncset.done $0x0  }
0x97: {  	s12 =	sadd.s32 $0x400, s11;
	[sflag:s24] =	ssyncadd.s32 $0xFFFFE0C0  }
0x98: {  	[tilespmem:s15], [sflag:$0x1] =	stream.indirect.gather [hbm4b:s4+s14], $0x40, s12, s14, $0xb8;
	[tilespmem:$0x1EA00] =	vst v63  }
0x99: {  	_ =	swait.ge [sflag:s26], $0x1F40  }
0x9a: {  	[sflag:s26] =	ssyncset.done $0x0  }
0x9b: {  	s12 =	sadd.s32 $0x480, s11;
	[sflag:s26] =	ssyncadd.s32 $0xFFFFE0C0  }
0x9c: {  	[tilespmem:s17], [sflag:$0x2] =	stream.indirect.gather [hbm4b:s4+s14], $0x40, s12, s14, $0xb8;
	[tilespmem:$0x1EA00] =	vst v63  }
0x9d: {  	_ =	swait.ge [sflag:s29], $0x1F40  }
0x9e: {  	[sflag:s29] =	ssyncset.done $0x0  }
0x9f: {  	s12 =	sadd.s32 $0x500, s11;
	[sflag:s29] =	ssyncadd.s32 $0xFFFFE0C0  }
0xa0: {  	[tilespmem:s19], [sflag:$0x3] =	stream.indirect.gather [hbm4b:s4+s14], $0x40, s12, s14, $0xb8;
	[tilespmem:$0x1EA00] =	vst v63  }
0xa1: {  	_ =	swait.ge [sflag:s5], $0x1F40  }
0xa2: {  	[sflag:s5] =	ssyncset.done $0x0  }
0xa3: {  	s12 =	sadd.s32 $0x580, s11;
	[sflag:s5] =	ssyncadd.s32 $0xFFFFE0C0  }
0xa4: {  	[tilespmem:s21], [sflag:$0x4] =	stream.indirect.gather [hbm4b:s4+s14], $0x40, s12, s14, $0xb8;
	[tilespmem:$0x1EA00] =	vst v63  }
0xa5: {  	_ =	swait.ge [sflag:s7], $0x1F40  }
0xa6: {  	[sflag:s7] =	ssyncset.done $0x0  }
0xa7: {  	s12 =	sadd.s32 $0x600, s11;
	[sflag:s7] =	ssyncadd.s32 $0xFFFFE0C0  }
0xa8: {  	[tilespmem:s23], [sflag:$0x5] =	stream.indirect.gather [hbm4b:s4+s14], $0x40, s12, s14, $0xb8;
	[tilespmem:$0x1EA00] =	vst v63  }
0xa9: {  	_ =	swait.ge [sflag:s8], $0x1F40  }
0xaa: {  	[sflag:s8] =	ssyncset.done $0x0  }
0xab: {  	s12 =	sadd.s32 $0x680, s11;
	[sflag:s8] =	ssyncadd.s32 $0xFFFFE0C0  }
0xac: {  	[tilespmem:s25], [sflag:$0x6] =	stream.indirect.gather [hbm4b:s4+s14], $0x40, s12, s14, $0xb8;
	[tilespmem:$0x1EA00] =	vst v63  }
0xad: {  	_ =	swait.ge [sflag:s9], $0x1F40  }
0xae: {  	[sflag:s9] =	ssyncset.done $0x0  }
.Ltmp0:
0xaf: {  	s12 =	sadd.s32 $0x700, s11;
	[sflag:s9] =	ssyncadd.s32 $0xFFFFE0C0;
	(pc) =	sbr.rel @p0 .LBB2_2-.Ltmp0, $4  }
0xb0: {  	[tilespmem:s28], [sflag:$0x7] =	stream.indirect.gather [hbm4b:s4+s14], $0x40, s12, s14, $0xb8;
	[tilespmem:$0x1EA00] =	vst v63  }
0xb1: {  	_ =	swait.ge [sflag:s10], $0x1F40  }
0xb2: {  	[sflag:s10] =	ssyncset.done $0x0  }
0xb3: {  	s11 =	sadd.s32 $0x780, s11;
	[sflag:s10] =	ssyncadd.s32 $0xFFFFE0C0  }
0xb4: {  	[tilespmem:s30], [sflag:$0x8] =	stream.indirect.gather [hbm4b:s4+s14], $0x40, s11, s14, $0xb8;
	[tilespmem:$0x1EA00] =	vst v63  }
0xb5: {  	_ =	swait.ge [sflag:s31], $0x1F40  }
0xb6: {  	[sflag:s31] =	ssyncset.done $0x0  }
0xb7: {  	s3 =	simm.s32 $0x4C00;
	[sflag:s31] =	ssyncadd.s32 $0xFFFFE0C0  }
0xb8: {  	[spmem:s2] =	stream.indirect.scatter.add.f32 [tilespmem:s15], [sflag:$0x9], $0x40, s3, s14, $0xb8;
	[tilespmem:$0x1EA00] =	vst v63  }
0xb9: {  	_ =	swait.ge [sflag:s1], $0x1F40  }
0xba: {  	[sflag:s1] =	ssyncset.done $0x0  }
0xbb: {  	s12 =	simm.s32 $0x4C80;
	[sflag:s1] =	ssyncadd.s32 $0xFFFFE0C0  }
0xbc: {  	[spmem:s2] =	stream.indirect.scatter.add.f32 [tilespmem:s17], [sflag:$0xA], $0x40, s12, s14, $0xb8;
	[tilespmem:$0x1EA00] =	vst v63  }
0xbd: {  	_ =	swait.ge [sflag:s0], $0x1F40  }
0xbe: {  	[sflag:s0] =	ssyncset.done $0x0  }
0xbf: {  	s6 =	simm.s32 $0x4D00;
	[sflag:s0] =	ssyncadd.s32 $0xFFFFE0C0  }
0xc0: {  	[spmem:s2] =	stream.indirect.scatter.add.f32 [tilespmem:s19], [sflag:$0xB], $0x40, s6, s14, $0xb8;
	[tilespmem:$0x1EA00] =	vst v63  }
0xc1: {  	_ =	swait.ge [sflag:s13], $0x1F40  }
0xc2: {  	[sflag:s13] =	ssyncset.done $0x0  }
0xc3: {  	s11 =	simm.s32 $0x4D80;
	[sflag:s13] =	ssyncadd.s32 $0xFFFFE0C0  }
0xc4: {  	[spmem:s2] =	stream.indirect.scatter.add.f32 [tilespmem:s21], [sflag:$0xC], $0x40, s11, s14, $0xb8;
	[tilespmem:$0x1EA00] =	vst v63  }
0xc5: {  	_ =	swait.ge [sflag:s16], $0x1F40  }
0xc6: {  	[sflag:s16] =	ssyncset.done $0x0  }
0xc7: {  	s12 =	simm.s32 $0x4E00;
	[sflag:s16] =	ssyncadd.s32 $0xFFFFE0C0  }
0xc8: {  	[spmem:s2] =	stream.indirect.scatter.add.f32 [tilespmem:s23], [sflag:$0xD], $0x40, s12, s14, $0xb8;
	[tilespmem:$0x1EA00] =	vst v63  }
0xc9: {  	_ =	swait.ge [sflag:s18], $0x1F40  }
0xca: {  	[sflag:s18] =	ssyncset.done $0x0  }
0xcb: {  	s6 =	simm.s32 $0x4E80;
	[sflag:s18] =	ssyncadd.s32 $0xFFFFE0C0  }
0xcc: {  	[spmem:s2] =	stream.indirect.scatter.add.f32 [tilespmem:s25], [sflag:$0xE], $0x40, s6, s14, $0xb8;
	[tilespmem:$0x1EA00] =	vst v63  }
0xcd: {  	_ =	swait.ge [sflag:s20], $0x1F40  }
0xce: {  	[sflag:s20] =	ssyncset.done $0x0  }
0xcf: {  	s11 =	simm.s32 $0x4F00;
	[sflag:s20] =	ssyncadd.s32 $0xFFFFE0C0  }
0xd0: {  	[spmem:s2] =	stream.indirect.scatter.add.f32 [tilespmem:s28], [sflag:$0xF], $0x40, s11, s14, $0xb8;
	[tilespmem:$0x1EA00] =	vst v63  }
0xd1: {  	_ =	swait.ge [sflag:s22], $0x1F40  }
0xd2: {  	[sflag:s22] =	ssyncset.done $0x0  }
0xd3: {  	s12 =	simm.s32 $0x4F80;
	[sflag:s22] =	ssyncadd.s32 $0xFFFFE0C0  }
0xd4: {  	[spmem:s2] =	stream.indirect.scatter.add.f32 [tilespmem:s30], [sflag:$0x10], $0x40, s12, s14, $0xb8;
	[tilespmem:$0x1EA00] =	vst v63  }
0xd5: {  	_ =	swait.ge [sflag:s24], $0x1F40  }
0xd6: {  	[sflag:s24] =	ssyncset.done $0x0  }
0xd7: {  	[sflag:s24] =	ssyncadd.s32 $0xFFFFE0C0  }
0xd8: {  	_ =	swait.ge [sflag:s26], $0x1F40  }
0xd9: {  	[sflag:s26] =	ssyncset.done $0x0  }
0xda: {  	[sflag:s26] =	ssyncadd.s32 $0xFFFFE0C0  }
0xdb: {  	_ =	swait.ge [sflag:s29], $0x1F40  }
0xdc: {  	[sflag:s29] =	ssyncset.done $0x0  }
0xdd: {  	[sflag:s29] =	ssyncadd.s32 $0xFFFFE0C0  }
0xde: {  	_ =	swait.ge [sflag:s5], $0x1F40  }
0xdf: {  	[sflag:s5] =	ssyncset.done $0x0  }
0xe0: {  	[sflag:s5] =	ssyncadd.s32 $0xFFFFE0C0  }
0xe1: {  	_ =	swait.ge [sflag:s7], $0x1F40  }
0xe2: {  	[sflag:s7] =	ssyncset.done $0x0  }
0xe3: {  	[sflag:s7] =	ssyncadd.s32 $0xFFFFE0C0  }
0xe4: {  	_ =	swait.ge [sflag:s8], $0x1F40  }
0xe5: {  	[sflag:s8] =	ssyncset.done $0x0  }
0xe6: {  	[sflag:s8] =	ssyncadd.s32 $0xFFFFE0C0  }
0xe7: {  	_ =	swait.ge [sflag:s9], $0x1F40  }
0xe8: {  	[sflag:s9] =	ssyncset.done $0x0  }
0xe9: {  	[sflag:s9] =	ssyncadd.s32 $0xFFFFE0C0  }
0xea: {  	_ =	swait.ge [sflag:s10], $0x1F40  }
0xeb: {  	[sflag:s10] =	ssyncset.done $0x0  }
0xec: {  	[sflag:s10] =	ssyncadd.s32 $0xFFFFE0C0  }
0xed: {  	[bflag:$0x0] =	sbarrier.arrive $0xFFFF  }
0xee: {  	s11 =	rddreg [dreg:$0x4]  }
0xef: {  	s6 =	rddreg [dreg:$0x7]  }
0xf0: {  	s12 =	rddreg [dreg:$0x9]  }
0xf1: {  	[hbm:s6], [sflag:s11] =	dma.local [spmem:s12], $0x1400  }
0xf2: {  	s6 =	simm.s32 $0x11  }
0xf3: {  	_ =	swait.ge [sflag:s6], $0x1400  }
0xf4: {  	s3 =	rddreg [dreg:$0xa]  }
0xf5: {  	[sflag:s6] =	ssyncset.done $0x0;
	s6 =	rddreg [dreg:$0x8];
	s3 =	sadd.s32 $0x1, s3  }
0xf6: {  	p0 =	sne.s32 s3, s6  }
.Ltmp1:
0xf7: {  	_ = 	snop;
	(pc) =	sbr.rel @p0 .LBB2_1-.Ltmp1, $3  }
0xf8: {  	_ =	sdelay $0x1  }
0xf9: {  	s6 =	simm.s32 $0x11  }
0xfa: {  	[dreg:$0xa] =	wrdreg s3;
	[sflag:s6] =	ssyncadd.s32 $0xFFFFEC00  }
0xfb: {  	_ =	sfence.sel $0x180000  }
0xfc: {  	[bflag:$0x0] =	sbarrier.arrive $0xFFFF  }
0xfd: {  	_ =	strace $0x9000004A  }
0xfe: {  	s0 =	stileid.u32;
	[bflag:$0x2] =	sbarrier.arrive $0xFFFF  }
0xff: {  	p0 =	sne.s32 s0, $0x0;
	s0 =	rddreg [dreg:$0x2]  }
0x100: {  	s0 =	sadd.s32 @!p0 $0x100000, s0  }
0x101: {  	[sflag:s0] =	ssyncadd.tile.s32 @!p0 $0x1;
	_ =	shalt  }
.Lfunc_end2:
_tile_overlayer_lowered:
.L_overlay_start_2:
0x102: {  	(tag) =	ssettag $0x2  }
0x103: {  	s0 =	rddreg [dreg:$0x0];
	s2 =	stileid.u32  }
0x104: {  	s1 =	rddreg [dreg:$0x1];
	p0 =	sne.s32 s2, $0x0  }
0x105: {  	s3 =	rddreg [dreg:$0x2];
	[bflag:$0x3] =	sbarrier.arrive $0xFFFF;
	s2 =	simm.s32 @!p0 $0x1C11  }
0x106: {  	[timem:s3], [sflag:s2] =	dma.local @!p0 [hbm:s0], s1  }
0x107: {  	s0 =	simm.s32 @!p0 $0x11  }
0x108: {  	_ =	swait.ge @!p0 [sflag:s0], s1  }
0x109: {  	s1 =	ssub.s32 @!p0 $0x0, s1;
	[sflag:s0] =	ssyncset.done @!p0 $0x0  }
0x10a: {  	[sflag:s0] =	ssyncadd.s32 @!p0 s1  }
0x10b: {  	[bflag:$0x3] =	sbarrier.arrive $0xFFFF  }
0x10c: {  	_ =	shalt  }

// kernel: kernel.17.cloned.1.call-start
scs
__scs_entry_jumppad:
0x0: {  	(pc) =	sbr.rel $0x88, $3  }
0x1: {  	(tag) =	ssettag $0x0;
	lr =	simm.s32 $0x1  }
0x2: {  	[smem:$0x3F8D] =	sst lr;
	_ =	strace $0xD0000000  }
0x3: {  	_ = 	snop  }
0x4: {  	_ = 	snop  }
0x5: {  	_ = 	snop  }
0x6: {  	_ = 	snop  }
0x7: {  	_ = 	snop  }
__scs_overlays_trampoline_lowered:
0x8: {  	[smem:$0x3F9C] =	sst s0  }
0x9: {  	[smem:$0x3F9D] =	sst s1  }
0xa: {  	[smem:$0x3F9E] =	sst s2  }
0xb: {  	[smem:$0x3F9F] =	sst s3  }
0xc: {  	[smem:$0x3FA0] =	sst s4  }
0xd: {  	[smem:$0x3FA1] =	sst s5  }
0xe: {  	[smem:$0x3FA2] =	sst s6  }
0xf: {  	[smem:$0x3FA3] =	sst s7  }
0x10: {  	[smem:$0x3FA4] =	sst s8  }
0x11: {  	[smem:$0x3FA5] =	sst s9;
	s0 =	simm.s32 @!p0 $0x0  }
0x12: {  	s1 =	sld [smem:$0x3F8B];
	s0 =	simm.s32 @p0 $0x1  }
0x13: {  	[smem:$0x3FA6] =	sst s0;
	s0 =	simm.s32 @!p1 $0x0  }
0x14: {  	s2 =	sld [smem:$0x3F8A];
	s0 =	simm.s32 @p1 $0x1  }
0x15: {  	[smem:$0x3FA7] =	sst s0;
	s0 =	simm.s32 @!p2 $0x0  }
0x16: {  	s3 =	sld [smem:$0x3FDB];
	s0 =	simm.s32 @p2 $0x1  }
0x17: {  	s4 =	simm.s32 $0x1BF5;
	[smem:$0x3FA9] =	sst s0  }
0x18: {  	s0 =	sld [smem:$0x3F8C];
	_ =	swait.ge [sflag:s4], $0x0  }
0x19: {  	s7 =	sld [smem:$0x3F8D]  }
0x1a: {  	s8 =	sadd.s32 $0xFFFFE003, lr  }
0x1b: {  	s9 =	sadd.s32 $0xFFFFFEF7, lr;
	s5 =	simm.s32 $0xFFFFFFFF;
	p2 =	slt.u32 s8, $0xFFFFF086  }
0x1c: {  	p1 =	slt.u32 s9, $0xF7A;
	s5 =	simm.s32 @!p2 $0x0  }
0x1d: {  	s5 =	simm.s32 @p1 $0x1;
	p0 =	seq.s32 s7, s2  }
0x1e: {  	s7 =	smul.u32 @!p0 $0xF7A, s2;
	p2 =	seq.s32 @!p0 s5, $0x0  }
0x1f: {  	s9 =	smul.u32 $0xF7A, s1;
	s8 =	simm.s32 @!p0 $0x1BF5;
	p2 =	por !p2, p0  }
0x20: {  	[sflag:s8] =	ssyncset.s32 @!p0 $0xFFFFF086;
	s6 =	sadd.s32 @!p0 s3, s7;
	s7 =	simm.s32 @!p0 $0x108  }
0x21: {  	s3 =	sadd.s32 s3, s9;
	s6 =	sadd.s32 @!p0 $0x88, s6;
	s7 =	simm.s32 @p2 $0x1082  }
0x22: {  	[simem:s7], [sflag:s8] =	dma.local @!p0 [hbm:s6], $0xF7A  }
0x23: {  	s9 =	sor.u32 $0xD0000000, s2;
	s6 =	simm.s32 $0x108;
	_ =	swait.ge @!p0 [sflag:s8], $0x0  }
0x24: {  	s3 =	sadd.s32 $0x88, s3;
	s6 =	simm.s32 @!p1 $0x1082;
	[sflag:s4] =	ssyncset.s32 $0xFFFFF086  }
0x25: {  	[simem:s6], [sflag:s4] =	dma.local [hbm:s3], $0xF7A  }
0x26: {  	[smem:$0x3F8D] =	sst s1;
	(tag) =	ssettag s2;
	_ =	strace s9  }
0x27: {  	s1 =	sld [smem:$0x3F9D]  }
0x28: {  	s2 =	sld [smem:$0x3F9E]  }
0x29: {  	s4 =	sld [smem:$0x3FA0]  }
0x2a: {  	p0 =	seq.s32 s5, $0x0;
	s5 =	sld [smem:$0x3FA1]  }
0x2b: {  	s6 =	sld [smem:$0x3FA2]  }
0x2c: {  	s7 =	sld [smem:$0x3FA3]  }
0x2d: {  	s3 =	simm.s32 $0x108;
	s8 =	sld [smem:$0x3FA4]  }
0x2e: {  	s3 =	simm.s32 @!p0 $0x1082;
	s9 =	sld [smem:$0x3FA5]  }
0x2f: {  	lr =	sadd.s32 s0, s3;
	s0 =	sld [smem:$0x3F9C]  }
0x30: {  	s3 =	sld [smem:$0x3F9F]  }
0x31: {  	[smem:$0x3FA8] =	sst s10  }
0x32: {  	s10 =	sld [smem:$0x3FA6];
	_ =	sdelay $0x3  }
0x33: {  	p0 =	seq.s32 s10, $0x1;
	s10 =	sld [smem:$0x3FA8];
	_ =	sdelay $0x3  }
0x34: {  	[smem:$0x3FA8] =	sst s10  }
0x35: {  	s10 =	sld [smem:$0x3FA7];
	_ =	sdelay $0x3  }
0x36: {  	p1 =	seq.s32 s10, $0x1;
	s10 =	sld [smem:$0x3FA8];
	_ =	sdelay $0x3  }
0x37: {  	[smem:$0x3FA8] =	sst s10  }
0x38: {  	s10 =	sld [smem:$0x3FA9]  }
0x39: {  	_ = 	snop;
	(pc) =	sbr.ind lr, $3  }
0x3a: {  	_ = 	snop  }
0x3b: {  	_ = 	snop  }
0x3c: {  	p2 =	seq.s32 s10, $0x1;
	s10 =	sld [smem:$0x3FA8]  }
0x3d: {  	_ =	shalt  }
0x3e: {  	_ =	shalt  }
0x3f: {  	_ =	shalt  }
0x40: {  	_ =	shalt  }
0x41: {  	_ =	shalt  }
0x42: {  	_ =	shalt  }
0x43: {  	_ =	shalt  }
0x44: {  	_ =	shalt  }
0x45: {  	_ =	shalt  }
0x46: {  	_ =	shalt  }
0x47: {  	_ =	shalt  }
0x48: {  	_ =	shalt  }
0x49: {  	_ =	shalt  }
0x4a: {  	_ =	shalt  }
0x4b: {  	_ =	shalt  }
0x4c: {  	_ =	shalt  }
0x4d: {  	_ =	shalt  }
0x4e: {  	_ =	shalt  }
0x4f: {  	_ =	shalt  }
0x50: {  	_ =	shalt  }
0x51: {  	_ =	shalt  }
0x52: {  	_ =	shalt  }
0x53: {  	_ =	shalt  }
0x54: {  	_ =	shalt  }
0x55: {  	_ =	shalt  }
0x56: {  	_ =	shalt  }
0x57: {  	_ =	shalt  }
0x58: {  	_ =	shalt  }
0x59: {  	_ =	shalt  }
0x5a: {  	_ =	shalt  }
0x5b: {  	_ =	shalt  }
0x5c: {  	_ =	shalt  }
0x5d: {  	_ =	shalt  }
0x5e: {  	_ =	shalt  }
0x5f: {  	_ =	shalt  }
0x60: {  	_ =	shalt  }
0x61: {  	_ =	shalt  }
0x62: {  	_ =	shalt  }
0x63: {  	_ =	shalt  }
0x64: {  	_ =	shalt  }
0x65: {  	_ =	shalt  }
0x66: {  	_ =	shalt  }
0x67: {  	_ =	shalt  }
0x68: {  	_ =	shalt  }
0x69: {  	_ =	shalt  }
0x6a: {  	_ =	shalt  }
0x6b: {  	_ =	shalt  }
0x6c: {  	_ =	shalt  }
0x6d: {  	_ =	shalt  }
0x6e: {  	_ =	shalt  }
0x6f: {  	_ =	shalt  }
0x70: {  	_ =	shalt  }
0x71: {  	_ =	shalt  }
0x72: {  	_ =	shalt  }
0x73: {  	_ =	shalt  }
0x74: {  	_ =	shalt  }
0x75: {  	_ =	shalt  }
0x76: {  	_ =	shalt  }
0x77: {  	_ =	shalt  }
0x78: {  	_ =	shalt  }
0x79: {  	_ =	shalt  }
0x7a: {  	_ =	shalt  }
0x7b: {  	_ =	shalt  }
0x7c: {  	_ =	shalt  }
0x7d: {  	_ =	shalt  }
0x7e: {  	_ =	shalt  }
0x7f: {  	_ =	shalt  }
0x80: {  	_ =	shalt  }
0x81: {  	_ =	shalt  }
0x82: {  	_ =	shalt  }
0x83: {  	_ =	shalt  }
0x84: {  	_ =	shalt  }
0x85: {  	_ =	shalt  }
0x86: {  	_ =	shalt  }
0x87: {  	_ =	shalt  }
.Lfunc_end0:
.L_simem_size_0:
called_computation.2_lowered:
.L_overlay_start_0:
0x88: {  	s2 =	sld [smem:$0x3FD9]  }
0x89: {  	s3 =	sld [smem:$0x3FFE];
	_ =	sdelay $0x1  }
0x8a: {  	s1 =	srdreg.scid  }
0x8b: {  	s0 =	sand.u32 $0x1, s1  }
0x8c: {  	s16 =	sshll.u32 s0, $0xA;
	s2 =	sadd.s32 s3, s2  }
0x8d: {  	s2 =	sadd.s32 s2, s16  }
0x8e: {  	[smem:$0x3FB4] =	sst s2  }
0x8f: {  	_ = 	snop  }
0x90: {  	(tm) =	ssettm $0x1  }
0x91: {  	s17 =	sld [smem:$0x3FFB];
	_ =	sdelay $0x3  }
0x92: {  	_ =	strace s17  }
0x93: {  	s2 =	sld [smem:$0x3FFC];
	_ =	sdelay $0x3  }
0x94: {  	_ =	strace s2  }
0x95: {  	s2 =	sld [smem:$0x3FFD];
	_ =	sdelay $0x3  }
0x96: {  	_ =	strace s2  }
0x97: {  	_ =	strace $0x8FFFFFFF  }
0x98: {  	s18 =	sld [smem:$0x3FDB];
	_ =	sdelay $0x1  }
0x99: {  	s19 =	simm.s32 $_scs_section_size  }
0x9a: {  	s4 =	simm.s32 $_size__tile_overlayer_lowered;
	s5 =	simm.s32 $_tile_overlayer_lowered  }
0x9b: {  	s22 =	simm.s32 $0x1BFF;
	s21 =	sshll.u32 s5, $0x1;
	s2 =	sadd.s32 s19, s18  }
0x9c: {  	s6 =	simm.s32 $0x0;
	s20 =	sshll.u32 s4, $0x1;
	s4 =	sadd.s32 s21, s2  }
0x9d: {  	[timem:s6], [sflag:s22] =	dma.local [hbm:s4], s20  }
0x9e: {  	_ =	swait.ge [sflag:s22], s20  }
0x9f: {  	s3 =	ssub.s32 $0x0, s20;
	[sflag:s22] =	ssyncset.done $0x0  }
0xa0: {  	[sflag:s22] =	ssyncadd.s32 s3;
	_ =	sdelay $0x1  }
0xa1: {  	s23 =	simm.s32 $0x1B8B  }
0xa2: {  	_ =	swait.ge [sflag:s23], $0x1  }
0xa3: {  	[sflag:s23] =	ssyncset.done $0x0  }
0xa4: {  	s25 =	simm.s32 $0x1B8E;
	s24 =	sld [smem:$0x3FFE];
	[sflag:s23] =	ssyncadd.s32 $0xFFFFFFFF  }
0xa5: {  	s26 =	simm.s32 $execute0_lowered;
	[smem:$0x3FD2] =	sst s25  }
0xa6: {  	s4 =	sshll.u32 s26, $0x1;
	_ =	strace $0x8000004C;
	[dreg:$0x1] =	wrdreg $0xFFFFFFFF  }
0xa7: {  	s28 =	simm.s32 $_size_execute0_lowered;
	s2 =	sadd.s32 s2, s4;
	[dreg:$0x0] =	wrdreg $0x0  }
0xa8: {  	s4 =	sshll.u32 s28, $0x1;
	[dreg:$0x2] =	wrdreg s2  }
0xa9: {  	[dreg:$0x3] =	wrdreg s4  }
0xaa: {  	[dreg:$0x4] =	wrdreg $0xC0  }
0xab: {  	_ =	task [dreg:s6], $0x5FFFF  }
0xac: {  	[dreg:$0x1] =	wrdreg $0xFFFFFFFF  }
0xad: {  	[dreg:$0x0] =	wrdreg $0x60  }
0xae: {  	[dreg:$0x2] =	wrdreg s24  }
0xaf: {  	[dreg:$0x3] =	wrdreg $0x14A000  }
0xb0: {  	[dreg:$0x4] =	wrdreg $0x9  }
0xb1: {  	_ =	task.clear_ibuf [dreg:s6], $0x5FFFF;
	_ =	strace $0x9000004C  }
0xb2: {  	s29 =	simm.s32 $0x9;
	_ =	strace $0x8000004E  }
0xb3: {  	_ =	swait.ge [sflag:s29], $0x1  }
0xb4: {  	[sflag:s29] =	ssyncadd.s32 $0xFFFFFFFF  }
0xb5: {  	_ =	strace $0x9000004E  }
0xb6: {  	_ =	sfence  }
0xb7: {  	s30 =	sld [smem:$0x0];
	_ =	sdelay $0x2  }
0xb8: {  	s31 =	sshll.u32 s1, $0xD;
	s1 =	sshrl.u32 s1, $0x2  }
0xb9: {  	s3 =	sand.u32 $0x4000, s31;
	s1 =	sadd.s32 s1, s30  }
0xba: {  	s0 =	sor.u32 s3, s0;
	s1 =	sshll.u32 s1, $0x11  }
0xbb: {  	s0 =	sor.u32 s1, s0  }
0xbc: {  	s0 =	sadd.s32 $0x8F2B, s0  }
0xbd: {  	[sflag:s0] =	ssyncadd.remote.s32 $0x1  }
0xbe: {  	_ =	sfence.sel $0xFFFF  }
0xbf: {  	[dreg:$0x0] =	wrdreg $0xFFFFFFFF;
	(pc) =	sbr.abs _section_cstart, $3  }
0xc0: {  	[dreg:$0x1] =	wrdreg $0xFFFFFFFF  }
0xc1: {  	_ =	task.clear_ibuf [dreg:s6], $0x2FFFF;
	_ =	strace $0x9FFFFFFF  }
0xc2: {  	(tm) =	ssettm $0x7FFFFFFF  }
0xc3: {  	_ =	shalt  }
tec
execute0_lowered:
.L_overlay_start_1:
0x0: {  	(tag) =	ssettag $0x1  }
0x1: {  	s0 =	srdreg.scid;
	s3 =	rddreg [dreg:$0x0]  }
0x2: {  	s7 =	stileid.u32;
	s2 =	rddreg [dreg:$0x1];
	s4 =	simm.s32 $0x0  }
0x3: {  	s14 =	simm.s32 $0x7D;
	s15 =	simm.s32 $0x5000;
	s17 =	simm.s32 $0x6F40  }
0x4: {  	s19 =	simm.s32 $0x8E80;
	s21 =	simm.s32 $0xADC0;
	s23 =	simm.s32 $0xCD00  }
0x5: {  	s28 =	simm.s32 $0x10B80;
	s30 =	simm.s32 $0x12AC0;
	s31 =	simm.s32 $0x1  }
0x6: {  	s13 =	simm.s32 $0x4;
	s16 =	simm.s32 $0x5;
	s18 =	simm.s32 $0x6  }
0x7: {  	s20 =	simm.s32 $0x7;
	s22 =	simm.s32 $0x8;
	s24 =	simm.s32 $0x9  }
0x8: {  	s29 =	simm.s32 $0xB;
	s9 =	simm.s32 $0xF;
	s10 =	simm.s32 $0x10  }
0x9: {  	s0 =	sand.u32 $0x1, s0;
	s5 =	smul.u32 $0xA000, s7;
	[smem:$0x7FF] =	sst s4  }
0xa: {  	s4 =	sadd.s32 $0x19A00, s3;
	s8 =	sadd.s32 $0x2D400, s3;
	s1 =	sshll.u32 s0, $0x4  }
0xb: {  	s6 =	smul.u32 $0xA0000, s0;
	_ =	strace $0x8000004D;
	[dreg:$0x3] =	wrdreg s8  }
0xc: {  	s0 =	ssub.s32 $0x2, s0;
	s8 =	simm.s32 $0xE;
	s1 =	sor.u32 s7, s1  }
0xd: {  	s25 =	sshrl.u32 s0, $0x1;
	s7 =	sshll.u32 s7, $0x6;
	s1 =	smul.u32 $0x2800, s1  }
0xe: {  	s6 =	sadd.s32 s5, s6;
	s0 =	ssub.s32 s0, s25;
	s11 =	sor.u32 $0x1C11, s7  }
0xf: {  	s5 =	sadd.s32 s5, s2;
	s0 =	smax.u32 s0, $0x1;
	[dreg:$0x4] =	wrdreg s11  }
0x10: {  	s25 =	simm.s32 $0xEC40;
	s12 =	sshrl.u32 s5, $0x3;
	[dreg:$0x8] =	wrdreg s0  }
0x11: {  	s6 =	sshrl.u32 s6, $0x3;
	s1 =	sshrl.u32 s1, $0x3;
	[dreg:$0x9] =	wrdreg s12  }
0x12: {  	s1 =	sadd.s32 s1, s3;
	s3 =	sadd.s32 s6, s3;
	s6 =	simm.s32 $0x0  }
0x13: {  	s7 =	simm.s32 $0xD;
	s26 =	sadd.s32 $0x5A00, s1;
	[dreg:$0xa] =	wrdreg s6  }
0x14: {  	s5 =	simm.s32 $0xC;
	s1 =	sadd.s32 $0xFA00, s1;
	[dreg:$0x5] =	wrdreg s26  }
0x15: {  	s0 =	simm.s32 $0x3;
	s3 =	sadd.s32 $0x2E800, s3;
	[dreg:$0x6] =	wrdreg s1  }
0x16: {  	[dreg:$0x7] =	wrdreg s3;
	s1 =	simm.s32 $0x2;
	s26 =	simm.s32 $0xA  }
.LBB2_1:
0x17: {  	s3 =	simm.s32 $0x11;
	s6 =	rddreg [dreg:$0x3]  }
0x18: {  	[spmem:s12], [sflag:s11] =	dma.local [hbm:s6], $0x1400  }
0x19: {  	_ =	swait.ge [sflag:s3], $0x1400  }
0x1a: {  	[sflag:s3] =	ssyncset.done $0x0  }
0x1b: {  	s6 =	simm.s32 $0x0;
	s12 =	rddreg [dreg:$0x5];
	[sflag:s3] =	ssyncadd.s32 $0xFFFFEC00  }
0x1c: {  	[tilespmem:s6], [sflag:$0x11] =	stream.linear.gather [hbm4b:s12+s6], $0x2800, $0x38;
	[tilespmem:$0x1EA00] =	vst v63  }
0x1d: {  	_ =	swait.ge [sflag:s3], $0x2800  }
0x1e: {  	[sflag:s3] =	ssyncset.done $0x0  }
0x1f: {  	s12 =	simm.s32 $0x2800;
	s11 =	rddreg [dreg:$0x6];
	[sflag:s3] =	ssyncadd.s32 $0xFFFFD800  }
0x20: {  	[tilespmem:s12], [sflag:$0x11] =	stream.linear.gather [hbm4b:s11+s6], $0x2800, $0x38;
	[tilespmem:$0x1EA00] =	vst v63  }
0x21: {  	_ =	swait.ge [sflag:s3], $0x2800  }
0x22: {  	[sflag:s3] =	ssyncset.done $0x0  }
0x23: {  	[sflag:s3] =	ssyncadd.s32 $0xFFFFD800  }
0x24: {  	[bflag:$0x0] =	sbarrier.arrive $0xFFFF  }
0x25: {  	[tilespmem:s15], [sflag:$0x1] =	stream.indirect.gather [hbm4b:s4+s14], $0x40, s6, s14, $0xb8;
	[tilespmem:$0x1EA00] =	vst v63  }
0x26: {  	s12 =	simm.s32 $0x80  }
0x27: {  	[tilespmem:s17], [sflag:$0x2] =	stream.indirect.gather [hbm4b:s4+s14], $0x40, s12, s14, $0xb8;
	[tilespmem:$0x1EA00] =	vst v63  }
0x28: {  	s6 =	simm.s32 $0x100  }
0x29: {  	[tilespmem:s19], [sflag:$0x3] =	stream.indirect.gather [hbm4b:s4+s14], $0x40, s6, s14, $0xb8;
	[tilespmem:$0x1EA00] =	vst v63  }
0x2a: {  	s11 =	simm.s32 $0x180  }
0x2b: {  	[tilespmem:s21], [sflag:$0x4] =	stream.indirect.gather [hbm4b:s4+s14], $0x40, s11, s14, $0xb8;
	[tilespmem:$0x1EA00] =	vst v63  }
0x2c: {  	s12 =	simm.s32 $0x200  }
0x2d: {  	[tilespmem:s23], [sflag:$0x5] =	stream.indirect.gather [hbm4b:s4+s14], $0x40, s12, s14, $0xb8;
	[tilespmem:$0x1EA00] =	vst v63  }
0x2e: {  	s6 =	simm.s32 $0x280  }
0x2f: {  	[tilespmem:s25], [sflag:$0x6] =	stream.indirect.gather [hbm4b:s4+s14], $0x40, s6, s14, $0xb8;
	[tilespmem:$0x1EA00] =	vst v63  }
0x30: {  	s11 =	simm.s32 $0x300  }
0x31: {  	[tilespmem:s28], [sflag:$0x7] =	stream.indirect.gather [hbm4b:s4+s14], $0x40, s11, s14, $0xb8;
	[tilespmem:$0x1EA00] =	vst v63  }
0x32: {  	s12 =	simm.s32 $0x380  }
0x33: {  	[tilespmem:s30], [sflag:$0x8] =	stream.indirect.gather [hbm4b:s4+s14], $0x40, s12, s14, $0xb8;
	[tilespmem:$0x1EA00] =	vst v63  }
0x34: {  	_ =	swait.ge [sflag:s31], $0x1F40  }
0x35: {  	[sflag:s31] =	ssyncset.done $0x0  }
0x36: {  	s3 =	simm.s32 $0x2800;
	[sflag:s31] =	ssyncadd.s32 $0xFFFFE0C0  }
0x37: {  	[spmem:s2] =	stream.indirect.scatter.add.f32 [tilespmem:s15], [sflag:$0x9], $0x40, s3, s14, $0xb8;
	[tilespmem:$0x1EA00] =	vst v63  }
0x38: {  	_ =	swait.ge [sflag:s1], $0x1F40  }
0x39: {  	[sflag:s1] =	ssyncset.done $0x0  }
0x3a: {  	s11 =	simm.s32 $0x2880;
	[sflag:s1] =	ssyncadd.s32 $0xFFFFE0C0  }
0x3b: {  	[spmem:s2] =	stream.indirect.scatter.add.f32 [tilespmem:s17], [sflag:$0xA], $0x40, s11, s14, $0xb8;
	[tilespmem:$0x1EA00] =	vst v63  }
0x3c: {  	_ =	swait.ge [sflag:s0], $0x1F40  }
0x3d: {  	[sflag:s0] =	ssyncset.done $0x0  }
0x3e: {  	s12 =	simm.s32 $0x2900;
	[sflag:s0] =	ssyncadd.s32 $0xFFFFE0C0  }
0x3f: {  	[spmem:s2] =	stream.indirect.scatter.add.f32 [tilespmem:s19], [sflag:$0xB], $0x40, s12, s14, $0xb8;
	[tilespmem:$0x1EA00] =	vst v63  }
0x40: {  	_ =	swait.ge [sflag:s13], $0x1F40  }
0x41: {  	[sflag:s13] =	ssyncset.done $0x0  }
0x42: {  	s3 =	simm.s32 $0x2980;
	[sflag:s13] =	ssyncadd.s32 $0xFFFFE0C0  }
0x43: {  	[spmem:s2] =	stream.indirect.scatter.add.f32 [tilespmem:s21], [sflag:$0xC], $0x40, s3, s14, $0xb8;
	[tilespmem:$0x1EA00] =	vst v63  }
0x44: {  	_ =	swait.ge [sflag:s16], $0x1F40  }
0x45: {  	[sflag:s16] =	ssyncset.done $0x0  }
0x46: {  	s11 =	simm.s32 $0x2A00;
	[sflag:s16] =	ssyncadd.s32 $0xFFFFE0C0  }
0x47: {  	[spmem:s2] =	stream.indirect.scatter.add.f32 [tilespmem:s23], [sflag:$0xD], $0x40, s11, s14, $0xb8;
	[tilespmem:$0x1EA00] =	vst v63  }
0x48: {  	_ =	swait.ge [sflag:s18], $0x1F40  }
0x49: {  	[sflag:s18] =	ssyncset.done $0x0  }
0x4a: {  	s12 =	simm.s32 $0x2A80;
	[sflag:s18] =	ssyncadd.s32 $0xFFFFE0C0  }
0x4b: {  	[spmem:s2] =	stream.indirect.scatter.add.f32 [tilespmem:s25], [sflag:$0xE], $0x40, s12, s14, $0xb8;
	[tilespmem:$0x1EA00] =	vst v63  }
0x4c: {  	_ =	swait.ge [sflag:s20], $0x1F40  }
0x4d: {  	[sflag:s20] =	ssyncset.done $0x0  }
0x4e: {  	s3 =	simm.s32 $0x2B00;
	[sflag:s20] =	ssyncadd.s32 $0xFFFFE0C0  }
0x4f: {  	[spmem:s2] =	stream.indirect.scatter.add.f32 [tilespmem:s28], [sflag:$0xF], $0x40, s3, s14, $0xb8;
	[tilespmem:$0x1EA00] =	vst v63  }
0x50: {  	_ =	swait.ge [sflag:s22], $0x1F40  }
0x51: {  	[sflag:s22] =	ssyncset.done $0x0  }
0x52: {  	s11 =	simm.s32 $0x2B80;
	[sflag:s22] =	ssyncadd.s32 $0xFFFFE0C0  }
0x53: {  	[spmem:s2] =	stream.indirect.scatter.add.f32 [tilespmem:s30], [sflag:$0x10], $0x40, s11, s14, $0xb8;
	[tilespmem:$0x1EA00] =	vst v63  }
0x54: {  	_ =	swait.ge [sflag:s24], $0x1F40  }
0x55: {  	[sflag:s24] =	ssyncset.done $0x0  }
0x56: {  	s12 =	simm.s32 $0x400;
	[sflag:s24] =	ssyncadd.s32 $0xFFFFE0C0  }
0x57: {  	[tilespmem:s15], [sflag:$0x1] =	stream.indirect.gather [hbm4b:s4+s14], $0x40, s12, s14, $0xb8;
	[tilespmem:$0x1EA00] =	vst v63  }
0x58: {  	_ =	swait.ge [sflag:s26], $0x1F40  }
0x59: {  	[sflag:s26] =	ssyncset.done $0x0  }
0x5a: {  	s3 =	simm.s32 $0x480;
	[sflag:s26] =	ssyncadd.s32 $0xFFFFE0C0  }
0x5b: {  	[tilespmem:s17], [sflag:$0x2] =	stream.indirect.gather [hbm4b:s4+s14], $0x40, s3, s14, $0xb8;
	[tilespmem:$0x1EA00] =	vst v63  }
0x5c: {  	_ =	swait.ge [sflag:s29], $0x1F40  }
0x5d: {  	[sflag:s29] =	ssyncset.done $0x0  }
0x5e: {  	s11 =	simm.s32 $0x500;
	[sflag:s29] =	ssyncadd.s32 $0xFFFFE0C0  }
0x5f: {  	[tilespmem:s19], [sflag:$0x3] =	stream.indirect.gather [hbm4b:s4+s14], $0x40, s11, s14, $0xb8;
	[tilespmem:$0x1EA00] =	vst v63  }
0x60: {  	_ =	swait.ge [sflag:s5], $0x1F40  }
0x61: {  	[sflag:s5] =	ssyncset.done $0x0  }
0x62: {  	s12 =	simm.s32 $0x580;
	[sflag:s5] =	ssyncadd.s32 $0xFFFFE0C0  }
0x63: {  	[tilespmem:s21], [sflag:$0x4] =	stream.indirect.gather [hbm4b:s4+s14], $0x40, s12, s14, $0xb8;
	[tilespmem:$0x1EA00] =	vst v63  }
0x64: {  	_ =	swait.ge [sflag:s7], $0x1F40  }
0x65: {  	[sflag:s7] =	ssyncset.done $0x0  }
0x66: {  	s3 =	simm.s32 $0x600;
	[sflag:s7] =	ssyncadd.s32 $0xFFFFE0C0  }
0x67: {  	[tilespmem:s23], [sflag:$0x5] =	stream.indirect.gather [hbm4b:s4+s14], $0x40, s3, s14, $0xb8;
	[tilespmem:$0x1EA00] =	vst v63  }
0x68: {  	_ =	swait.ge [sflag:s8], $0x1F40  }
0x69: {  	[sflag:s8] =	ssyncset.done $0x0  }
0x6a: {  	s11 =	simm.s32 $0x680;
	[sflag:s8] =	ssyncadd.s32 $0xFFFFE0C0  }
0x6b: {  	[tilespmem:s25], [sflag:$0x6] =	stream.indirect.gather [hbm4b:s4+s14], $0x40, s11, s14, $0xb8;
	[tilespmem:$0x1EA00] =	vst v63  }
0x6c: {  	_ =	swait.ge [sflag:s9], $0x1F40  }
0x6d: {  	[sflag:s9] =	ssyncset.done $0x0  }
0x6e: {  	s12 =	simm.s32 $0x700;
	[sflag:s9] =	ssyncadd.s32 $0xFFFFE0C0  }
0x6f: {  	[tilespmem:s28], [sflag:$0x7] =	stream.indirect.gather [hbm4b:s4+s14], $0x40, s12, s14, $0xb8;
	[tilespmem:$0x1EA00] =	vst v63  }
0x70: {  	_ =	swait.ge [sflag:s10], $0x1F40  }
0x71: {  	[sflag:s10] =	ssyncset.done $0x0  }
0x72: {  	s6 =	simm.s32 $0x1000;
	s11 =	simm.s32 $0x780;
	[sflag:s10] =	ssyncadd.s32 $0xFFFFE0C0  }
.LBB2_2:
0x73: {  	[tilespmem:s30], [sflag:$0x8] =	stream.indirect.gather [hbm4b:s4+s14], $0x40, s11, s14, $0xb8;
	[tilespmem:$0x1EA00] =	vst v63  }
0x74: {  	s11 =	smov.u32 s6  }
0x75: {  	p0 =	sne.s32 s6, $0x8000;
	s6 =	sadd.s32 $0x1000, s6;
	_ =	swait.ge [sflag:s31], $0x1F40  }
0x76: {  	s11 =	sshra.s32 s11, $0x2;
	[sflag:s31] =	ssyncset.done $0x0  }
0x77: {  	s12 =	sadd.s32 $0x2800, s11;
	[sflag:s31] =	ssyncadd.s32 $0xFFFFE0C0  }
0x78: {  	[spmem:s2] =	stream.indirect.scatter.add.f32 [tilespmem:s15], [sflag:$0x9], $0x40, s12, s14, $0xb8;
	[tilespmem:$0x1EA00] =	vst v63  }
0x79: {  	_ =	swait.ge [sflag:s1], $0x1F40  }
0x7a: {  	[sflag:s1] =	ssyncset.done $0x0  }
0x7b: {  	s12 =	sadd.s32 $0x2880, s11;
	[sflag:s1] =	ssyncadd.s32 $0xFFFFE0C0  }
0x7c: {  	[spmem:s2] =	stream.indirect.scatter.add.f32 [tilespmem:s17], [sflag:$0xA], $0x40, s12, s14, $0xb8;
	[tilespmem:$0x1EA00] =	vst v63  }
0x7d: {  	_ =	swait.ge [sflag:s0], $0x1F40  }
0x7e: {  	[sflag:s0] =	ssyncset.done $0x0  }
0x7f: {  	s12 =	sadd.s32 $0x2900, s11;
	[sflag:s0] =	ssyncadd.s32 $0xFFFFE0C0  }
0x80: {  	[spmem:s2] =	stream.indirect.scatter.add.f32 [tilespmem:s19], [sflag:$0xB], $0x40, s12, s14, $0xb8;
	[tilespmem:$0x1EA00] =	vst v63  }
0x81: {  	_ =	swait.ge [sflag:s13], $0x1F40  }
0x82: {  	[sflag:s13] =	ssyncset.done $0x0  }
0x83: {  	s12 =	sadd.s32 $0x2980, s11;
	[sflag:s13] =	ssyncadd.s32 $0xFFFFE0C0  }
0x84: {  	[spmem:s2] =	stream.indirect.scatter.add.f32 [tilespmem:s21], [sflag:$0xC], $0x40, s12, s14, $0xb8;
	[tilespmem:$0x1EA00] =	vst v63  }
0x85: {  	_ =	swait.ge [sflag:s16], $0x1F40  }
0x86: {  	[sflag:s16] =	ssyncset.done $0x0  }
0x87: {  	s12 =	sadd.s32 $0x2A00, s11;
	[sflag:s16] =	ssyncadd.s32 $0xFFFFE0C0  }
0x88: {  	[spmem:s2] =	stream.indirect.scatter.add.f32 [tilespmem:s23], [sflag:$0xD], $0x40, s12, s14, $0xb8;
	[tilespmem:$0x1EA00] =	vst v63  }
0x89: {  	_ =	swait.ge [sflag:s18], $0x1F40  }
0x8a: {  	[sflag:s18] =	ssyncset.done $0x0  }
0x8b: {  	s12 =	sadd.s32 $0x2A80, s11;
	[sflag:s18] =	ssyncadd.s32 $0xFFFFE0C0  }
0x8c: {  	[spmem:s2] =	stream.indirect.scatter.add.f32 [tilespmem:s25], [sflag:$0xE], $0x40, s12, s14, $0xb8;
	[tilespmem:$0x1EA00] =	vst v63  }
0x8d: {  	_ =	swait.ge [sflag:s20], $0x1F40  }
0x8e: {  	[sflag:s20] =	ssyncset.done $0x0  }
0x8f: {  	s12 =	sadd.s32 $0x2B00, s11;
	[sflag:s20] =	ssyncadd.s32 $0xFFFFE0C0  }
0x90: {  	[spmem:s2] =	stream.indirect.scatter.add.f32 [tilespmem:s28], [sflag:$0xF], $0x40, s12, s14, $0xb8;
	[tilespmem:$0x1EA00] =	vst v63  }
0x91: {  	_ =	swait.ge [sflag:s22], $0x1F40  }
0x92: {  	[sflag:s22] =	ssyncset.done $0x0  }
0x93: {  	s12 =	sadd.s32 $0x2B80, s11;
	[sflag:s22] =	ssyncadd.s32 $0xFFFFE0C0  }
0x94: {  	[spmem:s2] =	stream.indirect.scatter.add.f32 [tilespmem:s30], [sflag:$0x10], $0x40, s12, s14, $0xb8;
	[tilespmem:$0x1EA00] =	vst v63  }
0x95: {  	_ =	swait.ge [sflag:s24], $0x1F40  }
0x96: {  	[sflag:s24] =	ssyncset.done $0x0  }
0x97: {  	s12 =	sadd.s32 $0x400, s11;
	[sflag:s24] =	ssyncadd.s32 $0xFFFFE0C0  }
0x98: {  	[tilespmem:s15], [sflag:$0x1] =	stream.indirect.gather [hbm4b:s4+s14], $0x40, s12, s14, $0xb8;
	[tilespmem:$0x1EA00] =	vst v63  }
0x99: {  	_ =	swait.ge [sflag:s26], $0x1F40  }
0x9a: {  	[sflag:s26] =	ssyncset.done $0x0  }
0x9b: {  	s12 =	sadd.s32 $0x480, s11;
	[sflag:s26] =	ssyncadd.s32 $0xFFFFE0C0  }
0x9c: {  	[tilespmem:s17], [sflag:$0x2] =	stream.indirect.gather [hbm4b:s4+s14], $0x40, s12, s14, $0xb8;
	[tilespmem:$0x1EA00] =	vst v63  }
0x9d: {  	_ =	swait.ge [sflag:s29], $0x1F40  }
0x9e: {  	[sflag:s29] =	ssyncset.done $0x0  }
0x9f: {  	s12 =	sadd.s32 $0x500, s11;
	[sflag:s29] =	ssyncadd.s32 $0xFFFFE0C0  }
0xa0: {  	[tilespmem:s19], [sflag:$0x3] =	stream.indirect.gather [hbm4b:s4+s14], $0x40, s12, s14, $0xb8;
	[tilespmem:$0x1EA00] =	vst v63  }
0xa1: {  	_ =	swait.ge [sflag:s5], $0x1F40  }
0xa2: {  	[sflag:s5] =	ssyncset.done $0x0  }
0xa3: {  	s12 =	sadd.s32 $0x580, s11;
	[sflag:s5] =	ssyncadd.s32 $0xFFFFE0C0  }
0xa4: {  	[tilespmem:s21], [sflag:$0x4] =	stream.indirect.gather [hbm4b:s4+s14], $0x40, s12, s14, $0xb8;
	[tilespmem:$0x1EA00] =	vst v63  }
0xa5: {  	_ =	swait.ge [sflag:s7], $0x1F40  }
0xa6: {  	[sflag:s7] =	ssyncset.done $0x0  }
0xa7: {  	s12 =	sadd.s32 $0x600, s11;
	[sflag:s7] =	ssyncadd.s32 $0xFFFFE0C0  }
0xa8: {  	[tilespmem:s23], [sflag:$0x5] =	stream.indirect.gather [hbm4b:s4+s14], $0x40, s12, s14, $0xb8;
	[tilespmem:$0x1EA00] =	vst v63  }
0xa9: {  	_ =	swait.ge [sflag:s8], $0x1F40  }
0xaa: {  	[sflag:s8] =	ssyncset.done $0x0  }
0xab: {  	s12 =	sadd.s32 $0x680, s11;
	[sflag:s8] =	ssyncadd.s32 $0xFFFFE0C0  }
0xac: {  	[tilespmem:s25], [sflag:$0x6] =	stream.indirect.gather [hbm4b:s4+s14], $0x40, s12, s14, $0xb8;
	[tilespmem:$0x1EA00] =	vst v63  }
0xad: {  	_ =	swait.ge [sflag:s9], $0x1F40  }
0xae: {  	[sflag:s9] =	ssyncset.done $0x0  }
.Ltmp0:
0xaf: {  	s12 =	sadd.s32 $0x700, s11;
	[sflag:s9] =	ssyncadd.s32 $0xFFFFE0C0;
	(pc) =	sbr.rel @p0 .LBB2_2-.Ltmp0, $4  }
0xb0: {  	[tilespmem:s28], [sflag:$0x7] =	stream.indirect.gather [hbm4b:s4+s14], $0x40, s12, s14, $0xb8;
	[tilespmem:$0x1EA00] =	vst v63  }
0xb1: {  	_ =	swait.ge [sflag:s10], $0x1F40  }
0xb2: {  	[sflag:s10] =	ssyncset.done $0x0  }
0xb3: {  	s11 =	sadd.s32 $0x780, s11;
	[sflag:s10] =	ssyncadd.s32 $0xFFFFE0C0  }
0xb4: {  	[tilespmem:s30], [sflag:$0x8] =	stream.indirect.gather [hbm4b:s4+s14], $0x40, s11, s14, $0xb8;
	[tilespmem:$0x1EA00] =	vst v63  }
0xb5: {  	_ =	swait.ge [sflag:s31], $0x1F40  }
0xb6: {  	[sflag:s31] =	ssyncset.done $0x0  }
0xb7: {  	s3 =	simm.s32 $0x4C00;
	[sflag:s31] =	ssyncadd.s32 $0xFFFFE0C0  }
0xb8: {  	[spmem:s2] =	stream.indirect.scatter.add.f32 [tilespmem:s15], [sflag:$0x9], $0x40, s3, s14, $0xb8;
	[tilespmem:$0x1EA00] =	vst v63  }
0xb9: {  	_ =	swait.ge [sflag:s1], $0x1F40  }
0xba: {  	[sflag:s1] =	ssyncset.done $0x0  }
0xbb: {  	s12 =	simm.s32 $0x4C80;
	[sflag:s1] =	ssyncadd.s32 $0xFFFFE0C0  }
0xbc: {  	[spmem:s2] =	stream.indirect.scatter.add.f32 [tilespmem:s17], [sflag:$0xA], $0x40, s12, s14, $0xb8;
	[tilespmem:$0x1EA00] =	vst v63  }
0xbd: {  	_ =	swait.ge [sflag:s0], $0x1F40  }
0xbe: {  	[sflag:s0] =	ssyncset.done $0x0  }
0xbf: {  	s6 =	simm.s32 $0x4D00;
	[sflag:s0] =	ssyncadd.s32 $0xFFFFE0C0  }
0xc0: {  	[spmem:s2] =	stream.indirect.scatter.add.f32 [tilespmem:s19], [sflag:$0xB], $0x40, s6, s14, $0xb8;
	[tilespmem:$0x1EA00] =	vst v63  }
0xc1: {  	_ =	swait.ge [sflag:s13], $0x1F40  }
0xc2: {  	[sflag:s13] =	ssyncset.done $0x0  }
0xc3: {  	s11 =	simm.s32 $0x4D80;
	[sflag:s13] =	ssyncadd.s32 $0xFFFFE0C0  }
0xc4: {  	[spmem:s2] =	stream.indirect.scatter.add.f32 [tilespmem:s21], [sflag:$0xC], $0x40, s11, s14, $0xb8;
	[tilespmem:$0x1EA00] =	vst v63  }
0xc5: {  	_ =	swait.ge [sflag:s16], $0x1F40  }
0xc6: {  	[sflag:s16] =	ssyncset.done $0x0  }
0xc7: {  	s12 =	simm.s32 $0x4E00;
	[sflag:s16] =	ssyncadd.s32 $0xFFFFE0C0  }
0xc8: {  	[spmem:s2] =	stream.indirect.scatter.add.f32 [tilespmem:s23], [sflag:$0xD], $0x40, s12, s14, $0xb8;
	[tilespmem:$0x1EA00] =	vst v63  }
0xc9: {  	_ =	swait.ge [sflag:s18], $0x1F40  }
0xca: {  	[sflag:s18] =	ssyncset.done $0x0  }
0xcb: {  	s6 =	simm.s32 $0x4E80;
	[sflag:s18] =	ssyncadd.s32 $0xFFFFE0C0  }
0xcc: {  	[spmem:s2] =	stream.indirect.scatter.add.f32 [tilespmem:s25], [sflag:$0xE], $0x40, s6, s14, $0xb8;
	[tilespmem:$0x1EA00] =	vst v63  }
0xcd: {  	_ =	swait.ge [sflag:s20], $0x1F40  }
0xce: {  	[sflag:s20] =	ssyncset.done $0x0  }
0xcf: {  	s11 =	simm.s32 $0x4F00;
	[sflag:s20] =	ssyncadd.s32 $0xFFFFE0C0  }
0xd0: {  	[spmem:s2] =	stream.indirect.scatter.add.f32 [tilespmem:s28], [sflag:$0xF], $0x40, s11, s14, $0xb8;
	[tilespmem:$0x1EA00] =	vst v63  }
0xd1: {  	_ =	swait.ge [sflag:s22], $0x1F40  }
0xd2: {  	[sflag:s22] =	ssyncset.done $0x0  }
0xd3: {  	s12 =	simm.s32 $0x4F80;
	[sflag:s22] =	ssyncadd.s32 $0xFFFFE0C0  }
0xd4: {  	[spmem:s2] =	stream.indirect.scatter.add.f32 [tilespmem:s30], [sflag:$0x10], $0x40, s12, s14, $0xb8;
	[tilespmem:$0x1EA00] =	vst v63  }
0xd5: {  	_ =	swait.ge [sflag:s24], $0x1F40  }
0xd6: {  	[sflag:s24] =	ssyncset.done $0x0  }
0xd7: {  	[sflag:s24] =	ssyncadd.s32 $0xFFFFE0C0  }
0xd8: {  	_ =	swait.ge [sflag:s26], $0x1F40  }
0xd9: {  	[sflag:s26] =	ssyncset.done $0x0  }
0xda: {  	[sflag:s26] =	ssyncadd.s32 $0xFFFFE0C0  }
0xdb: {  	_ =	swait.ge [sflag:s29], $0x1F40  }
0xdc: {  	[sflag:s29] =	ssyncset.done $0x0  }
0xdd: {  	[sflag:s29] =	ssyncadd.s32 $0xFFFFE0C0  }
0xde: {  	_ =	swait.ge [sflag:s5], $0x1F40  }
0xdf: {  	[sflag:s5] =	ssyncset.done $0x0  }
0xe0: {  	[sflag:s5] =	ssyncadd.s32 $0xFFFFE0C0  }
0xe1: {  	_ =	swait.ge [sflag:s7], $0x1F40  }
0xe2: {  	[sflag:s7] =	ssyncset.done $0x0  }
0xe3: {  	[sflag:s7] =	ssyncadd.s32 $0xFFFFE0C0  }
0xe4: {  	_ =	swait.ge [sflag:s8], $0x1F40  }
0xe5: {  	[sflag:s8] =	ssyncset.done $0x0  }
0xe6: {  	[sflag:s8] =	ssyncadd.s32 $0xFFFFE0C0  }
0xe7: {  	_ =	swait.ge [sflag:s9], $0x1F40  }
0xe8: {  	[sflag:s9] =	ssyncset.done $0x0  }
0xe9: {  	[sflag:s9] =	ssyncadd.s32 $0xFFFFE0C0  }
0xea: {  	_ =	swait.ge [sflag:s10], $0x1F40  }
0xeb: {  	[sflag:s10] =	ssyncset.done $0x0  }
0xec: {  	[sflag:s10] =	ssyncadd.s32 $0xFFFFE0C0  }
0xed: {  	[bflag:$0x0] =	sbarrier.arrive $0xFFFF  }
0xee: {  	s11 =	rddreg [dreg:$0x4]  }
0xef: {  	s6 =	rddreg [dreg:$0x7]  }
0xf0: {  	s12 =	rddreg [dreg:$0x9]  }
0xf1: {  	[hbm:s6], [sflag:s11] =	dma.local [spmem:s12], $0x1400  }
0xf2: {  	s6 =	simm.s32 $0x11  }
0xf3: {  	_ =	swait.ge [sflag:s6], $0x1400  }
0xf4: {  	s3 =	rddreg [dreg:$0xa]  }
0xf5: {  	[sflag:s6] =	ssyncset.done $0x0;
	s6 =	rddreg [dreg:$0x8];
	s3 =	sadd.s32 $0x1, s3  }
0xf6: {  	p0 =	sne.s32 s3, s6  }
.Ltmp1:
0xf7: {  	_ = 	snop;
	(pc) =	sbr.rel @p0 .LBB2_1-.Ltmp1, $3  }
0xf8: {  	_ =	sdelay $0x1  }
0xf9: {  	s6 =	simm.s32 $0x11  }
0xfa: {  	[dreg:$0xa] =	wrdreg s3;
	[sflag:s6] =	ssyncadd.s32 $0xFFFFEC00  }
0xfb: {  	_ =	sfence.sel $0x180000  }
0xfc: {  	[bflag:$0x0] =	sbarrier.arrive $0xFFFF  }
0xfd: {  	_ =	strace $0x9000004D  }
0xfe: {  	s0 =	stileid.u32;
	[bflag:$0x2] =	sbarrier.arrive $0xFFFF  }
0xff: {  	p0 =	sne.s32 s0, $0x0;
	s0 =	rddreg [dreg:$0x2]  }
0x100: {  	s0 =	sadd.s32 @!p0 $0x100000, s0  }
0x101: {  	[sflag:s0] =	ssyncadd.tile.s32 @!p0 $0x1;
	_ =	shalt  }
.Lfunc_end2:
_tile_overlayer_lowered:
.L_overlay_start_2:
0x102: {  	(tag) =	ssettag $0x2  }
0x103: {  	s0 =	rddreg [dreg:$0x0];
	s2 =	stileid.u32  }
0x104: {  	s1 =	rddreg [dreg:$0x1];
	p0 =	sne.s32 s2, $0x0  }
0x105: {  	s3 =	rddreg [dreg:$0x2];
	[bflag:$0x3] =	sbarrier.arrive $0xFFFF;
	s2 =	simm.s32 @!p0 $0x1C11  }
0x106: {  	[timem:s3], [sflag:s2] =	dma.local @!p0 [hbm:s0], s1  }
0x107: {  	s0 =	simm.s32 @!p0 $0x11  }
0x108: {  	_ =	swait.ge @!p0 [sflag:s0], s1  }
0x109: {  	s1 =	ssub.s32 @!p0 $0x0, s1;
	[sflag:s0] =	ssyncset.done @!p0 $0x0  }
0x10a: {  	[sflag:s0] =	ssyncadd.s32 @!p0 s1  }
0x10b: {  	[bflag:$0x3] =	sbarrier.arrive $0xFFFF  }
0x10c: {  	_ =	shalt  }

// kernel: kernel.20.cloned.1.call-start
scs
__scs_entry_jumppad:
0x0: {  	(pc) =	sbr.rel $0x88, $3  }
0x1: {  	(tag) =	ssettag $0x0;
	lr =	simm.s32 $0x1  }
0x2: {  	[smem:$0x3F8D] =	sst lr;
	_ =	strace $0xD0000000  }
0x3: {  	_ = 	snop  }
0x4: {  	_ = 	snop  }
0x5: {  	_ = 	snop  }
0x6: {  	_ = 	snop  }
0x7: {  	_ = 	snop  }
__scs_overlays_trampoline_lowered:
0x8: {  	[smem:$0x3F9C] =	sst s0  }
0x9: {  	[smem:$0x3F9D] =	sst s1  }
0xa: {  	[smem:$0x3F9E] =	sst s2  }
0xb: {  	[smem:$0x3F9F] =	sst s3  }
0xc: {  	[smem:$0x3FA0] =	sst s4  }
0xd: {  	[smem:$0x3FA1] =	sst s5  }
0xe: {  	[smem:$0x3FA2] =	sst s6  }
0xf: {  	[smem:$0x3FA3] =	sst s7  }
0x10: {  	[smem:$0x3FA4] =	sst s8  }
0x11: {  	[smem:$0x3FA5] =	sst s9;
	s0 =	simm.s32 @!p0 $0x0  }
0x12: {  	s1 =	sld [smem:$0x3F8B];
	s0 =	simm.s32 @p0 $0x1  }
0x13: {  	[smem:$0x3FA6] =	sst s0;
	s0 =	simm.s32 @!p1 $0x0  }
0x14: {  	s2 =	sld [smem:$0x3F8A];
	s0 =	simm.s32 @p1 $0x1  }
0x15: {  	[smem:$0x3FA7] =	sst s0;
	s0 =	simm.s32 @!p2 $0x0  }
0x16: {  	s3 =	sld [smem:$0x3FDB];
	s0 =	simm.s32 @p2 $0x1  }
0x17: {  	s4 =	simm.s32 $0x1BF5;
	[smem:$0x3FA9] =	sst s0  }
0x18: {  	s0 =	sld [smem:$0x3F8C];
	_ =	swait.ge [sflag:s4], $0x0  }
0x19: {  	s7 =	sld [smem:$0x3F8D]  }
0x1a: {  	s8 =	sadd.s32 $0xFFFFE003, lr  }
0x1b: {  	s9 =	sadd.s32 $0xFFFFFEF7, lr;
	s5 =	simm.s32 $0xFFFFFFFF;
	p2 =	slt.u32 s8, $0xFFFFF086  }
0x1c: {  	p1 =	slt.u32 s9, $0xF7A;
	s5 =	simm.s32 @!p2 $0x0  }
0x1d: {  	s5 =	simm.s32 @p1 $0x1;
	p0 =	seq.s32 s7, s2  }
0x1e: {  	s7 =	smul.u32 @!p0 $0xF7A, s2;
	p2 =	seq.s32 @!p0 s5, $0x0  }
0x1f: {  	s9 =	smul.u32 $0xF7A, s1;
	s8 =	simm.s32 @!p0 $0x1BF5;
	p2 =	por !p2, p0  }
0x20: {  	[sflag:s8] =	ssyncset.s32 @!p0 $0xFFFFF086;
	s6 =	sadd.s32 @!p0 s3, s7;
	s7 =	simm.s32 @!p0 $0x108  }
0x21: {  	s3 =	sadd.s32 s3, s9;
	s6 =	sadd.s32 @!p0 $0x88, s6;
	s7 =	simm.s32 @p2 $0x1082  }
0x22: {  	[simem:s7], [sflag:s8] =	dma.local @!p0 [hbm:s6], $0xF7A  }
0x23: {  	s9 =	sor.u32 $0xD0000000, s2;
	s6 =	simm.s32 $0x108;
	_ =	swait.ge @!p0 [sflag:s8], $0x0  }
0x24: {  	s3 =	sadd.s32 $0x88, s3;
	s6 =	simm.s32 @!p1 $0x1082;
	[sflag:s4] =	ssyncset.s32 $0xFFFFF086  }
0x25: {  	[simem:s6], [sflag:s4] =	dma.local [hbm:s3], $0xF7A  }
0x26: {  	[smem:$0x3F8D] =	sst s1;
	(tag) =	ssettag s2;
	_ =	strace s9  }
0x27: {  	s1 =	sld [smem:$0x3F9D]  }
0x28: {  	s2 =	sld [smem:$0x3F9E]  }
0x29: {  	s4 =	sld [smem:$0x3FA0]  }
0x2a: {  	p0 =	seq.s32 s5, $0x0;
	s5 =	sld [smem:$0x3FA1]  }
0x2b: {  	s6 =	sld [smem:$0x3FA2]  }
0x2c: {  	s7 =	sld [smem:$0x3FA3]  }
0x2d: {  	s3 =	simm.s32 $0x108;
	s8 =	sld [smem:$0x3FA4]  }
0x2e: {  	s3 =	simm.s32 @!p0 $0x1082;
	s9 =	sld [smem:$0x3FA5]  }
0x2f: {  	lr =	sadd.s32 s0, s3;
	s0 =	sld [smem:$0x3F9C]  }
0x30: {  	s3 =	sld [smem:$0x3F9F]  }
0x31: {  	[smem:$0x3FA8] =	sst s10  }
0x32: {  	s10 =	sld [smem:$0x3FA6];
	_ =	sdelay $0x3  }
0x33: {  	p0 =	seq.s32 s10, $0x1;
	s10 =	sld [smem:$0x3FA8];
	_ =	sdelay $0x3  }
0x34: {  	[smem:$0x3FA8] =	sst s10  }
0x35: {  	s10 =	sld [smem:$0x3FA7];
	_ =	sdelay $0x3  }
0x36: {  	p1 =	seq.s32 s10, $0x1;
	s10 =	sld [smem:$0x3FA8];
	_ =	sdelay $0x3  }
0x37: {  	[smem:$0x3FA8] =	sst s10  }
0x38: {  	s10 =	sld [smem:$0x3FA9]  }
0x39: {  	_ = 	snop;
	(pc) =	sbr.ind lr, $3  }
0x3a: {  	_ = 	snop  }
0x3b: {  	_ = 	snop  }
0x3c: {  	p2 =	seq.s32 s10, $0x1;
	s10 =	sld [smem:$0x3FA8]  }
0x3d: {  	_ =	shalt  }
0x3e: {  	_ =	shalt  }
0x3f: {  	_ =	shalt  }
0x40: {  	_ =	shalt  }
0x41: {  	_ =	shalt  }
0x42: {  	_ =	shalt  }
0x43: {  	_ =	shalt  }
0x44: {  	_ =	shalt  }
0x45: {  	_ =	shalt  }
0x46: {  	_ =	shalt  }
0x47: {  	_ =	shalt  }
0x48: {  	_ =	shalt  }
0x49: {  	_ =	shalt  }
0x4a: {  	_ =	shalt  }
0x4b: {  	_ =	shalt  }
0x4c: {  	_ =	shalt  }
0x4d: {  	_ =	shalt  }
0x4e: {  	_ =	shalt  }
0x4f: {  	_ =	shalt  }
0x50: {  	_ =	shalt  }
0x51: {  	_ =	shalt  }
0x52: {  	_ =	shalt  }
0x53: {  	_ =	shalt  }
0x54: {  	_ =	shalt  }
0x55: {  	_ =	shalt  }
0x56: {  	_ =	shalt  }
0x57: {  	_ =	shalt  }
0x58: {  	_ =	shalt  }
0x59: {  	_ =	shalt  }
0x5a: {  	_ =	shalt  }
0x5b: {  	_ =	shalt  }
0x5c: {  	_ =	shalt  }
0x5d: {  	_ =	shalt  }
0x5e: {  	_ =	shalt  }
0x5f: {  	_ =	shalt  }
0x60: {  	_ =	shalt  }
0x61: {  	_ =	shalt  }
0x62: {  	_ =	shalt  }
0x63: {  	_ =	shalt  }
0x64: {  	_ =	shalt  }
0x65: {  	_ =	shalt  }
0x66: {  	_ =	shalt  }
0x67: {  	_ =	shalt  }
0x68: {  	_ =	shalt  }
0x69: {  	_ =	shalt  }
0x6a: {  	_ =	shalt  }
0x6b: {  	_ =	shalt  }
0x6c: {  	_ =	shalt  }
0x6d: {  	_ =	shalt  }
0x6e: {  	_ =	shalt  }
0x6f: {  	_ =	shalt  }
0x70: {  	_ =	shalt  }
0x71: {  	_ =	shalt  }
0x72: {  	_ =	shalt  }
0x73: {  	_ =	shalt  }
0x74: {  	_ =	shalt  }
0x75: {  	_ =	shalt  }
0x76: {  	_ =	shalt  }
0x77: {  	_ =	shalt  }
0x78: {  	_ =	shalt  }
0x79: {  	_ =	shalt  }
0x7a: {  	_ =	shalt  }
0x7b: {  	_ =	shalt  }
0x7c: {  	_ =	shalt  }
0x7d: {  	_ =	shalt  }
0x7e: {  	_ =	shalt  }
0x7f: {  	_ =	shalt  }
0x80: {  	_ =	shalt  }
0x81: {  	_ =	shalt  }
0x82: {  	_ =	shalt  }
0x83: {  	_ =	shalt  }
0x84: {  	_ =	shalt  }
0x85: {  	_ =	shalt  }
0x86: {  	_ =	shalt  }
0x87: {  	_ =	shalt  }
.Lfunc_end0:
.L_simem_size_0:
called_computation.3_lowered:
.L_overlay_start_0:
0x88: {  	s2 =	sld [smem:$0x3FD9]  }
0x89: {  	s3 =	sld [smem:$0x3FFE];
	_ =	sdelay $0x1  }
0x8a: {  	s1 =	srdreg.scid  }
0x8b: {  	s0 =	sand.u32 $0x1, s1  }
0x8c: {  	s16 =	sshll.u32 s0, $0xA;
	s2 =	sadd.s32 s3, s2  }
0x8d: {  	s2 =	sadd.s32 s2, s16  }
0x8e: {  	[smem:$0x3FB4] =	sst s2  }
0x8f: {  	_ = 	snop  }
0x90: {  	(tm) =	ssettm $0x1  }
0x91: {  	s17 =	sld [smem:$0x3FFB];
	_ =	sdelay $0x3  }
0x92: {  	_ =	strace s17  }
0x93: {  	s2 =	sld [smem:$0x3FFC];
	_ =	sdelay $0x3  }
0x94: {  	_ =	strace s2  }
0x95: {  	s2 =	sld [smem:$0x3FFD];
	_ =	sdelay $0x3  }
0x96: {  	_ =	strace s2  }
0x97: {  	_ =	strace $0x8FFFFFFF  }
0x98: {  	s18 =	sld [smem:$0x3FDB];
	_ =	sdelay $0x1  }
0x99: {  	s19 =	simm.s32 $_scs_section_size  }
0x9a: {  	s4 =	simm.s32 $_size__tile_overlayer_lowered;
	s5 =	simm.s32 $_tile_overlayer_lowered  }
0x9b: {  	s22 =	simm.s32 $0x1BFF;
	s21 =	sshll.u32 s5, $0x1;
	s2 =	sadd.s32 s19, s18  }
0x9c: {  	s6 =	simm.s32 $0x0;
	s20 =	sshll.u32 s4, $0x1;
	s4 =	sadd.s32 s21, s2  }
0x9d: {  	[timem:s6], [sflag:s22] =	dma.local [hbm:s4], s20  }
0x9e: {  	_ =	swait.ge [sflag:s22], s20  }
0x9f: {  	s3 =	ssub.s32 $0x0, s20;
	[sflag:s22] =	ssyncset.done $0x0  }
0xa0: {  	[sflag:s22] =	ssyncadd.s32 s3;
	_ =	sdelay $0x1  }
0xa1: {  	s23 =	simm.s32 $0x1B8B  }
0xa2: {  	_ =	swait.ge [sflag:s23], $0x1  }
0xa3: {  	[sflag:s23] =	ssyncset.done $0x0  }
0xa4: {  	s25 =	simm.s32 $0x1B8E;
	s24 =	sld [smem:$0x3FFE];
	[sflag:s23] =	ssyncadd.s32 $0xFFFFFFFF  }
0xa5: {  	s26 =	simm.s32 $execute0_lowered;
	[smem:$0x3FD2] =	sst s25  }
0xa6: {  	s4 =	sshll.u32 s26, $0x1;
	_ =	strace $0x8000004F;
	[dreg:$0x1] =	wrdreg $0xFFFFFFFF  }
0xa7: {  	s28 =	simm.s32 $_size_execute0_lowered;
	s2 =	sadd.s32 s2, s4;
	[dreg:$0x0] =	wrdreg $0x0  }
0xa8: {  	s4 =	sshll.u32 s28, $0x1;
	[dreg:$0x2] =	wrdreg s2  }
0xa9: {  	[dreg:$0x3] =	wrdreg s4  }
0xaa: {  	[dreg:$0x4] =	wrdreg $0xC0  }
0xab: {  	_ =	task [dreg:s6], $0x5FFFF  }
0xac: {  	[dreg:$0x1] =	wrdreg $0xFFFFFFFF  }
0xad: {  	[dreg:$0x0] =	wrdreg $0x60  }
0xae: {  	[dreg:$0x2] =	wrdreg s24  }
0xaf: {  	[dreg:$0x3] =	wrdreg $0x14A000  }
0xb0: {  	[dreg:$0x4] =	wrdreg $0x9  }
0xb1: {  	_ =	task.clear_ibuf [dreg:s6], $0x5FFFF;
	_ =	strace $0x9000004F  }
0xb2: {  	s29 =	simm.s32 $0x9;
	_ =	strace $0x80000051  }
0xb3: {  	_ =	swait.ge [sflag:s29], $0x1  }
0xb4: {  	[sflag:s29] =	ssyncadd.s32 $0xFFFFFFFF  }
0xb5: {  	_ =	strace $0x90000051  }
0xb6: {  	_ =	sfence  }
0xb7: {  	s30 =	sld [smem:$0x0];
	_ =	sdelay $0x2  }
0xb8: {  	s31 =	sshll.u32 s1, $0xD;
	s1 =	sshrl.u32 s1, $0x2  }
0xb9: {  	s3 =	sand.u32 $0x4000, s31;
	s1 =	sadd.s32 s1, s30  }
0xba: {  	s0 =	sor.u32 s3, s0;
	s1 =	sshll.u32 s1, $0x11  }
0xbb: {  	s0 =	sor.u32 s1, s0  }
0xbc: {  	s0 =	sadd.s32 $0x8F2B, s0  }
0xbd: {  	[sflag:s0] =	ssyncadd.remote.s32 $0x1  }
0xbe: {  	_ =	sfence.sel $0xFFFF  }
0xbf: {  	[dreg:$0x0] =	wrdreg $0xFFFFFFFF;
	(pc) =	sbr.abs _section_cstart, $3  }
0xc0: {  	[dreg:$0x1] =	wrdreg $0xFFFFFFFF  }
0xc1: {  	_ =	task.clear_ibuf [dreg:s6], $0x2FFFF;
	_ =	strace $0x9FFFFFFF  }
0xc2: {  	(tm) =	ssettm $0x7FFFFFFF  }
0xc3: {  	_ =	shalt  }
tec
execute0_lowered:
.L_overlay_start_1:
0x0: {  	(tag) =	ssettag $0x1  }
0x1: {  	s0 =	srdreg.scid;
	s3 =	rddreg [dreg:$0x0]  }
0x2: {  	s7 =	stileid.u32;
	s2 =	rddreg [dreg:$0x1];
	s4 =	simm.s32 $0x0  }
0x3: {  	s14 =	simm.s32 $0x7D;
	s15 =	simm.s32 $0x5000;
	s17 =	simm.s32 $0x6F40  }
0x4: {  	s19 =	simm.s32 $0x8E80;
	s21 =	simm.s32 $0xADC0;
	s23 =	simm.s32 $0xCD00  }
0x5: {  	s28 =	simm.s32 $0x10B80;
	s30 =	simm.s32 $0x12AC0;
	s31 =	simm.s32 $0x1  }
0x6: {  	s13 =	simm.s32 $0x4;
	s16 =	simm.s32 $0x5;
	s18 =	simm.s32 $0x6  }
0x7: {  	s20 =	simm.s32 $0x7;
	s22 =	simm.s32 $0x8;
	s24 =	simm.s32 $0x9  }
0x8: {  	s29 =	simm.s32 $0xB;
	s9 =	simm.s32 $0xF;
	s10 =	simm.s32 $0x10  }
0x9: {  	s0 =	sand.u32 $0x1, s0;
	s5 =	smul.u32 $0xA000, s7;
	[smem:$0x7FF] =	sst s4  }
0xa: {  	s4 =	sadd.s32 $0x19A00, s3;
	s8 =	sadd.s32 $0x2D400, s3;
	s1 =	sshll.u32 s0, $0x4  }
0xb: {  	s6 =	smul.u32 $0xA0000, s0;
	_ =	strace $0x80000050;
	[dreg:$0x3] =	wrdreg s8  }
0xc: {  	s0 =	ssub.s32 $0x2, s0;
	s8 =	simm.s32 $0xE;
	s1 =	sor.u32 s7, s1  }
0xd: {  	s25 =	sshrl.u32 s0, $0x1;
	s7 =	sshll.u32 s7, $0x6;
	s1 =	smul.u32 $0x2800, s1  }
0xe: {  	s6 =	sadd.s32 s5, s6;
	s0 =	ssub.s32 s0, s25;
	s11 =	sor.u32 $0x1C11, s7  }
0xf: {  	s5 =	sadd.s32 s5, s2;
	s0 =	smax.u32 s0, $0x1;
	[dreg:$0x4] =	wrdreg s11  }
0x10: {  	s25 =	simm.s32 $0xEC40;
	s12 =	sshrl.u32 s5, $0x3;
	[dreg:$0x8] =	wrdreg s0  }
0x11: {  	s6 =	sshrl.u32 s6, $0x3;
	s1 =	sshrl.u32 s1, $0x3;
	[dreg:$0x9] =	wrdreg s12  }
0x12: {  	s1 =	sadd.s32 s1, s3;
	s3 =	sadd.s32 s6, s3;
	s6 =	simm.s32 $0x0  }
0x13: {  	s7 =	simm.s32 $0xD;
	s26 =	sadd.s32 $0x5A00, s1;
	[dreg:$0xa] =	wrdreg s6  }
0x14: {  	s5 =	simm.s32 $0xC;
	s1 =	sadd.s32 $0xFA00, s1;
	[dreg:$0x5] =	wrdreg s26  }
0x15: {  	s0 =	simm.s32 $0x3;
	s3 =	sadd.s32 $0x2E800, s3;
	[dreg:$0x6] =	wrdreg s1  }
0x16: {  	[dreg:$0x7] =	wrdreg s3;
	s1 =	simm.s32 $0x2;
	s26 =	simm.s32 $0xA  }
.LBB2_1:
0x17: {  	s3 =	simm.s32 $0x11;
	s6 =	rddreg [dreg:$0x3]  }
0x18: {  	[spmem:s12], [sflag:s11] =	dma.local [hbm:s6], $0x1400  }
0x19: {  	_ =	swait.ge [sflag:s3], $0x1400  }
0x1a: {  	[sflag:s3] =	ssyncset.done $0x0  }
0x1b: {  	s6 =	simm.s32 $0x0;
	s12 =	rddreg [dreg:$0x5];
	[sflag:s3] =	ssyncadd.s32 $0xFFFFEC00  }
0x1c: {  	[tilespmem:s6], [sflag:$0x11] =	stream.linear.gather [hbm4b:s12+s6], $0x2800, $0x38;
	[tilespmem:$0x1EA00] =	vst v63  }
0x1d: {  	_ =	swait.ge [sflag:s3], $0x2800  }
0x1e: {  	[sflag:s3] =	ssyncset.done $0x0  }
0x1f: {  	s12 =	simm.s32 $0x2800;
	s11 =	rddreg [dreg:$0x6];
	[sflag:s3] =	ssyncadd.s32 $0xFFFFD800  }
0x20: {  	[tilespmem:s12], [sflag:$0x11] =	stream.linear.gather [hbm4b:s11+s6], $0x2800, $0x38;
	[tilespmem:$0x1EA00] =	vst v63  }
0x21: {  	_ =	swait.ge [sflag:s3], $0x2800  }
0x22: {  	[sflag:s3] =	ssyncset.done $0x0  }
0x23: {  	[sflag:s3] =	ssyncadd.s32 $0xFFFFD800  }
0x24: {  	[bflag:$0x0] =	sbarrier.arrive $0xFFFF  }
0x25: {  	[tilespmem:s15], [sflag:$0x1] =	stream.indirect.gather [hbm4b:s4+s14], $0x40, s6, s14, $0xb8;
	[tilespmem:$0x1EA00] =	vst v63  }
0x26: {  	s12 =	simm.s32 $0x80  }
0x27: {  	[tilespmem:s17], [sflag:$0x2] =	stream.indirect.gather [hbm4b:s4+s14], $0x40, s12, s14, $0xb8;
	[tilespmem:$0x1EA00] =	vst v63  }
0x28: {  	s6 =	simm.s32 $0x100  }
0x29: {  	[tilespmem:s19], [sflag:$0x3] =	stream.indirect.gather [hbm4b:s4+s14], $0x40, s6, s14, $0xb8;
	[tilespmem:$0x1EA00] =	vst v63  }
0x2a: {  	s11 =	simm.s32 $0x180  }
0x2b: {  	[tilespmem:s21], [sflag:$0x4] =	stream.indirect.gather [hbm4b:s4+s14], $0x40, s11, s14, $0xb8;
	[tilespmem:$0x1EA00] =	vst v63  }
0x2c: {  	s12 =	simm.s32 $0x200  }
0x2d: {  	[tilespmem:s23], [sflag:$0x5] =	stream.indirect.gather [hbm4b:s4+s14], $0x40, s12, s14, $0xb8;
	[tilespmem:$0x1EA00] =	vst v63  }
0x2e: {  	s6 =	simm.s32 $0x280  }
0x2f: {  	[tilespmem:s25], [sflag:$0x6] =	stream.indirect.gather [hbm4b:s4+s14], $0x40, s6, s14, $0xb8;
	[tilespmem:$0x1EA00] =	vst v63  }
0x30: {  	s11 =	simm.s32 $0x300  }
0x31: {  	[tilespmem:s28], [sflag:$0x7] =	stream.indirect.gather [hbm4b:s4+s14], $0x40, s11, s14, $0xb8;
	[tilespmem:$0x1EA00] =	vst v63  }
0x32: {  	s12 =	simm.s32 $0x380  }
0x33: {  	[tilespmem:s30], [sflag:$0x8] =	stream.indirect.gather [hbm4b:s4+s14], $0x40, s12, s14, $0xb8;
	[tilespmem:$0x1EA00] =	vst v63  }
0x34: {  	_ =	swait.ge [sflag:s31], $0x1F40  }
0x35: {  	[sflag:s31] =	ssyncset.done $0x0  }
0x36: {  	s3 =	simm.s32 $0x2800;
	[sflag:s31] =	ssyncadd.s32 $0xFFFFE0C0  }
0x37: {  	[spmem:s2] =	stream.indirect.scatter.add.f32 [tilespmem:s15], [sflag:$0x9], $0x40, s3, s14, $0xb8;
	[tilespmem:$0x1EA00] =	vst v63  }
0x38: {  	_ =	swait.ge [sflag:s1], $0x1F40  }
0x39: {  	[sflag:s1] =	ssyncset.done $0x0  }
0x3a: {  	s11 =	simm.s32 $0x2880;
	[sflag:s1] =	ssyncadd.s32 $0xFFFFE0C0  }
0x3b: {  	[spmem:s2] =	stream.indirect.scatter.add.f32 [tilespmem:s17], [sflag:$0xA], $0x40, s11, s14, $0xb8;
	[tilespmem:$0x1EA00] =	vst v63  }
0x3c: {  	_ =	swait.ge [sflag:s0], $0x1F40  }
0x3d: {  	[sflag:s0] =	ssyncset.done $0x0  }
0x3e: {  	s12 =	simm.s32 $0x2900;
	[sflag:s0] =	ssyncadd.s32 $0xFFFFE0C0  }
0x3f: {  	[spmem:s2] =	stream.indirect.scatter.add.f32 [tilespmem:s19], [sflag:$0xB], $0x40, s12, s14, $0xb8;
	[tilespmem:$0x1EA00] =	vst v63  }
0x40: {  	_ =	swait.ge [sflag:s13], $0x1F40  }
0x41: {  	[sflag:s13] =	ssyncset.done $0x0  }
0x42: {  	s3 =	simm.s32 $0x2980;
	[sflag:s13] =	ssyncadd.s32 $0xFFFFE0C0  }
0x43: {  	[spmem:s2] =	stream.indirect.scatter.add.f32 [tilespmem:s21], [sflag:$0xC], $0x40, s3, s14, $0xb8;
	[tilespmem:$0x1EA00] =	vst v63  }
0x44: {  	_ =	swait.ge [sflag:s16], $0x1F40  }
0x45: {  	[sflag:s16] =	ssyncset.done $0x0  }
0x46: {  	s11 =	simm.s32 $0x2A00;
	[sflag:s16] =	ssyncadd.s32 $0xFFFFE0C0  }
0x47: {  	[spmem:s2] =	stream.indirect.scatter.add.f32 [tilespmem:s23], [sflag:$0xD], $0x40, s11, s14, $0xb8;
	[tilespmem:$0x1EA00] =	vst v63  }
0x48: {  	_ =	swait.ge [sflag:s18], $0x1F40  }
0x49: {  	[sflag:s18] =	ssyncset.done $0x0  }
0x4a: {  	s12 =	simm.s32 $0x2A80;
	[sflag:s18] =	ssyncadd.s32 $0xFFFFE0C0  }
0x4b: {  	[spmem:s2] =	stream.indirect.scatter.add.f32 [tilespmem:s25], [sflag:$0xE], $0x40, s12, s14, $0xb8;
	[tilespmem:$0x1EA00] =	vst v63  }
0x4c: {  	_ =	swait.ge [sflag:s20], $0x1F40  }
0x4d: {  	[sflag:s20] =	ssyncset.done $0x0  }
0x4e: {  	s3 =	simm.s32 $0x2B00;
	[sflag:s20] =	ssyncadd.s32 $0xFFFFE0C0  }
0x4f: {  	[spmem:s2] =	stream.indirect.scatter.add.f32 [tilespmem:s28], [sflag:$0xF], $0x40, s3, s14, $0xb8;
	[tilespmem:$0x1EA00] =	vst v63  }
0x50: {  	_ =	swait.ge [sflag:s22], $0x1F40  }
0x51: {  	[sflag:s22] =	ssyncset.done $0x0  }
0x52: {  	s11 =	simm.s32 $0x2B80;
	[sflag:s22] =	ssyncadd.s32 $0xFFFFE0C0  }
0x53: {  	[spmem:s2] =	stream.indirect.scatter.add.f32 [tilespmem:s30], [sflag:$0x10], $0x40, s11, s14, $0xb8;
	[tilespmem:$0x1EA00] =	vst v63  }
0x54: {  	_ =	swait.ge [sflag:s24], $0x1F40  }
0x55: {  	[sflag:s24] =	ssyncset.done $0x0  }
0x56: {  	s12 =	simm.s32 $0x400;
	[sflag:s24] =	ssyncadd.s32 $0xFFFFE0C0  }
0x57: {  	[tilespmem:s15], [sflag:$0x1] =	stream.indirect.gather [hbm4b:s4+s14], $0x40, s12, s14, $0xb8;
	[tilespmem:$0x1EA00] =	vst v63  }
0x58: {  	_ =	swait.ge [sflag:s26], $0x1F40  }
0x59: {  	[sflag:s26] =	ssyncset.done $0x0  }
0x5a: {  	s3 =	simm.s32 $0x480;
	[sflag:s26] =	ssyncadd.s32 $0xFFFFE0C0  }
0x5b: {  	[tilespmem:s17], [sflag:$0x2] =	stream.indirect.gather [hbm4b:s4+s14], $0x40, s3, s14, $0xb8;
	[tilespmem:$0x1EA00] =	vst v63  }
0x5c: {  	_ =	swait.ge [sflag:s29], $0x1F40  }
0x5d: {  	[sflag:s29] =	ssyncset.done $0x0  }
0x5e: {  	s11 =	simm.s32 $0x500;
	[sflag:s29] =	ssyncadd.s32 $0xFFFFE0C0  }
0x5f: {  	[tilespmem:s19], [sflag:$0x3] =	stream.indirect.gather [hbm4b:s4+s14], $0x40, s11, s14, $0xb8;
	[tilespmem:$0x1EA00] =	vst v63  }
0x60: {  	_ =	swait.ge [sflag:s5], $0x1F40  }
0x61: {  	[sflag:s5] =	ssyncset.done $0x0  }
0x62: {  	s12 =	simm.s32 $0x580;
	[sflag:s5] =	ssyncadd.s32 $0xFFFFE0C0  }
0x63: {  	[tilespmem:s21], [sflag:$0x4] =	stream.indirect.gather [hbm4b:s4+s14], $0x40, s12, s14, $0xb8;
	[tilespmem:$0x1EA00] =	vst v63  }
0x64: {  	_ =	swait.ge [sflag:s7], $0x1F40  }
0x65: {  	[sflag:s7] =	ssyncset.done $0x0  }
0x66: {  	s3 =	simm.s32 $0x600;
	[sflag:s7] =	ssyncadd.s32 $0xFFFFE0C0  }
0x67: {  	[tilespmem:s23], [sflag:$0x5] =	stream.indirect.gather [hbm4b:s4+s14], $0x40, s3, s14, $0xb8;
	[tilespmem:$0x1EA00] =	vst v63  }
0x68: {  	_ =	swait.ge [sflag:s8], $0x1F40  }
0x69: {  	[sflag:s8] =	ssyncset.done $0x0  }
0x6a: {  	s11 =	simm.s32 $0x680;
	[sflag:s8] =	ssyncadd.s32 $0xFFFFE0C0  }
0x6b: {  	[tilespmem:s25], [sflag:$0x6] =	stream.indirect.gather [hbm4b:s4+s14], $0x40, s11, s14, $0xb8;
	[tilespmem:$0x1EA00] =	vst v63  }
0x6c: {  	_ =	swait.ge [sflag:s9], $0x1F40  }
0x6d: {  	[sflag:s9] =	ssyncset.done $0x0  }
0x6e: {  	s12 =	simm.s32 $0x700;
	[sflag:s9] =	ssyncadd.s32 $0xFFFFE0C0  }
0x6f: {  	[tilespmem:s28], [sflag:$0x7] =	stream.indirect.gather [hbm4b:s4+s14], $0x40, s12, s14, $0xb8;
	[tilespmem:$0x1EA00] =	vst v63  }
0x70: {  	_ =	swait.ge [sflag:s10], $0x1F40  }
0x71: {  	[sflag:s10] =	ssyncset.done $0x0  }
0x72: {  	s6 =	simm.s32 $0x1000;
	s11 =	simm.s32 $0x780;
	[sflag:s10] =	ssyncadd.s32 $0xFFFFE0C0  }
.LBB2_2:
0x73: {  	[tilespmem:s30], [sflag:$0x8] =	stream.indirect.gather [hbm4b:s4+s14], $0x40, s11, s14, $0xb8;
	[tilespmem:$0x1EA00] =	vst v63  }
0x74: {  	s11 =	smov.u32 s6  }
0x75: {  	p0 =	sne.s32 s6, $0x8000;
	s6 =	sadd.s32 $0x1000, s6;
	_ =	swait.ge [sflag:s31], $0x1F40  }
0x76: {  	s11 =	sshra.s32 s11, $0x2;
	[sflag:s31] =	ssyncset.done $0x0  }
0x77: {  	s12 =	sadd.s32 $0x2800, s11;
	[sflag:s31] =	ssyncadd.s32 $0xFFFFE0C0  }
0x78: {  	[spmem:s2] =	stream.indirect.scatter.add.f32 [tilespmem:s15], [sflag:$0x9], $0x40, s12, s14, $0xb8;
	[tilespmem:$0x1EA00] =	vst v63  }
0x79: {  	_ =	swait.ge [sflag:s1], $0x1F40  }
0x7a: {  	[sflag:s1] =	ssyncset.done $0x0  }
0x7b: {  	s12 =	sadd.s32 $0x2880, s11;
	[sflag:s1] =	ssyncadd.s32 $0xFFFFE0C0  }
0x7c: {  	[spmem:s2] =	stream.indirect.scatter.add.f32 [tilespmem:s17], [sflag:$0xA], $0x40, s12, s14, $0xb8;
	[tilespmem:$0x1EA00] =	vst v63  }
0x7d: {  	_ =	swait.ge [sflag:s0], $0x1F40  }
0x7e: {  	[sflag:s0] =	ssyncset.done $0x0  }
0x7f: {  	s12 =	sadd.s32 $0x2900, s11;
	[sflag:s0] =	ssyncadd.s32 $0xFFFFE0C0  }
0x80: {  	[spmem:s2] =	stream.indirect.scatter.add.f32 [tilespmem:s19], [sflag:$0xB], $0x40, s12, s14, $0xb8;
	[tilespmem:$0x1EA00] =	vst v63  }
0x81: {  	_ =	swait.ge [sflag:s13], $0x1F40  }
0x82: {  	[sflag:s13] =	ssyncset.done $0x0  }
0x83: {  	s12 =	sadd.s32 $0x2980, s11;
	[sflag:s13] =	ssyncadd.s32 $0xFFFFE0C0  }
0x84: {  	[spmem:s2] =	stream.indirect.scatter.add.f32 [tilespmem:s21], [sflag:$0xC], $0x40, s12, s14, $0xb8;
	[tilespmem:$0x1EA00] =	vst v63  }
0x85: {  	_ =	swait.ge [sflag:s16], $0x1F40  }
0x86: {  	[sflag:s16] =	ssyncset.done $0x0  }
0x87: {  	s12 =	sadd.s32 $0x2A00, s11;
	[sflag:s16] =	ssyncadd.s32 $0xFFFFE0C0  }
0x88: {  	[spmem:s2] =	stream.indirect.scatter.add.f32 [tilespmem:s23], [sflag:$0xD], $0x40, s12, s14, $0xb8;
	[tilespmem:$0x1EA00] =	vst v63  }
0x89: {  	_ =	swait.ge [sflag:s18], $0x1F40  }
0x8a: {  	[sflag:s18] =	ssyncset.done $0x0  }
0x8b: {  	s12 =	sadd.s32 $0x2A80, s11;
	[sflag:s18] =	ssyncadd.s32 $0xFFFFE0C0  }
0x8c: {  	[spmem:s2] =	stream.indirect.scatter.add.f32 [tilespmem:s25], [sflag:$0xE], $0x40, s12, s14, $0xb8;
	[tilespmem:$0x1EA00] =	vst v63  }
0x8d: {  	_ =	swait.ge [sflag:s20], $0x1F40  }
0x8e: {  	[sflag:s20] =	ssyncset.done $0x0  }
0x8f: {  	s12 =	sadd.s32 $0x2B00, s11;
	[sflag:s20] =	ssyncadd.s32 $0xFFFFE0C0  }
0x90: {  	[spmem:s2] =	stream.indirect.scatter.add.f32 [tilespmem:s28], [sflag:$0xF], $0x40, s12, s14, $0xb8;
	[tilespmem:$0x1EA00] =	vst v63  }
0x91: {  	_ =	swait.ge [sflag:s22], $0x1F40  }
0x92: {  	[sflag:s22] =	ssyncset.done $0x0  }
0x93: {  	s12 =	sadd.s32 $0x2B80, s11;
	[sflag:s22] =	ssyncadd.s32 $0xFFFFE0C0  }
0x94: {  	[spmem:s2] =	stream.indirect.scatter.add.f32 [tilespmem:s30], [sflag:$0x10], $0x40, s12, s14, $0xb8;
	[tilespmem:$0x1EA00] =	vst v63  }
0x95: {  	_ =	swait.ge [sflag:s24], $0x1F40  }
0x96: {  	[sflag:s24] =	ssyncset.done $0x0  }
0x97: {  	s12 =	sadd.s32 $0x400, s11;
	[sflag:s24] =	ssyncadd.s32 $0xFFFFE0C0  }
0x98: {  	[tilespmem:s15], [sflag:$0x1] =	stream.indirect.gather [hbm4b:s4+s14], $0x40, s12, s14, $0xb8;
	[tilespmem:$0x1EA00] =	vst v63  }
0x99: {  	_ =	swait.ge [sflag:s26], $0x1F40  }
0x9a: {  	[sflag:s26] =	ssyncset.done $0x0  }
0x9b: {  	s12 =	sadd.s32 $0x480, s11;
	[sflag:s26] =	ssyncadd.s32 $0xFFFFE0C0  }
0x9c: {  	[tilespmem:s17], [sflag:$0x2] =	stream.indirect.gather [hbm4b:s4+s14], $0x40, s12, s14, $0xb8;
	[tilespmem:$0x1EA00] =	vst v63  }
0x9d: {  	_ =	swait.ge [sflag:s29], $0x1F40  }
0x9e: {  	[sflag:s29] =	ssyncset.done $0x0  }
0x9f: {  	s12 =	sadd.s32 $0x500, s11;
	[sflag:s29] =	ssyncadd.s32 $0xFFFFE0C0  }
0xa0: {  	[tilespmem:s19], [sflag:$0x3] =	stream.indirect.gather [hbm4b:s4+s14], $0x40, s12, s14, $0xb8;
	[tilespmem:$0x1EA00] =	vst v63  }
0xa1: {  	_ =	swait.ge [sflag:s5], $0x1F40  }
0xa2: {  	[sflag:s5] =	ssyncset.done $0x0  }
0xa3: {  	s12 =	sadd.s32 $0x580, s11;
	[sflag:s5] =	ssyncadd.s32 $0xFFFFE0C0  }
0xa4: {  	[tilespmem:s21], [sflag:$0x4] =	stream.indirect.gather [hbm4b:s4+s14], $0x40, s12, s14, $0xb8;
	[tilespmem:$0x1EA00] =	vst v63  }
0xa5: {  	_ =	swait.ge [sflag:s7], $0x1F40  }
0xa6: {  	[sflag:s7] =	ssyncset.done $0x0  }
0xa7: {  	s12 =	sadd.s32 $0x600, s11;
	[sflag:s7] =	ssyncadd.s32 $0xFFFFE0C0  }
0xa8: {  	[tilespmem:s23], [sflag:$0x5] =	stream.indirect.gather [hbm4b:s4+s14], $0x40, s12, s14, $0xb8;
	[tilespmem:$0x1EA00] =	vst v63  }
0xa9: {  	_ =	swait.ge [sflag:s8], $0x1F40  }
0xaa: {  	[sflag:s8] =	ssyncset.done $0x0  }
0xab: {  	s12 =	sadd.s32 $0x680, s11;
	[sflag:s8] =	ssyncadd.s32 $0xFFFFE0C0  }
0xac: {  	[tilespmem:s25], [sflag:$0x6] =	stream.indirect.gather [hbm4b:s4+s14], $0x40, s12, s14, $0xb8;
	[tilespmem:$0x1EA00] =	vst v63  }
0xad: {  	_ =	swait.ge [sflag:s9], $0x1F40  }
0xae: {  	[sflag:s9] =	ssyncset.done $0x0  }
.Ltmp0:
0xaf: {  	s12 =	sadd.s32 $0x700, s11;
	[sflag:s9] =	ssyncadd.s32 $0xFFFFE0C0;
	(pc) =	sbr.rel @p0 .LBB2_2-.Ltmp0, $4  }
0xb0: {  	[tilespmem:s28], [sflag:$0x7] =	stream.indirect.gather [hbm4b:s4+s14], $0x40, s12, s14, $0xb8;
	[tilespmem:$0x1EA00] =	vst v63  }
0xb1: {  	_ =	swait.ge [sflag:s10], $0x1F40  }
0xb2: {  	[sflag:s10] =	ssyncset.done $0x0  }
0xb3: {  	s11 =	sadd.s32 $0x780, s11;
	[sflag:s10] =	ssyncadd.s32 $0xFFFFE0C0  }
0xb4: {  	[tilespmem:s30], [sflag:$0x8] =	stream.indirect.gather [hbm4b:s4+s14], $0x40, s11, s14, $0xb8;
	[tilespmem:$0x1EA00] =	vst v63  }
0xb5: {  	_ =	swait.ge [sflag:s31], $0x1F40  }
0xb6: {  	[sflag:s31] =	ssyncset.done $0x0  }
0xb7: {  	s3 =	simm.s32 $0x4C00;
	[sflag:s31] =	ssyncadd.s32 $0xFFFFE0C0  }
0xb8: {  	[spmem:s2] =	stream.indirect.scatter.add.f32 [tilespmem:s15], [sflag:$0x9], $0x40, s3, s14, $0xb8;
	[tilespmem:$0x1EA00] =	vst v63  }
0xb9: {  	_ =	swait.ge [sflag:s1], $0x1F40  }
0xba: {  	[sflag:s1] =	ssyncset.done $0x0  }
0xbb: {  	s12 =	simm.s32 $0x4C80;
	[sflag:s1] =	ssyncadd.s32 $0xFFFFE0C0  }
0xbc: {  	[spmem:s2] =	stream.indirect.scatter.add.f32 [tilespmem:s17], [sflag:$0xA], $0x40, s12, s14, $0xb8;
	[tilespmem:$0x1EA00] =	vst v63  }
0xbd: {  	_ =	swait.ge [sflag:s0], $0x1F40  }
0xbe: {  	[sflag:s0] =	ssyncset.done $0x0  }
0xbf: {  	s6 =	simm.s32 $0x4D00;
	[sflag:s0] =	ssyncadd.s32 $0xFFFFE0C0  }
0xc0: {  	[spmem:s2] =	stream.indirect.scatter.add.f32 [tilespmem:s19], [sflag:$0xB], $0x40, s6, s14, $0xb8;
	[tilespmem:$0x1EA00] =	vst v63  }
0xc1: {  	_ =	swait.ge [sflag:s13], $0x1F40  }
0xc2: {  	[sflag:s13] =	ssyncset.done $0x0  }
0xc3: {  	s11 =	simm.s32 $0x4D80;
	[sflag:s13] =	ssyncadd.s32 $0xFFFFE0C0  }
0xc4: {  	[spmem:s2] =	stream.indirect.scatter.add.f32 [tilespmem:s21], [sflag:$0xC], $0x40, s11, s14, $0xb8;
	[tilespmem:$0x1EA00] =	vst v63  }
0xc5: {  	_ =	swait.ge [sflag:s16], $0x1F40  }
0xc6: {  	[sflag:s16] =	ssyncset.done $0x0  }
0xc7: {  	s12 =	simm.s32 $0x4E00;
	[sflag:s16] =	ssyncadd.s32 $0xFFFFE0C0  }
0xc8: {  	[spmem:s2] =	stream.indirect.scatter.add.f32 [tilespmem:s23], [sflag:$0xD], $0x40, s12, s14, $0xb8;
	[tilespmem:$0x1EA00] =	vst v63  }
0xc9: {  	_ =	swait.ge [sflag:s18], $0x1F40  }
0xca: {  	[sflag:s18] =	ssyncset.done $0x0  }
0xcb: {  	s6 =	simm.s32 $0x4E80;
	[sflag:s18] =	ssyncadd.s32 $0xFFFFE0C0  }
0xcc: {  	[spmem:s2] =	stream.indirect.scatter.add.f32 [tilespmem:s25], [sflag:$0xE], $0x40, s6, s14, $0xb8;
	[tilespmem:$0x1EA00] =	vst v63  }
0xcd: {  	_ =	swait.ge [sflag:s20], $0x1F40  }
0xce: {  	[sflag:s20] =	ssyncset.done $0x0  }
0xcf: {  	s11 =	simm.s32 $0x4F00;
	[sflag:s20] =	ssyncadd.s32 $0xFFFFE0C0  }
0xd0: {  	[spmem:s2] =	stream.indirect.scatter.add.f32 [tilespmem:s28], [sflag:$0xF], $0x40, s11, s14, $0xb8;
	[tilespmem:$0x1EA00] =	vst v63  }
0xd1: {  	_ =	swait.ge [sflag:s22], $0x1F40  }
0xd2: {  	[sflag:s22] =	ssyncset.done $0x0  }
0xd3: {  	s12 =	simm.s32 $0x4F80;
	[sflag:s22] =	ssyncadd.s32 $0xFFFFE0C0  }
0xd4: {  	[spmem:s2] =	stream.indirect.scatter.add.f32 [tilespmem:s30], [sflag:$0x10], $0x40, s12, s14, $0xb8;
	[tilespmem:$0x1EA00] =	vst v63  }
0xd5: {  	_ =	swait.ge [sflag:s24], $0x1F40  }
0xd6: {  	[sflag:s24] =	ssyncset.done $0x0  }
0xd7: {  	[sflag:s24] =	ssyncadd.s32 $0xFFFFE0C0  }
0xd8: {  	_ =	swait.ge [sflag:s26], $0x1F40  }
0xd9: {  	[sflag:s26] =	ssyncset.done $0x0  }
0xda: {  	[sflag:s26] =	ssyncadd.s32 $0xFFFFE0C0  }
0xdb: {  	_ =	swait.ge [sflag:s29], $0x1F40  }
0xdc: {  	[sflag:s29] =	ssyncset.done $0x0  }
0xdd: {  	[sflag:s29] =	ssyncadd.s32 $0xFFFFE0C0  }
0xde: {  	_ =	swait.ge [sflag:s5], $0x1F40  }
0xdf: {  	[sflag:s5] =	ssyncset.done $0x0  }
0xe0: {  	[sflag:s5] =	ssyncadd.s32 $0xFFFFE0C0  }
0xe1: {  	_ =	swait.ge [sflag:s7], $0x1F40  }
0xe2: {  	[sflag:s7] =	ssyncset.done $0x0  }
0xe3: {  	[sflag:s7] =	ssyncadd.s32 $0xFFFFE0C0  }
0xe4: {  	_ =	swait.ge [sflag:s8], $0x1F40  }
0xe5: {  	[sflag:s8] =	ssyncset.done $0x0  }
0xe6: {  	[sflag:s8] =	ssyncadd.s32 $0xFFFFE0C0  }
0xe7: {  	_ =	swait.ge [sflag:s9], $0x1F40  }
0xe8: {  	[sflag:s9] =	ssyncset.done $0x0  }
0xe9: {  	[sflag:s9] =	ssyncadd.s32 $0xFFFFE0C0  }
0xea: {  	_ =	swait.ge [sflag:s10], $0x1F40  }
0xeb: {  	[sflag:s10] =	ssyncset.done $0x0  }
0xec: {  	[sflag:s10] =	ssyncadd.s32 $0xFFFFE0C0  }
0xed: {  	[bflag:$0x0] =	sbarrier.arrive $0xFFFF  }
0xee: {  	s11 =	rddreg [dreg:$0x4]  }
0xef: {  	s6 =	rddreg [dreg:$0x7]  }
0xf0: {  	s12 =	rddreg [dreg:$0x9]  }
0xf1: {  	[hbm:s6], [sflag:s11] =	dma.local [spmem:s12], $0x1400  }
0xf2: {  	s6 =	simm.s32 $0x11  }
0xf3: {  	_ =	swait.ge [sflag:s6], $0x1400  }
0xf4: {  	s3 =	rddreg [dreg:$0xa]  }
0xf5: {  	[sflag:s6] =	ssyncset.done $0x0;
	s6 =	rddreg [dreg:$0x8];
	s3 =	sadd.s32 $0x1, s3  }
0xf6: {  	p0 =	sne.s32 s3, s6  }
.Ltmp1:
0xf7: {  	_ = 	snop;
	(pc) =	sbr.rel @p0 .LBB2_1-.Ltmp1, $3  }
0xf8: {  	_ =	sdelay $0x1  }
0xf9: {  	s6 =	simm.s32 $0x11  }
0xfa: {  	[dreg:$0xa] =	wrdreg s3;
	[sflag:s6] =	ssyncadd.s32 $0xFFFFEC00  }
0xfb: {  	_ =	sfence.sel $0x180000  }
0xfc: {  	[bflag:$0x0] =	sbarrier.arrive $0xFFFF  }
0xfd: {  	_ =	strace $0x90000050  }
0xfe: {  	s0 =	stileid.u32;
	[bflag:$0x2] =	sbarrier.arrive $0xFFFF  }
0xff: {  	p0 =	sne.s32 s0, $0x0;
	s0 =	rddreg [dreg:$0x2]  }
0x100: {  	s0 =	sadd.s32 @!p0 $0x100000, s0  }
0x101: {  	[sflag:s0] =	ssyncadd.tile.s32 @!p0 $0x1;
	_ =	shalt  }
.Lfunc_end2:
_tile_overlayer_lowered:
.L_overlay_start_2:
0x102: {  	(tag) =	ssettag $0x2  }
0x103: {  	s0 =	rddreg [dreg:$0x0];
	s2 =	stileid.u32  }
0x104: {  	s1 =	rddreg [dreg:$0x1];
	p0 =	sne.s32 s2, $0x0  }
0x105: {  	s3 =	rddreg [dreg:$0x2];
	[bflag:$0x3] =	sbarrier.arrive $0xFFFF;
	s2 =	simm.s32 @!p0 $0x1C11  }
0x106: {  	[timem:s3], [sflag:s2] =	dma.local @!p0 [hbm:s0], s1  }
0x107: {  	s0 =	simm.s32 @!p0 $0x11  }
0x108: {  	_ =	swait.ge @!p0 [sflag:s0], s1  }
0x109: {  	s1 =	ssub.s32 @!p0 $0x0, s1;
	[sflag:s0] =	ssyncset.done @!p0 $0x0  }
0x10a: {  	[sflag:s0] =	ssyncadd.s32 @!p0 s1  }
0x10b: {  	[bflag:$0x3] =	sbarrier.arrive $0xFFFF  }
0x10c: {  	_ =	shalt  }

</sc_bundles>
